<compile_context>
chip_gen: v7x
topology: tpu7x:2x2x1
jax: 0.10.2.dev20260603
libtpu: 0.0.44.dev20260713+nightly
codegen_flags: <defaults>
</compile_context>

<pallas_src>
import functools

import jax
import jax.numpy as jnp
from jax import lax
from jax.experimental import pallas as pl
from jax.experimental.pallas import tpu as pltpu
from jax.experimental.pallas import tpu_sc as plsc

N = 10000
D = 128
E = 320000
NCLS = 64
NC, NS, L = 2, 16, 16
NW = NC * NS
C = 128
EPT = -(-E // (NW * C)) * C
NCH = EPT // C
EPAD = EPT * NW
NACC = 10240
TRASH = N + 7
RPT = NACC // NS
SHIFT = 14
MASK = (1 << SHIFT) - 1

_mesh = plsc.VectorSubcoreMesh(core_axis_name="c", subcore_axis_name="s")


def _unpack(pk_v, ch, si, di):
    row = pk_v.at[ch]
    for j in range(C // L):
        w = row[pl.ds(j * L, L)]
        si[pl.ds(j * L, L)] = w & MASK
        di[pl.ds(j * L, L)] = lax.shift_right_logical(w, SHIFT)


@functools.partial(
    pl.kernel,
    out_type=jax.ShapeDtypeStruct((NC, NACC, D), jnp.float32),
    mesh=_mesh,
    scratch_types=[
        pltpu.VMEM((NCH, C), jnp.int32),
        pltpu.VMEM((C,), jnp.int32),
        pltpu.VMEM((C, D), jnp.float32),
        pltpu.VMEM_SHARED((NACC, D), jnp.float32),
    ],
)
def _sc_degree(pk_hbm, zeros_hbm, ones_hbm, deg_out, pk_v, di, rows, acc):
    cid = lax.axis_index("c")
    sid = lax.axis_index("s")
    wid = cid * NS + sid
    pltpu.sync_copy(pk_hbm.at[wid], pk_v)

    pltpu.sync_copy(zeros_hbm, rows)
    for k in range(RPT // C):
        pltpu.sync_copy(rows, acc.at[pl.ds(sid * RPT + k * C, C)])
    plsc.subcore_barrier()
    pltpu.sync_copy(ones_hbm, rows)

    def chunk_body(ch, carry):
        _unpack(pk_v, ch, di, di)
        pltpu.sync_copy(rows, acc.at[di], add=True)
        return carry

    lax.fori_loop(0, NCH, chunk_body, 0)
    plsc.subcore_barrier()
    pltpu.sync_copy(acc.at[pl.ds(sid * RPT, RPT)],
                    deg_out.at[cid, pl.ds(sid * RPT, RPT)])


def _edge_loop(nch, g_hbm, pk_v, si_a, di_a, si_b, di_b, rows_a, rows_b,
               acc, sem):
    _unpack(pk_v, 0, si_a, di_a)
    pltpu.async_copy(g_hbm.at[si_a], rows_a, sem)

    def pair_body(p, carry):
        ch = p * 2
        _unpack(pk_v, ch + 1, si_b, di_b)
        pltpu.async_copy(g_hbm.at[si_b], rows_b, sem)
        pltpu.make_async_copy(g_hbm.at[si_a], rows_a, sem).wait()
        pltpu.sync_copy(rows_a, acc.at[di_a], add=True)

        @pl.when(ch + 2 < nch)
        def _prefetch():
            _unpack(pk_v, ch + 2, si_a, di_a)
            pltpu.async_copy(g_hbm.at[si_a], rows_a, sem)

        pltpu.make_async_copy(g_hbm.at[si_b], rows_b, sem).wait()
        pltpu.sync_copy(rows_b, acc.at[di_b], add=True)
        return carry

    lax.fori_loop(0, nch // 2, pair_body, 0)
    if isinstance(nch, int) and nch % 2:
        pltpu.make_async_copy(g_hbm.at[si_a], rows_a, sem).wait()
        pltpu.sync_copy(rows_a, acc.at[di_a], add=True)


@functools.partial(
    pl.kernel,
    out_type=jax.ShapeDtypeStruct((NC, NACC, D), jnp.float32),
    mesh=_mesh,
    scratch_types=[
        pltpu.VMEM((NCH, C), jnp.int32),
        pltpu.VMEM((C,), jnp.int32),
        pltpu.VMEM((C,), jnp.int32),
        pltpu.VMEM((C,), jnp.int32),
        pltpu.VMEM((C,), jnp.int32),
        pltpu.VMEM((C, D), jnp.float32),
        pltpu.VMEM((C, D), jnp.float32),
        pltpu.VMEM_SHARED((NACC, D), jnp.float32),
        pltpu.SemaphoreType.DMA,
    ],
)
def _sc_aggregate(g_hbm, pk_hbm, zeros_hbm, part_out,
                  pk_v, si_a, di_a, si_b, di_b, rows_a, rows_b, acc, sem):
    cid = lax.axis_index("c")
    sid = lax.axis_index("s")

    pltpu.sync_copy(zeros_hbm, rows_a)
    for k in range(RPT // C):
        pltpu.sync_copy(rows_a, acc.at[pl.ds(sid * RPT + k * C, C)])
    plsc.subcore_barrier()

    wid = cid * NS + sid
    pltpu.sync_copy(pk_hbm.at[wid], pk_v)
    _edge_loop(NCH, g_hbm, pk_v, si_a, di_a, si_b, di_b,
               rows_a, rows_b, acc, sem)

    plsc.subcore_barrier()
    pltpu.sync_copy(acc.at[pl.ds(sid * RPT, RPT)],
                    part_out.at[cid, pl.ds(sid * RPT, RPT)])


def _tc1_body(deg_ref, x_ref, w_ref, dinv_ref, g_ref):
    s = deg_ref[0] + deg_ref[1]
    deg_col = jnp.dot(s, jnp.full((D, 1), 1.0 / D, jnp.float32),
                      preferred_element_type=jnp.float32)
    dinv_col = lax.rsqrt(deg_col[:N, :] + 1.0)
    dinv_b = jnp.broadcast_to(dinv_col, (N, D))
    dinv_ref[...] = dinv_b
    h = jnp.dot(x_ref[...], w_ref[...], preferred_element_type=jnp.float32)
    g_ref[...] = dinv_b * h


def _tc_mid_body(part_ref, g_ref, dinv_ref, b_ref, w_ref, gnext_ref):
    a = part_ref[0, :N, :] + part_ref[1, :N, :]
    dinv_b = dinv_ref[...]
    h = jax.nn.relu(dinv_b * (a + g_ref[...]) + b_ref[...][None, :])
    gnext_ref[...] = dinv_b * jnp.dot(
        h, w_ref[...], preferred_element_type=jnp.float32)


def _tc_final_body(part_ref, g_ref, dinv_ref, b_ref, wc_ref, bc_ref, out_ref):
    a = part_ref[0, :N, :] + part_ref[1, :N, :]
    h = jax.nn.relu(dinv_ref[...] * (a + g_ref[...]) + b_ref[...][None, :])
    logits = jnp.dot(h, wc_ref[...],
                     preferred_element_type=jnp.float32) + bc_ref[...][None, :]
    m = jnp.max(logits, axis=-1, keepdims=True)
    ex = jnp.exp(logits - m)
    out_ref[...] = ex / jnp.sum(ex, axis=-1, keepdims=True)


_tc1 = pl.pallas_call(
    _tc1_body,
    out_shape=[jax.ShapeDtypeStruct((N, D), jnp.float32),
               jax.ShapeDtypeStruct((N, D), jnp.float32)])

_tc_mid = pl.pallas_call(
    _tc_mid_body,
    out_shape=jax.ShapeDtypeStruct((N, D), jnp.float32))

_tc_final = pl.pallas_call(
    _tc_final_body,
    out_shape=jax.ShapeDtypeStruct((N, NCLS), jnp.float32))


def kernel(x, edge_index, W1, b1, W2, b2, W3, b3, Wc, bc):
    src = edge_index[0]
    dst = edge_index[1]
    pad = EPAD - E
    lane = jnp.arange(pad, dtype=src.dtype)
    srcp = jnp.concatenate([src, lane % N])
    dstp = jnp.concatenate([dst, N + (lane % (NACC - N))])
    pk = (srcp | (dstp << SHIFT)).reshape(NW, NCH, C)
    zeros_blk = jnp.zeros((C, D), jnp.float32)
    ones_blk = jnp.ones((C, D), jnp.float32)

    deg_part = _sc_degree(pk, zeros_blk, ones_blk)
    dinv_b, g1 = _tc1(deg_part, x, W1)
    a1 = _sc_aggregate(g1, pk, zeros_blk)
    g2 = _tc_mid(a1, g1, dinv_b, b1, W2)
    a2 = _sc_aggregate(g2, pk, zeros_blk)
    g3 = _tc_mid(a2, g2, dinv_b, b2, W3)
    a3 = _sc_aggregate(g3, pk, zeros_blk)
    return _tc_final(a3, g3, dinv_b, b3, Wc, bc)

# --- scband reference (transcript-rebuilt; emitter-appended) ---
"""Pipeline reference for scband-gnncluster-bridge-35837207118573 (READ-ONLY COPY).

The authoritative reference and input builder live on the scoring server;
editing this copy changes nothing except your own understanding.
"""

import jax, jax.numpy as jnp
import numpy as np

N_NODES = 10000
N_EDGES = 320000
IN_DIM = 128
HIDDEN_DIM = 128
N_CLUSTERS = 64
TAU = 1.0


def gcn_conv(x, src, dst, W, b):
    n = x.shape[0]
    loop = jnp.arange(n, dtype=src.dtype)
    src_l = jnp.concatenate([src, loop])
    dst_l = jnp.concatenate([dst, loop])
    # degree with self loops (edge weights = 1)
    deg = jax.ops.segment_sum(jnp.ones_like(src_l, dtype=x.dtype), dst_l, num_segments=n)
    dinv = jnp.where(deg > 0, 1.0 / jnp.sqrt(deg), 0.0)
    norm = dinv[src_l] * dinv[dst_l]
    h = x @ W
    msg = h[src_l] * norm[:, None]
    out = jax.ops.segment_sum(msg, dst_l, num_segments=n)
    return out + b


def setup_inputs(seed: int = 0) -> dict:
    key = jax.random.key(seed)
    k = jax.random.split(key, 12)
    x = jax.random.normal(k[0], (N_NODES, IN_DIM), dtype=jnp.float32)
    edge_index = jax.random.randint(k[1], (2, N_EDGES), 0, N_NODES, dtype=jnp.int32)
    s1 = 1.0 / np.sqrt(IN_DIM)
    s2 = 1.0 / np.sqrt(HIDDEN_DIM)
    W1 = jax.random.uniform(k[2], (IN_DIM, HIDDEN_DIM), jnp.float32, -s1, s1)
    b1 = jnp.zeros((HIDDEN_DIM,), jnp.float32)
    W2 = jax.random.uniform(k[3], (HIDDEN_DIM, HIDDEN_DIM), jnp.float32, -s2, s2)
    b2 = jnp.zeros((HIDDEN_DIM,), jnp.float32)
    W3 = jax.random.uniform(k[4], (HIDDEN_DIM, HIDDEN_DIM), jnp.float32, -s2, s2)
    b3 = jnp.zeros((HIDDEN_DIM,), jnp.float32)
    Wc = jax.random.uniform(k[5], (HIDDEN_DIM, N_CLUSTERS), jnp.float32, -s2, s2)
    bc = jax.random.uniform(k[6], (N_CLUSTERS,), jnp.float32, -s2, s2)
    return {"x": x, "edge_index": edge_index, "W1": W1, "b1": b1, "W2": W2, "b2": b2, "W3": W3, "b3": b3, "Wc": Wc, "bc": bc}


def reference(x, edge_index, W1, b1, W2, b2, W3, b3, Wc, bc):
    src = edge_index[0]
    dst = edge_index[1]
    h = jax.nn.relu(gcn_conv(x, src, dst, W1, b1))
    h = jax.nn.relu(gcn_conv(h, src, dst, W2, b2))
    h = jax.nn.relu(gcn_conv(h, src, dst, W3, b3))
    logits = h @ Wc + bc
    return jax.nn.softmax(logits / TAU, axis=-1)

if __name__ == "__main__":
    import jax
    _d = setup_inputs()
    print(jax.jit(kernel)(*tuple(_d.values())))

</pallas_src>

<mosaic_0001>
#map = affine_map<(d0, d1) -> (0, 0, 0)>
#map1 = affine_map<(d0, d1) -> (0, 0)>
module attributes {stable_mosaic.version = 14 : i64} {
  func.func @_sc_degree(%arg0: i32, %arg1: i32, %arg2: memref<32x79x128xi32, #tpu.memory_space<hbm>>, %arg3: memref<128x128xf32, #tpu.memory_space<hbm>>, %arg4: memref<128x128xf32, #tpu.memory_space<hbm>>, %arg5: memref<2x10240x128xf32, #tpu.memory_space<hbm>>, %arg6: memref<79x128xi32, #tpu.memory_space<vmem>>, %arg7: memref<128xi32, #tpu.memory_space<vmem>>, %arg8: memref<128x128xf32, #tpu.memory_space<vmem>>, %arg9: memref<10240x128xf32, #tpu.memory_space<vmem_shared>>) attributes {dimension_semantics = [#tpu.dimension_semantics<core_parallel>, #tpu.dimension_semantics<subcore_parallel>], iteration_bounds = array<i64: 2, 16>, scalar_prefetch = 0 : i64, scratch_operands = 4 : i64, tpu.core_type = #tpu.core_type<sc_vector_subcore>, window_params = [{transform_indices = #map}, {transform_indices = #map1}, {transform_indices = #map1}, {transform_indices = #map}]} {
    %mul3A = arith.constant 16 : i32
    %mul3A_0 = arith.muli %arg0, %mul3A : i32
    %add3A = arith.addi %mul3A_0, %arg1 : i32
    "tpu.region"() ({
      %run_scoped3A = tpu.sem_alloc : memref<!tpu.dma_semaphore, #tpu.memory_space<semaphore_mem>>
      %dma_start3A = arith.constant 0 : i32
      %dma_start3A_31 = arith.constant 0 : i32
      %dma_start3A_32 = tpu.memref_slice %arg2[%add3A, %dma_start3A, %dma_start3A_31] : memref<32x79x128xi32, #tpu.memory_space<hbm>> -> memref<1x79x128xi32, #tpu.memory_space<hbm>>
      %dma_start3A_33 = tpu.memref_squeeze %dma_start3A_32 : memref<1x79x128xi32, #tpu.memory_space<hbm>> -> memref<79x128xi32, #tpu.memory_space<hbm>>
      %dma_start3A_34 = arith.constant 0 : i32
      %dma_start3A_35 = arith.constant 0 : i32
      %dma_start3A_36 = tpu.memref_slice %arg2[%add3A, %dma_start3A_34, %dma_start3A_35] : memref<32x79x128xi32, #tpu.memory_space<hbm>> -> memref<1x79x128xi32, #tpu.memory_space<hbm>>
      %dma_start3A_37 = tpu.memref_squeeze %dma_start3A_36 : memref<1x79x128xi32, #tpu.memory_space<hbm>> -> memref<79x128xi32, #tpu.memory_space<hbm>>
      tpu.enqueue_dma source(%dma_start3A_37 : memref<79x128xi32, #tpu.memory_space<hbm>>) target(%arg6 : memref<79x128xi32, #tpu.memory_space<vmem>>) target_semaphore(%run_scoped3A : memref<!tpu.dma_semaphore, #tpu.memory_space<semaphore_mem>>)
      %dma_wait3A = arith.constant 0 : i32
      %dma_wait3A_38 = arith.constant 0 : i32
      %dma_wait3A_39 = tpu.memref_slice %arg2[%add3A, %dma_wait3A, %dma_wait3A_38] : memref<32x79x128xi32, #tpu.memory_space<hbm>> -> memref<1x79x128xi32, #tpu.memory_space<hbm>>
      %dma_wait3A_40 = tpu.memref_squeeze %dma_wait3A_39 : memref<1x79x128xi32, #tpu.memory_space<hbm>> -> memref<79x128xi32, #tpu.memory_space<hbm>>
      %dma_wait3A_41 = arith.constant 0 : i32
      %dma_wait3A_42 = arith.constant 0 : i32
      %dma_wait3A_43 = tpu.memref_slice %arg2[%add3A, %dma_wait3A_41, %dma_wait3A_42] : memref<32x79x128xi32, #tpu.memory_space<hbm>> -> memref<1x79x128xi32, #tpu.memory_space<hbm>>
      %dma_wait3A_44 = tpu.memref_squeeze %dma_wait3A_43 : memref<1x79x128xi32, #tpu.memory_space<hbm>> -> memref<79x128xi32, #tpu.memory_space<hbm>>
      tpu.wait_dma2 semaphore(%run_scoped3A : memref<!tpu.dma_semaphore, #tpu.memory_space<semaphore_mem>>) src(%dma_wait3A_44 : memref<79x128xi32, #tpu.memory_space<hbm>>) dst(%arg6 : memref<79x128xi32, #tpu.memory_space<vmem>>)
      tpu.yield
    }) : () -> ()
    "tpu.region"() ({
      %run_scoped3A = tpu.sem_alloc : memref<!tpu.dma_semaphore, #tpu.memory_space<semaphore_mem>>
      tpu.enqueue_dma source(%arg3 : memref<128x128xf32, #tpu.memory_space<hbm>>) target(%arg8 : memref<128x128xf32, #tpu.memory_space<vmem>>) target_semaphore(%run_scoped3A : memref<!tpu.dma_semaphore, #tpu.memory_space<semaphore_mem>>)
      tpu.wait_dma2 semaphore(%run_scoped3A : memref<!tpu.dma_semaphore, #tpu.memory_space<semaphore_mem>>) src(%arg3 : memref<128x128xf32, #tpu.memory_space<hbm>>) dst(%arg8 : memref<128x128xf32, #tpu.memory_space<vmem>>)
      tpu.yield
    }) : () -> ()
    %mul3A_1 = arith.constant 640 : i32
    %mul3A_2 = arith.muli %arg1, %mul3A_1 : i32
    %add3A_3 = arith.constant 0 : i32
    %add3A_4 = arith.addi %mul3A_2, %add3A_3 : i32
    "tpu.region"() ({
      %run_scoped3A = tpu.sem_alloc : memref<!tpu.dma_semaphore, #tpu.memory_space<semaphore_mem>>
      %dma_start3A = arith.constant 0 : i32
      %dma_start3A_31 = tpu.memref_slice %arg9[%add3A_4, %dma_start3A] : memref<10240x128xf32, #tpu.memory_space<vmem_shared>> -> memref<128x128xf32, #tpu.memory_space<vmem_shared>>
      %dma_start3A_32 = arith.constant 0 : i32
      %dma_start3A_33 = tpu.memref_slice %arg9[%add3A_4, %dma_start3A_32] : memref<10240x128xf32, #tpu.memory_space<vmem_shared>> -> memref<128x128xf32, #tpu.memory_space<vmem_shared>>
      tpu.enqueue_dma source(%arg8 : memref<128x128xf32, #tpu.memory_space<vmem>>) target(%dma_start3A_33 : memref<128x128xf32, #tpu.memory_space<vmem_shared>>) target_semaphore(%run_scoped3A : memref<!tpu.dma_semaphore, #tpu.memory_space<semaphore_mem>>)
      %dma_wait3A = arith.constant 0 : i32
      %dma_wait3A_34 = tpu.memref_slice %arg9[%add3A_4, %dma_wait3A] : memref<10240x128xf32, #tpu.memory_space<vmem_shared>> -> memref<128x128xf32, #tpu.memory_space<vmem_shared>>
      %dma_wait3A_35 = arith.constant 0 : i32
      %dma_wait3A_36 = tpu.memref_slice %arg9[%add3A_4, %dma_wait3A_35] : memref<10240x128xf32, #tpu.memory_space<vmem_shared>> -> memref<128x128xf32, #tpu.memory_space<vmem_shared>>
      tpu.wait_dma2 semaphore(%run_scoped3A : memref<!tpu.dma_semaphore, #tpu.memory_space<semaphore_mem>>) src(%arg8 : memref<128x128xf32, #tpu.memory_space<vmem>>) dst(%dma_wait3A_36 : memref<128x128xf32, #tpu.memory_space<vmem_shared>>)
      tpu.yield
    }) : () -> ()
    %mul3A_5 = arith.constant 640 : i32
    %mul3A_6 = arith.muli %arg1, %mul3A_5 : i32
    %add3A_7 = arith.constant 128 : i32
    %add3A_8 = arith.addi %mul3A_6, %add3A_7 : i32
    "tpu.region"() ({
      %run_scoped3A = tpu.sem_alloc : memref<!tpu.dma_semaphore, #tpu.memory_space<semaphore_mem>>
      %dma_start3A = arith.constant 0 : i32
      %dma_start3A_31 = tpu.memref_slice %arg9[%add3A_8, %dma_start3A] : memref<10240x128xf32, #tpu.memory_space<vmem_shared>> -> memref<128x128xf32, #tpu.memory_space<vmem_shared>>
      %dma_start3A_32 = arith.constant 0 : i32
      %dma_start3A_33 = tpu.memref_slice %arg9[%add3A_8, %dma_start3A_32] : memref<10240x128xf32, #tpu.memory_space<vmem_shared>> -> memref<128x128xf32, #tpu.memory_space<vmem_shared>>
      tpu.enqueue_dma source(%arg8 : memref<128x128xf32, #tpu.memory_space<vmem>>) target(%dma_start3A_33 : memref<128x128xf32, #tpu.memory_space<vmem_shared>>) target_semaphore(%run_scoped3A : memref<!tpu.dma_semaphore, #tpu.memory_space<semaphore_mem>>)
      %dma_wait3A = arith.constant 0 : i32
      %dma_wait3A_34 = tpu.memref_slice %arg9[%add3A_8, %dma_wait3A] : memref<10240x128xf32, #tpu.memory_space<vmem_shared>> -> memref<128x128xf32, #tpu.memory_space<vmem_shared>>
      %dma_wait3A_35 = arith.constant 0 : i32
      %dma_wait3A_36 = tpu.memref_slice %arg9[%add3A_8, %dma_wait3A_35] : memref<10240x128xf32, #tpu.memory_space<vmem_shared>> -> memref<128x128xf32, #tpu.memory_space<vmem_shared>>
      tpu.wait_dma2 semaphore(%run_scoped3A : memref<!tpu.dma_semaphore, #tpu.memory_space<semaphore_mem>>) src(%arg8 : memref<128x128xf32, #tpu.memory_space<vmem>>) dst(%dma_wait3A_36 : memref<128x128xf32, #tpu.memory_space<vmem_shared>>)
      tpu.yield
    }) : () -> ()
    %mul3A_9 = arith.constant 640 : i32
    %mul3A_10 = arith.muli %arg1, %mul3A_9 : i32
    %add3A_11 = arith.constant 256 : i32
    %add3A_12 = arith.addi %mul3A_10, %add3A_11 : i32
    "tpu.region"() ({
      %run_scoped3A = tpu.sem_alloc : memref<!tpu.dma_semaphore, #tpu.memory_space<semaphore_mem>>
      %dma_start3A = arith.constant 0 : i32
      %dma_start3A_31 = tpu.memref_slice %arg9[%add3A_12, %dma_start3A] : memref<10240x128xf32, #tpu.memory_space<vmem_shared>> -> memref<128x128xf32, #tpu.memory_space<vmem_shared>>
      %dma_start3A_32 = arith.constant 0 : i32
      %dma_start3A_33 = tpu.memref_slice %arg9[%add3A_12, %dma_start3A_32] : memref<10240x128xf32, #tpu.memory_space<vmem_shared>> -> memref<128x128xf32, #tpu.memory_space<vmem_shared>>
      tpu.enqueue_dma source(%arg8 : memref<128x128xf32, #tpu.memory_space<vmem>>) target(%dma_start3A_33 : memref<128x128xf32, #tpu.memory_space<vmem_shared>>) target_semaphore(%run_scoped3A : memref<!tpu.dma_semaphore, #tpu.memory_space<semaphore_mem>>)
      %dma_wait3A = arith.constant 0 : i32
      %dma_wait3A_34 = tpu.memref_slice %arg9[%add3A_12, %dma_wait3A] : memref<10240x128xf32, #tpu.memory_space<vmem_shared>> -> memref<128x128xf32, #tpu.memory_space<vmem_shared>>
      %dma_wait3A_35 = arith.constant 0 : i32
      %dma_wait3A_36 = tpu.memref_slice %arg9[%add3A_12, %dma_wait3A_35] : memref<10240x128xf32, #tpu.memory_space<vmem_shared>> -> memref<128x128xf32, #tpu.memory_space<vmem_shared>>
      tpu.wait_dma2 semaphore(%run_scoped3A : memref<!tpu.dma_semaphore, #tpu.memory_space<semaphore_mem>>) src(%arg8 : memref<128x128xf32, #tpu.memory_space<vmem>>) dst(%dma_wait3A_36 : memref<128x128xf32, #tpu.memory_space<vmem_shared>>)
      tpu.yield
    }) : () -> ()
    %mul3A_13 = arith.constant 640 : i32
    %mul3A_14 = arith.muli %arg1, %mul3A_13 : i32
    %add3A_15 = arith.constant 384 : i32
    %add3A_16 = arith.addi %mul3A_14, %add3A_15 : i32
    "tpu.region"() ({
      %run_scoped3A = tpu.sem_alloc : memref<!tpu.dma_semaphore, #tpu.memory_space<semaphore_mem>>
      %dma_start3A = arith.constant 0 : i32
      %dma_start3A_31 = tpu.memref_slice %arg9[%add3A_16, %dma_start3A] : memref<10240x128xf32, #tpu.memory_space<vmem_shared>> -> memref<128x128xf32, #tpu.memory_space<vmem_shared>>
      %dma_start3A_32 = arith.constant 0 : i32
      %dma_start3A_33 = tpu.memref_slice %arg9[%add3A_16, %dma_start3A_32] : memref<10240x128xf32, #tpu.memory_space<vmem_shared>> -> memref<128x128xf32, #tpu.memory_space<vmem_shared>>
      tpu.enqueue_dma source(%arg8 : memref<128x128xf32, #tpu.memory_space<vmem>>) target(%dma_start3A_33 : memref<128x128xf32, #tpu.memory_space<vmem_shared>>) target_semaphore(%run_scoped3A : memref<!tpu.dma_semaphore, #tpu.memory_space<semaphore_mem>>)
      %dma_wait3A = arith.constant 0 : i32
      %dma_wait3A_34 = tpu.memref_slice %arg9[%add3A_16, %dma_wait3A] : memref<10240x128xf32, #tpu.memory_space<vmem_shared>> -> memref<128x128xf32, #tpu.memory_space<vmem_shared>>
      %dma_wait3A_35 = arith.constant 0 : i32
      %dma_wait3A_36 = tpu.memref_slice %arg9[%add3A_16, %dma_wait3A_35] : memref<10240x128xf32, #tpu.memory_space<vmem_shared>> -> memref<128x128xf32, #tpu.memory_space<vmem_shared>>
      tpu.wait_dma2 semaphore(%run_scoped3A : memref<!tpu.dma_semaphore, #tpu.memory_space<semaphore_mem>>) src(%arg8 : memref<128x128xf32, #tpu.memory_space<vmem>>) dst(%dma_wait3A_36 : memref<128x128xf32, #tpu.memory_space<vmem_shared>>)
      tpu.yield
    }) : () -> ()
    %mul3A_17 = arith.constant 640 : i32
    %mul3A_18 = arith.muli %arg1, %mul3A_17 : i32
    %add3A_19 = arith.constant 512 : i32
    %add3A_20 = arith.addi %mul3A_18, %add3A_19 : i32
    "tpu.region"() ({
      %run_scoped3A = tpu.sem_alloc : memref<!tpu.dma_semaphore, #tpu.memory_space<semaphore_mem>>
      %dma_start3A = arith.constant 0 : i32
      %dma_start3A_31 = tpu.memref_slice %arg9[%add3A_20, %dma_start3A] : memref<10240x128xf32, #tpu.memory_space<vmem_shared>> -> memref<128x128xf32, #tpu.memory_space<vmem_shared>>
      %dma_start3A_32 = arith.constant 0 : i32
      %dma_start3A_33 = tpu.memref_slice %arg9[%add3A_20, %dma_start3A_32] : memref<10240x128xf32, #tpu.memory_space<vmem_shared>> -> memref<128x128xf32, #tpu.memory_space<vmem_shared>>
      tpu.enqueue_dma source(%arg8 : memref<128x128xf32, #tpu.memory_space<vmem>>) target(%dma_start3A_33 : memref<128x128xf32, #tpu.memory_space<vmem_shared>>) target_semaphore(%run_scoped3A : memref<!tpu.dma_semaphore, #tpu.memory_space<semaphore_mem>>)
      %dma_wait3A = arith.constant 0 : i32
      %dma_wait3A_34 = tpu.memref_slice %arg9[%add3A_20, %dma_wait3A] : memref<10240x128xf32, #tpu.memory_space<vmem_shared>> -> memref<128x128xf32, #tpu.memory_space<vmem_shared>>
      %dma_wait3A_35 = arith.constant 0 : i32
      %dma_wait3A_36 = tpu.memref_slice %arg9[%add3A_20, %dma_wait3A_35] : memref<10240x128xf32, #tpu.memory_space<vmem_shared>> -> memref<128x128xf32, #tpu.memory_space<vmem_shared>>
      tpu.wait_dma2 semaphore(%run_scoped3A : memref<!tpu.dma_semaphore, #tpu.memory_space<semaphore_mem>>) src(%arg8 : memref<128x128xf32, #tpu.memory_space<vmem>>) dst(%dma_wait3A_36 : memref<128x128xf32, #tpu.memory_space<vmem_shared>>)
      tpu.yield
    }) : () -> ()
    %barrier3A = arith.constant 0 : index
    tpu.barrier barrier_id(%barrier3A)
    "tpu.region"() ({
      %run_scoped3A = tpu.sem_alloc : memref<!tpu.dma_semaphore, #tpu.memory_space<semaphore_mem>>
      tpu.enqueue_dma source(%arg4 : memref<128x128xf32, #tpu.memory_space<hbm>>) target(%arg8 : memref<128x128xf32, #tpu.memory_space<vmem>>) target_semaphore(%run_scoped3A : memref<!tpu.dma_semaphore, #tpu.memory_space<semaphore_mem>>)
      tpu.wait_dma2 semaphore(%run_scoped3A : memref<!tpu.dma_semaphore, #tpu.memory_space<semaphore_mem>>) src(%arg4 : memref<128x128xf32, #tpu.memory_space<hbm>>) dst(%arg8 : memref<128x128xf32, #tpu.memory_space<vmem>>)
      tpu.yield
    }) : () -> ()
    %scan3A = arith.constant 0 : i32
    %scan3A_21 = arith.constant 0 : i32
    %scan3A_22 = arith.constant 79 : i32
    %scan3A_23 = arith.addi %scan3A_21, %scan3A_22 : i32
    %scan3A_24 = arith.constant 1 : i32
    scf.for %scan3A_31 = %scan3A_21 to %scan3A_23 step %scan3A_24  : i32 {
      %get3A = arith.constant 0 : i32
      %get3A_32 = tpu.memref_slice %arg6[%scan3A_31, %get3A] : memref<79x128xi32, #tpu.memory_space<vmem>> -> memref<1x128xi32, #tpu.memory_space<vmem>>
      %get3A_33 = tpu.memref_squeeze %get3A_32 : memref<1x128xi32, #tpu.memory_space<vmem>> -> memref<128xi32, #tpu.memory_space<vmem>>
      %get3A_34 = arith.constant 0 : index
      %get3A_35 = tpu.vector_load %get3A_33[%get3A_34] {strides = array<i32>} : memref<128xi32, #tpu.memory_space<vmem>>, vector<16xi32>,
      %get3A_36 = vector.shape_cast %get3A_35 : vector<16xi32> to vector<16xi32>
      %and3A = arith.constant 16383 : i32
      %and3A_37 = vector.broadcast %and3A : i32 to vector<16xi32>
      %and3A_38 = arith.andi %get3A_36, %and3A_37 : vector<16xi32>
      %swap3A = arith.constant 0 : index
      %swap3A_39 = tpu.vector_load %arg7[%swap3A] {strides = array<i32>} : memref<128xi32, #tpu.memory_space<vmem>>, vector<16xi32>,
      %swap3A_40 = vector.shape_cast %swap3A_39 : vector<16xi32> to vector<16xi32>
      %swap3A_41 = vector.shape_cast %and3A_38 : vector<16xi32> to vector<16xi32>
      tpu.vector_store %arg7[%swap3A], %swap3A_41 {strides = array<i32>} : memref<128xi32, #tpu.memory_space<vmem>>, vector<16xi32>,
      %shift_right_logical3A = arith.constant 14 : i32
      %shift_right_logical3A_42 = vector.broadcast %shift_right_logical3A : i32 to vector<16xi32>
      %shift_right_logical3A_43 = arith.shrui %get3A_36, %shift_right_logical3A_42 : vector<16xi32>
      %swap3A_44 = arith.constant 0 : index
      %swap3A_45 = tpu.vector_load %arg7[%swap3A_44] {strides = array<i32>} : memref<128xi32, #tpu.memory_space<vmem>>, vector<16xi32>,
      %swap3A_46 = vector.shape_cast %swap3A_45 : vector<16xi32> to vector<16xi32>
      %swap3A_47 = vector.shape_cast %shift_right_logical3A_43 : vector<16xi32> to vector<16xi32>
      tpu.vector_store %arg7[%swap3A_44], %swap3A_47 {strides = array<i32>} : memref<128xi32, #tpu.memory_space<vmem>>, vector<16xi32>,
      %get3A_48 = arith.constant 0 : i32
      %get3A_49 = tpu.memref_slice %arg6[%scan3A_31, %get3A_48] : memref<79x128xi32, #tpu.memory_space<vmem>> -> memref<1x128xi32, #tpu.memory_space<vmem>>
      %get3A_50 = tpu.memref_squeeze %get3A_49 : memref<1x128xi32, #tpu.memory_space<vmem>> -> memref<128xi32, #tpu.memory_space<vmem>>
      %get3A_51 = arith.constant 16 : index
      %get3A_52 = tpu.vector_load %get3A_50[%get3A_51] {strides = array<i32>} : memref<128xi32, #tpu.memory_space<vmem>>, vector<16xi32>,
      %get3A_53 = vector.shape_cast %get3A_52 : vector<16xi32> to vector<16xi32>
      %and3A_54 = arith.constant 16383 : i32
      %and3A_55 = vector.broadcast %and3A_54 : i32 to vector<16xi32>
      %and3A_56 = arith.andi %get3A_53, %and3A_55 : vector<16xi32>
      %swap3A_57 = arith.constant 16 : index
      %swap3A_58 = tpu.vector_load %arg7[%swap3A_57] {strides = array<i32>} : memref<128xi32, #tpu.memory_space<vmem>>, vector<16xi32>,
      %swap3A_59 = vector.shape_cast %swap3A_58 : vector<16xi32> to vector<16xi32>
      %swap3A_60 = vector.shape_cast %and3A_56 : vector<16xi32> to vector<16xi32>
      tpu.vector_store %arg7[%swap3A_57], %swap3A_60 {strides = array<i32>} : memref<128xi32, #tpu.memory_space<vmem>>, vector<16xi32>,
      %shift_right_logical3A_61 = arith.constant 14 : i32
      %shift_right_logical3A_62 = vector.broadcast %shift_right_logical3A_61 : i32 to vector<16xi32>
      %shift_right_logical3A_63 = arith.shrui %get3A_53, %shift_right_logical3A_62 : vector<16xi32>
      %swap3A_64 = arith.constant 16 : index
      %swap3A_65 = tpu.vector_load %arg7[%swap3A_64] {strides = array<i32>} : memref<128xi32, #tpu.memory_space<vmem>>, vector<16xi32>,
      %swap3A_66 = vector.shape_cast %swap3A_65 : vector<16xi32> to vector<16xi32>
      %swap3A_67 = vector.shape_cast %shift_right_logical3A_63 : vector<16xi32> to vector<16xi32>
      tpu.vector_store %arg7[%swap3A_64], %swap3A_67 {strides = array<i32>} : memref<128xi32, #tpu.memory_space<vmem>>, vector<16xi32>,
      %get3A_68 = arith.constant 0 : i32
      %get3A_69 = tpu.memref_slice %arg6[%scan3A_31, %get3A_68] : memref<79x128xi32, #tpu.memory_space<vmem>> -> memref<1x128xi32, #tpu.memory_space<vmem>>
      %get3A_70 = tpu.memref_squeeze %get3A_69 : memref<1x128xi32, #tpu.memory_space<vmem>> -> memref<128xi32, #tpu.memory_space<vmem>>
      %get3A_71 = arith.constant 32 : index
      %get3A_72 = tpu.vector_load %get3A_70[%get3A_71] {strides = array<i32>} : memref<128xi32, #tpu.memory_space<vmem>>, vector<16xi32>,
      %get3A_73 = vector.shape_cast %get3A_72 : vector<16xi32> to vector<16xi32>
      %and3A_74 = arith.constant 16383 : i32
      %and3A_75 = vector.broadcast %and3A_74 : i32 to vector<16xi32>
      %and3A_76 = arith.andi %get3A_73, %and3A_75 : vector<16xi32>
      %swap3A_77 = arith.constant 32 : index
      %swap3A_78 = tpu.vector_load %arg7[%swap3A_77] {strides = array<i32>} : memref<128xi32, #tpu.memory_space<vmem>>, vector<16xi32>,
      %swap3A_79 = vector.shape_cast %swap3A_78 : vector<16xi32> to vector<16xi32>
      %swap3A_80 = vector.shape_cast %and3A_76 : vector<16xi32> to vector<16xi32>
      tpu.vector_store %arg7[%swap3A_77], %swap3A_80 {strides = array<i32>} : memref<128xi32, #tpu.memory_space<vmem>>, vector<16xi32>,
      %shift_right_logical3A_81 = arith.constant 14 : i32
      %shift_right_logical3A_82 = vector.broadcast %shift_right_logical3A_81 : i32 to vector<16xi32>
      %shift_right_logical3A_83 = arith.shrui %get3A_73, %shift_right_logical3A_82 : vector<16xi32>
      %swap3A_84 = arith.constant 32 : index
      %swap3A_85 = tpu.vector_load %arg7[%swap3A_84] {strides = array<i32>} : memref<128xi32, #tpu.memory_space<vmem>>, vector<16xi32>,
      %swap3A_86 = vector.shape_cast %swap3A_85 : vector<16xi32> to vector<16xi32>
      %swap3A_87 = vector.shape_cast %shift_right_logical3A_83 : vector<16xi32> to vector<16xi32>
      tpu.vector_store %arg7[%swap3A_84], %swap3A_87 {strides = array<i32>} : memref<128xi32, #tpu.memory_space<vmem>>, vector<16xi32>,
      %get3A_88 = arith.constant 0 : i32
      %get3A_89 = tpu.memref_slice %arg6[%scan3A_31, %get3A_88] : memref<79x128xi32, #tpu.memory_space<vmem>> -> memref<1x128xi32, #tpu.memory_space<vmem>>
      %get3A_90 = tpu.memref_squeeze %get3A_89 : memref<1x128xi32, #tpu.memory_space<vmem>> -> memref<128xi32, #tpu.memory_space<vmem>>
      %get3A_91 = arith.constant 48 : index
      %get3A_92 = tpu.vector_load %get3A_90[%get3A_91] {strides = array<i32>} : memref<128xi32, #tpu.memory_space<vmem>>, vector<16xi32>,
      %get3A_93 = vector.shape_cast %get3A_92 : vector<16xi32> to vector<16xi32>
      %and3A_94 = arith.constant 16383 : i32
      %and3A_95 = vector.broadcast %and3A_94 : i32 to vector<16xi32>
      %and3A_96 = arith.andi %get3A_93, %and3A_95 : vector<16xi32>
      %swap3A_97 = arith.constant 48 : index
      %swap3A_98 = tpu.vector_load %arg7[%swap3A_97] {strides = array<i32>} : memref<128xi32, #tpu.memory_space<vmem>>, vector<16xi32>,
      %swap3A_99 = vector.shape_cast %swap3A_98 : vector<16xi32> to vector<16xi32>
      %swap3A_100 = vector.shape_cast %and3A_96 : vector<16xi32> to vector<16xi32>
      tpu.vector_store %arg7[%swap3A_97], %swap3A_100 {strides = array<i32>} : memref<128xi32, #tpu.memory_space<vmem>>, vector<16xi32>,
      %shift_right_logical3A_101 = arith.constant 14 : i32
      %shift_right_logical3A_102 = vector.broadcast %shift_right_logical3A_101 : i32 to vector<16xi32>
      %shift_right_logical3A_103 = arith.shrui %get3A_93, %shift_right_logical3A_102 : vector<16xi32>
      %swap3A_104 = arith.constant 48 : index
      %swap3A_105 = tpu.vector_load %arg7[%swap3A_104] {strides = array<i32>} : memref<128xi32, #tpu.memory_space<vmem>>, vector<16xi32>,
      %swap3A_106 = vector.shape_cast %swap3A_105 : vector<16xi32> to vector<16xi32>
      %swap3A_107 = vector.shape_cast %shift_right_logical3A_103 : vector<16xi32> to vector<16xi32>
      tpu.vector_store %arg7[%swap3A_104], %swap3A_107 {strides = array<i32>} : memref<128xi32, #tpu.memory_space<vmem>>, vector<16xi32>,
      %get3A_108 = arith.constant 0 : i32
      %get3A_109 = tpu.memref_slice %arg6[%scan3A_31, %get3A_108] : memref<79x128xi32, #tpu.memory_space<vmem>> -> memref<1x128xi32, #tpu.memory_space<vmem>>
      %get3A_110 = tpu.memref_squeeze %get3A_109 : memref<1x128xi32, #tpu.memory_space<vmem>> -> memref<128xi32, #tpu.memory_space<vmem>>
      %get3A_111 = arith.constant 64 : index
      %get3A_112 = tpu.vector_load %get3A_110[%get3A_111] {strides = array<i32>} : memref<128xi32, #tpu.memory_space<vmem>>, vector<16xi32>,
      %get3A_113 = vector.shape_cast %get3A_112 : vector<16xi32> to vector<16xi32>
      %and3A_114 = arith.constant 16383 : i32
      %and3A_115 = vector.broadcast %and3A_114 : i32 to vector<16xi32>
      %and3A_116 = arith.andi %get3A_113, %and3A_115 : vector<16xi32>
      %swap3A_117 = arith.constant 64 : index
      %swap3A_118 = tpu.vector_load %arg7[%swap3A_117] {strides = array<i32>} : memref<128xi32, #tpu.memory_space<vmem>>, vector<16xi32>,
      %swap3A_119 = vector.shape_cast %swap3A_118 : vector<16xi32> to vector<16xi32>
      %swap3A_120 = vector.shape_cast %and3A_116 : vector<16xi32> to vector<16xi32>
      tpu.vector_store %arg7[%swap3A_117], %swap3A_120 {strides = array<i32>} : memref<128xi32, #tpu.memory_space<vmem>>, vector<16xi32>,
      %shift_right_logical3A_121 = arith.constant 14 : i32
      %shift_right_logical3A_122 = vector.broadcast %shift_right_logical3A_121 : i32 to vector<16xi32>
      %shift_right_logical3A_123 = arith.shrui %get3A_113, %shift_right_logical3A_122 : vector<16xi32>
      %swap3A_124 = arith.constant 64 : index
      %swap3A_125 = tpu.vector_load %arg7[%swap3A_124] {strides = array<i32>} : memref<128xi32, #tpu.memory_space<vmem>>, vector<16xi32>,
      %swap3A_126 = vector.shape_cast %swap3A_125 : vector<16xi32> to vector<16xi32>
      %swap3A_127 = vector.shape_cast %shift_right_logical3A_123 : vector<16xi32> to vector<16xi32>
      tpu.vector_store %arg7[%swap3A_124], %swap3A_127 {strides = array<i32>} : memref<128xi32, #tpu.memory_space<vmem>>, vector<16xi32>,
      %get3A_128 = arith.constant 0 : i32
      %get3A_129 = tpu.memref_slice %arg6[%scan3A_31, %get3A_128] : memref<79x128xi32, #tpu.memory_space<vmem>> -> memref<1x128xi32, #tpu.memory_space<vmem>>
      %get3A_130 = tpu.memref_squeeze %get3A_129 : memref<1x128xi32, #tpu.memory_space<vmem>> -> memref<128xi32, #tpu.memory_space<vmem>>
      %get3A_131 = arith.constant 80 : index
      %get3A_132 = tpu.vector_load %get3A_130[%get3A_131] {strides = array<i32>} : memref<128xi32, #tpu.memory_space<vmem>>, vector<16xi32>,
      %get3A_133 = vector.shape_cast %get3A_132 : vector<16xi32> to vector<16xi32>
      %and3A_134 = arith.constant 16383 : i32
      %and3A_135 = vector.broadcast %and3A_134 : i32 to vector<16xi32>
      %and3A_136 = arith.andi %get3A_133, %and3A_135 : vector<16xi32>
      %swap3A_137 = arith.constant 80 : index
      %swap3A_138 = tpu.vector_load %arg7[%swap3A_137] {strides = array<i32>} : memref<128xi32, #tpu.memory_space<vmem>>, vector<16xi32>,
      %swap3A_139 = vector.shape_cast %swap3A_138 : vector<16xi32> to vector<16xi32>
      %swap3A_140 = vector.shape_cast %and3A_136 : vector<16xi32> to vector<16xi32>
      tpu.vector_store %arg7[%swap3A_137], %swap3A_140 {strides = array<i32>} : memref<128xi32, #tpu.memory_space<vmem>>, vector<16xi32>,
      %shift_right_logical3A_141 = arith.constant 14 : i32
      %shift_right_logical3A_142 = vector.broadcast %shift_right_logical3A_141 : i32 to vector<16xi32>
      %shift_right_logical3A_143 = arith.shrui %get3A_133, %shift_right_logical3A_142 : vector<16xi32>
      %swap3A_144 = arith.constant 80 : index
      %swap3A_145 = tpu.vector_load %arg7[%swap3A_144] {strides = array<i32>} : memref<128xi32, #tpu.memory_space<vmem>>, vector<16xi32>,
      %swap3A_146 = vector.shape_cast %swap3A_145 : vector<16xi32> to vector<16xi32>
      %swap3A_147 = vector.shape_cast %shift_right_logical3A_143 : vector<16xi32> to vector<16xi32>
      tpu.vector_store %arg7[%swap3A_144], %swap3A_147 {strides = array<i32>} : memref<128xi32, #tpu.memory_space<vmem>>, vector<16xi32>,
      %get3A_148 = arith.constant 0 : i32
      %get3A_149 = tpu.memref_slice %arg6[%scan3A_31, %get3A_148] : memref<79x128xi32, #tpu.memory_space<vmem>> -> memref<1x128xi32, #tpu.memory_space<vmem>>
      %get3A_150 = tpu.memref_squeeze %get3A_149 : memref<1x128xi32, #tpu.memory_space<vmem>> -> memref<128xi32, #tpu.memory_space<vmem>>
      %get3A_151 = arith.constant 96 : index
      %get3A_152 = tpu.vector_load %get3A_150[%get3A_151] {strides = array<i32>} : memref<128xi32, #tpu.memory_space<vmem>>, vector<16xi32>,
      %get3A_153 = vector.shape_cast %get3A_152 : vector<16xi32> to vector<16xi32>
      %and3A_154 = arith.constant 16383 : i32
      %and3A_155 = vector.broadcast %and3A_154 : i32 to vector<16xi32>
      %and3A_156 = arith.andi %get3A_153, %and3A_155 : vector<16xi32>
      %swap3A_157 = arith.constant 96 : index
      %swap3A_158 = tpu.vector_load %arg7[%swap3A_157] {strides = array<i32>} : memref<128xi32, #tpu.memory_space<vmem>>, vector<16xi32>,
      %swap3A_159 = vector.shape_cast %swap3A_158 : vector<16xi32> to vector<16xi32>
      %swap3A_160 = vector.shape_cast %and3A_156 : vector<16xi32> to vector<16xi32>
      tpu.vector_store %arg7[%swap3A_157], %swap3A_160 {strides = array<i32>} : memref<128xi32, #tpu.memory_space<vmem>>, vector<16xi32>,
      %shift_right_logical3A_161 = arith.constant 14 : i32
      %shift_right_logical3A_162 = vector.broadcast %shift_right_logical3A_161 : i32 to vector<16xi32>
      %shift_right_logical3A_163 = arith.shrui %get3A_153, %shift_right_logical3A_162 : vector<16xi32>
      %swap3A_164 = arith.constant 96 : index
      %swap3A_165 = tpu.vector_load %arg7[%swap3A_164] {strides = array<i32>} : memref<128xi32, #tpu.memory_space<vmem>>, vector<16xi32>,
      %swap3A_166 = vector.shape_cast %swap3A_165 : vector<16xi32> to vector<16xi32>
      %swap3A_167 = vector.shape_cast %shift_right_logical3A_163 : vector<16xi32> to vector<16xi32>
      tpu.vector_store %arg7[%swap3A_164], %swap3A_167 {strides = array<i32>} : memref<128xi32, #tpu.memory_space<vmem>>, vector<16xi32>,
      %get3A_168 = arith.constant 0 : i32
      %get3A_169 = tpu.memref_slice %arg6[%scan3A_31, %get3A_168] : memref<79x128xi32, #tpu.memory_space<vmem>> -> memref<1x128xi32, #tpu.memory_space<vmem>>
      %get3A_170 = tpu.memref_squeeze %get3A_169 : memref<1x128xi32, #tpu.memory_space<vmem>> -> memref<128xi32, #tpu.memory_space<vmem>>
      %get3A_171 = arith.constant 112 : index
      %get3A_172 = tpu.vector_load %get3A_170[%get3A_171] {strides = array<i32>} : memref<128xi32, #tpu.memory_space<vmem>>, vector<16xi32>,
      %get3A_173 = vector.shape_cast %get3A_172 : vector<16xi32> to vector<16xi32>
      %and3A_174 = arith.constant 16383 : i32
      %and3A_175 = vector.broadcast %and3A_174 : i32 to vector<16xi32>
      %and3A_176 = arith.andi %get3A_173, %and3A_175 : vector<16xi32>
      %swap3A_177 = arith.constant 112 : index
      %swap3A_178 = tpu.vector_load %arg7[%swap3A_177] {strides = array<i32>} : memref<128xi32, #tpu.memory_space<vmem>>, vector<16xi32>,
      %swap3A_179 = vector.shape_cast %swap3A_178 : vector<16xi32> to vector<16xi32>
      %swap3A_180 = vector.shape_cast %and3A_176 : vector<16xi32> to vector<16xi32>
      tpu.vector_store %arg7[%swap3A_177], %swap3A_180 {strides = array<i32>} : memref<128xi32, #tpu.memory_space<vmem>>, vector<16xi32>,
      %shift_right_logical3A_181 = arith.constant 14 : i32
      %shift_right_logical3A_182 = vector.broadcast %shift_right_logical3A_181 : i32 to vector<16xi32>
      %shift_right_logical3A_183 = arith.shrui %get3A_173, %shift_right_logical3A_182 : vector<16xi32>
      %swap3A_184 = arith.constant 112 : index
      %swap3A_185 = tpu.vector_load %arg7[%swap3A_184] {strides = array<i32>} : memref<128xi32, #tpu.memory_space<vmem>>, vector<16xi32>,
      %swap3A_186 = vector.shape_cast %swap3A_185 : vector<16xi32> to vector<16xi32>
      %swap3A_187 = vector.shape_cast %shift_right_logical3A_183 : vector<16xi32> to vector<16xi32>
      tpu.vector_store %arg7[%swap3A_184], %swap3A_187 {strides = array<i32>} : memref<128xi32, #tpu.memory_space<vmem>>, vector<16xi32>,
      "tpu.region"() ({
        %run_scoped3A = tpu.sem_alloc : memref<!tpu.dma_semaphore, #tpu.memory_space<semaphore_mem>>
        %dma_start3A = arith.constant 0 : i32
        %dma_start3A_188 = arith.constant 0 : i32
        %dma_start3A_189 = tpu.memref_slice %arg9[%dma_start3A, %dma_start3A_188] : memref<10240x128xf32, #tpu.memory_space<vmem_shared>> -> memref<10240x128xf32, #tpu.memory_space<vmem_shared>>
        tpu.enqueue_indirect_dma source(%arg8 : memref<128x128xf32, #tpu.memory_space<vmem>>) target(%dma_start3A_189 : memref<10240x128xf32, #tpu.memory_space<vmem_shared>>) offsets(%arg7 : memref<128xi32, #tpu.memory_space<vmem>>) semaphore(%run_scoped3A : memref<!tpu.dma_semaphore, #tpu.memory_space<semaphore_mem>>) {add = true}
        %dma_wait3A = arith.constant 0 : i32
        %dma_wait3A_190 = arith.constant 0 : i32
        %dma_wait3A_191 = tpu.memref_slice %arg9[%dma_wait3A, %dma_wait3A_190] : memref<10240x128xf32, #tpu.memory_space<vmem_shared>> -> memref<10240x128xf32, #tpu.memory_space<vmem_shared>>
        tpu.wait_indirect_dma semaphore(%run_scoped3A : memref<!tpu.dma_semaphore, #tpu.memory_space<semaphore_mem>>) src(%arg8 : memref<128x128xf32, #tpu.memory_space<vmem>>) dst(%dma_wait3A_191 : memref<10240x128xf32, #tpu.memory_space<vmem_shared>>)
        tpu.yield
      }) : () -> ()
    }
    %scan3A_25 = arith.constant 79 : i32
    %barrier3A_26 = arith.constant 0 : index
    tpu.barrier barrier_id(%barrier3A_26)
    %mul3A_27 = arith.constant 640 : i32
    %mul3A_28 = arith.muli %arg1, %mul3A_27 : i32
    %mul3A_29 = arith.constant 640 : i32
    %mul3A_30 = arith.muli %arg1, %mul3A_29 : i32
    "tpu.region"() ({
      %run_scoped3A = tpu.sem_alloc : memref<!tpu.dma_semaphore, #tpu.memory_space<semaphore_mem>>
      %dma_start3A = arith.constant 0 : i32
      %dma_start3A_31 = tpu.memref_slice %arg5[%arg0, %mul3A_30, %dma_start3A] : memref<2x10240x128xf32, #tpu.memory_space<hbm>> -> memref<1x640x128xf32, #tpu.memory_space<hbm>>
      %dma_start3A_32 = tpu.memref_squeeze %dma_start3A_31 : memref<1x640x128xf32, #tpu.memory_space<hbm>> -> memref<640x128xf32, #tpu.memory_space<hbm>>
      %dma_start3A_33 = arith.constant 0 : i32
      %dma_start3A_34 = tpu.memref_slice %arg9[%mul3A_28, %dma_start3A_33] : memref<10240x128xf32, #tpu.memory_space<vmem_shared>> -> memref<640x128xf32, #tpu.memory_space<vmem_shared>>
      tpu.enqueue_dma source(%dma_start3A_34 : memref<640x128xf32, #tpu.memory_space<vmem_shared>>) target(%dma_start3A_32 : memref<640x128xf32, #tpu.memory_space<hbm>>) target_semaphore(%run_scoped3A : memref<!tpu.dma_semaphore, #tpu.memory_space<semaphore_mem>>)
      %dma_wait3A = arith.constant 0 : i32
      %dma_wait3A_35 = tpu.memref_slice %arg5[%arg0, %mul3A_30, %dma_wait3A] : memref<2x10240x128xf32, #tpu.memory_space<hbm>> -> memref<1x640x128xf32, #tpu.memory_space<hbm>>
      %dma_wait3A_36 = tpu.memref_squeeze %dma_wait3A_35 : memref<1x640x128xf32, #tpu.memory_space<hbm>> -> memref<640x128xf32, #tpu.memory_space<hbm>>
      %dma_wait3A_37 = arith.constant 0 : i32
      %dma_wait3A_38 = tpu.memref_slice %arg9[%mul3A_28, %dma_wait3A_37] : memref<10240x128xf32, #tpu.memory_space<vmem_shared>> -> memref<640x128xf32, #tpu.memory_space<vmem_shared>>
      tpu.wait_dma2 semaphore(%run_scoped3A : memref<!tpu.dma_semaphore, #tpu.memory_space<semaphore_mem>>) src(%dma_wait3A_38 : memref<640x128xf32, #tpu.memory_space<vmem_shared>>) dst(%dma_wait3A_36 : memref<640x128xf32, #tpu.memory_space<hbm>>)
      tpu.yield
    }) : () -> ()
    return
  }
}

#map = affine_map<(d0, d1) -> (0, 0)>
#map1 = affine_map<(d0, d1) -> (0, 0, 0)>
module attributes {stable_mosaic.version = 14 : i64} {
  func.func @_sc_aggregate(%arg0: i32, %arg1: i32, %arg2: memref<10000x128xf32, #tpu.memory_space<hbm>>, %arg3: memref<32x79x128xi32, #tpu.memory_space<hbm>>, %arg4: memref<128x128xf32, #tpu.memory_space<hbm>>, %arg5: memref<2x10240x128xf32, #tpu.memory_space<hbm>>, %arg6: memref<79x128xi32, #tpu.memory_space<vmem>>, %arg7: memref<128xi32, #tpu.memory_space<vmem>>, %arg8: memref<128xi32, #tpu.memory_space<vmem>>, %arg9: memref<128xi32, #tpu.memory_space<vmem>>, %arg10: memref<128xi32, #tpu.memory_space<vmem>>, %arg11: memref<128x128xf32, #tpu.memory_space<vmem>>, %arg12: memref<128x128xf32, #tpu.memory_space<vmem>>, %arg13: memref<10240x128xf32, #tpu.memory_space<vmem_shared>>, %arg14: memref<!tpu.dma_semaphore, #tpu.memory_space<semaphore_mem>>) attributes {dimension_semantics = [#tpu.dimension_semantics<core_parallel>, #tpu.dimension_semantics<subcore_parallel>], iteration_bounds = array<i64: 2, 16>, scalar_prefetch = 0 : i64, scratch_operands = 9 : i64, tpu.core_type = #tpu.core_type<sc_vector_subcore>, window_params = [{transform_indices = #map}, {transform_indices = #map1}, {transform_indices = #map}, {transform_indices = #map1}]} {
    "tpu.region"() ({
      %run_scoped3A = tpu.sem_alloc : memref<!tpu.dma_semaphore, #tpu.memory_space<semaphore_mem>>
      tpu.enqueue_dma source(%arg4 : memref<128x128xf32, #tpu.memory_space<hbm>>) target(%arg11 : memref<128x128xf32, #tpu.memory_space<vmem>>) target_semaphore(%run_scoped3A : memref<!tpu.dma_semaphore, #tpu.memory_space<semaphore_mem>>)
      tpu.wait_dma2 semaphore(%run_scoped3A : memref<!tpu.dma_semaphore, #tpu.memory_space<semaphore_mem>>) src(%arg4 : memref<128x128xf32, #tpu.memory_space<hbm>>) dst(%arg11 : memref<128x128xf32, #tpu.memory_space<vmem>>)
      tpu.yield
    }) : () -> ()
    %mul3A = arith.constant 640 : i32
    %mul3A_0 = arith.muli %arg1, %mul3A : i32
    %add3A = arith.constant 0 : i32
    %add3A_1 = arith.addi %mul3A_0, %add3A : i32
    "tpu.region"() ({
      %run_scoped3A = tpu.sem_alloc : memref<!tpu.dma_semaphore, #tpu.memory_space<semaphore_mem>>
      %dma_start3A_199 = arith.constant 0 : i32
      %dma_start3A_200 = tpu.memref_slice %arg13[%add3A_1, %dma_start3A_199] : memref<10240x128xf32, #tpu.memory_space<vmem_shared>> -> memref<128x128xf32, #tpu.memory_space<vmem_shared>>
      %dma_start3A_201 = arith.constant 0 : i32
      %dma_start3A_202 = tpu.memref_slice %arg13[%add3A_1, %dma_start3A_201] : memref<10240x128xf32, #tpu.memory_space<vmem_shared>> -> memref<128x128xf32, #tpu.memory_space<vmem_shared>>
      tpu.enqueue_dma source(%arg11 : memref<128x128xf32, #tpu.memory_space<vmem>>) target(%dma_start3A_202 : memref<128x128xf32, #tpu.memory_space<vmem_shared>>) target_semaphore(%run_scoped3A : memref<!tpu.dma_semaphore, #tpu.memory_space<semaphore_mem>>)
      %dma_wait3A_203 = arith.constant 0 : i32
      %dma_wait3A_204 = tpu.memref_slice %arg13[%add3A_1, %dma_wait3A_203] : memref<10240x128xf32, #tpu.memory_space<vmem_shared>> -> memref<128x128xf32, #tpu.memory_space<vmem_shared>>
      %dma_wait3A_205 = arith.constant 0 : i32
      %dma_wait3A_206 = tpu.memref_slice %arg13[%add3A_1, %dma_wait3A_205] : memref<10240x128xf32, #tpu.memory_space<vmem_shared>> -> memref<128x128xf32, #tpu.memory_space<vmem_shared>>
      tpu.wait_dma2 semaphore(%run_scoped3A : memref<!tpu.dma_semaphore, #tpu.memory_space<semaphore_mem>>) src(%arg11 : memref<128x128xf32, #tpu.memory_space<vmem>>) dst(%dma_wait3A_206 : memref<128x128xf32, #tpu.memory_space<vmem_shared>>)
      tpu.yield
    }) : () -> ()
    %mul3A_2 = arith.constant 640 : i32
    %mul3A_3 = arith.muli %arg1, %mul3A_2 : i32
    %add3A_4 = arith.constant 128 : i32
    %add3A_5 = arith.addi %mul3A_3, %add3A_4 : i32
    "tpu.region"() ({
      %run_scoped3A = tpu.sem_alloc : memref<!tpu.dma_semaphore, #tpu.memory_space<semaphore_mem>>
      %dma_start3A_199 = arith.constant 0 : i32
      %dma_start3A_200 = tpu.memref_slice %arg13[%add3A_5, %dma_start3A_199] : memref<10240x128xf32, #tpu.memory_space<vmem_shared>> -> memref<128x128xf32, #tpu.memory_space<vmem_shared>>
      %dma_start3A_201 = arith.constant 0 : i32
      %dma_start3A_202 = tpu.memref_slice %arg13[%add3A_5, %dma_start3A_201] : memref<10240x128xf32, #tpu.memory_space<vmem_shared>> -> memref<128x128xf32, #tpu.memory_space<vmem_shared>>
      tpu.enqueue_dma source(%arg11 : memref<128x128xf32, #tpu.memory_space<vmem>>) target(%dma_start3A_202 : memref<128x128xf32, #tpu.memory_space<vmem_shared>>) target_semaphore(%run_scoped3A : memref<!tpu.dma_semaphore, #tpu.memory_space<semaphore_mem>>)
      %dma_wait3A_203 = arith.constant 0 : i32
      %dma_wait3A_204 = tpu.memref_slice %arg13[%add3A_5, %dma_wait3A_203] : memref<10240x128xf32, #tpu.memory_space<vmem_shared>> -> memref<128x128xf32, #tpu.memory_space<vmem_shared>>
      %dma_wait3A_205 = arith.constant 0 : i32
      %dma_wait3A_206 = tpu.memref_slice %arg13[%add3A_5, %dma_wait3A_205] : memref<10240x128xf32, #tpu.memory_space<vmem_shared>> -> memref<128x128xf32, #tpu.memory_space<vmem_shared>>
      tpu.wait_dma2 semaphore(%run_scoped3A : memref<!tpu.dma_semaphore, #tpu.memory_space<semaphore_mem>>) src(%arg11 : memref<128x128xf32, #tpu.memory_space<vmem>>) dst(%dma_wait3A_206 : memref<128x128xf32, #tpu.memory_space<vmem_shared>>)
      tpu.yield
    }) : () -> ()
    %mul3A_6 = arith.constant 640 : i32
    %mul3A_7 = arith.muli %arg1, %mul3A_6 : i32
    %add3A_8 = arith.constant 256 : i32
    %add3A_9 = arith.addi %mul3A_7, %add3A_8 : i32
    "tpu.region"() ({
      %run_scoped3A = tpu.sem_alloc : memref<!tpu.dma_semaphore, #tpu.memory_space<semaphore_mem>>
      %dma_start3A_199 = arith.constant 0 : i32
      %dma_start3A_200 = tpu.memref_slice %arg13[%add3A_9, %dma_start3A_199] : memref<10240x128xf32, #tpu.memory_space<vmem_shared>> -> memref<128x128xf32, #tpu.memory_space<vmem_shared>>
      %dma_start3A_201 = arith.constant 0 : i32
      %dma_start3A_202 = tpu.memref_slice %arg13[%add3A_9, %dma_start3A_201] : memref<10240x128xf32, #tpu.memory_space<vmem_shared>> -> memref<128x128xf32, #tpu.memory_space<vmem_shared>>
      tpu.enqueue_dma source(%arg11 : memref<128x128xf32, #tpu.memory_space<vmem>>) target(%dma_start3A_202 : memref<128x128xf32, #tpu.memory_space<vmem_shared>>) target_semaphore(%run_scoped3A : memref<!tpu.dma_semaphore, #tpu.memory_space<semaphore_mem>>)
      %dma_wait3A_203 = arith.constant 0 : i32
      %dma_wait3A_204 = tpu.memref_slice %arg13[%add3A_9, %dma_wait3A_203] : memref<10240x128xf32, #tpu.memory_space<vmem_shared>> -> memref<128x128xf32, #tpu.memory_space<vmem_shared>>
      %dma_wait3A_205 = arith.constant 0 : i32
      %dma_wait3A_206 = tpu.memref_slice %arg13[%add3A_9, %dma_wait3A_205] : memref<10240x128xf32, #tpu.memory_space<vmem_shared>> -> memref<128x128xf32, #tpu.memory_space<vmem_shared>>
      tpu.wait_dma2 semaphore(%run_scoped3A : memref<!tpu.dma_semaphore, #tpu.memory_space<semaphore_mem>>) src(%arg11 : memref<128x128xf32, #tpu.memory_space<vmem>>) dst(%dma_wait3A_206 : memref<128x128xf32, #tpu.memory_space<vmem_shared>>)
      tpu.yield
    }) : () -> ()
    %mul3A_10 = arith.constant 640 : i32
    %mul3A_11 = arith.muli %arg1, %mul3A_10 : i32
    %add3A_12 = arith.constant 384 : i32
    %add3A_13 = arith.addi %mul3A_11, %add3A_12 : i32
    "tpu.region"() ({
      %run_scoped3A = tpu.sem_alloc : memref<!tpu.dma_semaphore, #tpu.memory_space<semaphore_mem>>
      %dma_start3A_199 = arith.constant 0 : i32
      %dma_start3A_200 = tpu.memref_slice %arg13[%add3A_13, %dma_start3A_199] : memref<10240x128xf32, #tpu.memory_space<vmem_shared>> -> memref<128x128xf32, #tpu.memory_space<vmem_shared>>
      %dma_start3A_201 = arith.constant 0 : i32
      %dma_start3A_202 = tpu.memref_slice %arg13[%add3A_13, %dma_start3A_201] : memref<10240x128xf32, #tpu.memory_space<vmem_shared>> -> memref<128x128xf32, #tpu.memory_space<vmem_shared>>
      tpu.enqueue_dma source(%arg11 : memref<128x128xf32, #tpu.memory_space<vmem>>) target(%dma_start3A_202 : memref<128x128xf32, #tpu.memory_space<vmem_shared>>) target_semaphore(%run_scoped3A : memref<!tpu.dma_semaphore, #tpu.memory_space<semaphore_mem>>)
      %dma_wait3A_203 = arith.constant 0 : i32
      %dma_wait3A_204 = tpu.memref_slice %arg13[%add3A_13, %dma_wait3A_203] : memref<10240x128xf32, #tpu.memory_space<vmem_shared>> -> memref<128x128xf32, #tpu.memory_space<vmem_shared>>
      %dma_wait3A_205 = arith.constant 0 : i32
      %dma_wait3A_206 = tpu.memref_slice %arg13[%add3A_13, %dma_wait3A_205] : memref<10240x128xf32, #tpu.memory_space<vmem_shared>> -> memref<128x128xf32, #tpu.memory_space<vmem_shared>>
      tpu.wait_dma2 semaphore(%run_scoped3A : memref<!tpu.dma_semaphore, #tpu.memory_space<semaphore_mem>>) src(%arg11 : memref<128x128xf32, #tpu.memory_space<vmem>>) dst(%dma_wait3A_206 : memref<128x128xf32, #tpu.memory_space<vmem_shared>>)
      tpu.yield
    }) : () -> ()
    %mul3A_14 = arith.constant 640 : i32
    %mul3A_15 = arith.muli %arg1, %mul3A_14 : i32
    %add3A_16 = arith.constant 512 : i32
    %add3A_17 = arith.addi %mul3A_15, %add3A_16 : i32
    "tpu.region"() ({
      %run_scoped3A = tpu.sem_alloc : memref<!tpu.dma_semaphore, #tpu.memory_space<semaphore_mem>>
      %dma_start3A_199 = arith.constant 0 : i32
      %dma_start3A_200 = tpu.memref_slice %arg13[%add3A_17, %dma_start3A_199] : memref<10240x128xf32, #tpu.memory_space<vmem_shared>> -> memref<128x128xf32, #tpu.memory_space<vmem_shared>>
      %dma_start3A_201 = arith.constant 0 : i32
      %dma_start3A_202 = tpu.memref_slice %arg13[%add3A_17, %dma_start3A_201] : memref<10240x128xf32, #tpu.memory_space<vmem_shared>> -> memref<128x128xf32, #tpu.memory_space<vmem_shared>>
      tpu.enqueue_dma source(%arg11 : memref<128x128xf32, #tpu.memory_space<vmem>>) target(%dma_start3A_202 : memref<128x128xf32, #tpu.memory_space<vmem_shared>>) target_semaphore(%run_scoped3A : memref<!tpu.dma_semaphore, #tpu.memory_space<semaphore_mem>>)
      %dma_wait3A_203 = arith.constant 0 : i32
      %dma_wait3A_204 = tpu.memref_slice %arg13[%add3A_17, %dma_wait3A_203] : memref<10240x128xf32, #tpu.memory_space<vmem_shared>> -> memref<128x128xf32, #tpu.memory_space<vmem_shared>>
      %dma_wait3A_205 = arith.constant 0 : i32
      %dma_wait3A_206 = tpu.memref_slice %arg13[%add3A_17, %dma_wait3A_205] : memref<10240x128xf32, #tpu.memory_space<vmem_shared>> -> memref<128x128xf32, #tpu.memory_space<vmem_shared>>
      tpu.wait_dma2 semaphore(%run_scoped3A : memref<!tpu.dma_semaphore, #tpu.memory_space<semaphore_mem>>) src(%arg11 : memref<128x128xf32, #tpu.memory_space<vmem>>) dst(%dma_wait3A_206 : memref<128x128xf32, #tpu.memory_space<vmem_shared>>)
      tpu.yield
    }) : () -> ()
    %barrier3A = arith.constant 0 : index
    tpu.barrier barrier_id(%barrier3A)
    %mul3A_18 = arith.constant 16 : i32
    %mul3A_19 = arith.muli %arg0, %mul3A_18 : i32
    %add3A_20 = arith.addi %mul3A_19, %arg1 : i32
    "tpu.region"() ({
      %run_scoped3A = tpu.sem_alloc : memref<!tpu.dma_semaphore, #tpu.memory_space<semaphore_mem>>
      %dma_start3A_199 = arith.constant 0 : i32
      %dma_start3A_200 = arith.constant 0 : i32
      %dma_start3A_201 = tpu.memref_slice %arg3[%add3A_20, %dma_start3A_199, %dma_start3A_200] : memref<32x79x128xi32, #tpu.memory_space<hbm>> -> memref<1x79x128xi32, #tpu.memory_space<hbm>>
      %dma_start3A_202 = tpu.memref_squeeze %dma_start3A_201 : memref<1x79x128xi32, #tpu.memory_space<hbm>> -> memref<79x128xi32, #tpu.memory_space<hbm>>
      %dma_start3A_203 = arith.constant 0 : i32
      %dma_start3A_204 = arith.constant 0 : i32
      %dma_start3A_205 = tpu.memref_slice %arg3[%add3A_20, %dma_start3A_203, %dma_start3A_204] : memref<32x79x128xi32, #tpu.memory_space<hbm>> -> memref<1x79x128xi32, #tpu.memory_space<hbm>>
      %dma_start3A_206 = tpu.memref_squeeze %dma_start3A_205 : memref<1x79x128xi32, #tpu.memory_space<hbm>> -> memref<79x128xi32, #tpu.memory_space<hbm>>
      tpu.enqueue_dma source(%dma_start3A_206 : memref<79x128xi32, #tpu.memory_space<hbm>>) target(%arg6 : memref<79x128xi32, #tpu.memory_space<vmem>>) target_semaphore(%run_scoped3A : memref<!tpu.dma_semaphore, #tpu.memory_space<semaphore_mem>>)
      %dma_wait3A_207 = arith.constant 0 : i32
      %dma_wait3A_208 = arith.constant 0 : i32
      %dma_wait3A_209 = tpu.memref_slice %arg3[%add3A_20, %dma_wait3A_207, %dma_wait3A_208] : memref<32x79x128xi32, #tpu.memory_space<hbm>> -> memref<1x79x128xi32, #tpu.memory_space<hbm>>
      %dma_wait3A_210 = tpu.memref_squeeze %dma_wait3A_209 : memref<1x79x128xi32, #tpu.memory_space<hbm>> -> memref<79x128xi32, #tpu.memory_space<hbm>>
      %dma_wait3A_211 = arith.constant 0 : i32
      %dma_wait3A_212 = arith.constant 0 : i32
      %dma_wait3A_213 = tpu.memref_slice %arg3[%add3A_20, %dma_wait3A_211, %dma_wait3A_212] : memref<32x79x128xi32, #tpu.memory_space<hbm>> -> memref<1x79x128xi32, #tpu.memory_space<hbm>>
      %dma_wait3A_214 = tpu.memref_squeeze %dma_wait3A_213 : memref<1x79x128xi32, #tpu.memory_space<hbm>> -> memref<79x128xi32, #tpu.memory_space<hbm>>
      tpu.wait_dma2 semaphore(%run_scoped3A : memref<!tpu.dma_semaphore, #tpu.memory_space<semaphore_mem>>) src(%dma_wait3A_214 : memref<79x128xi32, #tpu.memory_space<hbm>>) dst(%arg6 : memref<79x128xi32, #tpu.memory_space<vmem>>)
      tpu.yield
    }) : () -> ()
    %get3A = arith.constant 0 : i32
    %get3A_21 = arith.constant 0 : i32
    %get3A_22 = tpu.memref_slice %arg6[%get3A, %get3A_21] : memref<79x128xi32, #tpu.memory_space<vmem>> -> memref<1x128xi32, #tpu.memory_space<vmem>>
    %get3A_23 = tpu.memref_squeeze %get3A_22 : memref<1x128xi32, #tpu.memory_space<vmem>> -> memref<128xi32, #tpu.memory_space<vmem>>
    %get3A_24 = arith.constant 0 : index
    %get3A_25 = tpu.vector_load %get3A_23[%get3A_24] {strides = array<i32>} : memref<128xi32, #tpu.memory_space<vmem>>, vector<16xi32>,
    %get3A_26 = vector.shape_cast %get3A_25 : vector<16xi32> to vector<16xi32>
    %and3A = arith.constant 16383 : i32
    %and3A_27 = vector.broadcast %and3A : i32 to vector<16xi32>
    %and3A_28 = arith.andi %get3A_26, %and3A_27 : vector<16xi32>
    %swap3A = arith.constant 0 : index
    %swap3A_29 = tpu.vector_load %arg7[%swap3A] {strides = array<i32>} : memref<128xi32, #tpu.memory_space<vmem>>, vector<16xi32>,
    %swap3A_30 = vector.shape_cast %swap3A_29 : vector<16xi32> to vector<16xi32>
    %swap3A_31 = vector.shape_cast %and3A_28 : vector<16xi32> to vector<16xi32>
    tpu.vector_store %arg7[%swap3A], %swap3A_31 {strides = array<i32>} : memref<128xi32, #tpu.memory_space<vmem>>, vector<16xi32>,
    %shift_right_logical3A = arith.constant 14 : i32
    %shift_right_logical3A_32 = vector.broadcast %shift_right_logical3A : i32 to vector<16xi32>
    %shift_right_logical3A_33 = arith.shrui %get3A_26, %shift_right_logical3A_32 : vector<16xi32>
    %swap3A_34 = arith.constant 0 : index
    %swap3A_35 = tpu.vector_load %arg8[%swap3A_34] {strides = array<i32>} : memref<128xi32, #tpu.memory_space<vmem>>, vector<16xi32>,
    %swap3A_36 = vector.shape_cast %swap3A_35 : vector<16xi32> to vector<16xi32>
    %swap3A_37 = vector.shape_cast %shift_right_logical3A_33 : vector<16xi32> to vector<16xi32>
    tpu.vector_store %arg8[%swap3A_34], %swap3A_37 {strides = array<i32>} : memref<128xi32, #tpu.memory_space<vmem>>, vector<16xi32>,
    %get3A_38 = arith.constant 0 : i32
    %get3A_39 = arith.constant 0 : i32
    %get3A_40 = tpu.memref_slice %arg6[%get3A_38, %get3A_39] : memref<79x128xi32, #tpu.memory_space<vmem>> -> memref<1x128xi32, #tpu.memory_space<vmem>>
    %get3A_41 = tpu.memref_squeeze %get3A_40 : memref<1x128xi32, #tpu.memory_space<vmem>> -> memref<128xi32, #tpu.memory_space<vmem>>
    %get3A_42 = arith.constant 16 : index
    %get3A_43 = tpu.vector_load %get3A_41[%get3A_42] {strides = array<i32>} : memref<128xi32, #tpu.memory_space<vmem>>, vector<16xi32>,
    %get3A_44 = vector.shape_cast %get3A_43 : vector<16xi32> to vector<16xi32>
    %and3A_45 = arith.constant 16383 : i32
    %and3A_46 = vector.broadcast %and3A_45 : i32 to vector<16xi32>
    %and3A_47 = arith.andi %get3A_44, %and3A_46 : vector<16xi32>
    %swap3A_48 = arith.constant 16 : index
    %swap3A_49 = tpu.vector_load %arg7[%swap3A_48] {strides = array<i32>} : memref<128xi32, #tpu.memory_space<vmem>>, vector<16xi32>,
    %swap3A_50 = vector.shape_cast %swap3A_49 : vector<16xi32> to vector<16xi32>
    %swap3A_51 = vector.shape_cast %and3A_47 : vector<16xi32> to vector<16xi32>
    tpu.vector_store %arg7[%swap3A_48], %swap3A_51 {strides = array<i32>} : memref<128xi32, #tpu.memory_space<vmem>>, vector<16xi32>,
    %shift_right_logical3A_52 = arith.constant 14 : i32
    %shift_right_logical3A_53 = vector.broadcast %shift_right_logical3A_52 : i32 to vector<16xi32>
    %shift_right_logical3A_54 = arith.shrui %get3A_44, %shift_right_logical3A_53 : vector<16xi32>
    %swap3A_55 = arith.constant 16 : index
    %swap3A_56 = tpu.vector_load %arg8[%swap3A_55] {strides = array<i32>} : memref<128xi32, #tpu.memory_space<vmem>>, vector<16xi32>,
    %swap3A_57 = vector.shape_cast %swap3A_56 : vector<16xi32> to vector<16xi32>
    %swap3A_58 = vector.shape_cast %shift_right_logical3A_54 : vector<16xi32> to vector<16xi32>
    tpu.vector_store %arg8[%swap3A_55], %swap3A_58 {strides = array<i32>} : memref<128xi32, #tpu.memory_space<vmem>>, vector<16xi32>,
    %get3A_59 = arith.constant 0 : i32
    %get3A_60 = arith.constant 0 : i32
    %get3A_61 = tpu.memref_slice %arg6[%get3A_59, %get3A_60] : memref<79x128xi32, #tpu.memory_space<vmem>> -> memref<1x128xi32, #tpu.memory_space<vmem>>
    %get3A_62 = tpu.memref_squeeze %get3A_61 : memref<1x128xi32, #tpu.memory_space<vmem>> -> memref<128xi32, #tpu.memory_space<vmem>>
    %get3A_63 = arith.constant 32 : index
    %get3A_64 = tpu.vector_load %get3A_62[%get3A_63] {strides = array<i32>} : memref<128xi32, #tpu.memory_space<vmem>>, vector<16xi32>,
    %get3A_65 = vector.shape_cast %get3A_64 : vector<16xi32> to vector<16xi32>
    %and3A_66 = arith.constant 16383 : i32
    %and3A_67 = vector.broadcast %and3A_66 : i32 to vector<16xi32>
    %and3A_68 = arith.andi %get3A_65, %and3A_67 : vector<16xi32>
    %swap3A_69 = arith.constant 32 : index
    %swap3A_70 = tpu.vector_load %arg7[%swap3A_69] {strides = array<i32>} : memref<128xi32, #tpu.memory_space<vmem>>, vector<16xi32>,
    %swap3A_71 = vector.shape_cast %swap3A_70 : vector<16xi32> to vector<16xi32>
    %swap3A_72 = vector.shape_cast %and3A_68 : vector<16xi32> to vector<16xi32>
    tpu.vector_store %arg7[%swap3A_69], %swap3A_72 {strides = array<i32>} : memref<128xi32, #tpu.memory_space<vmem>>, vector<16xi32>,
    %shift_right_logical3A_73 = arith.constant 14 : i32
    %shift_right_logical3A_74 = vector.broadcast %shift_right_logical3A_73 : i32 to vector<16xi32>
    %shift_right_logical3A_75 = arith.shrui %get3A_65, %shift_right_logical3A_74 : vector<16xi32>
    %swap3A_76 = arith.constant 32 : index
    %swap3A_77 = tpu.vector_load %arg8[%swap3A_76] {strides = array<i32>} : memref<128xi32, #tpu.memory_space<vmem>>, vector<16xi32>,
    %swap3A_78 = vector.shape_cast %swap3A_77 : vector<16xi32> to vector<16xi32>
    %swap3A_79 = vector.shape_cast %shift_right_logical3A_75 : vector<16xi32> to vector<16xi32>
    tpu.vector_store %arg8[%swap3A_76], %swap3A_79 {strides = array<i32>} : memref<128xi32, #tpu.memory_space<vmem>>, vector<16xi32>,
    %get3A_80 = arith.constant 0 : i32
    %get3A_81 = arith.constant 0 : i32
    %get3A_82 = tpu.memref_slice %arg6[%get3A_80, %get3A_81] : memref<79x128xi32, #tpu.memory_space<vmem>> -> memref<1x128xi32, #tpu.memory_space<vmem>>
    %get3A_83 = tpu.memref_squeeze %get3A_82 : memref<1x128xi32, #tpu.memory_space<vmem>> -> memref<128xi32, #tpu.memory_space<vmem>>
    %get3A_84 = arith.constant 48 : index
    %get3A_85 = tpu.vector_load %get3A_83[%get3A_84] {strides = array<i32>} : memref<128xi32, #tpu.memory_space<vmem>>, vector<16xi32>,
    %get3A_86 = vector.shape_cast %get3A_85 : vector<16xi32> to vector<16xi32>
    %and3A_87 = arith.constant 16383 : i32
    %and3A_88 = vector.broadcast %and3A_87 : i32 to vector<16xi32>
    %and3A_89 = arith.andi %get3A_86, %and3A_88 : vector<16xi32>
    %swap3A_90 = arith.constant 48 : index
    %swap3A_91 = tpu.vector_load %arg7[%swap3A_90] {strides = array<i32>} : memref<128xi32, #tpu.memory_space<vmem>>, vector<16xi32>,
    %swap3A_92 = vector.shape_cast %swap3A_91 : vector<16xi32> to vector<16xi32>
    %swap3A_93 = vector.shape_cast %and3A_89 : vector<16xi32> to vector<16xi32>
    tpu.vector_store %arg7[%swap3A_90], %swap3A_93 {strides = array<i32>} : memref<128xi32, #tpu.memory_space<vmem>>, vector<16xi32>,
    %shift_right_logical3A_94 = arith.constant 14 : i32
    %shift_right_logical3A_95 = vector.broadcast %shift_right_logical3A_94 : i32 to vector<16xi32>
    %shift_right_logical3A_96 = arith.shrui %get3A_86, %shift_right_logical3A_95 : vector<16xi32>
    %swap3A_97 = arith.constant 48 : index
    %swap3A_98 = tpu.vector_load %arg8[%swap3A_97] {strides = array<i32>} : memref<128xi32, #tpu.memory_space<vmem>>, vector<16xi32>,
    %swap3A_99 = vector.shape_cast %swap3A_98 : vector<16xi32> to vector<16xi32>
    %swap3A_100 = vector.shape_cast %shift_right_logical3A_96 : vector<16xi32> to vector<16xi32>
    tpu.vector_store %arg8[%swap3A_97], %swap3A_100 {strides = array<i32>} : memref<128xi32, #tpu.memory_space<vmem>>, vector<16xi32>,
    %get3A_101 = arith.constant 0 : i32
    %get3A_102 = arith.constant 0 : i32
    %get3A_103 = tpu.memref_slice %arg6[%get3A_101, %get3A_102] : memref<79x128xi32, #tpu.memory_space<vmem>> -> memref<1x128xi32, #tpu.memory_space<vmem>>
    %get3A_104 = tpu.memref_squeeze %get3A_103 : memref<1x128xi32, #tpu.memory_space<vmem>> -> memref<128xi32, #tpu.memory_space<vmem>>
    %get3A_105 = arith.constant 64 : index
    %get3A_106 = tpu.vector_load %get3A_104[%get3A_105] {strides = array<i32>} : memref<128xi32, #tpu.memory_space<vmem>>, vector<16xi32>,
    %get3A_107 = vector.shape_cast %get3A_106 : vector<16xi32> to vector<16xi32>
    %and3A_108 = arith.constant 16383 : i32
    %and3A_109 = vector.broadcast %and3A_108 : i32 to vector<16xi32>
    %and3A_110 = arith.andi %get3A_107, %and3A_109 : vector<16xi32>
    %swap3A_111 = arith.constant 64 : index
    %swap3A_112 = tpu.vector_load %arg7[%swap3A_111] {strides = array<i32>} : memref<128xi32, #tpu.memory_space<vmem>>, vector<16xi32>,
    %swap3A_113 = vector.shape_cast %swap3A_112 : vector<16xi32> to vector<16xi32>
    %swap3A_114 = vector.shape_cast %and3A_110 : vector<16xi32> to vector<16xi32>
    tpu.vector_store %arg7[%swap3A_111], %swap3A_114 {strides = array<i32>} : memref<128xi32, #tpu.memory_space<vmem>>, vector<16xi32>,
    %shift_right_logical3A_115 = arith.constant 14 : i32
    %shift_right_logical3A_116 = vector.broadcast %shift_right_logical3A_115 : i32 to vector<16xi32>
    %shift_right_logical3A_117 = arith.shrui %get3A_107, %shift_right_logical3A_116 : vector<16xi32>
    %swap3A_118 = arith.constant 64 : index
    %swap3A_119 = tpu.vector_load %arg8[%swap3A_118] {strides = array<i32>} : memref<128xi32, #tpu.memory_space<vmem>>, vector<16xi32>,
    %swap3A_120 = vector.shape_cast %swap3A_119 : vector<16xi32> to vector<16xi32>
    %swap3A_121 = vector.shape_cast %shift_right_logical3A_117 : vector<16xi32> to vector<16xi32>
    tpu.vector_store %arg8[%swap3A_118], %swap3A_121 {strides = array<i32>} : memref<128xi32, #tpu.memory_space<vmem>>, vector<16xi32>,
    %get3A_122 = arith.constant 0 : i32
    %get3A_123 = arith.constant 0 : i32
    %get3A_124 = tpu.memref_slice %arg6[%get3A_122, %get3A_123] : memref<79x128xi32, #tpu.memory_space<vmem>> -> memref<1x128xi32, #tpu.memory_space<vmem>>
    %get3A_125 = tpu.memref_squeeze %get3A_124 : memref<1x128xi32, #tpu.memory_space<vmem>> -> memref<128xi32, #tpu.memory_space<vmem>>
    %get3A_126 = arith.constant 80 : index
    %get3A_127 = tpu.vector_load %get3A_125[%get3A_126] {strides = array<i32>} : memref<128xi32, #tpu.memory_space<vmem>>, vector<16xi32>,
    %get3A_128 = vector.shape_cast %get3A_127 : vector<16xi32> to vector<16xi32>
    %and3A_129 = arith.constant 16383 : i32
    %and3A_130 = vector.broadcast %and3A_129 : i32 to vector<16xi32>
    %and3A_131 = arith.andi %get3A_128, %and3A_130 : vector<16xi32>
    %swap3A_132 = arith.constant 80 : index
    %swap3A_133 = tpu.vector_load %arg7[%swap3A_132] {strides = array<i32>} : memref<128xi32, #tpu.memory_space<vmem>>, vector<16xi32>,
    %swap3A_134 = vector.shape_cast %swap3A_133 : vector<16xi32> to vector<16xi32>
    %swap3A_135 = vector.shape_cast %and3A_131 : vector<16xi32> to vector<16xi32>
    tpu.vector_store %arg7[%swap3A_132], %swap3A_135 {strides = array<i32>} : memref<128xi32, #tpu.memory_space<vmem>>, vector<16xi32>,
    %shift_right_logical3A_136 = arith.constant 14 : i32
    %shift_right_logical3A_137 = vector.broadcast %shift_right_logical3A_136 : i32 to vector<16xi32>
    %shift_right_logical3A_138 = arith.shrui %get3A_128, %shift_right_logical3A_137 : vector<16xi32>
    %swap3A_139 = arith.constant 80 : index
    %swap3A_140 = tpu.vector_load %arg8[%swap3A_139] {strides = array<i32>} : memref<128xi32, #tpu.memory_space<vmem>>, vector<16xi32>,
    %swap3A_141 = vector.shape_cast %swap3A_140 : vector<16xi32> to vector<16xi32>
    %swap3A_142 = vector.shape_cast %shift_right_logical3A_138 : vector<16xi32> to vector<16xi32>
    tpu.vector_store %arg8[%swap3A_139], %swap3A_142 {strides = array<i32>} : memref<128xi32, #tpu.memory_space<vmem>>, vector<16xi32>,
    %get3A_143 = arith.constant 0 : i32
    %get3A_144 = arith.constant 0 : i32
    %get3A_145 = tpu.memref_slice %arg6[%get3A_143, %get3A_144] : memref<79x128xi32, #tpu.memory_space<vmem>> -> memref<1x128xi32, #tpu.memory_space<vmem>>
    %get3A_146 = tpu.memref_squeeze %get3A_145 : memref<1x128xi32, #tpu.memory_space<vmem>> -> memref<128xi32, #tpu.memory_space<vmem>>
    %get3A_147 = arith.constant 96 : index
    %get3A_148 = tpu.vector_load %get3A_146[%get3A_147] {strides = array<i32>} : memref<128xi32, #tpu.memory_space<vmem>>, vector<16xi32>,
    %get3A_149 = vector.shape_cast %get3A_148 : vector<16xi32> to vector<16xi32>
    %and3A_150 = arith.constant 16383 : i32
    %and3A_151 = vector.broadcast %and3A_150 : i32 to vector<16xi32>
    %and3A_152 = arith.andi %get3A_149, %and3A_151 : vector<16xi32>
    %swap3A_153 = arith.constant 96 : index
    %swap3A_154 = tpu.vector_load %arg7[%swap3A_153] {strides = array<i32>} : memref<128xi32, #tpu.memory_space<vmem>>, vector<16xi32>,
    %swap3A_155 = vector.shape_cast %swap3A_154 : vector<16xi32> to vector<16xi32>
    %swap3A_156 = vector.shape_cast %and3A_152 : vector<16xi32> to vector<16xi32>
    tpu.vector_store %arg7[%swap3A_153], %swap3A_156 {strides = array<i32>} : memref<128xi32, #tpu.memory_space<vmem>>, vector<16xi32>,
    %shift_right_logical3A_157 = arith.constant 14 : i32
    %shift_right_logical3A_158 = vector.broadcast %shift_right_logical3A_157 : i32 to vector<16xi32>
    %shift_right_logical3A_159 = arith.shrui %get3A_149, %shift_right_logical3A_158 : vector<16xi32>
    %swap3A_160 = arith.constant 96 : index
    %swap3A_161 = tpu.vector_load %arg8[%swap3A_160] {strides = array<i32>} : memref<128xi32, #tpu.memory_space<vmem>>, vector<16xi32>,
    %swap3A_162 = vector.shape_cast %swap3A_161 : vector<16xi32> to vector<16xi32>
    %swap3A_163 = vector.shape_cast %shift_right_logical3A_159 : vector<16xi32> to vector<16xi32>
    tpu.vector_store %arg8[%swap3A_160], %swap3A_163 {strides = array<i32>} : memref<128xi32, #tpu.memory_space<vmem>>, vector<16xi32>,
    %get3A_164 = arith.constant 0 : i32
    %get3A_165 = arith.constant 0 : i32
    %get3A_166 = tpu.memref_slice %arg6[%get3A_164, %get3A_165] : memref<79x128xi32, #tpu.memory_space<vmem>> -> memref<1x128xi32, #tpu.memory_space<vmem>>
    %get3A_167 = tpu.memref_squeeze %get3A_166 : memref<1x128xi32, #tpu.memory_space<vmem>> -> memref<128xi32, #tpu.memory_space<vmem>>
    %get3A_168 = arith.constant 112 : index
    %get3A_169 = tpu.vector_load %get3A_167[%get3A_168] {strides = array<i32>} : memref<128xi32, #tpu.memory_space<vmem>>, vector<16xi32>,
    %get3A_170 = vector.shape_cast %get3A_169 : vector<16xi32> to vector<16xi32>
    %and3A_171 = arith.constant 16383 : i32
    %and3A_172 = vector.broadcast %and3A_171 : i32 to vector<16xi32>
    %and3A_173 = arith.andi %get3A_170, %and3A_172 : vector<16xi32>
    %swap3A_174 = arith.constant 112 : index
    %swap3A_175 = tpu.vector_load %arg7[%swap3A_174] {strides = array<i32>} : memref<128xi32, #tpu.memory_space<vmem>>, vector<16xi32>,
    %swap3A_176 = vector.shape_cast %swap3A_175 : vector<16xi32> to vector<16xi32>
    %swap3A_177 = vector.shape_cast %and3A_173 : vector<16xi32> to vector<16xi32>
    tpu.vector_store %arg7[%swap3A_174], %swap3A_177 {strides = array<i32>} : memref<128xi32, #tpu.memory_space<vmem>>, vector<16xi32>,
    %shift_right_logical3A_178 = arith.constant 14 : i32
    %shift_right_logical3A_179 = vector.broadcast %shift_right_logical3A_178 : i32 to vector<16xi32>
    %shift_right_logical3A_180 = arith.shrui %get3A_170, %shift_right_logical3A_179 : vector<16xi32>
    %swap3A_181 = arith.constant 112 : index
    %swap3A_182 = tpu.vector_load %arg8[%swap3A_181] {strides = array<i32>} : memref<128xi32, #tpu.memory_space<vmem>>, vector<16xi32>,
    %swap3A_183 = vector.shape_cast %swap3A_182 : vector<16xi32> to vector<16xi32>
    %swap3A_184 = vector.shape_cast %shift_right_logical3A_180 : vector<16xi32> to vector<16xi32>
    tpu.vector_store %arg8[%swap3A_181], %swap3A_184 {strides = array<i32>} : memref<128xi32, #tpu.memory_space<vmem>>, vector<16xi32>,
    %dma_start3A = arith.constant 0 : i32
    %dma_start3A_185 = arith.constant 0 : i32
    %dma_start3A_186 = tpu.memref_slice %arg2[%dma_start3A, %dma_start3A_185] : memref<10000x128xf32, #tpu.memory_space<hbm>> -> memref<10000x128xf32, #tpu.memory_space<hbm>>
    tpu.enqueue_indirect_dma source(%dma_start3A_186 : memref<10000x128xf32, #tpu.memory_space<hbm>>) target(%arg11 : memref<128x128xf32, #tpu.memory_space<vmem>>) offsets(%arg7 : memref<128xi32, #tpu.memory_space<vmem>>) semaphore(%arg14 : memref<!tpu.dma_semaphore, #tpu.memory_space<semaphore_mem>>)
    %scan3A = arith.constant 0 : i32
    %scan3A_187 = arith.constant 0 : i32
    %scan3A_188 = arith.constant 39 : i32
    %scan3A_189 = arith.addi %scan3A_187, %scan3A_188 : i32
    %scan3A_190 = arith.constant 1 : i32
    scf.for %scan3A_199 = %scan3A_187 to %scan3A_189 step %scan3A_190  : i32 {
      %mul3A_200 = arith.constant 2 : i32
      %mul3A_201 = arith.muli %scan3A_199, %mul3A_200 : i32
      %add3A_202 = arith.constant 1 : i32
      %add3A_203 = arith.addi %mul3A_201, %add3A_202 : i32
      %get3A_204 = arith.constant 0 : i32
      %get3A_205 = tpu.memref_slice %arg6[%add3A_203, %get3A_204] : memref<79x128xi32, #tpu.memory_space<vmem>> -> memref<1x128xi32, #tpu.memory_space<vmem>>
      %get3A_206 = tpu.memref_squeeze %get3A_205 : memref<1x128xi32, #tpu.memory_space<vmem>> -> memref<128xi32, #tpu.memory_space<vmem>>
      %get3A_207 = arith.constant 0 : index
      %get3A_208 = tpu.vector_load %get3A_206[%get3A_207] {strides = array<i32>} : memref<128xi32, #tpu.memory_space<vmem>>, vector<16xi32>,
      %get3A_209 = vector.shape_cast %get3A_208 : vector<16xi32> to vector<16xi32>
      %and3A_210 = arith.constant 16383 : i32
      %and3A_211 = vector.broadcast %and3A_210 : i32 to vector<16xi32>
      %and3A_212 = arith.andi %get3A_209, %and3A_211 : vector<16xi32>
      %swap3A_213 = arith.constant 0 : index
      %swap3A_214 = tpu.vector_load %arg9[%swap3A_213] {strides = array<i32>} : memref<128xi32, #tpu.memory_space<vmem>>, vector<16xi32>,
      %swap3A_215 = vector.shape_cast %swap3A_214 : vector<16xi32> to vector<16xi32>
      %swap3A_216 = vector.shape_cast %and3A_212 : vector<16xi32> to vector<16xi32>
      tpu.vector_store %arg9[%swap3A_213], %swap3A_216 {strides = array<i32>} : memref<128xi32, #tpu.memory_space<vmem>>, vector<16xi32>,
      %shift_right_logical3A_217 = arith.constant 14 : i32
      %shift_right_logical3A_218 = vector.broadcast %shift_right_logical3A_217 : i32 to vector<16xi32>
      %shift_right_logical3A_219 = arith.shrui %get3A_209, %shift_right_logical3A_218 : vector<16xi32>
      %swap3A_220 = arith.constant 0 : index
      %swap3A_221 = tpu.vector_load %arg10[%swap3A_220] {strides = array<i32>} : memref<128xi32, #tpu.memory_space<vmem>>, vector<16xi32>,
      %swap3A_222 = vector.shape_cast %swap3A_221 : vector<16xi32> to vector<16xi32>
      %swap3A_223 = vector.shape_cast %shift_right_logical3A_219 : vector<16xi32> to vector<16xi32>
      tpu.vector_store %arg10[%swap3A_220], %swap3A_223 {strides = array<i32>} : memref<128xi32, #tpu.memory_space<vmem>>, vector<16xi32>,
      %get3A_224 = arith.constant 0 : i32
      %get3A_225 = tpu.memref_slice %arg6[%add3A_203, %get3A_224] : memref<79x128xi32, #tpu.memory_space<vmem>> -> memref<1x128xi32, #tpu.memory_space<vmem>>
      %get3A_226 = tpu.memref_squeeze %get3A_225 : memref<1x128xi32, #tpu.memory_space<vmem>> -> memref<128xi32, #tpu.memory_space<vmem>>
      %get3A_227 = arith.constant 16 : index
      %get3A_228 = tpu.vector_load %get3A_226[%get3A_227] {strides = array<i32>} : memref<128xi32, #tpu.memory_space<vmem>>, vector<16xi32>,
      %get3A_229 = vector.shape_cast %get3A_228 : vector<16xi32> to vector<16xi32>
      %and3A_230 = arith.constant 16383 : i32
      %and3A_231 = vector.broadcast %and3A_230 : i32 to vector<16xi32>
      %and3A_232 = arith.andi %get3A_229, %and3A_231 : vector<16xi32>
      %swap3A_233 = arith.constant 16 : index
      %swap3A_234 = tpu.vector_load %arg9[%swap3A_233] {strides = array<i32>} : memref<128xi32, #tpu.memory_space<vmem>>, vector<16xi32>,
      %swap3A_235 = vector.shape_cast %swap3A_234 : vector<16xi32> to vector<16xi32>
      %swap3A_236 = vector.shape_cast %and3A_232 : vector<16xi32> to vector<16xi32>
      tpu.vector_store %arg9[%swap3A_233], %swap3A_236 {strides = array<i32>} : memref<128xi32, #tpu.memory_space<vmem>>, vector<16xi32>,
      %shift_right_logical3A_237 = arith.constant 14 : i32
      %shift_right_logical3A_238 = vector.broadcast %shift_right_logical3A_237 : i32 to vector<16xi32>
      %shift_right_logical3A_239 = arith.shrui %get3A_229, %shift_right_logical3A_238 : vector<16xi32>
      %swap3A_240 = arith.constant 16 : index
      %swap3A_241 = tpu.vector_load %arg10[%swap3A_240] {strides = array<i32>} : memref<128xi32, #tpu.memory_space<vmem>>, vector<16xi32>,
      %swap3A_242 = vector.shape_cast %swap3A_241 : vector<16xi32> to vector<16xi32>
      %swap3A_243 = vector.shape_cast %shift_right_logical3A_239 : vector<16xi32> to vector<16xi32>
      tpu.vector_store %arg10[%swap3A_240], %swap3A_243 {strides = array<i32>} : memref<128xi32, #tpu.memory_space<vmem>>, vector<16xi32>,
      %get3A_244 = arith.constant 0 : i32
      %get3A_245 = tpu.memref_slice %arg6[%add3A_203, %get3A_244] : memref<79x128xi32, #tpu.memory_space<vmem>> -> memref<1x128xi32, #tpu.memory_space<vmem>>
      %get3A_246 = tpu.memref_squeeze %get3A_245 : memref<1x128xi32, #tpu.memory_space<vmem>> -> memref<128xi32, #tpu.memory_space<vmem>>
      %get3A_247 = arith.constant 32 : index
      %get3A_248 = tpu.vector_load %get3A_246[%get3A_247] {strides = array<i32>} : memref<128xi32, #tpu.memory_space<vmem>>, vector<16xi32>,
      %get3A_249 = vector.shape_cast %get3A_248 : vector<16xi32> to vector<16xi32>
      %and3A_250 = arith.constant 16383 : i32
      %and3A_251 = vector.broadcast %and3A_250 : i32 to vector<16xi32>
      %and3A_252 = arith.andi %get3A_249, %and3A_251 : vector<16xi32>
      %swap3A_253 = arith.constant 32 : index
      %swap3A_254 = tpu.vector_load %arg9[%swap3A_253] {strides = array<i32>} : memref<128xi32, #tpu.memory_space<vmem>>, vector<16xi32>,
      %swap3A_255 = vector.shape_cast %swap3A_254 : vector<16xi32> to vector<16xi32>
      %swap3A_256 = vector.shape_cast %and3A_252 : vector<16xi32> to vector<16xi32>
      tpu.vector_store %arg9[%swap3A_253], %swap3A_256 {strides = array<i32>} : memref<128xi32, #tpu.memory_space<vmem>>, vector<16xi32>,
      %shift_right_logical3A_257 = arith.constant 14 : i32
      %shift_right_logical3A_258 = vector.broadcast %shift_right_logical3A_257 : i32 to vector<16xi32>
      %shift_right_logical3A_259 = arith.shrui %get3A_249, %shift_right_logical3A_258 : vector<16xi32>
      %swap3A_260 = arith.constant 32 : index
      %swap3A_261 = tpu.vector_load %arg10[%swap3A_260] {strides = array<i32>} : memref<128xi32, #tpu.memory_space<vmem>>, vector<16xi32>,
      %swap3A_262 = vector.shape_cast %swap3A_261 : vector<16xi32> to vector<16xi32>
      %swap3A_263 = vector.shape_cast %shift_right_logical3A_259 : vector<16xi32> to vector<16xi32>
      tpu.vector_store %arg10[%swap3A_260], %swap3A_263 {strides = array<i32>} : memref<128xi32, #tpu.memory_space<vmem>>, vector<16xi32>,
      %get3A_264 = arith.constant 0 : i32
      %get3A_265 = tpu.memref_slice %arg6[%add3A_203, %get3A_264] : memref<79x128xi32, #tpu.memory_space<vmem>> -> memref<1x128xi32, #tpu.memory_space<vmem>>
      %get3A_266 = tpu.memref_squeeze %get3A_265 : memref<1x128xi32, #tpu.memory_space<vmem>> -> memref<128xi32, #tpu.memory_space<vmem>>
      %get3A_267 = arith.constant 48 : index
      %get3A_268 = tpu.vector_load %get3A_266[%get3A_267] {strides = array<i32>} : memref<128xi32, #tpu.memory_space<vmem>>, vector<16xi32>,
      %get3A_269 = vector.shape_cast %get3A_268 : vector<16xi32> to vector<16xi32>
      %and3A_270 = arith.constant 16383 : i32
      %and3A_271 = vector.broadcast %and3A_270 : i32 to vector<16xi32>
      %and3A_272 = arith.andi %get3A_269, %and3A_271 : vector<16xi32>
      %swap3A_273 = arith.constant 48 : index
      %swap3A_274 = tpu.vector_load %arg9[%swap3A_273] {strides = array<i32>} : memref<128xi32, #tpu.memory_space<vmem>>, vector<16xi32>,
      %swap3A_275 = vector.shape_cast %swap3A_274 : vector<16xi32> to vector<16xi32>
      %swap3A_276 = vector.shape_cast %and3A_272 : vector<16xi32> to vector<16xi32>
      tpu.vector_store %arg9[%swap3A_273], %swap3A_276 {strides = array<i32>} : memref<128xi32, #tpu.memory_space<vmem>>, vector<16xi32>,
      %shift_right_logical3A_277 = arith.constant 14 : i32
      %shift_right_logical3A_278 = vector.broadcast %shift_right_logical3A_277 : i32 to vector<16xi32>
      %shift_right_logical3A_279 = arith.shrui %get3A_269, %shift_right_logical3A_278 : vector<16xi32>
      %swap3A_280 = arith.constant 48 : index
      %swap3A_281 = tpu.vector_load %arg10[%swap3A_280] {strides = array<i32>} : memref<128xi32, #tpu.memory_space<vmem>>, vector<16xi32>,
      %swap3A_282 = vector.shape_cast %swap3A_281 : vector<16xi32> to vector<16xi32>
      %swap3A_283 = vector.shape_cast %shift_right_logical3A_279 : vector<16xi32> to vector<16xi32>
      tpu.vector_store %arg10[%swap3A_280], %swap3A_283 {strides = array<i32>} : memref<128xi32, #tpu.memory_space<vmem>>, vector<16xi32>,
      %get3A_284 = arith.constant 0 : i32
      %get3A_285 = tpu.memref_slice %arg6[%add3A_203, %get3A_284] : memref<79x128xi32, #tpu.memory_space<vmem>> -> memref<1x128xi32, #tpu.memory_space<vmem>>
      %get3A_286 = tpu.memref_squeeze %get3A_285 : memref<1x128xi32, #tpu.memory_space<vmem>> -> memref<128xi32, #tpu.memory_space<vmem>>
      %get3A_287 = arith.constant 64 : index
      %get3A_288 = tpu.vector_load %get3A_286[%get3A_287] {strides = array<i32>} : memref<128xi32, #tpu.memory_space<vmem>>, vector<16xi32>,
      %get3A_289 = vector.shape_cast %get3A_288 : vector<16xi32> to vector<16xi32>
      %and3A_290 = arith.constant 16383 : i32
      %and3A_291 = vector.broadcast %and3A_290 : i32 to vector<16xi32>
      %and3A_292 = arith.andi %get3A_289, %and3A_291 : vector<16xi32>
      %swap3A_293 = arith.constant 64 : index
      %swap3A_294 = tpu.vector_load %arg9[%swap3A_293] {strides = array<i32>} : memref<128xi32, #tpu.memory_space<vmem>>, vector<16xi32>,
      %swap3A_295 = vector.shape_cast %swap3A_294 : vector<16xi32> to vector<16xi32>
      %swap3A_296 = vector.shape_cast %and3A_292 : vector<16xi32> to vector<16xi32>
      tpu.vector_store %arg9[%swap3A_293], %swap3A_296 {strides = array<i32>} : memref<128xi32, #tpu.memory_space<vmem>>, vector<16xi32>,
      %shift_right_logical3A_297 = arith.constant 14 : i32
      %shift_right_logical3A_298 = vector.broadcast %shift_right_logical3A_297 : i32 to vector<16xi32>
      %shift_right_logical3A_299 = arith.shrui %get3A_289, %shift_right_logical3A_298 : vector<16xi32>
      %swap3A_300 = arith.constant 64 : index
      %swap3A_301 = tpu.vector_load %arg10[%swap3A_300] {strides = array<i32>} : memref<128xi32, #tpu.memory_space<vmem>>, vector<16xi32>,
      %swap3A_302 = vector.shape_cast %swap3A_301 : vector<16xi32> to vector<16xi32>
      %swap3A_303 = vector.shape_cast %shift_right_logical3A_299 : vector<16xi32> to vector<16xi32>
      tpu.vector_store %arg10[%swap3A_300], %swap3A_303 {strides = array<i32>} : memref<128xi32, #tpu.memory_space<vmem>>, vector<16xi32>,
      %get3A_304 = arith.constant 0 : i32
      %get3A_305 = tpu.memref_slice %arg6[%add3A_203, %get3A_304] : memref<79x128xi32, #tpu.memory_space<vmem>> -> memref<1x128xi32, #tpu.memory_space<vmem>>
      %get3A_306 = tpu.memref_squeeze %get3A_305 : memref<1x128xi32, #tpu.memory_space<vmem>> -> memref<128xi32, #tpu.memory_space<vmem>>
      %get3A_307 = arith.constant 80 : index
      %get3A_308 = tpu.vector_load %get3A_306[%get3A_307] {strides = array<i32>} : memref<128xi32, #tpu.memory_space<vmem>>, vector<16xi32>,
      %get3A_309 = vector.shape_cast %get3A_308 : vector<16xi32> to vector<16xi32>
      %and3A_310 = arith.constant 16383 : i32
      %and3A_311 = vector.broadcast %and3A_310 : i32 to vector<16xi32>
      %and3A_312 = arith.andi %get3A_309, %and3A_311 : vector<16xi32>
      %swap3A_313 = arith.constant 80 : index
      %swap3A_314 = tpu.vector_load %arg9[%swap3A_313] {strides = array<i32>} : memref<128xi32, #tpu.memory_space<vmem>>, vector<16xi32>,
      %swap3A_315 = vector.shape_cast %swap3A_314 : vector<16xi32> to vector<16xi32>
      %swap3A_316 = vector.shape_cast %and3A_312 : vector<16xi32> to vector<16xi32>
      tpu.vector_store %arg9[%swap3A_313], %swap3A_316 {strides = array<i32>} : memref<128xi32, #tpu.memory_space<vmem>>, vector<16xi32>,
      %shift_right_logical3A_317 = arith.constant 14 : i32
      %shift_right_logical3A_318 = vector.broadcast %shift_right_logical3A_317 : i32 to vector<16xi32>
      %shift_right_logical3A_319 = arith.shrui %get3A_309, %shift_right_logical3A_318 : vector<16xi32>
      %swap3A_320 = arith.constant 80 : index
      %swap3A_321 = tpu.vector_load %arg10[%swap3A_320] {strides = array<i32>} : memref<128xi32, #tpu.memory_space<vmem>>, vector<16xi32>,
      %swap3A_322 = vector.shape_cast %swap3A_321 : vector<16xi32> to vector<16xi32>
      %swap3A_323 = vector.shape_cast %shift_right_logical3A_319 : vector<16xi32> to vector<16xi32>
      tpu.vector_store %arg10[%swap3A_320], %swap3A_323 {strides = array<i32>} : memref<128xi32, #tpu.memory_space<vmem>>, vector<16xi32>,
      %get3A_324 = arith.constant 0 : i32
      %get3A_325 = tpu.memref_slice %arg6[%add3A_203, %get3A_324] : memref<79x128xi32, #tpu.memory_space<vmem>> -> memref<1x128xi32, #tpu.memory_space<vmem>>
      %get3A_326 = tpu.memref_squeeze %get3A_325 : memref<1x128xi32, #tpu.memory_space<vmem>> -> memref<128xi32, #tpu.memory_space<vmem>>
      %get3A_327 = arith.constant 96 : index
      %get3A_328 = tpu.vector_load %get3A_326[%get3A_327] {strides = array<i32>} : memref<128xi32, #tpu.memory_space<vmem>>, vector<16xi32>,
      %get3A_329 = vector.shape_cast %get3A_328 : vector<16xi32> to vector<16xi32>
      %and3A_330 = arith.constant 16383 : i32
      %and3A_331 = vector.broadcast %and3A_330 : i32 to vector<16xi32>
      %and3A_332 = arith.andi %get3A_329, %and3A_331 : vector<16xi32>
      %swap3A_333 = arith.constant 96 : index
      %swap3A_334 = tpu.vector_load %arg9[%swap3A_333] {strides = array<i32>} : memref<128xi32, #tpu.memory_space<vmem>>, vector<16xi32>,
      %swap3A_335 = vector.shape_cast %swap3A_334 : vector<16xi32> to vector<16xi32>
      %swap3A_336 = vector.shape_cast %and3A_332 : vector<16xi32> to vector<16xi32>
      tpu.vector_store %arg9[%swap3A_333], %swap3A_336 {strides = array<i32>} : memref<128xi32, #tpu.memory_space<vmem>>, vector<16xi32>,
      %shift_right_logical3A_337 = arith.constant 14 : i32
      %shift_right_logical3A_338 = vector.broadcast %shift_right_logical3A_337 : i32 to vector<16xi32>
      %shift_right_logical3A_339 = arith.shrui %get3A_329, %shift_right_logical3A_338 : vector<16xi32>
      %swap3A_340 = arith.constant 96 : index
      %swap3A_341 = tpu.vector_load %arg10[%swap3A_340] {strides = array<i32>} : memref<128xi32, #tpu.memory_space<vmem>>, vector<16xi32>,
      %swap3A_342 = vector.shape_cast %swap3A_341 : vector<16xi32> to vector<16xi32>
      %swap3A_343 = vector.shape_cast %shift_right_logical3A_339 : vector<16xi32> to vector<16xi32>
      tpu.vector_store %arg10[%swap3A_340], %swap3A_343 {strides = array<i32>} : memref<128xi32, #tpu.memory_space<vmem>>, vector<16xi32>,
      %get3A_344 = arith.constant 0 : i32
      %get3A_345 = tpu.memref_slice %arg6[%add3A_203, %get3A_344] : memref<79x128xi32, #tpu.memory_space<vmem>> -> memref<1x128xi32, #tpu.memory_space<vmem>>
      %get3A_346 = tpu.memref_squeeze %get3A_345 : memref<1x128xi32, #tpu.memory_space<vmem>> -> memref<128xi32, #tpu.memory_space<vmem>>
      %get3A_347 = arith.constant 112 : index
      %get3A_348 = tpu.vector_load %get3A_346[%get3A_347] {strides = array<i32>} : memref<128xi32, #tpu.memory_space<vmem>>, vector<16xi32>,
      %get3A_349 = vector.shape_cast %get3A_348 : vector<16xi32> to vector<16xi32>
      %and3A_350 = arith.constant 16383 : i32
      %and3A_351 = vector.broadcast %and3A_350 : i32 to vector<16xi32>
      %and3A_352 = arith.andi %get3A_349, %and3A_351 : vector<16xi32>
      %swap3A_353 = arith.constant 112 : index
      %swap3A_354 = tpu.vector_load %arg9[%swap3A_353] {strides = array<i32>} : memref<128xi32, #tpu.memory_space<vmem>>, vector<16xi32>,
      %swap3A_355 = vector.shape_cast %swap3A_354 : vector<16xi32> to vector<16xi32>
      %swap3A_356 = vector.shape_cast %and3A_352 : vector<16xi32> to vector<16xi32>
      tpu.vector_store %arg9[%swap3A_353], %swap3A_356 {strides = array<i32>} : memref<128xi32, #tpu.memory_space<vmem>>, vector<16xi32>,
      %shift_right_logical3A_357 = arith.constant 14 : i32
      %shift_right_logical3A_358 = vector.broadcast %shift_right_logical3A_357 : i32 to vector<16xi32>
      %shift_right_logical3A_359 = arith.shrui %get3A_349, %shift_right_logical3A_358 : vector<16xi32>
      %swap3A_360 = arith.constant 112 : index
      %swap3A_361 = tpu.vector_load %arg10[%swap3A_360] {strides = array<i32>} : memref<128xi32, #tpu.memory_space<vmem>>, vector<16xi32>,
      %swap3A_362 = vector.shape_cast %swap3A_361 : vector<16xi32> to vector<16xi32>
      %swap3A_363 = vector.shape_cast %shift_right_logical3A_359 : vector<16xi32> to vector<16xi32>
      tpu.vector_store %arg10[%swap3A_360], %swap3A_363 {strides = array<i32>} : memref<128xi32, #tpu.memory_space<vmem>>, vector<16xi32>,
      %dma_start3A_364 = arith.constant 0 : i32
      %dma_start3A_365 = arith.constant 0 : i32
      %dma_start3A_366 = tpu.memref_slice %arg2[%dma_start3A_364, %dma_start3A_365] : memref<10000x128xf32, #tpu.memory_space<hbm>> -> memref<10000x128xf32, #tpu.memory_space<hbm>>
      tpu.enqueue_indirect_dma source(%dma_start3A_366 : memref<10000x128xf32, #tpu.memory_space<hbm>>) target(%arg12 : memref<128x128xf32, #tpu.memory_space<vmem>>) offsets(%arg9 : memref<128xi32, #tpu.memory_space<vmem>>) semaphore(%arg14 : memref<!tpu.dma_semaphore, #tpu.memory_space<semaphore_mem>>)
      %dma_wait3A_367 = arith.constant 0 : i32
      %dma_wait3A_368 = arith.constant 0 : i32
      %dma_wait3A_369 = tpu.memref_slice %arg2[%dma_wait3A_367, %dma_wait3A_368] : memref<10000x128xf32, #tpu.memory_space<hbm>> -> memref<10000x128xf32, #tpu.memory_space<hbm>>
      tpu.wait_indirect_dma semaphore(%arg14 : memref<!tpu.dma_semaphore, #tpu.memory_space<semaphore_mem>>) src(%dma_wait3A_369 : memref<10000x128xf32, #tpu.memory_space<hbm>>) dst(%arg11 : memref<128x128xf32, #tpu.memory_space<vmem>>)
      "tpu.region"() ({
        %run_scoped3A = tpu.sem_alloc : memref<!tpu.dma_semaphore, #tpu.memory_space<semaphore_mem>>
        %dma_start3A_377 = arith.constant 0 : i32
        %dma_start3A_378 = arith.constant 0 : i32
        %dma_start3A_379 = tpu.memref_slice %arg13[%dma_start3A_377, %dma_start3A_378] : memref<10240x128xf32, #tpu.memory_space<vmem_shared>> -> memref<10240x128xf32, #tpu.memory_space<vmem_shared>>
        tpu.enqueue_indirect_dma source(%arg11 : memref<128x128xf32, #tpu.memory_space<vmem>>) target(%dma_start3A_379 : memref<10240x128xf32, #tpu.memory_space<vmem_shared>>) offsets(%arg8 : memref<128xi32, #tpu.memory_space<vmem>>) semaphore(%run_scoped3A : memref<!tpu.dma_semaphore, #tpu.memory_space<semaphore_mem>>) {add = true}
        %dma_wait3A_380 = arith.constant 0 : i32
        %dma_wait3A_381 = arith.constant 0 : i32
        %dma_wait3A_382 = tpu.memref_slice %arg13[%dma_wait3A_380, %dma_wait3A_381] : memref<10240x128xf32, #tpu.memory_space<vmem_shared>> -> memref<10240x128xf32, #tpu.memory_space<vmem_shared>>
        tpu.wait_indirect_dma semaphore(%run_scoped3A : memref<!tpu.dma_semaphore, #tpu.memory_space<semaphore_mem>>) src(%arg11 : memref<128x128xf32, #tpu.memory_space<vmem>>) dst(%dma_wait3A_382 : memref<10240x128xf32, #tpu.memory_space<vmem_shared>>)
        tpu.yield
      }) : () -> ()
      %add3A_370 = arith.constant 2 : i32
      %add3A_371 = arith.addi %mul3A_201, %add3A_370 : i32
      %lt3A = arith.constant 79 : i32
      %lt3A_372 = arith.cmpi slt, %add3A_371, %lt3A : i32
      %convert_element_type3A = arith.extui %lt3A_372 : i1 to i32
      %cond3A = arith.constant 0 : i32
      %cond3A_373 = arith.cmpi ne, %convert_element_type3A, %cond3A : i32
      scf.if %cond3A_373 {
        %add3A_377 = arith.constant 2 : i32
        %add3A_378 = arith.addi %mul3A_201, %add3A_377 : i32
        %get3A_379 = arith.constant 0 : i32
        %get3A_380 = tpu.memref_slice %arg6[%add3A_378, %get3A_379] : memref<79x128xi32, #tpu.memory_space<vmem>> -> memref<1x128xi32, #tpu.memory_space<vmem>>
        %get3A_381 = tpu.memref_squeeze %get3A_380 : memref<1x128xi32, #tpu.memory_space<vmem>> -> memref<128xi32, #tpu.memory_space<vmem>>
        %get3A_382 = arith.constant 0 : index
        %get3A_383 = tpu.vector_load %get3A_381[%get3A_382] {strides = array<i32>} : memref<128xi32, #tpu.memory_space<vmem>>, vector<16xi32>,
        %get3A_384 = vector.shape_cast %get3A_383 : vector<16xi32> to vector<16xi32>
        %and3A_385 = arith.constant 16383 : i32
        %and3A_386 = vector.broadcast %and3A_385 : i32 to vector<16xi32>
        %and3A_387 = arith.andi %get3A_384, %and3A_386 : vector<16xi32>
        %swap3A_388 = arith.constant 0 : index
        %swap3A_389 = tpu.vector_load %arg7[%swap3A_388] {strides = array<i32>} : memref<128xi32, #tpu.memory_space<vmem>>, vector<16xi32>,
        %swap3A_390 = vector.shape_cast %swap3A_389 : vector<16xi32> to vector<16xi32>
        %swap3A_391 = vector.shape_cast %and3A_387 : vector<16xi32> to vector<16xi32>
        tpu.vector_store %arg7[%swap3A_388], %swap3A_391 {strides = array<i32>} : memref<128xi32, #tpu.memory_space<vmem>>, vector<16xi32>,
        %shift_right_logical3A_392 = arith.constant 14 : i32
        %shift_right_logical3A_393 = vector.broadcast %shift_right_logical3A_392 : i32 to vector<16xi32>
        %shift_right_logical3A_394 = arith.shrui %get3A_384, %shift_right_logical3A_393 : vector<16xi32>
        %swap3A_395 = arith.constant 0 : index
        %swap3A_396 = tpu.vector_load %arg8[%swap3A_395] {strides = array<i32>} : memref<128xi32, #tpu.memory_space<vmem>>, vector<16xi32>,
        %swap3A_397 = vector.shape_cast %swap3A_396 : vector<16xi32> to vector<16xi32>
        %swap3A_398 = vector.shape_cast %shift_right_logical3A_394 : vector<16xi32> to vector<16xi32>
        tpu.vector_store %arg8[%swap3A_395], %swap3A_398 {strides = array<i32>} : memref<128xi32, #tpu.memory_space<vmem>>, vector<16xi32>,
        %get3A_399 = arith.constant 0 : i32
        %get3A_400 = tpu.memref_slice %arg6[%add3A_378, %get3A_399] : memref<79x128xi32, #tpu.memory_space<vmem>> -> memref<1x128xi32, #tpu.memory_space<vmem>>
        %get3A_401 = tpu.memref_squeeze %get3A_400 : memref<1x128xi32, #tpu.memory_space<vmem>> -> memref<128xi32, #tpu.memory_space<vmem>>
        %get3A_402 = arith.constant 16 : index
        %get3A_403 = tpu.vector_load %get3A_401[%get3A_402] {strides = array<i32>} : memref<128xi32, #tpu.memory_space<vmem>>, vector<16xi32>,
        %get3A_404 = vector.shape_cast %get3A_403 : vector<16xi32> to vector<16xi32>
        %and3A_405 = arith.constant 16383 : i32
        %and3A_406 = vector.broadcast %and3A_405 : i32 to vector<16xi32>
        %and3A_407 = arith.andi %get3A_404, %and3A_406 : vector<16xi32>
        %swap3A_408 = arith.constant 16 : index
        %swap3A_409 = tpu.vector_load %arg7[%swap3A_408] {strides = array<i32>} : memref<128xi32, #tpu.memory_space<vmem>>, vector<16xi32>,
        %swap3A_410 = vector.shape_cast %swap3A_409 : vector<16xi32> to vector<16xi32>
        %swap3A_411 = vector.shape_cast %and3A_407 : vector<16xi32> to vector<16xi32>
        tpu.vector_store %arg7[%swap3A_408], %swap3A_411 {strides = array<i32>} : memref<128xi32, #tpu.memory_space<vmem>>, vector<16xi32>,
        %shift_right_logical3A_412 = arith.constant 14 : i32
        %shift_right_logical3A_413 = vector.broadcast %shift_right_logical3A_412 : i32 to vector<16xi32>
        %shift_right_logical3A_414 = arith.shrui %get3A_404, %shift_right_logical3A_413 : vector<16xi32>
        %swap3A_415 = arith.constant 16 : index
        %swap3A_416 = tpu.vector_load %arg8[%swap3A_415] {strides = array<i32>} : memref<128xi32, #tpu.memory_space<vmem>>, vector<16xi32>,
        %swap3A_417 = vector.shape_cast %swap3A_416 : vector<16xi32> to vector<16xi32>
        %swap3A_418 = vector.shape_cast %shift_right_logical3A_414 : vector<16xi32> to vector<16xi32>
        tpu.vector_store %arg8[%swap3A_415], %swap3A_418 {strides = array<i32>} : memref<128xi32, #tpu.memory_space<vmem>>, vector<16xi32>,
        %get3A_419 = arith.constant 0 : i32
        %get3A_420 = tpu.memref_slice %arg6[%add3A_378, %get3A_419] : memref<79x128xi32, #tpu.memory_space<vmem>> -> memref<1x128xi32, #tpu.memory_space<vmem>>
        %get3A_421 = tpu.memref_squeeze %get3A_420 : memref<1x128xi32, #tpu.memory_space<vmem>> -> memref<128xi32, #tpu.memory_space<vmem>>
        %get3A_422 = arith.constant 32 : index
        %get3A_423 = tpu.vector_load %get3A_421[%get3A_422] {strides = array<i32>} : memref<128xi32, #tpu.memory_space<vmem>>, vector<16xi32>,
        %get3A_424 = vector.shape_cast %get3A_423 : vector<16xi32> to vector<16xi32>
        %and3A_425 = arith.constant 16383 : i32
        %and3A_426 = vector.broadcast %and3A_425 : i32 to vector<16xi32>
        %and3A_427 = arith.andi %get3A_424, %and3A_426 : vector<16xi32>
        %swap3A_428 = arith.constant 32 : index
        %swap3A_429 = tpu.vector_load %arg7[%swap3A_428] {strides = array<i32>} : memref<128xi32, #tpu.memory_space<vmem>>, vector<16xi32>,
        %swap3A_430 = vector.shape_cast %swap3A_429 : vector<16xi32> to vector<16xi32>
        %swap3A_431 = vector.shape_cast %and3A_427 : vector<16xi32> to vector<16xi32>
        tpu.vector_store %arg7[%swap3A_428], %swap3A_431 {strides = array<i32>} : memref<128xi32, #tpu.memory_space<vmem>>, vector<16xi32>,
        %shift_right_logical3A_432 = arith.constant 14 : i32
        %shift_right_logical3A_433 = vector.broadcast %shift_right_logical3A_432 : i32 to vector<16xi32>
        %shift_right_logical3A_434 = arith.shrui %get3A_424, %shift_right_logical3A_433 : vector<16xi32>
        %swap3A_435 = arith.constant 32 : index
        %swap3A_436 = tpu.vector_load %arg8[%swap3A_435] {strides = array<i32>} : memref<128xi32, #tpu.memory_space<vmem>>, vector<16xi32>,
        %swap3A_437 = vector.shape_cast %swap3A_436 : vector<16xi32> to vector<16xi32>
        %swap3A_438 = vector.shape_cast %shift_right_logical3A_434 : vector<16xi32> to vector<16xi32>
        tpu.vector_store %arg8[%swap3A_435], %swap3A_438 {strides = array<i32>} : memref<128xi32, #tpu.memory_space<vmem>>, vector<16xi32>,
        %get3A_439 = arith.constant 0 : i32
        %get3A_440 = tpu.memref_slice %arg6[%add3A_378, %get3A_439] : memref<79x128xi32, #tpu.memory_space<vmem>> -> memref<1x128xi32, #tpu.memory_space<vmem>>
        %get3A_441 = tpu.memref_squeeze %get3A_440 : memref<1x128xi32, #tpu.memory_space<vmem>> -> memref<128xi32, #tpu.memory_space<vmem>>
        %get3A_442 = arith.constant 48 : index
        %get3A_443 = tpu.vector_load %get3A_441[%get3A_442] {strides = array<i32>} : memref<128xi32, #tpu.memory_space<vmem>>, vector<16xi32>,
        %get3A_444 = vector.shape_cast %get3A_443 : vector<16xi32> to vector<16xi32>
        %and3A_445 = arith.constant 16383 : i32
        %and3A_446 = vector.broadcast %and3A_445 : i32 to vector<16xi32>
        %and3A_447 = arith.andi %get3A_444, %and3A_446 : vector<16xi32>
        %swap3A_448 = arith.constant 48 : index
        %swap3A_449 = tpu.vector_load %arg7[%swap3A_448] {strides = array<i32>} : memref<128xi32, #tpu.memory_space<vmem>>, vector<16xi32>,
        %swap3A_450 = vector.shape_cast %swap3A_449 : vector<16xi32> to vector<16xi32>
        %swap3A_451 = vector.shape_cast %and3A_447 : vector<16xi32> to vector<16xi32>
        tpu.vector_store %arg7[%swap3A_448], %swap3A_451 {strides = array<i32>} : memref<128xi32, #tpu.memory_space<vmem>>, vector<16xi32>,
        %shift_right_logical3A_452 = arith.constant 14 : i32
        %shift_right_logical3A_453 = vector.broadcast %shift_right_logical3A_452 : i32 to vector<16xi32>
        %shift_right_logical3A_454 = arith.shrui %get3A_444, %shift_right_logical3A_453 : vector<16xi32>
        %swap3A_455 = arith.constant 48 : index
        %swap3A_456 = tpu.vector_load %arg8[%swap3A_455] {strides = array<i32>} : memref<128xi32, #tpu.memory_space<vmem>>, vector<16xi32>,
        %swap3A_457 = vector.shape_cast %swap3A_456 : vector<16xi32> to vector<16xi32>
        %swap3A_458 = vector.shape_cast %shift_right_logical3A_454 : vector<16xi32> to vector<16xi32>
        tpu.vector_store %arg8[%swap3A_455], %swap3A_458 {strides = array<i32>} : memref<128xi32, #tpu.memory_space<vmem>>, vector<16xi32>,
        %get3A_459 = arith.constant 0 : i32
        %get3A_460 = tpu.memref_slice %arg6[%add3A_378, %get3A_459] : memref<79x128xi32, #tpu.memory_space<vmem>> -> memref<1x128xi32, #tpu.memory_space<vmem>>
        %get3A_461 = tpu.memref_squeeze %get3A_460 : memref<1x128xi32, #tpu.memory_space<vmem>> -> memref<128xi32, #tpu.memory_space<vmem>>
        %get3A_462 = arith.constant 64 : index
        %get3A_463 = tpu.vector_load %get3A_461[%get3A_462] {strides = array<i32>} : memref<128xi32, #tpu.memory_space<vmem>>, vector<16xi32>,
        %get3A_464 = vector.shape_cast %get3A_463 : vector<16xi32> to vector<16xi32>
        %and3A_465 = arith.constant 16383 : i32
        %and3A_466 = vector.broadcast %and3A_465 : i32 to vector<16xi32>
        %and3A_467 = arith.andi %get3A_464, %and3A_466 : vector<16xi32>
        %swap3A_468 = arith.constant 64 : index
        %swap3A_469 = tpu.vector_load %arg7[%swap3A_468] {strides = array<i32>} : memref<128xi32, #tpu.memory_space<vmem>>, vector<16xi32>,
        %swap3A_470 = vector.shape_cast %swap3A_469 : vector<16xi32> to vector<16xi32>
        %swap3A_471 = vector.shape_cast %and3A_467 : vector<16xi32> to vector<16xi32>
        tpu.vector_store %arg7[%swap3A_468], %swap3A_471 {strides = array<i32>} : memref<128xi32, #tpu.memory_space<vmem>>, vector<16xi32>,
        %shift_right_logical3A_472 = arith.constant 14 : i32
        %shift_right_logical3A_473 = vector.broadcast %shift_right_logical3A_472 : i32 to vector<16xi32>
        %shift_right_logical3A_474 = arith.shrui %get3A_464, %shift_right_logical3A_473 : vector<16xi32>
        %swap3A_475 = arith.constant 64 : index
        %swap3A_476 = tpu.vector_load %arg8[%swap3A_475] {strides = array<i32>} : memref<128xi32, #tpu.memory_space<vmem>>, vector<16xi32>,
        %swap3A_477 = vector.shape_cast %swap3A_476 : vector<16xi32> to vector<16xi32>
        %swap3A_478 = vector.shape_cast %shift_right_logical3A_474 : vector<16xi32> to vector<16xi32>
        tpu.vector_store %arg8[%swap3A_475], %swap3A_478 {strides = array<i32>} : memref<128xi32, #tpu.memory_space<vmem>>, vector<16xi32>,
        %get3A_479 = arith.constant 0 : i32
        %get3A_480 = tpu.memref_slice %arg6[%add3A_378, %get3A_479] : memref<79x128xi32, #tpu.memory_space<vmem>> -> memref<1x128xi32, #tpu.memory_space<vmem>>
        %get3A_481 = tpu.memref_squeeze %get3A_480 : memref<1x128xi32, #tpu.memory_space<vmem>> -> memref<128xi32, #tpu.memory_space<vmem>>
        %get3A_482 = arith.constant 80 : index
        %get3A_483 = tpu.vector_load %get3A_481[%get3A_482] {strides = array<i32>} : memref<128xi32, #tpu.memory_space<vmem>>, vector<16xi32>,
        %get3A_484 = vector.shape_cast %get3A_483 : vector<16xi32> to vector<16xi32>
        %and3A_485 = arith.constant 16383 : i32
        %and3A_486 = vector.broadcast %and3A_485 : i32 to vector<16xi32>
        %and3A_487 = arith.andi %get3A_484, %and3A_486 : vector<16xi32>
        %swap3A_488 = arith.constant 80 : index
        %swap3A_489 = tpu.vector_load %arg7[%swap3A_488] {strides = array<i32>} : memref<128xi32, #tpu.memory_space<vmem>>, vector<16xi32>,
        %swap3A_490 = vector.shape_cast %swap3A_489 : vector<16xi32> to vector<16xi32>
        %swap3A_491 = vector.shape_cast %and3A_487 : vector<16xi32> to vector<16xi32>
        tpu.vector_store %arg7[%swap3A_488], %swap3A_491 {strides = array<i32>} : memref<128xi32, #tpu.memory_space<vmem>>, vector<16xi32>,
        %shift_right_logical3A_492 = arith.constant 14 : i32
        %shift_right_logical3A_493 = vector.broadcast %shift_right_logical3A_492 : i32 to vector<16xi32>
        %shift_right_logical3A_494 = arith.shrui %get3A_484, %shift_right_logical3A_493 : vector<16xi32>
        %swap3A_495 = arith.constant 80 : index
        %swap3A_496 = tpu.vector_load %arg8[%swap3A_495] {strides = array<i32>} : memref<128xi32, #tpu.memory_space<vmem>>, vector<16xi32>,
        %swap3A_497 = vector.shape_cast %swap3A_496 : vector<16xi32> to vector<16xi32>
        %swap3A_498 = vector.shape_cast %shift_right_logical3A_494 : vector<16xi32> to vector<16xi32>
        tpu.vector_store %arg8[%swap3A_495], %swap3A_498 {strides = array<i32>} : memref<128xi32, #tpu.memory_space<vmem>>, vector<16xi32>,
        %get3A_499 = arith.constant 0 : i32
        %get3A_500 = tpu.memref_slice %arg6[%add3A_378, %get3A_499] : memref<79x128xi32, #tpu.memory_space<vmem>> -> memref<1x128xi32, #tpu.memory_space<vmem>>
        %get3A_501 = tpu.memref_squeeze %get3A_500 : memref<1x128xi32, #tpu.memory_space<vmem>> -> memref<128xi32, #tpu.memory_space<vmem>>
        %get3A_502 = arith.constant 96 : index
        %get3A_503 = tpu.vector_load %get3A_501[%get3A_502] {strides = array<i32>} : memref<128xi32, #tpu.memory_space<vmem>>, vector<16xi32>,
        %get3A_504 = vector.shape_cast %get3A_503 : vector<16xi32> to vector<16xi32>
        %and3A_505 = arith.constant 16383 : i32
        %and3A_506 = vector.broadcast %and3A_505 : i32 to vector<16xi32>
        %and3A_507 = arith.andi %get3A_504, %and3A_506 : vector<16xi32>
        %swap3A_508 = arith.constant 96 : index
        %swap3A_509 = tpu.vector_load %arg7[%swap3A_508] {strides = array<i32>} : memref<128xi32, #tpu.memory_space<vmem>>, vector<16xi32>,
        %swap3A_510 = vector.shape_cast %swap3A_509 : vector<16xi32> to vector<16xi32>
        %swap3A_511 = vector.shape_cast %and3A_507 : vector<16xi32> to vector<16xi32>
        tpu.vector_store %arg7[%swap3A_508], %swap3A_511 {strides = array<i32>} : memref<128xi32, #tpu.memory_space<vmem>>, vector<16xi32>,
        %shift_right_logical3A_512 = arith.constant 14 : i32
        %shift_right_logical3A_513 = vector.broadcast %shift_right_logical3A_512 : i32 to vector<16xi32>
        %shift_right_logical3A_514 = arith.shrui %get3A_504, %shift_right_logical3A_513 : vector<16xi32>
        %swap3A_515 = arith.constant 96 : index
        %swap3A_516 = tpu.vector_load %arg8[%swap3A_515] {strides = array<i32>} : memref<128xi32, #tpu.memory_space<vmem>>, vector<16xi32>,
        %swap3A_517 = vector.shape_cast %swap3A_516 : vector<16xi32> to vector<16xi32>
        %swap3A_518 = vector.shape_cast %shift_right_logical3A_514 : vector<16xi32> to vector<16xi32>
        tpu.vector_store %arg8[%swap3A_515], %swap3A_518 {strides = array<i32>} : memref<128xi32, #tpu.memory_space<vmem>>, vector<16xi32>,
        %get3A_519 = arith.constant 0 : i32
        %get3A_520 = tpu.memref_slice %arg6[%add3A_378, %get3A_519] : memref<79x128xi32, #tpu.memory_space<vmem>> -> memref<1x128xi32, #tpu.memory_space<vmem>>
        %get3A_521 = tpu.memref_squeeze %get3A_520 : memref<1x128xi32, #tpu.memory_space<vmem>> -> memref<128xi32, #tpu.memory_space<vmem>>
        %get3A_522 = arith.constant 112 : index
        %get3A_523 = tpu.vector_load %get3A_521[%get3A_522] {strides = array<i32>} : memref<128xi32, #tpu.memory_space<vmem>>, vector<16xi32>,
        %get3A_524 = vector.shape_cast %get3A_523 : vector<16xi32> to vector<16xi32>
        %and3A_525 = arith.constant 16383 : i32
        %and3A_526 = vector.broadcast %and3A_525 : i32 to vector<16xi32>
        %and3A_527 = arith.andi %get3A_524, %and3A_526 : vector<16xi32>
        %swap3A_528 = arith.constant 112 : index
        %swap3A_529 = tpu.vector_load %arg7[%swap3A_528] {strides = array<i32>} : memref<128xi32, #tpu.memory_space<vmem>>, vector<16xi32>,
        %swap3A_530 = vector.shape_cast %swap3A_529 : vector<16xi32> to vector<16xi32>
        %swap3A_531 = vector.shape_cast %and3A_527 : vector<16xi32> to vector<16xi32>
        tpu.vector_store %arg7[%swap3A_528], %swap3A_531 {strides = array<i32>} : memref<128xi32, #tpu.memory_space<vmem>>, vector<16xi32>,
        %shift_right_logical3A_532 = arith.constant 14 : i32
        %shift_right_logical3A_533 = vector.broadcast %shift_right_logical3A_532 : i32 to vector<16xi32>
        %shift_right_logical3A_534 = arith.shrui %get3A_524, %shift_right_logical3A_533 : vector<16xi32>
        %swap3A_535 = arith.constant 112 : index
        %swap3A_536 = tpu.vector_load %arg8[%swap3A_535] {strides = array<i32>} : memref<128xi32, #tpu.memory_space<vmem>>, vector<16xi32>,
        %swap3A_537 = vector.shape_cast %swap3A_536 : vector<16xi32> to vector<16xi32>
        %swap3A_538 = vector.shape_cast %shift_right_logical3A_534 : vector<16xi32> to vector<16xi32>
        tpu.vector_store %arg8[%swap3A_535], %swap3A_538 {strides = array<i32>} : memref<128xi32, #tpu.memory_space<vmem>>, vector<16xi32>,
        %dma_start3A_539 = arith.constant 0 : i32
        %dma_start3A_540 = arith.constant 0 : i32
        %dma_start3A_541 = tpu.memref_slice %arg2[%dma_start3A_539, %dma_start3A_540] : memref<10000x128xf32, #tpu.memory_space<hbm>> -> memref<10000x128xf32, #tpu.memory_space<hbm>>
        tpu.enqueue_indirect_dma source(%dma_start3A_541 : memref<10000x128xf32, #tpu.memory_space<hbm>>) target(%arg11 : memref<128x128xf32, #tpu.memory_space<vmem>>) offsets(%arg7 : memref<128xi32, #tpu.memory_space<vmem>>) semaphore(%arg14 : memref<!tpu.dma_semaphore, #tpu.memory_space<semaphore_mem>>)
      } else {
      }
      %dma_wait3A_374 = arith.constant 0 : i32
      %dma_wait3A_375 = arith.constant 0 : i32
      %dma_wait3A_376 = tpu.memref_slice %arg2[%dma_wait3A_374, %dma_wait3A_375] : memref<10000x128xf32, #tpu.memory_space<hbm>> -> memref<10000x128xf32, #tpu.memory_space<hbm>>
      tpu.wait_indirect_dma semaphore(%arg14 : memref<!tpu.dma_semaphore, #tpu.memory_space<semaphore_mem>>) src(%dma_wait3A_376 : memref<10000x128xf32, #tpu.memory_space<hbm>>) dst(%arg12 : memref<128x128xf32, #tpu.memory_space<vmem>>)
      "tpu.region"() ({
        %run_scoped3A = tpu.sem_alloc : memref<!tpu.dma_semaphore, #tpu.memory_space<semaphore_mem>>
        %dma_start3A_377 = arith.constant 0 : i32
        %dma_start3A_378 = arith.constant 0 : i32
        %dma_start3A_379 = tpu.memref_slice %arg13[%dma_start3A_377, %dma_start3A_378] : memref<10240x128xf32, #tpu.memory_space<vmem_shared>> -> memref<10240x128xf32, #tpu.memory_space<vmem_shared>>
        tpu.enqueue_indirect_dma source(%arg12 : memref<128x128xf32, #tpu.memory_space<vmem>>) target(%dma_start3A_379 : memref<10240x128xf32, #tpu.memory_space<vmem_shared>>) offsets(%arg10 : memref<128xi32, #tpu.memory_space<vmem>>) semaphore(%run_scoped3A : memref<!tpu.dma_semaphore, #tpu.memory_space<semaphore_mem>>) {add = true}
        %dma_wait3A_380 = arith.constant 0 : i32
        %dma_wait3A_381 = arith.constant 0 : i32
        %dma_wait3A_382 = tpu.memref_slice %arg13[%dma_wait3A_380, %dma_wait3A_381] : memref<10240x128xf32, #tpu.memory_space<vmem_shared>> -> memref<10240x128xf32, #tpu.memory_space<vmem_shared>>
        tpu.wait_indirect_dma semaphore(%run_scoped3A : memref<!tpu.dma_semaphore, #tpu.memory_space<semaphore_mem>>) src(%arg12 : memref<128x128xf32, #tpu.memory_space<vmem>>) dst(%dma_wait3A_382 : memref<10240x128xf32, #tpu.memory_space<vmem_shared>>)
        tpu.yield
      }) : () -> ()
    }
    %scan3A_191 = arith.constant 39 : i32
    %dma_wait3A = arith.constant 0 : i32
    %dma_wait3A_192 = arith.constant 0 : i32
    %dma_wait3A_193 = tpu.memref_slice %arg2[%dma_wait3A, %dma_wait3A_192] : memref<10000x128xf32, #tpu.memory_space<hbm>> -> memref<10000x128xf32, #tpu.memory_space<hbm>>
    tpu.wait_indirect_dma semaphore(%arg14 : memref<!tpu.dma_semaphore, #tpu.memory_space<semaphore_mem>>) src(%dma_wait3A_193 : memref<10000x128xf32, #tpu.memory_space<hbm>>) dst(%arg11 : memref<128x128xf32, #tpu.memory_space<vmem>>)
    "tpu.region"() ({
      %run_scoped3A = tpu.sem_alloc : memref<!tpu.dma_semaphore, #tpu.memory_space<semaphore_mem>>
      %dma_start3A_199 = arith.constant 0 : i32
      %dma_start3A_200 = arith.constant 0 : i32
      %dma_start3A_201 = tpu.memref_slice %arg13[%dma_start3A_199, %dma_start3A_200] : memref<10240x128xf32, #tpu.memory_space<vmem_shared>> -> memref<10240x128xf32, #tpu.memory_space<vmem_shared>>
      tpu.enqueue_indirect_dma source(%arg11 : memref<128x128xf32, #tpu.memory_space<vmem>>) target(%dma_start3A_201 : memref<10240x128xf32, #tpu.memory_space<vmem_shared>>) offsets(%arg8 : memref<128xi32, #tpu.memory_space<vmem>>) semaphore(%run_scoped3A : memref<!tpu.dma_semaphore, #tpu.memory_space<semaphore_mem>>) {add = true}
      %dma_wait3A_202 = arith.constant 0 : i32
      %dma_wait3A_203 = arith.constant 0 : i32
      %dma_wait3A_204 = tpu.memref_slice %arg13[%dma_wait3A_202, %dma_wait3A_203] : memref<10240x128xf32, #tpu.memory_space<vmem_shared>> -> memref<10240x128xf32, #tpu.memory_space<vmem_shared>>
      tpu.wait_indirect_dma semaphore(%run_scoped3A : memref<!tpu.dma_semaphore, #tpu.memory_space<semaphore_mem>>) src(%arg11 : memref<128x128xf32, #tpu.memory_space<vmem>>) dst(%dma_wait3A_204 : memref<10240x128xf32, #tpu.memory_space<vmem_shared>>)
      tpu.yield
    }) : () -> ()
    %barrier3A_194 = arith.constant 0 : index
    tpu.barrier barrier_id(%barrier3A_194)
    %mul3A_195 = arith.constant 640 : i32
    %mul3A_196 = arith.muli %arg1, %mul3A_195 : i32
    %mul3A_197 = arith.constant 640 : i32
    %mul3A_198 = arith.muli %arg1, %mul3A_197 : i32
    "tpu.region"() ({
      %run_scoped3A = tpu.sem_alloc : memref<!tpu.dma_semaphore, #tpu.memory_space<semaphore_mem>>
      %dma_start3A_199 = arith.constant 0 : i32
      %dma_start3A_200 = tpu.memref_slice %arg5[%arg0, %mul3A_198, %dma_start3A_199] : memref<2x10240x128xf32, #tpu.memory_space<hbm>> -> memref<1x640x128xf32, #tpu.memory_space<hbm>>
      %dma_start3A_201 = tpu.memref_squeeze %dma_start3A_200 : memref<1x640x128xf32, #tpu.memory_space<hbm>> -> memref<640x128xf32, #tpu.memory_space<hbm>>
      %dma_start3A_202 = arith.constant 0 : i32
      %dma_start3A_203 = tpu.memref_slice %arg13[%mul3A_196, %dma_start3A_202] : memref<10240x128xf32, #tpu.memory_space<vmem_shared>> -> memref<640x128xf32, #tpu.memory_space<vmem_shared>>
      tpu.enqueue_dma source(%dma_start3A_203 : memref<640x128xf32, #tpu.memory_space<vmem_shared>>) target(%dma_start3A_201 : memref<640x128xf32, #tpu.memory_space<hbm>>) target_semaphore(%run_scoped3A : memref<!tpu.dma_semaphore, #tpu.memory_space<semaphore_mem>>)
      %dma_wait3A_204 = arith.constant 0 : i32
      %dma_wait3A_205 = tpu.memref_slice %arg5[%arg0, %mul3A_198, %dma_wait3A_204] : memref<2x10240x128xf32, #tpu.memory_space<hbm>> -> memref<1x640x128xf32, #tpu.memory_space<hbm>>
      %dma_wait3A_206 = tpu.memref_squeeze %dma_wait3A_205 : memref<1x640x128xf32, #tpu.memory_space<hbm>> -> memref<640x128xf32, #tpu.memory_space<hbm>>
      %dma_wait3A_207 = arith.constant 0 : i32
      %dma_wait3A_208 = tpu.memref_slice %arg13[%mul3A_196, %dma_wait3A_207] : memref<10240x128xf32, #tpu.memory_space<vmem_shared>> -> memref<640x128xf32, #tpu.memory_space<vmem_shared>>
      tpu.wait_dma2 semaphore(%run_scoped3A : memref<!tpu.dma_semaphore, #tpu.memory_space<semaphore_mem>>) src(%dma_wait3A_208 : memref<640x128xf32, #tpu.memory_space<vmem_shared>>) dst(%dma_wait3A_206 : memref<640x128xf32, #tpu.memory_space<hbm>>)
      tpu.yield
    }) : () -> ()
    return
  }
}

#map = affine_map<(d0, d1) -> (0, 0)>
#map1 = affine_map<(d0, d1) -> (0, 0, 0)>
module attributes {stable_mosaic.version = 14 : i64} {
  func.func @_sc_aggregate(%arg0: i32, %arg1: i32, %arg2: memref<10000x128xf32, #tpu.memory_space<hbm>>, %arg3: memref<32x79x128xi32, #tpu.memory_space<hbm>>, %arg4: memref<128x128xf32, #tpu.memory_space<hbm>>, %arg5: memref<2x10240x128xf32, #tpu.memory_space<hbm>>, %arg6: memref<79x128xi32, #tpu.memory_space<vmem>>, %arg7: memref<128xi32, #tpu.memory_space<vmem>>, %arg8: memref<128xi32, #tpu.memory_space<vmem>>, %arg9: memref<128xi32, #tpu.memory_space<vmem>>, %arg10: memref<128xi32, #tpu.memory_space<vmem>>, %arg11: memref<128x128xf32, #tpu.memory_space<vmem>>, %arg12: memref<128x128xf32, #tpu.memory_space<vmem>>, %arg13: memref<10240x128xf32, #tpu.memory_space<vmem_shared>>, %arg14: memref<!tpu.dma_semaphore, #tpu.memory_space<semaphore_mem>>) attributes {dimension_semantics = [#tpu.dimension_semantics<core_parallel>, #tpu.dimension_semantics<subcore_parallel>], iteration_bounds = array<i64: 2, 16>, scalar_prefetch = 0 : i64, scratch_operands = 9 : i64, tpu.core_type = #tpu.core_type<sc_vector_subcore>, window_params = [{transform_indices = #map}, {transform_indices = #map1}, {transform_indices = #map}, {transform_indices = #map1}]} {
    "tpu.region"() ({
      %run_scoped3A = tpu.sem_alloc : memref<!tpu.dma_semaphore, #tpu.memory_space<semaphore_mem>>
      tpu.enqueue_dma source(%arg4 : memref<128x128xf32, #tpu.memory_space<hbm>>) target(%arg11 : memref<128x128xf32, #tpu.memory_space<vmem>>) target_semaphore(%run_scoped3A : memref<!tpu.dma_semaphore, #tpu.memory_space<semaphore_mem>>)
      tpu.wait_dma2 semaphore(%run_scoped3A : memref<!tpu.dma_semaphore, #tpu.memory_space<semaphore_mem>>) src(%arg4 : memref<128x128xf32, #tpu.memory_space<hbm>>) dst(%arg11 : memref<128x128xf32, #tpu.memory_space<vmem>>)
      tpu.yield
    }) : () -> ()
    %mul3A = arith.constant 640 : i32
    %mul3A_0 = arith.muli %arg1, %mul3A : i32
    %add3A = arith.constant 0 : i32
    %add3A_1 = arith.addi %mul3A_0, %add3A : i32
    "tpu.region"() ({
      %run_scoped3A = tpu.sem_alloc : memref<!tpu.dma_semaphore, #tpu.memory_space<semaphore_mem>>
      %dma_start3A_199 = arith.constant 0 : i32
      %dma_start3A_200 = tpu.memref_slice %arg13[%add3A_1, %dma_start3A_199] : memref<10240x128xf32, #tpu.memory_space<vmem_shared>> -> memref<128x128xf32, #tpu.memory_space<vmem_shared>>
      %dma_start3A_201 = arith.constant 0 : i32
      %dma_start3A_202 = tpu.memref_slice %arg13[%add3A_1, %dma_start3A_201] : memref<10240x128xf32, #tpu.memory_space<vmem_shared>> -> memref<128x128xf32, #tpu.memory_space<vmem_shared>>
      tpu.enqueue_dma source(%arg11 : memref<128x128xf32, #tpu.memory_space<vmem>>) target(%dma_start3A_202 : memref<128x128xf32, #tpu.memory_space<vmem_shared>>) target_semaphore(%run_scoped3A : memref<!tpu.dma_semaphore, #tpu.memory_space<semaphore_mem>>)
      %dma_wait3A_203 = arith.constant 0 : i32
      %dma_wait3A_204 = tpu.memref_slice %arg13[%add3A_1, %dma_wait3A_203] : memref<10240x128xf32, #tpu.memory_space<vmem_shared>> -> memref<128x128xf32, #tpu.memory_space<vmem_shared>>
      %dma_wait3A_205 = arith.constant 0 : i32
      %dma_wait3A_206 = tpu.memref_slice %arg13[%add3A_1, %dma_wait3A_205] : memref<10240x128xf32, #tpu.memory_space<vmem_shared>> -> memref<128x128xf32, #tpu.memory_space<vmem_shared>>
      tpu.wait_dma2 semaphore(%run_scoped3A : memref<!tpu.dma_semaphore, #tpu.memory_space<semaphore_mem>>) src(%arg11 : memref<128x128xf32, #tpu.memory_space<vmem>>) dst(%dma_wait3A_206 : memref<128x128xf32, #tpu.memory_space<vmem_shared>>)
      tpu.yield
    }) : () -> ()
    %mul3A_2 = arith.constant 640 : i32
    %mul3A_3 = arith.muli %arg1, %mul3A_2 : i32
    %add3A_4 = arith.constant 128 : i32
    %add3A_5 = arith.addi %mul3A_3, %add3A_4 : i32
    "tpu.region"() ({
      %run_scoped3A = tpu.sem_alloc : memref<!tpu.dma_semaphore, #tpu.memory_space<semaphore_mem>>
      %dma_start3A_199 = arith.constant 0 : i32
      %dma_start3A_200 = tpu.memref_slice %arg13[%add3A_5, %dma_start3A_199] : memref<10240x128xf32, #tpu.memory_space<vmem_shared>> -> memref<128x128xf32, #tpu.memory_space<vmem_shared>>
      %dma_start3A_201 = arith.constant 0 : i32
      %dma_start3A_202 = tpu.memref_slice %arg13[%add3A_5, %dma_start3A_201] : memref<10240x128xf32, #tpu.memory_space<vmem_shared>> -> memref<128x128xf32, #tpu.memory_space<vmem_shared>>
      tpu.enqueue_dma source(%arg11 : memref<128x128xf32, #tpu.memory_space<vmem>>) target(%dma_start3A_202 : memref<128x128xf32, #tpu.memory_space<vmem_shared>>) target_semaphore(%run_scoped3A : memref<!tpu.dma_semaphore, #tpu.memory_space<semaphore_mem>>)
      %dma_wait3A_203 = arith.constant 0 : i32
      %dma_wait3A_204 = tpu.memref_slice %arg13[%add3A_5, %dma_wait3A_203] : memref<10240x128xf32, #tpu.memory_space<vmem_shared>> -> memref<128x128xf32, #tpu.memory_space<vmem_shared>>
      %dma_wait3A_205 = arith.constant 0 : i32
      %dma_wait3A_206 = tpu.memref_slice %arg13[%add3A_5, %dma_wait3A_205] : memref<10240x128xf32, #tpu.memory_space<vmem_shared>> -> memref<128x128xf32, #tpu.memory_space<vmem_shared>>
      tpu.wait_dma2 semaphore(%run_scoped3A : memref<!tpu.dma_semaphore, #tpu.memory_space<semaphore_mem>>) src(%arg11 : memref<128x128xf32, #tpu.memory_space<vmem>>) dst(%dma_wait3A_206 : memref<128x128xf32, #tpu.memory_space<vmem_shared>>)
      tpu.yield
    }) : () -> ()
    %mul3A_6 = arith.constant 640 : i32
    %mul3A_7 = arith.muli %arg1, %mul3A_6 : i32
    %add3A_8 = arith.constant 256 : i32
    %add3A_9 = arith.addi %mul3A_7, %add3A_8 : i32
    "tpu.region"() ({
      %run_scoped3A = tpu.sem_alloc : memref<!tpu.dma_semaphore, #tpu.memory_space<semaphore_mem>>
      %dma_start3A_199 = arith.constant 0 : i32
      %dma_start3A_200 = tpu.memref_slice %arg13[%add3A_9, %dma_start3A_199] : memref<10240x128xf32, #tpu.memory_space<vmem_shared>> -> memref<128x128xf32, #tpu.memory_space<vmem_shared>>
      %dma_start3A_201 = arith.constant 0 : i32
      %dma_start3A_202 = tpu.memref_slice %arg13[%add3A_9, %dma_start3A_201] : memref<10240x128xf32, #tpu.memory_space<vmem_shared>> -> memref<128x128xf32, #tpu.memory_space<vmem_shared>>
      tpu.enqueue_dma source(%arg11 : memref<128x128xf32, #tpu.memory_space<vmem>>) target(%dma_start3A_202 : memref<128x128xf32, #tpu.memory_space<vmem_shared>>) target_semaphore(%run_scoped3A : memref<!tpu.dma_semaphore, #tpu.memory_space<semaphore_mem>>)
      %dma_wait3A_203 = arith.constant 0 : i32
      %dma_wait3A_204 = tpu.memref_slice %arg13[%add3A_9, %dma_wait3A_203] : memref<10240x128xf32, #tpu.memory_space<vmem_shared>> -> memref<128x128xf32, #tpu.memory_space<vmem_shared>>
      %dma_wait3A_205 = arith.constant 0 : i32
      %dma_wait3A_206 = tpu.memref_slice %arg13[%add3A_9, %dma_wait3A_205] : memref<10240x128xf32, #tpu.memory_space<vmem_shared>> -> memref<128x128xf32, #tpu.memory_space<vmem_shared>>
      tpu.wait_dma2 semaphore(%run_scoped3A : memref<!tpu.dma_semaphore, #tpu.memory_space<semaphore_mem>>) src(%arg11 : memref<128x128xf32, #tpu.memory_space<vmem>>) dst(%dma_wait3A_206 : memref<128x128xf32, #tpu.memory_space<vmem_shared>>)
      tpu.yield
    }) : () -> ()
    %mul3A_10 = arith.constant 640 : i32
    %mul3A_11 = arith.muli %arg1, %mul3A_10 : i32
    %add3A_12 = arith.constant 384 : i32
    %add3A_13 = arith.addi %mul3A_11, %add3A_12 : i32
    "tpu.region"() ({
      %run_scoped3A = tpu.sem_alloc : memref<!tpu.dma_semaphore, #tpu.memory_space<semaphore_mem>>
      %dma_start3A_199 = arith.constant 0 : i32
      %dma_start3A_200 = tpu.memref_slice %arg13[%add3A_13, %dma_start3A_199] : memref<10240x128xf32, #tpu.memory_space<vmem_shared>> -> memref<128x128xf32, #tpu.memory_space<vmem_shared>>
      %dma_start3A_201 = arith.constant 0 : i32
      %dma_start3A_202 = tpu.memref_slice %arg13[%add3A_13, %dma_start3A_201] : memref<10240x128xf32, #tpu.memory_space<vmem_shared>> -> memref<128x128xf32, #tpu.memory_space<vmem_shared>>
      tpu.enqueue_dma source(%arg11 : memref<128x128xf32, #tpu.memory_space<vmem>>) target(%dma_start3A_202 : memref<128x128xf32, #tpu.memory_space<vmem_shared>>) target_semaphore(%run_scoped3A : memref<!tpu.dma_semaphore, #tpu.memory_space<semaphore_mem>>)
      %dma_wait3A_203 = arith.constant 0 : i32
      %dma_wait3A_204 = tpu.memref_slice %arg13[%add3A_13, %dma_wait3A_203] : memref<10240x128xf32, #tpu.memory_space<vmem_shared>> -> memref<128x128xf32, #tpu.memory_space<vmem_shared>>
      %dma_wait3A_205 = arith.constant 0 : i32
      %dma_wait3A_206 = tpu.memref_slice %arg13[%add3A_13, %dma_wait3A_205] : memref<10240x128xf32, #tpu.memory_space<vmem_shared>> -> memref<128x128xf32, #tpu.memory_space<vmem_shared>>
      tpu.wait_dma2 semaphore(%run_scoped3A : memref<!tpu.dma_semaphore, #tpu.memory_space<semaphore_mem>>) src(%arg11 : memref<128x128xf32, #tpu.memory_space<vmem>>) dst(%dma_wait3A_206 : memref<128x128xf32, #tpu.memory_space<vmem_shared>>)
      tpu.yield
    }) : () -> ()
    %mul3A_14 = arith.constant 640 : i32
    %mul3A_15 = arith.muli %arg1, %mul3A_14 : i32
    %add3A_16 = arith.constant 512 : i32
    %add3A_17 = arith.addi %mul3A_15, %add3A_16 : i32
    "tpu.region"() ({
      %run_scoped3A = tpu.sem_alloc : memref<!tpu.dma_semaphore, #tpu.memory_space<semaphore_mem>>
      %dma_start3A_199 = arith.constant 0 : i32
      %dma_start3A_200 = tpu.memref_slice %arg13[%add3A_17, %dma_start3A_199] : memref<10240x128xf32, #tpu.memory_space<vmem_shared>> -> memref<128x128xf32, #tpu.memory_space<vmem_shared>>
      %dma_start3A_201 = arith.constant 0 : i32
      %dma_start3A_202 = tpu.memref_slice %arg13[%add3A_17, %dma_start3A_201] : memref<10240x128xf32, #tpu.memory_space<vmem_shared>> -> memref<128x128xf32, #tpu.memory_space<vmem_shared>>
      tpu.enqueue_dma source(%arg11 : memref<128x128xf32, #tpu.memory_space<vmem>>) target(%dma_start3A_202 : memref<128x128xf32, #tpu.memory_space<vmem_shared>>) target_semaphore(%run_scoped3A : memref<!tpu.dma_semaphore, #tpu.memory_space<semaphore_mem>>)
      %dma_wait3A_203 = arith.constant 0 : i32
      %dma_wait3A_204 = tpu.memref_slice %arg13[%add3A_17, %dma_wait3A_203] : memref<10240x128xf32, #tpu.memory_space<vmem_shared>> -> memref<128x128xf32, #tpu.memory_space<vmem_shared>>
      %dma_wait3A_205 = arith.constant 0 : i32
      %dma_wait3A_206 = tpu.memref_slice %arg13[%add3A_17, %dma_wait3A_205] : memref<10240x128xf32, #tpu.memory_space<vmem_shared>> -> memref<128x128xf32, #tpu.memory_space<vmem_shared>>
      tpu.wait_dma2 semaphore(%run_scoped3A : memref<!tpu.dma_semaphore, #tpu.memory_space<semaphore_mem>>) src(%arg11 : memref<128x128xf32, #tpu.memory_space<vmem>>) dst(%dma_wait3A_206 : memref<128x128xf32, #tpu.memory_space<vmem_shared>>)
      tpu.yield
    }) : () -> ()
    %barrier3A = arith.constant 0 : index
    tpu.barrier barrier_id(%barrier3A)
    %mul3A_18 = arith.constant 16 : i32
    %mul3A_19 = arith.muli %arg0, %mul3A_18 : i32
    %add3A_20 = arith.addi %mul3A_19, %arg1 : i32
    "tpu.region"() ({
      %run_scoped3A = tpu.sem_alloc : memref<!tpu.dma_semaphore, #tpu.memory_space<semaphore_mem>>
      %dma_start3A_199 = arith.constant 0 : i32
      %dma_start3A_200 = arith.constant 0 : i32
      %dma_start3A_201 = tpu.memref_slice %arg3[%add3A_20, %dma_start3A_199, %dma_start3A_200] : memref<32x79x128xi32, #tpu.memory_space<hbm>> -> memref<1x79x128xi32, #tpu.memory_space<hbm>>
      %dma_start3A_202 = tpu.memref_squeeze %dma_start3A_201 : memref<1x79x128xi32, #tpu.memory_space<hbm>> -> memref<79x128xi32, #tpu.memory_space<hbm>>
      %dma_start3A_203 = arith.constant 0 : i32
      %dma_start3A_204 = arith.constant 0 : i32
      %dma_start3A_205 = tpu.memref_slice %arg3[%add3A_20, %dma_start3A_203, %dma_start3A_204] : memref<32x79x128xi32, #tpu.memory_space<hbm>> -> memref<1x79x128xi32, #tpu.memory_space<hbm>>
      %dma_start3A_206 = tpu.memref_squeeze %dma_start3A_205 : memref<1x79x128xi32, #tpu.memory_space<hbm>> -> memref<79x128xi32, #tpu.memory_space<hbm>>
      tpu.enqueue_dma source(%dma_start3A_206 : memref<79x128xi32, #tpu.memory_space<hbm>>) target(%arg6 : memref<79x128xi32, #tpu.memory_space<vmem>>) target_semaphore(%run_scoped3A : memref<!tpu.dma_semaphore, #tpu.memory_space<semaphore_mem>>)
      %dma_wait3A_207 = arith.constant 0 : i32
      %dma_wait3A_208 = arith.constant 0 : i32
      %dma_wait3A_209 = tpu.memref_slice %arg3[%add3A_20, %dma_wait3A_207, %dma_wait3A_208] : memref<32x79x128xi32, #tpu.memory_space<hbm>> -> memref<1x79x128xi32, #tpu.memory_space<hbm>>
      %dma_wait3A_210 = tpu.memref_squeeze %dma_wait3A_209 : memref<1x79x128xi32, #tpu.memory_space<hbm>> -> memref<79x128xi32, #tpu.memory_space<hbm>>
      %dma_wait3A_211 = arith.constant 0 : i32
      %dma_wait3A_212 = arith.constant 0 : i32
      %dma_wait3A_213 = tpu.memref_slice %arg3[%add3A_20, %dma_wait3A_211, %dma_wait3A_212] : memref<32x79x128xi32, #tpu.memory_space<hbm>> -> memref<1x79x128xi32, #tpu.memory_space<hbm>>
      %dma_wait3A_214 = tpu.memref_squeeze %dma_wait3A_213 : memref<1x79x128xi32, #tpu.memory_space<hbm>> -> memref<79x128xi32, #tpu.memory_space<hbm>>
      tpu.wait_dma2 semaphore(%run_scoped3A : memref<!tpu.dma_semaphore, #tpu.memory_space<semaphore_mem>>) src(%dma_wait3A_214 : memref<79x128xi32, #tpu.memory_space<hbm>>) dst(%arg6 : memref<79x128xi32, #tpu.memory_space<vmem>>)
      tpu.yield
    }) : () -> ()
    %get3A = arith.constant 0 : i32
    %get3A_21 = arith.constant 0 : i32
    %get3A_22 = tpu.memref_slice %arg6[%get3A, %get3A_21] : memref<79x128xi32, #tpu.memory_space<vmem>> -> memref<1x128xi32, #tpu.memory_space<vmem>>
    %get3A_23 = tpu.memref_squeeze %get3A_22 : memref<1x128xi32, #tpu.memory_space<vmem>> -> memref<128xi32, #tpu.memory_space<vmem>>
    %get3A_24 = arith.constant 0 : index
    %get3A_25 = tpu.vector_load %get3A_23[%get3A_24] {strides = array<i32>} : memref<128xi32, #tpu.memory_space<vmem>>, vector<16xi32>,
    %get3A_26 = vector.shape_cast %get3A_25 : vector<16xi32> to vector<16xi32>
    %and3A = arith.constant 16383 : i32
    %and3A_27 = vector.broadcast %and3A : i32 to vector<16xi32>
    %and3A_28 = arith.andi %get3A_26, %and3A_27 : vector<16xi32>
    %swap3A = arith.constant 0 : index
    %swap3A_29 = tpu.vector_load %arg7[%swap3A] {strides = array<i32>} : memref<128xi32, #tpu.memory_space<vmem>>, vector<16xi32>,
    %swap3A_30 = vector.shape_cast %swap3A_29 : vector<16xi32> to vector<16xi32>
    %swap3A_31 = vector.shape_cast %and3A_28 : vector<16xi32> to vector<16xi32>
    tpu.vector_store %arg7[%swap3A], %swap3A_31 {strides = array<i32>} : memref<128xi32, #tpu.memory_space<vmem>>, vector<16xi32>,
    %shift_right_logical3A = arith.constant 14 : i32
    %shift_right_logical3A_32 = vector.broadcast %shift_right_logical3A : i32 to vector<16xi32>
    %shift_right_logical3A_33 = arith.shrui %get3A_26, %shift_right_logical3A_32 : vector<16xi32>
    %swap3A_34 = arith.constant 0 : index
    %swap3A_35 = tpu.vector_load %arg8[%swap3A_34] {strides = array<i32>} : memref<128xi32, #tpu.memory_space<vmem>>, vector<16xi32>,
    %swap3A_36 = vector.shape_cast %swap3A_35 : vector<16xi32> to vector<16xi32>
    %swap3A_37 = vector.shape_cast %shift_right_logical3A_33 : vector<16xi32> to vector<16xi32>
    tpu.vector_store %arg8[%swap3A_34], %swap3A_37 {strides = array<i32>} : memref<128xi32, #tpu.memory_space<vmem>>, vector<16xi32>,
    %get3A_38 = arith.constant 0 : i32
    %get3A_39 = arith.constant 0 : i32
    %get3A_40 = tpu.memref_slice %arg6[%get3A_38, %get3A_39] : memref<79x128xi32, #tpu.memory_space<vmem>> -> memref<1x128xi32, #tpu.memory_space<vmem>>
    %get3A_41 = tpu.memref_squeeze %get3A_40 : memref<1x128xi32, #tpu.memory_space<vmem>> -> memref<128xi32, #tpu.memory_space<vmem>>
    %get3A_42 = arith.constant 16 : index
    %get3A_43 = tpu.vector_load %get3A_41[%get3A_42] {strides = array<i32>} : memref<128xi32, #tpu.memory_space<vmem>>, vector<16xi32>,
    %get3A_44 = vector.shape_cast %get3A_43 : vector<16xi32> to vector<16xi32>
    %and3A_45 = arith.constant 16383 : i32
    %and3A_46 = vector.broadcast %and3A_45 : i32 to vector<16xi32>
    %and3A_47 = arith.andi %get3A_44, %and3A_46 : vector<16xi32>
    %swap3A_48 = arith.constant 16 : index
    %swap3A_49 = tpu.vector_load %arg7[%swap3A_48] {strides = array<i32>} : memref<128xi32, #tpu.memory_space<vmem>>, vector<16xi32>,
    %swap3A_50 = vector.shape_cast %swap3A_49 : vector<16xi32> to vector<16xi32>
    %swap3A_51 = vector.shape_cast %and3A_47 : vector<16xi32> to vector<16xi32>
    tpu.vector_store %arg7[%swap3A_48], %swap3A_51 {strides = array<i32>} : memref<128xi32, #tpu.memory_space<vmem>>, vector<16xi32>,
    %shift_right_logical3A_52 = arith.constant 14 : i32
    %shift_right_logical3A_53 = vector.broadcast %shift_right_logical3A_52 : i32 to vector<16xi32>
    %shift_right_logical3A_54 = arith.shrui %get3A_44, %shift_right_logical3A_53 : vector<16xi32>
    %swap3A_55 = arith.constant 16 : index
    %swap3A_56 = tpu.vector_load %arg8[%swap3A_55] {strides = array<i32>} : memref<128xi32, #tpu.memory_space<vmem>>, vector<16xi32>,
    %swap3A_57 = vector.shape_cast %swap3A_56 : vector<16xi32> to vector<16xi32>
    %swap3A_58 = vector.shape_cast %shift_right_logical3A_54 : vector<16xi32> to vector<16xi32>
    tpu.vector_store %arg8[%swap3A_55], %swap3A_58 {strides = array<i32>} : memref<128xi32, #tpu.memory_space<vmem>>, vector<16xi32>,
    %get3A_59 = arith.constant 0 : i32
    %get3A_60 = arith.constant 0 : i32
    %get3A_61 = tpu.memref_slice %arg6[%get3A_59, %get3A_60] : memref<79x128xi32, #tpu.memory_space<vmem>> -> memref<1x128xi32, #tpu.memory_space<vmem>>
    %get3A_62 = tpu.memref_squeeze %get3A_61 : memref<1x128xi32, #tpu.memory_space<vmem>> -> memref<128xi32, #tpu.memory_space<vmem>>
    %get3A_63 = arith.constant 32 : index
    %get3A_64 = tpu.vector_load %get3A_62[%get3A_63] {strides = array<i32>} : memref<128xi32, #tpu.memory_space<vmem>>, vector<16xi32>,
    %get3A_65 = vector.shape_cast %get3A_64 : vector<16xi32> to vector<16xi32>
    %and3A_66 = arith.constant 16383 : i32
    %and3A_67 = vector.broadcast %and3A_66 : i32 to vector<16xi32>
    %and3A_68 = arith.andi %get3A_65, %and3A_67 : vector<16xi32>
    %swap3A_69 = arith.constant 32 : index
    %swap3A_70 = tpu.vector_load %arg7[%swap3A_69] {strides = array<i32>} : memref<128xi32, #tpu.memory_space<vmem>>, vector<16xi32>,
    %swap3A_71 = vector.shape_cast %swap3A_70 : vector<16xi32> to vector<16xi32>
    %swap3A_72 = vector.shape_cast %and3A_68 : vector<16xi32> to vector<16xi32>
    tpu.vector_store %arg7[%swap3A_69], %swap3A_72 {strides = array<i32>} : memref<128xi32, #tpu.memory_space<vmem>>, vector<16xi32>,
    %shift_right_logical3A_73 = arith.constant 14 : i32
    %shift_right_logical3A_74 = vector.broadcast %shift_right_logical3A_73 : i32 to vector<16xi32>
    %shift_right_logical3A_75 = arith.shrui %get3A_65, %shift_right_logical3A_74 : vector<16xi32>
    %swap3A_76 = arith.constant 32 : index
    %swap3A_77 = tpu.vector_load %arg8[%swap3A_76] {strides = array<i32>} : memref<128xi32, #tpu.memory_space<vmem>>, vector<16xi32>,
    %swap3A_78 = vector.shape_cast %swap3A_77 : vector<16xi32> to vector<16xi32>
    %swap3A_79 = vector.shape_cast %shift_right_logical3A_75 : vector<16xi32> to vector<16xi32>
    tpu.vector_store %arg8[%swap3A_76], %swap3A_79 {strides = array<i32>} : memref<128xi32, #tpu.memory_space<vmem>>, vector<16xi32>,
    %get3A_80 = arith.constant 0 : i32
    %get3A_81 = arith.constant 0 : i32
    %get3A_82 = tpu.memref_slice %arg6[%get3A_80, %get3A_81] : memref<79x128xi32, #tpu.memory_space<vmem>> -> memref<1x128xi32, #tpu.memory_space<vmem>>
    %get3A_83 = tpu.memref_squeeze %get3A_82 : memref<1x128xi32, #tpu.memory_space<vmem>> -> memref<128xi32, #tpu.memory_space<vmem>>
    %get3A_84 = arith.constant 48 : index
    %get3A_85 = tpu.vector_load %get3A_83[%get3A_84] {strides = array<i32>} : memref<128xi32, #tpu.memory_space<vmem>>, vector<16xi32>,
    %get3A_86 = vector.shape_cast %get3A_85 : vector<16xi32> to vector<16xi32>
    %and3A_87 = arith.constant 16383 : i32
    %and3A_88 = vector.broadcast %and3A_87 : i32 to vector<16xi32>
    %and3A_89 = arith.andi %get3A_86, %and3A_88 : vector<16xi32>
    %swap3A_90 = arith.constant 48 : index
    %swap3A_91 = tpu.vector_load %arg7[%swap3A_90] {strides = array<i32>} : memref<128xi32, #tpu.memory_space<vmem>>, vector<16xi32>,
    %swap3A_92 = vector.shape_cast %swap3A_91 : vector<16xi32> to vector<16xi32>
    %swap3A_93 = vector.shape_cast %and3A_89 : vector<16xi32> to vector<16xi32>
    tpu.vector_store %arg7[%swap3A_90], %swap3A_93 {strides = array<i32>} : memref<128xi32, #tpu.memory_space<vmem>>, vector<16xi32>,
    %shift_right_logical3A_94 = arith.constant 14 : i32
    %shift_right_logical3A_95 = vector.broadcast %shift_right_logical3A_94 : i32 to vector<16xi32>
    %shift_right_logical3A_96 = arith.shrui %get3A_86, %shift_right_logical3A_95 : vector<16xi32>
    %swap3A_97 = arith.constant 48 : index
    %swap3A_98 = tpu.vector_load %arg8[%swap3A_97] {strides = array<i32>} : memref<128xi32, #tpu.memory_space<vmem>>, vector<16xi32>,
    %swap3A_99 = vector.shape_cast %swap3A_98 : vector<16xi32> to vector<16xi32>
    %swap3A_100 = vector.shape_cast %shift_right_logical3A_96 : vector<16xi32> to vector<16xi32>
    tpu.vector_store %arg8[%swap3A_97], %swap3A_100 {strides = array<i32>} : memref<128xi32, #tpu.memory_space<vmem>>, vector<16xi32>,
    %get3A_101 = arith.constant 0 : i32
    %get3A_102 = arith.constant 0 : i32
    %get3A_103 = tpu.memref_slice %arg6[%get3A_101, %get3A_102] : memref<79x128xi32, #tpu.memory_space<vmem>> -> memref<1x128xi32, #tpu.memory_space<vmem>>
    %get3A_104 = tpu.memref_squeeze %get3A_103 : memref<1x128xi32, #tpu.memory_space<vmem>> -> memref<128xi32, #tpu.memory_space<vmem>>
    %get3A_105 = arith.constant 64 : index
    %get3A_106 = tpu.vector_load %get3A_104[%get3A_105] {strides = array<i32>} : memref<128xi32, #tpu.memory_space<vmem>>, vector<16xi32>,
    %get3A_107 = vector.shape_cast %get3A_106 : vector<16xi32> to vector<16xi32>
    %and3A_108 = arith.constant 16383 : i32
    %and3A_109 = vector.broadcast %and3A_108 : i32 to vector<16xi32>
    %and3A_110 = arith.andi %get3A_107, %and3A_109 : vector<16xi32>
    %swap3A_111 = arith.constant 64 : index
    %swap3A_112 = tpu.vector_load %arg7[%swap3A_111] {strides = array<i32>} : memref<128xi32, #tpu.memory_space<vmem>>, vector<16xi32>,
    %swap3A_113 = vector.shape_cast %swap3A_112 : vector<16xi32> to vector<16xi32>
    %swap3A_114 = vector.shape_cast %and3A_110 : vector<16xi32> to vector<16xi32>
    tpu.vector_store %arg7[%swap3A_111], %swap3A_114 {strides = array<i32>} : memref<128xi32, #tpu.memory_space<vmem>>, vector<16xi32>,
    %shift_right_logical3A_115 = arith.constant 14 : i32
    %shift_right_logical3A_116 = vector.broadcast %shift_right_logical3A_115 : i32 to vector<16xi32>
    %shift_right_logical3A_117 = arith.shrui %get3A_107, %shift_right_logical3A_116 : vector<16xi32>
    %swap3A_118 = arith.constant 64 : index
    %swap3A_119 = tpu.vector_load %arg8[%swap3A_118] {strides = array<i32>} : memref<128xi32, #tpu.memory_space<vmem>>, vector<16xi32>,
    %swap3A_120 = vector.shape_cast %swap3A_119 : vector<16xi32> to vector<16xi32>
    %swap3A_121 = vector.shape_cast %shift_right_logical3A_117 : vector<16xi32> to vector<16xi32>
    tpu.vector_store %arg8[%swap3A_118], %swap3A_121 {strides = array<i32>} : memref<128xi32, #tpu.memory_space<vmem>>, vector<16xi32>,
    %get3A_122 = arith.constant 0 : i32
    %get3A_123 = arith.constant 0 : i32
    %get3A_124 = tpu.memref_slice %arg6[%get3A_122, %get3A_123] : memref<79x128xi32, #tpu.memory_space<vmem>> -> memref<1x128xi32, #tpu.memory_space<vmem>>
    %get3A_125 = tpu.memref_squeeze %get3A_124 : memref<1x128xi32, #tpu.memory_space<vmem>> -> memref<128xi32, #tpu.memory_space<vmem>>
    %get3A_126 = arith.constant 80 : index
    %get3A_127 = tpu.vector_load %get3A_125[%get3A_126] {strides = array<i32>} : memref<128xi32, #tpu.memory_space<vmem>>, vector<16xi32>,
    %get3A_128 = vector.shape_cast %get3A_127 : vector<16xi32> to vector<16xi32>
    %and3A_129 = arith.constant 16383 : i32
    %and3A_130 = vector.broadcast %and3A_129 : i32 to vector<16xi32>
    %and3A_131 = arith.andi %get3A_128, %and3A_130 : vector<16xi32>
    %swap3A_132 = arith.constant 80 : index
    %swap3A_133 = tpu.vector_load %arg7[%swap3A_132] {strides = array<i32>} : memref<128xi32, #tpu.memory_space<vmem>>, vector<16xi32>,
    %swap3A_134 = vector.shape_cast %swap3A_133 : vector<16xi32> to vector<16xi32>
    %swap3A_135 = vector.shape_cast %and3A_131 : vector<16xi32> to vector<16xi32>
    tpu.vector_store %arg7[%swap3A_132], %swap3A_135 {strides = array<i32>} : memref<128xi32, #tpu.memory_space<vmem>>, vector<16xi32>,
    %shift_right_logical3A_136 = arith.constant 14 : i32
    %shift_right_logical3A_137 = vector.broadcast %shift_right_logical3A_136 : i32 to vector<16xi32>
    %shift_right_logical3A_138 = arith.shrui %get3A_128, %shift_right_logical3A_137 : vector<16xi32>
    %swap3A_139 = arith.constant 80 : index
    %swap3A_140 = tpu.vector_load %arg8[%swap3A_139] {strides = array<i32>} : memref<128xi32, #tpu.memory_space<vmem>>, vector<16xi32>,
    %swap3A_141 = vector.shape_cast %swap3A_140 : vector<16xi32> to vector<16xi32>
    %swap3A_142 = vector.shape_cast %shift_right_logical3A_138 : vector<16xi32> to vector<16xi32>
    tpu.vector_store %arg8[%swap3A_139], %swap3A_142 {strides = array<i32>} : memref<128xi32, #tpu.memory_space<vmem>>, vector<16xi32>,
    %get3A_143 = arith.constant 0 : i32
    %get3A_144 = arith.constant 0 : i32
    %get3A_145 = tpu.memref_slice %arg6[%get3A_143, %get3A_144] : memref<79x128xi32, #tpu.memory_space<vmem>> -> memref<1x128xi32, #tpu.memory_space<vmem>>
    %get3A_146 = tpu.memref_squeeze %get3A_145 : memref<1x128xi32, #tpu.memory_space<vmem>> -> memref<128xi32, #tpu.memory_space<vmem>>
    %get3A_147 = arith.constant 96 : index
    %get3A_148 = tpu.vector_load %get3A_146[%get3A_147] {strides = array<i32>} : memref<128xi32, #tpu.memory_space<vmem>>, vector<16xi32>,
    %get3A_149 = vector.shape_cast %get3A_148 : vector<16xi32> to vector<16xi32>
    %and3A_150 = arith.constant 16383 : i32
    %and3A_151 = vector.broadcast %and3A_150 : i32 to vector<16xi32>
    %and3A_152 = arith.andi %get3A_149, %and3A_151 : vector<16xi32>
    %swap3A_153 = arith.constant 96 : index
    %swap3A_154 = tpu.vector_load %arg7[%swap3A_153] {strides = array<i32>} : memref<128xi32, #tpu.memory_space<vmem>>, vector<16xi32>,
    %swap3A_155 = vector.shape_cast %swap3A_154 : vector<16xi32> to vector<16xi32>
    %swap3A_156 = vector.shape_cast %and3A_152 : vector<16xi32> to vector<16xi32>
    tpu.vector_store %arg7[%swap3A_153], %swap3A_156 {strides = array<i32>} : memref<128xi32, #tpu.memory_space<vmem>>, vector<16xi32>,
    %shift_right_logical3A_157 = arith.constant 14 : i32
    %shift_right_logical3A_158 = vector.broadcast %shift_right_logical3A_157 : i32 to vector<16xi32>
    %shift_right_logical3A_159 = arith.shrui %get3A_149, %shift_right_logical3A_158 : vector<16xi32>
    %swap3A_160 = arith.constant 96 : index
    %swap3A_161 = tpu.vector_load %arg8[%swap3A_160] {strides = array<i32>} : memref<128xi32, #tpu.memory_space<vmem>>, vector<16xi32>,
    %swap3A_162 = vector.shape_cast %swap3A_161 : vector<16xi32> to vector<16xi32>
    %swap3A_163 = vector.shape_cast %shift_right_logical3A_159 : vector<16xi32> to vector<16xi32>
    tpu.vector_store %arg8[%swap3A_160], %swap3A_163 {strides = array<i32>} : memref<128xi32, #tpu.memory_space<vmem>>, vector<16xi32>,
    %get3A_164 = arith.constant 0 : i32
    %get3A_165 = arith.constant 0 : i32
    %get3A_166 = tpu.memref_slice %arg6[%get3A_164, %get3A_165] : memref<79x128xi32, #tpu.memory_space<vmem>> -> memref<1x128xi32, #tpu.memory_space<vmem>>
    %get3A_167 = tpu.memref_squeeze %get3A_166 : memref<1x128xi32, #tpu.memory_space<vmem>> -> memref<128xi32, #tpu.memory_space<vmem>>
    %get3A_168 = arith.constant 112 : index
    %get3A_169 = tpu.vector_load %get3A_167[%get3A_168] {strides = array<i32>} : memref<128xi32, #tpu.memory_space<vmem>>, vector<16xi32>,
    %get3A_170 = vector.shape_cast %get3A_169 : vector<16xi32> to vector<16xi32>
    %and3A_171 = arith.constant 16383 : i32
    %and3A_172 = vector.broadcast %and3A_171 : i32 to vector<16xi32>
    %and3A_173 = arith.andi %get3A_170, %and3A_172 : vector<16xi32>
    %swap3A_174 = arith.constant 112 : index
    %swap3A_175 = tpu.vector_load %arg7[%swap3A_174] {strides = array<i32>} : memref<128xi32, #tpu.memory_space<vmem>>, vector<16xi32>,
    %swap3A_176 = vector.shape_cast %swap3A_175 : vector<16xi32> to vector<16xi32>
    %swap3A_177 = vector.shape_cast %and3A_173 : vector<16xi32> to vector<16xi32>
    tpu.vector_store %arg7[%swap3A_174], %swap3A_177 {strides = array<i32>} : memref<128xi32, #tpu.memory_space<vmem>>, vector<16xi32>,
    %shift_right_logical3A_178 = arith.constant 14 : i32
    %shift_right_logical3A_179 = vector.broadcast %shift_right_logical3A_178 : i32 to vector<16xi32>
    %shift_right_logical3A_180 = arith.shrui %get3A_170, %shift_right_logical3A_179 : vector<16xi32>
    %swap3A_181 = arith.constant 112 : index
    %swap3A_182 = tpu.vector_load %arg8[%swap3A_181] {strides = array<i32>} : memref<128xi32, #tpu.memory_space<vmem>>, vector<16xi32>,
    %swap3A_183 = vector.shape_cast %swap3A_182 : vector<16xi32> to vector<16xi32>
    %swap3A_184 = vector.shape_cast %shift_right_logical3A_180 : vector<16xi32> to vector<16xi32>
    tpu.vector_store %arg8[%swap3A_181], %swap3A_184 {strides = array<i32>} : memref<128xi32, #tpu.memory_space<vmem>>, vector<16xi32>,
    %dma_start3A = arith.constant 0 : i32
    %dma_start3A_185 = arith.constant 0 : i32
    %dma_start3A_186 = tpu.memref_slice %arg2[%dma_start3A, %dma_start3A_185] : memref<10000x128xf32, #tpu.memory_space<hbm>> -> memref<10000x128xf32, #tpu.memory_space<hbm>>
    tpu.enqueue_indirect_dma source(%dma_start3A_186 : memref<10000x128xf32, #tpu.memory_space<hbm>>) target(%arg11 : memref<128x128xf32, #tpu.memory_space<vmem>>) offsets(%arg7 : memref<128xi32, #tpu.memory_space<vmem>>) semaphore(%arg14 : memref<!tpu.dma_semaphore, #tpu.memory_space<semaphore_mem>>)
    %scan3A = arith.constant 0 : i32
    %scan3A_187 = arith.constant 0 : i32
    %scan3A_188 = arith.constant 39 : i32
    %scan3A_189 = arith.addi %scan3A_187, %scan3A_188 : i32
    %scan3A_190 = arith.constant 1 : i32
    scf.for %scan3A_199 = %scan3A_187 to %scan3A_189 step %scan3A_190  : i32 {
      %mul3A_200 = arith.constant 2 : i32
      %mul3A_201 = arith.muli %scan3A_199, %mul3A_200 : i32
      %add3A_202 = arith.constant 1 : i32
      %add3A_203 = arith.addi %mul3A_201, %add3A_202 : i32
      %get3A_204 = arith.constant 0 : i32
      %get3A_205 = tpu.memref_slice %arg6[%add3A_203, %get3A_204] : memref<79x128xi32, #tpu.memory_space<vmem>> -> memref<1x128xi32, #tpu.memory_space<vmem>>
      %get3A_206 = tpu.memref_squeeze %get3A_205 : memref<1x128xi32, #tpu.memory_space<vmem>> -> memref<128xi32, #tpu.memory_space<vmem>>
      %get3A_207 = arith.constant 0 : index
      %get3A_208 = tpu.vector_load %get3A_206[%get3A_207] {strides = array<i32>} : memref<128xi32, #tpu.memory_space<vmem>>, vector<16xi32>,
      %get3A_209 = vector.shape_cast %get3A_208 : vector<16xi32> to vector<16xi32>
      %and3A_210 = arith.constant 16383 : i32
      %and3A_211 = vector.broadcast %and3A_210 : i32 to vector<16xi32>
      %and3A_212 = arith.andi %get3A_209, %and3A_211 : vector<16xi32>
      %swap3A_213 = arith.constant 0 : index
      %swap3A_214 = tpu.vector_load %arg9[%swap3A_213] {strides = array<i32>} : memref<128xi32, #tpu.memory_space<vmem>>, vector<16xi32>,
      %swap3A_215 = vector.shape_cast %swap3A_214 : vector<16xi32> to vector<16xi32>
      %swap3A_216 = vector.shape_cast %and3A_212 : vector<16xi32> to vector<16xi32>
      tpu.vector_store %arg9[%swap3A_213], %swap3A_216 {strides = array<i32>} : memref<128xi32, #tpu.memory_space<vmem>>, vector<16xi32>,
      %shift_right_logical3A_217 = arith.constant 14 : i32
      %shift_right_logical3A_218 = vector.broadcast %shift_right_logical3A_217 : i32 to vector<16xi32>
      %shift_right_logical3A_219 = arith.shrui %get3A_209, %shift_right_logical3A_218 : vector<16xi32>
      %swap3A_220 = arith.constant 0 : index
      %swap3A_221 = tpu.vector_load %arg10[%swap3A_220] {strides = array<i32>} : memref<128xi32, #tpu.memory_space<vmem>>, vector<16xi32>,
      %swap3A_222 = vector.shape_cast %swap3A_221 : vector<16xi32> to vector<16xi32>
      %swap3A_223 = vector.shape_cast %shift_right_logical3A_219 : vector<16xi32> to vector<16xi32>
      tpu.vector_store %arg10[%swap3A_220], %swap3A_223 {strides = array<i32>} : memref<128xi32, #tpu.memory_space<vmem>>, vector<16xi32>,
      %get3A_224 = arith.constant 0 : i32
      %get3A_225 = tpu.memref_slice %arg6[%add3A_203, %get3A_224] : memref<79x128xi32, #tpu.memory_space<vmem>> -> memref<1x128xi32, #tpu.memory_space<vmem>>
      %get3A_226 = tpu.memref_squeeze %get3A_225 : memref<1x128xi32, #tpu.memory_space<vmem>> -> memref<128xi32, #tpu.memory_space<vmem>>
      %get3A_227 = arith.constant 16 : index
      %get3A_228 = tpu.vector_load %get3A_226[%get3A_227] {strides = array<i32>} : memref<128xi32, #tpu.memory_space<vmem>>, vector<16xi32>,
      %get3A_229 = vector.shape_cast %get3A_228 : vector<16xi32> to vector<16xi32>
      %and3A_230 = arith.constant 16383 : i32
      %and3A_231 = vector.broadcast %and3A_230 : i32 to vector<16xi32>
      %and3A_232 = arith.andi %get3A_229, %and3A_231 : vector<16xi32>
      %swap3A_233 = arith.constant 16 : index
      %swap3A_234 = tpu.vector_load %arg9[%swap3A_233] {strides = array<i32>} : memref<128xi32, #tpu.memory_space<vmem>>, vector<16xi32>,
      %swap3A_235 = vector.shape_cast %swap3A_234 : vector<16xi32> to vector<16xi32>
      %swap3A_236 = vector.shape_cast %and3A_232 : vector<16xi32> to vector<16xi32>
      tpu.vector_store %arg9[%swap3A_233], %swap3A_236 {strides = array<i32>} : memref<128xi32, #tpu.memory_space<vmem>>, vector<16xi32>,
      %shift_right_logical3A_237 = arith.constant 14 : i32
      %shift_right_logical3A_238 = vector.broadcast %shift_right_logical3A_237 : i32 to vector<16xi32>
      %shift_right_logical3A_239 = arith.shrui %get3A_229, %shift_right_logical3A_238 : vector<16xi32>
      %swap3A_240 = arith.constant 16 : index
      %swap3A_241 = tpu.vector_load %arg10[%swap3A_240] {strides = array<i32>} : memref<128xi32, #tpu.memory_space<vmem>>, vector<16xi32>,
      %swap3A_242 = vector.shape_cast %swap3A_241 : vector<16xi32> to vector<16xi32>
      %swap3A_243 = vector.shape_cast %shift_right_logical3A_239 : vector<16xi32> to vector<16xi32>
      tpu.vector_store %arg10[%swap3A_240], %swap3A_243 {strides = array<i32>} : memref<128xi32, #tpu.memory_space<vmem>>, vector<16xi32>,
      %get3A_244 = arith.constant 0 : i32
      %get3A_245 = tpu.memref_slice %arg6[%add3A_203, %get3A_244] : memref<79x128xi32, #tpu.memory_space<vmem>> -> memref<1x128xi32, #tpu.memory_space<vmem>>
      %get3A_246 = tpu.memref_squeeze %get3A_245 : memref<1x128xi32, #tpu.memory_space<vmem>> -> memref<128xi32, #tpu.memory_space<vmem>>
      %get3A_247 = arith.constant 32 : index
      %get3A_248 = tpu.vector_load %get3A_246[%get3A_247] {strides = array<i32>} : memref<128xi32, #tpu.memory_space<vmem>>, vector<16xi32>,
      %get3A_249 = vector.shape_cast %get3A_248 : vector<16xi32> to vector<16xi32>
      %and3A_250 = arith.constant 16383 : i32
      %and3A_251 = vector.broadcast %and3A_250 : i32 to vector<16xi32>
      %and3A_252 = arith.andi %get3A_249, %and3A_251 : vector<16xi32>
      %swap3A_253 = arith.constant 32 : index
      %swap3A_254 = tpu.vector_load %arg9[%swap3A_253] {strides = array<i32>} : memref<128xi32, #tpu.memory_space<vmem>>, vector<16xi32>,
      %swap3A_255 = vector.shape_cast %swap3A_254 : vector<16xi32> to vector<16xi32>
      %swap3A_256 = vector.shape_cast %and3A_252 : vector<16xi32> to vector<16xi32>
      tpu.vector_store %arg9[%swap3A_253], %swap3A_256 {strides = array<i32>} : memref<128xi32, #tpu.memory_space<vmem>>, vector<16xi32>,
      %shift_right_logical3A_257 = arith.constant 14 : i32
      %shift_right_logical3A_258 = vector.broadcast %shift_right_logical3A_257 : i32 to vector<16xi32>
      %shift_right_logical3A_259 = arith.shrui %get3A_249, %shift_right_logical3A_258 : vector<16xi32>
      %swap3A_260 = arith.constant 32 : index
      %swap3A_261 = tpu.vector_load %arg10[%swap3A_260] {strides = array<i32>} : memref<128xi32, #tpu.memory_space<vmem>>, vector<16xi32>,
      %swap3A_262 = vector.shape_cast %swap3A_261 : vector<16xi32> to vector<16xi32>
      %swap3A_263 = vector.shape_cast %shift_right_logical3A_259 : vector<16xi32> to vector<16xi32>
      tpu.vector_store %arg10[%swap3A_260], %swap3A_263 {strides = array<i32>} : memref<128xi32, #tpu.memory_space<vmem>>, vector<16xi32>,
      %get3A_264 = arith.constant 0 : i32
      %get3A_265 = tpu.memref_slice %arg6[%add3A_203, %get3A_264] : memref<79x128xi32, #tpu.memory_space<vmem>> -> memref<1x128xi32, #tpu.memory_space<vmem>>
      %get3A_266 = tpu.memref_squeeze %get3A_265 : memref<1x128xi32, #tpu.memory_space<vmem>> -> memref<128xi32, #tpu.memory_space<vmem>>
      %get3A_267 = arith.constant 48 : index
      %get3A_268 = tpu.vector_load %get3A_266[%get3A_267] {strides = array<i32>} : memref<128xi32, #tpu.memory_space<vmem>>, vector<16xi32>,
      %get3A_269 = vector.shape_cast %get3A_268 : vector<16xi32> to vector<16xi32>
      %and3A_270 = arith.constant 16383 : i32
      %and3A_271 = vector.broadcast %and3A_270 : i32 to vector<16xi32>
      %and3A_272 = arith.andi %get3A_269, %and3A_271 : vector<16xi32>
      %swap3A_273 = arith.constant 48 : index
      %swap3A_274 = tpu.vector_load %arg9[%swap3A_273] {strides = array<i32>} : memref<128xi32, #tpu.memory_space<vmem>>, vector<16xi32>,
      %swap3A_275 = vector.shape_cast %swap3A_274 : vector<16xi32> to vector<16xi32>
      %swap3A_276 = vector.shape_cast %and3A_272 : vector<16xi32> to vector<16xi32>
      tpu.vector_store %arg9[%swap3A_273], %swap3A_276 {strides = array<i32>} : memref<128xi32, #tpu.memory_space<vmem>>, vector<16xi32>,
      %shift_right_logical3A_277 = arith.constant 14 : i32
      %shift_right_logical3A_278 = vector.broadcast %shift_right_logical3A_277 : i32 to vector<16xi32>
      %shift_right_logical3A_279 = arith.shrui %get3A_269, %shift_right_logical3A_278 : vector<16xi32>
      %swap3A_280 = arith.constant 48 : index
      %swap3A_281 = tpu.vector_load %arg10[%swap3A_280] {strides = array<i32>} : memref<128xi32, #tpu.memory_space<vmem>>, vector<16xi32>,
      %swap3A_282 = vector.shape_cast %swap3A_281 : vector<16xi32> to vector<16xi32>
      %swap3A_283 = vector.shape_cast %shift_right_logical3A_279 : vector<16xi32> to vector<16xi32>
      tpu.vector_store %arg10[%swap3A_280], %swap3A_283 {strides = array<i32>} : memref<128xi32, #tpu.memory_space<vmem>>, vector<16xi32>,
      %get3A_284 = arith.constant 0 : i32
      %get3A_285 = tpu.memref_slice %arg6[%add3A_203, %get3A_284] : memref<79x128xi32, #tpu.memory_space<vmem>> -> memref<1x128xi32, #tpu.memory_space<vmem>>
      %get3A_286 = tpu.memref_squeeze %get3A_285 : memref<1x128xi32, #tpu.memory_space<vmem>> -> memref<128xi32, #tpu.memory_space<vmem>>
      %get3A_287 = arith.constant 64 : index
      %get3A_288 = tpu.vector_load %get3A_286[%get3A_287] {strides = array<i32>} : memref<128xi32, #tpu.memory_space<vmem>>, vector<16xi32>,
      %get3A_289 = vector.shape_cast %get3A_288 : vector<16xi32> to vector<16xi32>
      %and3A_290 = arith.constant 16383 : i32
      %and3A_291 = vector.broadcast %and3A_290 : i32 to vector<16xi32>
      %and3A_292 = arith.andi %get3A_289, %and3A_291 : vector<16xi32>
      %swap3A_293 = arith.constant 64 : index
      %swap3A_294 = tpu.vector_load %arg9[%swap3A_293] {strides = array<i32>} : memref<128xi32, #tpu.memory_space<vmem>>, vector<16xi32>,
      %swap3A_295 = vector.shape_cast %swap3A_294 : vector<16xi32> to vector<16xi32>
      %swap3A_296 = vector.shape_cast %and3A_292 : vector<16xi32> to vector<16xi32>
      tpu.vector_store %arg9[%swap3A_293], %swap3A_296 {strides = array<i32>} : memref<128xi32, #tpu.memory_space<vmem>>, vector<16xi32>,
      %shift_right_logical3A_297 = arith.constant 14 : i32
      %shift_right_logical3A_298 = vector.broadcast %shift_right_logical3A_297 : i32 to vector<16xi32>
      %shift_right_logical3A_299 = arith.shrui %get3A_289, %shift_right_logical3A_298 : vector<16xi32>
      %swap3A_300 = arith.constant 64 : index
      %swap3A_301 = tpu.vector_load %arg10[%swap3A_300] {strides = array<i32>} : memref<128xi32, #tpu.memory_space<vmem>>, vector<16xi32>,
      %swap3A_302 = vector.shape_cast %swap3A_301 : vector<16xi32> to vector<16xi32>
      %swap3A_303 = vector.shape_cast %shift_right_logical3A_299 : vector<16xi32> to vector<16xi32>
      tpu.vector_store %arg10[%swap3A_300], %swap3A_303 {strides = array<i32>} : memref<128xi32, #tpu.memory_space<vmem>>, vector<16xi32>,
      %get3A_304 = arith.constant 0 : i32
      %get3A_305 = tpu.memref_slice %arg6[%add3A_203, %get3A_304] : memref<79x128xi32, #tpu.memory_space<vmem>> -> memref<1x128xi32, #tpu.memory_space<vmem>>
      %get3A_306 = tpu.memref_squeeze %get3A_305 : memref<1x128xi32, #tpu.memory_space<vmem>> -> memref<128xi32, #tpu.memory_space<vmem>>
      %get3A_307 = arith.constant 80 : index
      %get3A_308 = tpu.vector_load %get3A_306[%get3A_307] {strides = array<i32>} : memref<128xi32, #tpu.memory_space<vmem>>, vector<16xi32>,
      %get3A_309 = vector.shape_cast %get3A_308 : vector<16xi32> to vector<16xi32>
      %and3A_310 = arith.constant 16383 : i32
      %and3A_311 = vector.broadcast %and3A_310 : i32 to vector<16xi32>
      %and3A_312 = arith.andi %get3A_309, %and3A_311 : vector<16xi32>
      %swap3A_313 = arith.constant 80 : index
      %swap3A_314 = tpu.vector_load %arg9[%swap3A_313] {strides = array<i32>} : memref<128xi32, #tpu.memory_space<vmem>>, vector<16xi32>,
      %swap3A_315 = vector.shape_cast %swap3A_314 : vector<16xi32> to vector<16xi32>
      %swap3A_316 = vector.shape_cast %and3A_312 : vector<16xi32> to vector<16xi32>
      tpu.vector_store %arg9[%swap3A_313], %swap3A_316 {strides = array<i32>} : memref<128xi32, #tpu.memory_space<vmem>>, vector<16xi32>,
      %shift_right_logical3A_317 = arith.constant 14 : i32
      %shift_right_logical3A_318 = vector.broadcast %shift_right_logical3A_317 : i32 to vector<16xi32>
      %shift_right_logical3A_319 = arith.shrui %get3A_309, %shift_right_logical3A_318 : vector<16xi32>
      %swap3A_320 = arith.constant 80 : index
      %swap3A_321 = tpu.vector_load %arg10[%swap3A_320] {strides = array<i32>} : memref<128xi32, #tpu.memory_space<vmem>>, vector<16xi32>,
      %swap3A_322 = vector.shape_cast %swap3A_321 : vector<16xi32> to vector<16xi32>
      %swap3A_323 = vector.shape_cast %shift_right_logical3A_319 : vector<16xi32> to vector<16xi32>
      tpu.vector_store %arg10[%swap3A_320], %swap3A_323 {strides = array<i32>} : memref<128xi32, #tpu.memory_space<vmem>>, vector<16xi32>,
      %get3A_324 = arith.constant 0 : i32
      %get3A_325 = tpu.memref_slice %arg6[%add3A_203, %get3A_324] : memref<79x128xi32, #tpu.memory_space<vmem>> -> memref<1x128xi32, #tpu.memory_space<vmem>>
      %get3A_326 = tpu.memref_squeeze %get3A_325 : memref<1x128xi32, #tpu.memory_space<vmem>> -> memref<128xi32, #tpu.memory_space<vmem>>
      %get3A_327 = arith.constant 96 : index
      %get3A_328 = tpu.vector_load %get3A_326[%get3A_327] {strides = array<i32>} : memref<128xi32, #tpu.memory_space<vmem>>, vector<16xi32>,
      %get3A_329 = vector.shape_cast %get3A_328 : vector<16xi32> to vector<16xi32>
      %and3A_330 = arith.constant 16383 : i32
      %and3A_331 = vector.broadcast %and3A_330 : i32 to vector<16xi32>
      %and3A_332 = arith.andi %get3A_329, %and3A_331 : vector<16xi32>
      %swap3A_333 = arith.constant 96 : index
      %swap3A_334 = tpu.vector_load %arg9[%swap3A_333] {strides = array<i32>} : memref<128xi32, #tpu.memory_space<vmem>>, vector<16xi32>,
      %swap3A_335 = vector.shape_cast %swap3A_334 : vector<16xi32> to vector<16xi32>
      %swap3A_336 = vector.shape_cast %and3A_332 : vector<16xi32> to vector<16xi32>
      tpu.vector_store %arg9[%swap3A_333], %swap3A_336 {strides = array<i32>} : memref<128xi32, #tpu.memory_space<vmem>>, vector<16xi32>,
      %shift_right_logical3A_337 = arith.constant 14 : i32
      %shift_right_logical3A_338 = vector.broadcast %shift_right_logical3A_337 : i32 to vector<16xi32>
      %shift_right_logical3A_339 = arith.shrui %get3A_329, %shift_right_logical3A_338 : vector<16xi32>
      %swap3A_340 = arith.constant 96 : index
      %swap3A_341 = tpu.vector_load %arg10[%swap3A_340] {strides = array<i32>} : memref<128xi32, #tpu.memory_space<vmem>>, vector<16xi32>,
      %swap3A_342 = vector.shape_cast %swap3A_341 : vector<16xi32> to vector<16xi32>
      %swap3A_343 = vector.shape_cast %shift_right_logical3A_339 : vector<16xi32> to vector<16xi32>
      tpu.vector_store %arg10[%swap3A_340], %swap3A_343 {strides = array<i32>} : memref<128xi32, #tpu.memory_space<vmem>>, vector<16xi32>,
      %get3A_344 = arith.constant 0 : i32
      %get3A_345 = tpu.memref_slice %arg6[%add3A_203, %get3A_344] : memref<79x128xi32, #tpu.memory_space<vmem>> -> memref<1x128xi32, #tpu.memory_space<vmem>>
      %get3A_346 = tpu.memref_squeeze %get3A_345 : memref<1x128xi32, #tpu.memory_space<vmem>> -> memref<128xi32, #tpu.memory_space<vmem>>
      %get3A_347 = arith.constant 112 : index
      %get3A_348 = tpu.vector_load %get3A_346[%get3A_347] {strides = array<i32>} : memref<128xi32, #tpu.memory_space<vmem>>, vector<16xi32>,
      %get3A_349 = vector.shape_cast %get3A_348 : vector<16xi32> to vector<16xi32>
      %and3A_350 = arith.constant 16383 : i32
      %and3A_351 = vector.broadcast %and3A_350 : i32 to vector<16xi32>
      %and3A_352 = arith.andi %get3A_349, %and3A_351 : vector<16xi32>
      %swap3A_353 = arith.constant 112 : index
      %swap3A_354 = tpu.vector_load %arg9[%swap3A_353] {strides = array<i32>} : memref<128xi32, #tpu.memory_space<vmem>>, vector<16xi32>,
      %swap3A_355 = vector.shape_cast %swap3A_354 : vector<16xi32> to vector<16xi32>
      %swap3A_356 = vector.shape_cast %and3A_352 : vector<16xi32> to vector<16xi32>
      tpu.vector_store %arg9[%swap3A_353], %swap3A_356 {strides = array<i32>} : memref<128xi32, #tpu.memory_space<vmem>>, vector<16xi32>,
      %shift_right_logical3A_357 = arith.constant 14 : i32
      %shift_right_logical3A_358 = vector.broadcast %shift_right_logical3A_357 : i32 to vector<16xi32>
      %shift_right_logical3A_359 = arith.shrui %get3A_349, %shift_right_logical3A_358 : vector<16xi32>
      %swap3A_360 = arith.constant 112 : index
      %swap3A_361 = tpu.vector_load %arg10[%swap3A_360] {strides = array<i32>} : memref<128xi32, #tpu.memory_space<vmem>>, vector<16xi32>,
      %swap3A_362 = vector.shape_cast %swap3A_361 : vector<16xi32> to vector<16xi32>
      %swap3A_363 = vector.shape_cast %shift_right_logical3A_359 : vector<16xi32> to vector<16xi32>
      tpu.vector_store %arg10[%swap3A_360], %swap3A_363 {strides = array<i32>} : memref<128xi32, #tpu.memory_space<vmem>>, vector<16xi32>,
      %dma_start3A_364 = arith.constant 0 : i32
      %dma_start3A_365 = arith.constant 0 : i32
      %dma_start3A_366 = tpu.memref_slice %arg2[%dma_start3A_364, %dma_start3A_365] : memref<10000x128xf32, #tpu.memory_space<hbm>> -> memref<10000x128xf32, #tpu.memory_space<hbm>>
      tpu.enqueue_indirect_dma source(%dma_start3A_366 : memref<10000x128xf32, #tpu.memory_space<hbm>>) target(%arg12 : memref<128x128xf32, #tpu.memory_space<vmem>>) offsets(%arg9 : memref<128xi32, #tpu.memory_space<vmem>>) semaphore(%arg14 : memref<!tpu.dma_semaphore, #tpu.memory_space<semaphore_mem>>)
      %dma_wait3A_367 = arith.constant 0 : i32
      %dma_wait3A_368 = arith.constant 0 : i32
      %dma_wait3A_369 = tpu.memref_slice %arg2[%dma_wait3A_367, %dma_wait3A_368] : memref<10000x128xf32, #tpu.memory_space<hbm>> -> memref<10000x128xf32, #tpu.memory_space<hbm>>
      tpu.wait_indirect_dma semaphore(%arg14 : memref<!tpu.dma_semaphore, #tpu.memory_space<semaphore_mem>>) src(%dma_wait3A_369 : memref<10000x128xf32, #tpu.memory_space<hbm>>) dst(%arg11 : memref<128x128xf32, #tpu.memory_space<vmem>>)
      "tpu.region"() ({
        %run_scoped3A = tpu.sem_alloc : memref<!tpu.dma_semaphore, #tpu.memory_space<semaphore_mem>>
        %dma_start3A_377 = arith.constant 0 : i32
        %dma_start3A_378 = arith.constant 0 : i32
        %dma_start3A_379 = tpu.memref_slice %arg13[%dma_start3A_377, %dma_start3A_378] : memref<10240x128xf32, #tpu.memory_space<vmem_shared>> -> memref<10240x128xf32, #tpu.memory_space<vmem_shared>>
        tpu.enqueue_indirect_dma source(%arg11 : memref<128x128xf32, #tpu.memory_space<vmem>>) target(%dma_start3A_379 : memref<10240x128xf32, #tpu.memory_space<vmem_shared>>) offsets(%arg8 : memref<128xi32, #tpu.memory_space<vmem>>) semaphore(%run_scoped3A : memref<!tpu.dma_semaphore, #tpu.memory_space<semaphore_mem>>) {add = true}
        %dma_wait3A_380 = arith.constant 0 : i32
        %dma_wait3A_381 = arith.constant 0 : i32
        %dma_wait3A_382 = tpu.memref_slice %arg13[%dma_wait3A_380, %dma_wait3A_381] : memref<10240x128xf32, #tpu.memory_space<vmem_shared>> -> memref<10240x128xf32, #tpu.memory_space<vmem_shared>>
        tpu.wait_indirect_dma semaphore(%run_scoped3A : memref<!tpu.dma_semaphore, #tpu.memory_space<semaphore_mem>>) src(%arg11 : memref<128x128xf32, #tpu.memory_space<vmem>>) dst(%dma_wait3A_382 : memref<10240x128xf32, #tpu.memory_space<vmem_shared>>)
        tpu.yield
      }) : () -> ()
      %add3A_370 = arith.constant 2 : i32
      %add3A_371 = arith.addi %mul3A_201, %add3A_370 : i32
      %lt3A = arith.constant 79 : i32
      %lt3A_372 = arith.cmpi slt, %add3A_371, %lt3A : i32
      %convert_element_type3A = arith.extui %lt3A_372 : i1 to i32
      %cond3A = arith.constant 0 : i32
      %cond3A_373 = arith.cmpi ne, %convert_element_type3A, %cond3A : i32
      scf.if %cond3A_373 {
        %add3A_377 = arith.constant 2 : i32
        %add3A_378 = arith.addi %mul3A_201, %add3A_377 : i32
        %get3A_379 = arith.constant 0 : i32
        %get3A_380 = tpu.memref_slice %arg6[%add3A_378, %get3A_379] : memref<79x128xi32, #tpu.memory_space<vmem>> -> memref<1x128xi32, #tpu.memory_space<vmem>>
        %get3A_381 = tpu.memref_squeeze %get3A_380 : memref<1x128xi32, #tpu.memory_space<vmem>> -> memref<128xi32, #tpu.memory_space<vmem>>
        %get3A_382 = arith.constant 0 : index
        %get3A_383 = tpu.vector_load %get3A_381[%get3A_382] {strides = array<i32>} : memref<128xi32, #tpu.memory_space<vmem>>, vector<16xi32>,
        %get3A_384 = vector.shape_cast %get3A_383 : vector<16xi32> to vector<16xi32>
        %and3A_385 = arith.constant 16383 : i32
        %and3A_386 = vector.broadcast %and3A_385 : i32 to vector<16xi32>
        %and3A_387 = arith.andi %get3A_384, %and3A_386 : vector<16xi32>
        %swap3A_388 = arith.constant 0 : index
        %swap3A_389 = tpu.vector_load %arg7[%swap3A_388] {strides = array<i32>} : memref<128xi32, #tpu.memory_space<vmem>>, vector<16xi32>,
        %swap3A_390 = vector.shape_cast %swap3A_389 : vector<16xi32> to vector<16xi32>
        %swap3A_391 = vector.shape_cast %and3A_387 : vector<16xi32> to vector<16xi32>
        tpu.vector_store %arg7[%swap3A_388], %swap3A_391 {strides = array<i32>} : memref<128xi32, #tpu.memory_space<vmem>>, vector<16xi32>,
        %shift_right_logical3A_392 = arith.constant 14 : i32
        %shift_right_logical3A_393 = vector.broadcast %shift_right_logical3A_392 : i32 to vector<16xi32>
        %shift_right_logical3A_394 = arith.shrui %get3A_384, %shift_right_logical3A_393 : vector<16xi32>
        %swap3A_395 = arith.constant 0 : index
        %swap3A_396 = tpu.vector_load %arg8[%swap3A_395] {strides = array<i32>} : memref<128xi32, #tpu.memory_space<vmem>>, vector<16xi32>,
        %swap3A_397 = vector.shape_cast %swap3A_396 : vector<16xi32> to vector<16xi32>
        %swap3A_398 = vector.shape_cast %shift_right_logical3A_394 : vector<16xi32> to vector<16xi32>
        tpu.vector_store %arg8[%swap3A_395], %swap3A_398 {strides = array<i32>} : memref<128xi32, #tpu.memory_space<vmem>>, vector<16xi32>,
        %get3A_399 = arith.constant 0 : i32
        %get3A_400 = tpu.memref_slice %arg6[%add3A_378, %get3A_399] : memref<79x128xi32, #tpu.memory_space<vmem>> -> memref<1x128xi32, #tpu.memory_space<vmem>>
        %get3A_401 = tpu.memref_squeeze %get3A_400 : memref<1x128xi32, #tpu.memory_space<vmem>> -> memref<128xi32, #tpu.memory_space<vmem>>
        %get3A_402 = arith.constant 16 : index
        %get3A_403 = tpu.vector_load %get3A_401[%get3A_402] {strides = array<i32>} : memref<128xi32, #tpu.memory_space<vmem>>, vector<16xi32>,
        %get3A_404 = vector.shape_cast %get3A_403 : vector<16xi32> to vector<16xi32>
        %and3A_405 = arith.constant 16383 : i32
        %and3A_406 = vector.broadcast %and3A_405 : i32 to vector<16xi32>
        %and3A_407 = arith.andi %get3A_404, %and3A_406 : vector<16xi32>
        %swap3A_408 = arith.constant 16 : index
        %swap3A_409 = tpu.vector_load %arg7[%swap3A_408] {strides = array<i32>} : memref<128xi32, #tpu.memory_space<vmem>>, vector<16xi32>,
        %swap3A_410 = vector.shape_cast %swap3A_409 : vector<16xi32> to vector<16xi32>
        %swap3A_411 = vector.shape_cast %and3A_407 : vector<16xi32> to vector<16xi32>
        tpu.vector_store %arg7[%swap3A_408], %swap3A_411 {strides = array<i32>} : memref<128xi32, #tpu.memory_space<vmem>>, vector<16xi32>,
        %shift_right_logical3A_412 = arith.constant 14 : i32
        %shift_right_logical3A_413 = vector.broadcast %shift_right_logical3A_412 : i32 to vector<16xi32>
        %shift_right_logical3A_414 = arith.shrui %get3A_404, %shift_right_logical3A_413 : vector<16xi32>
        %swap3A_415 = arith.constant 16 : index
        %swap3A_416 = tpu.vector_load %arg8[%swap3A_415] {strides = array<i32>} : memref<128xi32, #tpu.memory_space<vmem>>, vector<16xi32>,
        %swap3A_417 = vector.shape_cast %swap3A_416 : vector<16xi32> to vector<16xi32>
        %swap3A_418 = vector.shape_cast %shift_right_logical3A_414 : vector<16xi32> to vector<16xi32>
        tpu.vector_store %arg8[%swap3A_415], %swap3A_418 {strides = array<i32>} : memref<128xi32, #tpu.memory_space<vmem>>, vector<16xi32>,
        %get3A_419 = arith.constant 0 : i32
        %get3A_420 = tpu.memref_slice %arg6[%add3A_378, %get3A_419] : memref<79x128xi32, #tpu.memory_space<vmem>> -> memref<1x128xi32, #tpu.memory_space<vmem>>
        %get3A_421 = tpu.memref_squeeze %get3A_420 : memref<1x128xi32, #tpu.memory_space<vmem>> -> memref<128xi32, #tpu.memory_space<vmem>>
        %get3A_422 = arith.constant 32 : index
        %get3A_423 = tpu.vector_load %get3A_421[%get3A_422] {strides = array<i32>} : memref<128xi32, #tpu.memory_space<vmem>>, vector<16xi32>,
        %get3A_424 = vector.shape_cast %get3A_423 : vector<16xi32> to vector<16xi32>
        %and3A_425 = arith.constant 16383 : i32
        %and3A_426 = vector.broadcast %and3A_425 : i32 to vector<16xi32>
        %and3A_427 = arith.andi %get3A_424, %and3A_426 : vector<16xi32>
        %swap3A_428 = arith.constant 32 : index
        %swap3A_429 = tpu.vector_load %arg7[%swap3A_428] {strides = array<i32>} : memref<128xi32, #tpu.memory_space<vmem>>, vector<16xi32>,
        %swap3A_430 = vector.shape_cast %swap3A_429 : vector<16xi32> to vector<16xi32>
        %swap3A_431 = vector.shape_cast %and3A_427 : vector<16xi32> to vector<16xi32>
        tpu.vector_store %arg7[%swap3A_428], %swap3A_431 {strides = array<i32>} : memref<128xi32, #tpu.memory_space<vmem>>, vector<16xi32>,
        %shift_right_logical3A_432 = arith.constant 14 : i32
        %shift_right_logical3A_433 = vector.broadcast %shift_right_logical3A_432 : i32 to vector<16xi32>
        %shift_right_logical3A_434 = arith.shrui %get3A_424, %shift_right_logical3A_433 : vector<16xi32>
        %swap3A_435 = arith.constant 32 : index
        %swap3A_436 = tpu.vector_load %arg8[%swap3A_435] {strides = array<i32>} : memref<128xi32, #tpu.memory_space<vmem>>, vector<16xi32>,
        %swap3A_437 = vector.shape_cast %swap3A_436 : vector<16xi32> to vector<16xi32>
        %swap3A_438 = vector.shape_cast %shift_right_logical3A_434 : vector<16xi32> to vector<16xi32>
        tpu.vector_store %arg8[%swap3A_435], %swap3A_438 {strides = array<i32>} : memref<128xi32, #tpu.memory_space<vmem>>, vector<16xi32>,
        %get3A_439 = arith.constant 0 : i32
        %get3A_440 = tpu.memref_slice %arg6[%add3A_378, %get3A_439] : memref<79x128xi32, #tpu.memory_space<vmem>> -> memref<1x128xi32, #tpu.memory_space<vmem>>
        %get3A_441 = tpu.memref_squeeze %get3A_440 : memref<1x128xi32, #tpu.memory_space<vmem>> -> memref<128xi32, #tpu.memory_space<vmem>>
        %get3A_442 = arith.constant 48 : index
        %get3A_443 = tpu.vector_load %get3A_441[%get3A_442] {strides = array<i32>} : memref<128xi32, #tpu.memory_space<vmem>>, vector<16xi32>,
        %get3A_444 = vector.shape_cast %get3A_443 : vector<16xi32> to vector<16xi32>
        %and3A_445 = arith.constant 16383 : i32
        %and3A_446 = vector.broadcast %and3A_445 : i32 to vector<16xi32>
        %and3A_447 = arith.andi %get3A_444, %and3A_446 : vector<16xi32>
        %swap3A_448 = arith.constant 48 : index
        %swap3A_449 = tpu.vector_load %arg7[%swap3A_448] {strides = array<i32>} : memref<128xi32, #tpu.memory_space<vmem>>, vector<16xi32>,
        %swap3A_450 = vector.shape_cast %swap3A_449 : vector<16xi32> to vector<16xi32>
        %swap3A_451 = vector.shape_cast %and3A_447 : vector<16xi32> to vector<16xi32>
        tpu.vector_store %arg7[%swap3A_448], %swap3A_451 {strides = array<i32>} : memref<128xi32, #tpu.memory_space<vmem>>, vector<16xi32>,
        %shift_right_logical3A_452 = arith.constant 14 : i32
        %shift_right_logical3A_453 = vector.broadcast %shift_right_logical3A_452 : i32 to vector<16xi32>
        %shift_right_logical3A_454 = arith.shrui %get3A_444, %shift_right_logical3A_453 : vector<16xi32>
        %swap3A_455 = arith.constant 48 : index
        %swap3A_456 = tpu.vector_load %arg8[%swap3A_455] {strides = array<i32>} : memref<128xi32, #tpu.memory_space<vmem>>, vector<16xi32>,
        %swap3A_457 = vector.shape_cast %swap3A_456 : vector<16xi32> to vector<16xi32>
        %swap3A_458 = vector.shape_cast %shift_right_logical3A_454 : vector<16xi32> to vector<16xi32>
        tpu.vector_store %arg8[%swap3A_455], %swap3A_458 {strides = array<i32>} : memref<128xi32, #tpu.memory_space<vmem>>, vector<16xi32>,
        %get3A_459 = arith.constant 0 : i32
        %get3A_460 = tpu.memref_slice %arg6[%add3A_378, %get3A_459] : memref<79x128xi32, #tpu.memory_space<vmem>> -> memref<1x128xi32, #tpu.memory_space<vmem>>
        %get3A_461 = tpu.memref_squeeze %get3A_460 : memref<1x128xi32, #tpu.memory_space<vmem>> -> memref<128xi32, #tpu.memory_space<vmem>>
        %get3A_462 = arith.constant 64 : index
        %get3A_463 = tpu.vector_load %get3A_461[%get3A_462] {strides = array<i32>} : memref<128xi32, #tpu.memory_space<vmem>>, vector<16xi32>,
        %get3A_464 = vector.shape_cast %get3A_463 : vector<16xi32> to vector<16xi32>
        %and3A_465 = arith.constant 16383 : i32
        %and3A_466 = vector.broadcast %and3A_465 : i32 to vector<16xi32>
        %and3A_467 = arith.andi %get3A_464, %and3A_466 : vector<16xi32>
        %swap3A_468 = arith.constant 64 : index
        %swap3A_469 = tpu.vector_load %arg7[%swap3A_468] {strides = array<i32>} : memref<128xi32, #tpu.memory_space<vmem>>, vector<16xi32>,
        %swap3A_470 = vector.shape_cast %swap3A_469 : vector<16xi32> to vector<16xi32>
        %swap3A_471 = vector.shape_cast %and3A_467 : vector<16xi32> to vector<16xi32>
        tpu.vector_store %arg7[%swap3A_468], %swap3A_471 {strides = array<i32>} : memref<128xi32, #tpu.memory_space<vmem>>, vector<16xi32>,
        %shift_right_logical3A_472 = arith.constant 14 : i32
        %shift_right_logical3A_473 = vector.broadcast %shift_right_logical3A_472 : i32 to vector<16xi32>
        %shift_right_logical3A_474 = arith.shrui %get3A_464, %shift_right_logical3A_473 : vector<16xi32>
        %swap3A_475 = arith.constant 64 : index
        %swap3A_476 = tpu.vector_load %arg8[%swap3A_475] {strides = array<i32>} : memref<128xi32, #tpu.memory_space<vmem>>, vector<16xi32>,
        %swap3A_477 = vector.shape_cast %swap3A_476 : vector<16xi32> to vector<16xi32>
        %swap3A_478 = vector.shape_cast %shift_right_logical3A_474 : vector<16xi32> to vector<16xi32>
        tpu.vector_store %arg8[%swap3A_475], %swap3A_478 {strides = array<i32>} : memref<128xi32, #tpu.memory_space<vmem>>, vector<16xi32>,
        %get3A_479 = arith.constant 0 : i32
        %get3A_480 = tpu.memref_slice %arg6[%add3A_378, %get3A_479] : memref<79x128xi32, #tpu.memory_space<vmem>> -> memref<1x128xi32, #tpu.memory_space<vmem>>
        %get3A_481 = tpu.memref_squeeze %get3A_480 : memref<1x128xi32, #tpu.memory_space<vmem>> -> memref<128xi32, #tpu.memory_space<vmem>>
        %get3A_482 = arith.constant 80 : index
        %get3A_483 = tpu.vector_load %get3A_481[%get3A_482] {strides = array<i32>} : memref<128xi32, #tpu.memory_space<vmem>>, vector<16xi32>,
        %get3A_484 = vector.shape_cast %get3A_483 : vector<16xi32> to vector<16xi32>
        %and3A_485 = arith.constant 16383 : i32
        %and3A_486 = vector.broadcast %and3A_485 : i32 to vector<16xi32>
        %and3A_487 = arith.andi %get3A_484, %and3A_486 : vector<16xi32>
        %swap3A_488 = arith.constant 80 : index
        %swap3A_489 = tpu.vector_load %arg7[%swap3A_488] {strides = array<i32>} : memref<128xi32, #tpu.memory_space<vmem>>, vector<16xi32>,
        %swap3A_490 = vector.shape_cast %swap3A_489 : vector<16xi32> to vector<16xi32>
        %swap3A_491 = vector.shape_cast %and3A_487 : vector<16xi32> to vector<16xi32>
        tpu.vector_store %arg7[%swap3A_488], %swap3A_491 {strides = array<i32>} : memref<128xi32, #tpu.memory_space<vmem>>, vector<16xi32>,
        %shift_right_logical3A_492 = arith.constant 14 : i32
        %shift_right_logical3A_493 = vector.broadcast %shift_right_logical3A_492 : i32 to vector<16xi32>
        %shift_right_logical3A_494 = arith.shrui %get3A_484, %shift_right_logical3A_493 : vector<16xi32>
        %swap3A_495 = arith.constant 80 : index
        %swap3A_496 = tpu.vector_load %arg8[%swap3A_495] {strides = array<i32>} : memref<128xi32, #tpu.memory_space<vmem>>, vector<16xi32>,
        %swap3A_497 = vector.shape_cast %swap3A_496 : vector<16xi32> to vector<16xi32>
        %swap3A_498 = vector.shape_cast %shift_right_logical3A_494 : vector<16xi32> to vector<16xi32>
        tpu.vector_store %arg8[%swap3A_495], %swap3A_498 {strides = array<i32>} : memref<128xi32, #tpu.memory_space<vmem>>, vector<16xi32>,
        %get3A_499 = arith.constant 0 : i32
        %get3A_500 = tpu.memref_slice %arg6[%add3A_378, %get3A_499] : memref<79x128xi32, #tpu.memory_space<vmem>> -> memref<1x128xi32, #tpu.memory_space<vmem>>
        %get3A_501 = tpu.memref_squeeze %get3A_500 : memref<1x128xi32, #tpu.memory_space<vmem>> -> memref<128xi32, #tpu.memory_space<vmem>>
        %get3A_502 = arith.constant 96 : index
        %get3A_503 = tpu.vector_load %get3A_501[%get3A_502] {strides = array<i32>} : memref<128xi32, #tpu.memory_space<vmem>>, vector<16xi32>,
        %get3A_504 = vector.shape_cast %get3A_503 : vector<16xi32> to vector<16xi32>
        %and3A_505 = arith.constant 16383 : i32
        %and3A_506 = vector.broadcast %and3A_505 : i32 to vector<16xi32>
        %and3A_507 = arith.andi %get3A_504, %and3A_506 : vector<16xi32>
        %swap3A_508 = arith.constant 96 : index
        %swap3A_509 = tpu.vector_load %arg7[%swap3A_508] {strides = array<i32>} : memref<128xi32, #tpu.memory_space<vmem>>, vector<16xi32>,
        %swap3A_510 = vector.shape_cast %swap3A_509 : vector<16xi32> to vector<16xi32>
        %swap3A_511 = vector.shape_cast %and3A_507 : vector<16xi32> to vector<16xi32>
        tpu.vector_store %arg7[%swap3A_508], %swap3A_511 {strides = array<i32>} : memref<128xi32, #tpu.memory_space<vmem>>, vector<16xi32>,
        %shift_right_logical3A_512 = arith.constant 14 : i32
        %shift_right_logical3A_513 = vector.broadcast %shift_right_logical3A_512 : i32 to vector<16xi32>
        %shift_right_logical3A_514 = arith.shrui %get3A_504, %shift_right_logical3A_513 : vector<16xi32>
        %swap3A_515 = arith.constant 96 : index
        %swap3A_516 = tpu.vector_load %arg8[%swap3A_515] {strides = array<i32>} : memref<128xi32, #tpu.memory_space<vmem>>, vector<16xi32>,
        %swap3A_517 = vector.shape_cast %swap3A_516 : vector<16xi32> to vector<16xi32>
        %swap3A_518 = vector.shape_cast %shift_right_logical3A_514 : vector<16xi32> to vector<16xi32>
        tpu.vector_store %arg8[%swap3A_515], %swap3A_518 {strides = array<i32>} : memref<128xi32, #tpu.memory_space<vmem>>, vector<16xi32>,
        %get3A_519 = arith.constant 0 : i32
        %get3A_520 = tpu.memref_slice %arg6[%add3A_378, %get3A_519] : memref<79x128xi32, #tpu.memory_space<vmem>> -> memref<1x128xi32, #tpu.memory_space<vmem>>
        %get3A_521 = tpu.memref_squeeze %get3A_520 : memref<1x128xi32, #tpu.memory_space<vmem>> -> memref<128xi32, #tpu.memory_space<vmem>>
        %get3A_522 = arith.constant 112 : index
        %get3A_523 = tpu.vector_load %get3A_521[%get3A_522] {strides = array<i32>} : memref<128xi32, #tpu.memory_space<vmem>>, vector<16xi32>,
        %get3A_524 = vector.shape_cast %get3A_523 : vector<16xi32> to vector<16xi32>
        %and3A_525 = arith.constant 16383 : i32
        %and3A_526 = vector.broadcast %and3A_525 : i32 to vector<16xi32>
        %and3A_527 = arith.andi %get3A_524, %and3A_526 : vector<16xi32>
        %swap3A_528 = arith.constant 112 : index
        %swap3A_529 = tpu.vector_load %arg7[%swap3A_528] {strides = array<i32>} : memref<128xi32, #tpu.memory_space<vmem>>, vector<16xi32>,
        %swap3A_530 = vector.shape_cast %swap3A_529 : vector<16xi32> to vector<16xi32>
        %swap3A_531 = vector.shape_cast %and3A_527 : vector<16xi32> to vector<16xi32>
        tpu.vector_store %arg7[%swap3A_528], %swap3A_531 {strides = array<i32>} : memref<128xi32, #tpu.memory_space<vmem>>, vector<16xi32>,
        %shift_right_logical3A_532 = arith.constant 14 : i32
        %shift_right_logical3A_533 = vector.broadcast %shift_right_logical3A_532 : i32 to vector<16xi32>
        %shift_right_logical3A_534 = arith.shrui %get3A_524, %shift_right_logical3A_533 : vector<16xi32>
        %swap3A_535 = arith.constant 112 : index
        %swap3A_536 = tpu.vector_load %arg8[%swap3A_535] {strides = array<i32>} : memref<128xi32, #tpu.memory_space<vmem>>, vector<16xi32>,
        %swap3A_537 = vector.shape_cast %swap3A_536 : vector<16xi32> to vector<16xi32>
        %swap3A_538 = vector.shape_cast %shift_right_logical3A_534 : vector<16xi32> to vector<16xi32>
        tpu.vector_store %arg8[%swap3A_535], %swap3A_538 {strides = array<i32>} : memref<128xi32, #tpu.memory_space<vmem>>, vector<16xi32>,
        %dma_start3A_539 = arith.constant 0 : i32
        %dma_start3A_540 = arith.constant 0 : i32
        %dma_start3A_541 = tpu.memref_slice %arg2[%dma_start3A_539, %dma_start3A_540] : memref<10000x128xf32, #tpu.memory_space<hbm>> -> memref<10000x128xf32, #tpu.memory_space<hbm>>
        tpu.enqueue_indirect_dma source(%dma_start3A_541 : memref<10000x128xf32, #tpu.memory_space<hbm>>) target(%arg11 : memref<128x128xf32, #tpu.memory_space<vmem>>) offsets(%arg7 : memref<128xi32, #tpu.memory_space<vmem>>) semaphore(%arg14 : memref<!tpu.dma_semaphore, #tpu.memory_space<semaphore_mem>>)
      } else {
      }
      %dma_wait3A_374 = arith.constant 0 : i32
      %dma_wait3A_375 = arith.constant 0 : i32
      %dma_wait3A_376 = tpu.memref_slice %arg2[%dma_wait3A_374, %dma_wait3A_375] : memref<10000x128xf32, #tpu.memory_space<hbm>> -> memref<10000x128xf32, #tpu.memory_space<hbm>>
      tpu.wait_indirect_dma semaphore(%arg14 : memref<!tpu.dma_semaphore, #tpu.memory_space<semaphore_mem>>) src(%dma_wait3A_376 : memref<10000x128xf32, #tpu.memory_space<hbm>>) dst(%arg12 : memref<128x128xf32, #tpu.memory_space<vmem>>)
      "tpu.region"() ({
        %run_scoped3A = tpu.sem_alloc : memref<!tpu.dma_semaphore, #tpu.memory_space<semaphore_mem>>
        %dma_start3A_377 = arith.constant 0 : i32
        %dma_start3A_378 = arith.constant 0 : i32
        %dma_start3A_379 = tpu.memref_slice %arg13[%dma_start3A_377, %dma_start3A_378] : memref<10240x128xf32, #tpu.memory_space<vmem_shared>> -> memref<10240x128xf32, #tpu.memory_space<vmem_shared>>
        tpu.enqueue_indirect_dma source(%arg12 : memref<128x128xf32, #tpu.memory_space<vmem>>) target(%dma_start3A_379 : memref<10240x128xf32, #tpu.memory_space<vmem_shared>>) offsets(%arg10 : memref<128xi32, #tpu.memory_space<vmem>>) semaphore(%run_scoped3A : memref<!tpu.dma_semaphore, #tpu.memory_space<semaphore_mem>>) {add = true}
        %dma_wait3A_380 = arith.constant 0 : i32
        %dma_wait3A_381 = arith.constant 0 : i32
        %dma_wait3A_382 = tpu.memref_slice %arg13[%dma_wait3A_380, %dma_wait3A_381] : memref<10240x128xf32, #tpu.memory_space<vmem_shared>> -> memref<10240x128xf32, #tpu.memory_space<vmem_shared>>
        tpu.wait_indirect_dma semaphore(%run_scoped3A : memref<!tpu.dma_semaphore, #tpu.memory_space<semaphore_mem>>) src(%arg12 : memref<128x128xf32, #tpu.memory_space<vmem>>) dst(%dma_wait3A_382 : memref<10240x128xf32, #tpu.memory_space<vmem_shared>>)
        tpu.yield
      }) : () -> ()
    }
    %scan3A_191 = arith.constant 39 : i32
    %dma_wait3A = arith.constant 0 : i32
    %dma_wait3A_192 = arith.constant 0 : i32
    %dma_wait3A_193 = tpu.memref_slice %arg2[%dma_wait3A, %dma_wait3A_192] : memref<10000x128xf32, #tpu.memory_space<hbm>> -> memref<10000x128xf32, #tpu.memory_space<hbm>>
    tpu.wait_indirect_dma semaphore(%arg14 : memref<!tpu.dma_semaphore, #tpu.memory_space<semaphore_mem>>) src(%dma_wait3A_193 : memref<10000x128xf32, #tpu.memory_space<hbm>>) dst(%arg11 : memref<128x128xf32, #tpu.memory_space<vmem>>)
    "tpu.region"() ({
      %run_scoped3A = tpu.sem_alloc : memref<!tpu.dma_semaphore, #tpu.memory_space<semaphore_mem>>
      %dma_start3A_199 = arith.constant 0 : i32
      %dma_start3A_200 = arith.constant 0 : i32
      %dma_start3A_201 = tpu.memref_slice %arg13[%dma_start3A_199, %dma_start3A_200] : memref<10240x128xf32, #tpu.memory_space<vmem_shared>> -> memref<10240x128xf32, #tpu.memory_space<vmem_shared>>
      tpu.enqueue_indirect_dma source(%arg11 : memref<128x128xf32, #tpu.memory_space<vmem>>) target(%dma_start3A_201 : memref<10240x128xf32, #tpu.memory_space<vmem_shared>>) offsets(%arg8 : memref<128xi32, #tpu.memory_space<vmem>>) semaphore(%run_scoped3A : memref<!tpu.dma_semaphore, #tpu.memory_space<semaphore_mem>>) {add = true}
      %dma_wait3A_202 = arith.constant 0 : i32
      %dma_wait3A_203 = arith.constant 0 : i32
      %dma_wait3A_204 = tpu.memref_slice %arg13[%dma_wait3A_202, %dma_wait3A_203] : memref<10240x128xf32, #tpu.memory_space<vmem_shared>> -> memref<10240x128xf32, #tpu.memory_space<vmem_shared>>
      tpu.wait_indirect_dma semaphore(%run_scoped3A : memref<!tpu.dma_semaphore, #tpu.memory_space<semaphore_mem>>) src(%arg11 : memref<128x128xf32, #tpu.memory_space<vmem>>) dst(%dma_wait3A_204 : memref<10240x128xf32, #tpu.memory_space<vmem_shared>>)
      tpu.yield
    }) : () -> ()
    %barrier3A_194 = arith.constant 0 : index
    tpu.barrier barrier_id(%barrier3A_194)
    %mul3A_195 = arith.constant 640 : i32
    %mul3A_196 = arith.muli %arg1, %mul3A_195 : i32
    %mul3A_197 = arith.constant 640 : i32
    %mul3A_198 = arith.muli %arg1, %mul3A_197 : i32
    "tpu.region"() ({
      %run_scoped3A = tpu.sem_alloc : memref<!tpu.dma_semaphore, #tpu.memory_space<semaphore_mem>>
      %dma_start3A_199 = arith.constant 0 : i32
      %dma_start3A_200 = tpu.memref_slice %arg5[%arg0, %mul3A_198, %dma_start3A_199] : memref<2x10240x128xf32, #tpu.memory_space<hbm>> -> memref<1x640x128xf32, #tpu.memory_space<hbm>>
      %dma_start3A_201 = tpu.memref_squeeze %dma_start3A_200 : memref<1x640x128xf32, #tpu.memory_space<hbm>> -> memref<640x128xf32, #tpu.memory_space<hbm>>
      %dma_start3A_202 = arith.constant 0 : i32
      %dma_start3A_203 = tpu.memref_slice %arg13[%mul3A_196, %dma_start3A_202] : memref<10240x128xf32, #tpu.memory_space<vmem_shared>> -> memref<640x128xf32, #tpu.memory_space<vmem_shared>>
      tpu.enqueue_dma source(%dma_start3A_203 : memref<640x128xf32, #tpu.memory_space<vmem_shared>>) target(%dma_start3A_201 : memref<640x128xf32, #tpu.memory_space<hbm>>) target_semaphore(%run_scoped3A : memref<!tpu.dma_semaphore, #tpu.memory_space<semaphore_mem>>)
      %dma_wait3A_204 = arith.constant 0 : i32
      %dma_wait3A_205 = tpu.memref_slice %arg5[%arg0, %mul3A_198, %dma_wait3A_204] : memref<2x10240x128xf32, #tpu.memory_space<hbm>> -> memref<1x640x128xf32, #tpu.memory_space<hbm>>
      %dma_wait3A_206 = tpu.memref_squeeze %dma_wait3A_205 : memref<1x640x128xf32, #tpu.memory_space<hbm>> -> memref<640x128xf32, #tpu.memory_space<hbm>>
      %dma_wait3A_207 = arith.constant 0 : i32
      %dma_wait3A_208 = tpu.memref_slice %arg13[%mul3A_196, %dma_wait3A_207] : memref<10240x128xf32, #tpu.memory_space<vmem_shared>> -> memref<640x128xf32, #tpu.memory_space<vmem_shared>>
      tpu.wait_dma2 semaphore(%run_scoped3A : memref<!tpu.dma_semaphore, #tpu.memory_space<semaphore_mem>>) src(%dma_wait3A_208 : memref<640x128xf32, #tpu.memory_space<vmem_shared>>) dst(%dma_wait3A_206 : memref<640x128xf32, #tpu.memory_space<hbm>>)
      tpu.yield
    }) : () -> ()
    return
  }
}

#map = affine_map<(d0, d1) -> (0, 0)>
#map1 = affine_map<(d0, d1) -> (0, 0, 0)>
module attributes {stable_mosaic.version = 14 : i64} {
  func.func @_sc_aggregate(%arg0: i32, %arg1: i32, %arg2: memref<10000x128xf32, #tpu.memory_space<hbm>>, %arg3: memref<32x79x128xi32, #tpu.memory_space<hbm>>, %arg4: memref<128x128xf32, #tpu.memory_space<hbm>>, %arg5: memref<2x10240x128xf32, #tpu.memory_space<hbm>>, %arg6: memref<79x128xi32, #tpu.memory_space<vmem>>, %arg7: memref<128xi32, #tpu.memory_space<vmem>>, %arg8: memref<128xi32, #tpu.memory_space<vmem>>, %arg9: memref<128xi32, #tpu.memory_space<vmem>>, %arg10: memref<128xi32, #tpu.memory_space<vmem>>, %arg11: memref<128x128xf32, #tpu.memory_space<vmem>>, %arg12: memref<128x128xf32, #tpu.memory_space<vmem>>, %arg13: memref<10240x128xf32, #tpu.memory_space<vmem_shared>>, %arg14: memref<!tpu.dma_semaphore, #tpu.memory_space<semaphore_mem>>) attributes {dimension_semantics = [#tpu.dimension_semantics<core_parallel>, #tpu.dimension_semantics<subcore_parallel>], iteration_bounds = array<i64: 2, 16>, scalar_prefetch = 0 : i64, scratch_operands = 9 : i64, tpu.core_type = #tpu.core_type<sc_vector_subcore>, window_params = [{transform_indices = #map}, {transform_indices = #map1}, {transform_indices = #map}, {transform_indices = #map1}]} {
    "tpu.region"() ({
      %run_scoped3A = tpu.sem_alloc : memref<!tpu.dma_semaphore, #tpu.memory_space<semaphore_mem>>
      tpu.enqueue_dma source(%arg4 : memref<128x128xf32, #tpu.memory_space<hbm>>) target(%arg11 : memref<128x128xf32, #tpu.memory_space<vmem>>) target_semaphore(%run_scoped3A : memref<!tpu.dma_semaphore, #tpu.memory_space<semaphore_mem>>)
      tpu.wait_dma2 semaphore(%run_scoped3A : memref<!tpu.dma_semaphore, #tpu.memory_space<semaphore_mem>>) src(%arg4 : memref<128x128xf32, #tpu.memory_space<hbm>>) dst(%arg11 : memref<128x128xf32, #tpu.memory_space<vmem>>)
      tpu.yield
    }) : () -> ()
    %mul3A = arith.constant 640 : i32
    %mul3A_0 = arith.muli %arg1, %mul3A : i32
    %add3A = arith.constant 0 : i32
    %add3A_1 = arith.addi %mul3A_0, %add3A : i32
    "tpu.region"() ({
      %run_scoped3A = tpu.sem_alloc : memref<!tpu.dma_semaphore, #tpu.memory_space<semaphore_mem>>
      %dma_start3A_199 = arith.constant 0 : i32
      %dma_start3A_200 = tpu.memref_slice %arg13[%add3A_1, %dma_start3A_199] : memref<10240x128xf32, #tpu.memory_space<vmem_shared>> -> memref<128x128xf32, #tpu.memory_space<vmem_shared>>
      %dma_start3A_201 = arith.constant 0 : i32
      %dma_start3A_202 = tpu.memref_slice %arg13[%add3A_1, %dma_start3A_201] : memref<10240x128xf32, #tpu.memory_space<vmem_shared>> -> memref<128x128xf32, #tpu.memory_space<vmem_shared>>
      tpu.enqueue_dma source(%arg11 : memref<128x128xf32, #tpu.memory_space<vmem>>) target(%dma_start3A_202 : memref<128x128xf32, #tpu.memory_space<vmem_shared>>) target_semaphore(%run_scoped3A : memref<!tpu.dma_semaphore, #tpu.memory_space<semaphore_mem>>)
      %dma_wait3A_203 = arith.constant 0 : i32
      %dma_wait3A_204 = tpu.memref_slice %arg13[%add3A_1, %dma_wait3A_203] : memref<10240x128xf32, #tpu.memory_space<vmem_shared>> -> memref<128x128xf32, #tpu.memory_space<vmem_shared>>
      %dma_wait3A_205 = arith.constant 0 : i32
      %dma_wait3A_206 = tpu.memref_slice %arg13[%add3A_1, %dma_wait3A_205] : memref<10240x128xf32, #tpu.memory_space<vmem_shared>> -> memref<128x128xf32, #tpu.memory_space<vmem_shared>>
      tpu.wait_dma2 semaphore(%run_scoped3A : memref<!tpu.dma_semaphore, #tpu.memory_space<semaphore_mem>>) src(%arg11 : memref<128x128xf32, #tpu.memory_space<vmem>>) dst(%dma_wait3A_206 : memref<128x128xf32, #tpu.memory_space<vmem_shared>>)
      tpu.yield
    }) : () -> ()
    %mul3A_2 = arith.constant 640 : i32
    %mul3A_3 = arith.muli %arg1, %mul3A_2 : i32
    %add3A_4 = arith.constant 128 : i32
    %add3A_5 = arith.addi %mul3A_3, %add3A_4 : i32
    "tpu.region"() ({
      %run_scoped3A = tpu.sem_alloc : memref<!tpu.dma_semaphore, #tpu.memory_space<semaphore_mem>>
      %dma_start3A_199 = arith.constant 0 : i32
      %dma_start3A_200 = tpu.memref_slice %arg13[%add3A_5, %dma_start3A_199] : memref<10240x128xf32, #tpu.memory_space<vmem_shared>> -> memref<128x128xf32, #tpu.memory_space<vmem_shared>>
      %dma_start3A_201 = arith.constant 0 : i32
      %dma_start3A_202 = tpu.memref_slice %arg13[%add3A_5, %dma_start3A_201] : memref<10240x128xf32, #tpu.memory_space<vmem_shared>> -> memref<128x128xf32, #tpu.memory_space<vmem_shared>>
      tpu.enqueue_dma source(%arg11 : memref<128x128xf32, #tpu.memory_space<vmem>>) target(%dma_start3A_202 : memref<128x128xf32, #tpu.memory_space<vmem_shared>>) target_semaphore(%run_scoped3A : memref<!tpu.dma_semaphore, #tpu.memory_space<semaphore_mem>>)
      %dma_wait3A_203 = arith.constant 0 : i32
      %dma_wait3A_204 = tpu.memref_slice %arg13[%add3A_5, %dma_wait3A_203] : memref<10240x128xf32, #tpu.memory_space<vmem_shared>> -> memref<128x128xf32, #tpu.memory_space<vmem_shared>>
      %dma_wait3A_205 = arith.constant 0 : i32
      %dma_wait3A_206 = tpu.memref_slice %arg13[%add3A_5, %dma_wait3A_205] : memref<10240x128xf32, #tpu.memory_space<vmem_shared>> -> memref<128x128xf32, #tpu.memory_space<vmem_shared>>
      tpu.wait_dma2 semaphore(%run_scoped3A : memref<!tpu.dma_semaphore, #tpu.memory_space<semaphore_mem>>) src(%arg11 : memref<128x128xf32, #tpu.memory_space<vmem>>) dst(%dma_wait3A_206 : memref<128x128xf32, #tpu.memory_space<vmem_shared>>)
      tpu.yield
    }) : () -> ()
    %mul3A_6 = arith.constant 640 : i32
    %mul3A_7 = arith.muli %arg1, %mul3A_6 : i32
    %add3A_8 = arith.constant 256 : i32
    %add3A_9 = arith.addi %mul3A_7, %add3A_8 : i32
    "tpu.region"() ({
      %run_scoped3A = tpu.sem_alloc : memref<!tpu.dma_semaphore, #tpu.memory_space<semaphore_mem>>
      %dma_start3A_199 = arith.constant 0 : i32
      %dma_start3A_200 = tpu.memref_slice %arg13[%add3A_9, %dma_start3A_199] : memref<10240x128xf32, #tpu.memory_space<vmem_shared>> -> memref<128x128xf32, #tpu.memory_space<vmem_shared>>
      %dma_start3A_201 = arith.constant 0 : i32
      %dma_start3A_202 = tpu.memref_slice %arg13[%add3A_9, %dma_start3A_201] : memref<10240x128xf32, #tpu.memory_space<vmem_shared>> -> memref<128x128xf32, #tpu.memory_space<vmem_shared>>
      tpu.enqueue_dma source(%arg11 : memref<128x128xf32, #tpu.memory_space<vmem>>) target(%dma_start3A_202 : memref<128x128xf32, #tpu.memory_space<vmem_shared>>) target_semaphore(%run_scoped3A : memref<!tpu.dma_semaphore, #tpu.memory_space<semaphore_mem>>)
      %dma_wait3A_203 = arith.constant 0 : i32
      %dma_wait3A_204 = tpu.memref_slice %arg13[%add3A_9, %dma_wait3A_203] : memref<10240x128xf32, #tpu.memory_space<vmem_shared>> -> memref<128x128xf32, #tpu.memory_space<vmem_shared>>
      %dma_wait3A_205 = arith.constant 0 : i32
      %dma_wait3A_206 = tpu.memref_slice %arg13[%add3A_9, %dma_wait3A_205] : memref<10240x128xf32, #tpu.memory_space<vmem_shared>> -> memref<128x128xf32, #tpu.memory_space<vmem_shared>>
      tpu.wait_dma2 semaphore(%run_scoped3A : memref<!tpu.dma_semaphore, #tpu.memory_space<semaphore_mem>>) src(%arg11 : memref<128x128xf32, #tpu.memory_space<vmem>>) dst(%dma_wait3A_206 : memref<128x128xf32, #tpu.memory_space<vmem_shared>>)
      tpu.yield
    }) : () -> ()
    %mul3A_10 = arith.constant 640 : i32
    %mul3A_11 = arith.muli %arg1, %mul3A_10 : i32
    %add3A_12 = arith.constant 384 : i32
    %add3A_13 = arith.addi %mul3A_11, %add3A_12 : i32
    "tpu.region"() ({
      %run_scoped3A = tpu.sem_alloc : memref<!tpu.dma_semaphore, #tpu.memory_space<semaphore_mem>>
      %dma_start3A_199 = arith.constant 0 : i32
      %dma_start3A_200 = tpu.memref_slice %arg13[%add3A_13, %dma_start3A_199] : memref<10240x128xf32, #tpu.memory_space<vmem_shared>> -> memref<128x128xf32, #tpu.memory_space<vmem_shared>>
      %dma_start3A_201 = arith.constant 0 : i32
      %dma_start3A_202 = tpu.memref_slice %arg13[%add3A_13, %dma_start3A_201] : memref<10240x128xf32, #tpu.memory_space<vmem_shared>> -> memref<128x128xf32, #tpu.memory_space<vmem_shared>>
      tpu.enqueue_dma source(%arg11 : memref<128x128xf32, #tpu.memory_space<vmem>>) target(%dma_start3A_202 : memref<128x128xf32, #tpu.memory_space<vmem_shared>>) target_semaphore(%run_scoped3A : memref<!tpu.dma_semaphore, #tpu.memory_space<semaphore_mem>>)
      %dma_wait3A_203 = arith.constant 0 : i32
      %dma_wait3A_204 = tpu.memref_slice %arg13[%add3A_13, %dma_wait3A_203] : memref<10240x128xf32, #tpu.memory_space<vmem_shared>> -> memref<128x128xf32, #tpu.memory_space<vmem_shared>>
      %dma_wait3A_205 = arith.constant 0 : i32
      %dma_wait3A_206 = tpu.memref_slice %arg13[%add3A_13, %dma_wait3A_205] : memref<10240x128xf32, #tpu.memory_space<vmem_shared>> -> memref<128x128xf32, #tpu.memory_space<vmem_shared>>
      tpu.wait_dma2 semaphore(%run_scoped3A : memref<!tpu.dma_semaphore, #tpu.memory_space<semaphore_mem>>) src(%arg11 : memref<128x128xf32, #tpu.memory_space<vmem>>) dst(%dma_wait3A_206 : memref<128x128xf32, #tpu.memory_space<vmem_shared>>)
      tpu.yield
    }) : () -> ()
    %mul3A_14 = arith.constant 640 : i32
    %mul3A_15 = arith.muli %arg1, %mul3A_14 : i32
    %add3A_16 = arith.constant 512 : i32
    %add3A_17 = arith.addi %mul3A_15, %add3A_16 : i32
    "tpu.region"() ({
      %run_scoped3A = tpu.sem_alloc : memref<!tpu.dma_semaphore, #tpu.memory_space<semaphore_mem>>
      %dma_start3A_199 = arith.constant 0 : i32
      %dma_start3A_200 = tpu.memref_slice %arg13[%add3A_17, %dma_start3A_199] : memref<10240x128xf32, #tpu.memory_space<vmem_shared>> -> memref<128x128xf32, #tpu.memory_space<vmem_shared>>
      %dma_start3A_201 = arith.constant 0 : i32
      %dma_start3A_202 = tpu.memref_slice %arg13[%add3A_17, %dma_start3A_201] : memref<10240x128xf32, #tpu.memory_space<vmem_shared>> -> memref<128x128xf32, #tpu.memory_space<vmem_shared>>
      tpu.enqueue_dma source(%arg11 : memref<128x128xf32, #tpu.memory_space<vmem>>) target(%dma_start3A_202 : memref<128x128xf32, #tpu.memory_space<vmem_shared>>) target_semaphore(%run_scoped3A : memref<!tpu.dma_semaphore, #tpu.memory_space<semaphore_mem>>)
      %dma_wait3A_203 = arith.constant 0 : i32
      %dma_wait3A_204 = tpu.memref_slice %arg13[%add3A_17, %dma_wait3A_203] : memref<10240x128xf32, #tpu.memory_space<vmem_shared>> -> memref<128x128xf32, #tpu.memory_space<vmem_shared>>
      %dma_wait3A_205 = arith.constant 0 : i32
      %dma_wait3A_206 = tpu.memref_slice %arg13[%add3A_17, %dma_wait3A_205] : memref<10240x128xf32, #tpu.memory_space<vmem_shared>> -> memref<128x128xf32, #tpu.memory_space<vmem_shared>>
      tpu.wait_dma2 semaphore(%run_scoped3A : memref<!tpu.dma_semaphore, #tpu.memory_space<semaphore_mem>>) src(%arg11 : memref<128x128xf32, #tpu.memory_space<vmem>>) dst(%dma_wait3A_206 : memref<128x128xf32, #tpu.memory_space<vmem_shared>>)
      tpu.yield
    }) : () -> ()
    %barrier3A = arith.constant 0 : index
    tpu.barrier barrier_id(%barrier3A)
    %mul3A_18 = arith.constant 16 : i32
    %mul3A_19 = arith.muli %arg0, %mul3A_18 : i32
    %add3A_20 = arith.addi %mul3A_19, %arg1 : i32
    "tpu.region"() ({
      %run_scoped3A = tpu.sem_alloc : memref<!tpu.dma_semaphore, #tpu.memory_space<semaphore_mem>>
      %dma_start3A_199 = arith.constant 0 : i32
      %dma_start3A_200 = arith.constant 0 : i32
      %dma_start3A_201 = tpu.memref_slice %arg3[%add3A_20, %dma_start3A_199, %dma_start3A_200] : memref<32x79x128xi32, #tpu.memory_space<hbm>> -> memref<1x79x128xi32, #tpu.memory_space<hbm>>
      %dma_start3A_202 = tpu.memref_squeeze %dma_start3A_201 : memref<1x79x128xi32, #tpu.memory_space<hbm>> -> memref<79x128xi32, #tpu.memory_space<hbm>>
      %dma_start3A_203 = arith.constant 0 : i32
      %dma_start3A_204 = arith.constant 0 : i32
      %dma_start3A_205 = tpu.memref_slice %arg3[%add3A_20, %dma_start3A_203, %dma_start3A_204] : memref<32x79x128xi32, #tpu.memory_space<hbm>> -> memref<1x79x128xi32, #tpu.memory_space<hbm>>
      %dma_start3A_206 = tpu.memref_squeeze %dma_start3A_205 : memref<1x79x128xi32, #tpu.memory_space<hbm>> -> memref<79x128xi32, #tpu.memory_space<hbm>>
      tpu.enqueue_dma source(%dma_start3A_206 : memref<79x128xi32, #tpu.memory_space<hbm>>) target(%arg6 : memref<79x128xi32, #tpu.memory_space<vmem>>) target_semaphore(%run_scoped3A : memref<!tpu.dma_semaphore, #tpu.memory_space<semaphore_mem>>)
      %dma_wait3A_207 = arith.constant 0 : i32
      %dma_wait3A_208 = arith.constant 0 : i32
      %dma_wait3A_209 = tpu.memref_slice %arg3[%add3A_20, %dma_wait3A_207, %dma_wait3A_208] : memref<32x79x128xi32, #tpu.memory_space<hbm>> -> memref<1x79x128xi32, #tpu.memory_space<hbm>>
      %dma_wait3A_210 = tpu.memref_squeeze %dma_wait3A_209 : memref<1x79x128xi32, #tpu.memory_space<hbm>> -> memref<79x128xi32, #tpu.memory_space<hbm>>
      %dma_wait3A_211 = arith.constant 0 : i32
      %dma_wait3A_212 = arith.constant 0 : i32
      %dma_wait3A_213 = tpu.memref_slice %arg3[%add3A_20, %dma_wait3A_211, %dma_wait3A_212] : memref<32x79x128xi32, #tpu.memory_space<hbm>> -> memref<1x79x128xi32, #tpu.memory_space<hbm>>
      %dma_wait3A_214 = tpu.memref_squeeze %dma_wait3A_213 : memref<1x79x128xi32, #tpu.memory_space<hbm>> -> memref<79x128xi32, #tpu.memory_space<hbm>>
      tpu.wait_dma2 semaphore(%run_scoped3A : memref<!tpu.dma_semaphore, #tpu.memory_space<semaphore_mem>>) src(%dma_wait3A_214 : memref<79x128xi32, #tpu.memory_space<hbm>>) dst(%arg6 : memref<79x128xi32, #tpu.memory_space<vmem>>)
      tpu.yield
    }) : () -> ()
    %get3A = arith.constant 0 : i32
    %get3A_21 = arith.constant 0 : i32
    %get3A_22 = tpu.memref_slice %arg6[%get3A, %get3A_21] : memref<79x128xi32, #tpu.memory_space<vmem>> -> memref<1x128xi32, #tpu.memory_space<vmem>>
    %get3A_23 = tpu.memref_squeeze %get3A_22 : memref<1x128xi32, #tpu.memory_space<vmem>> -> memref<128xi32, #tpu.memory_space<vmem>>
    %get3A_24 = arith.constant 0 : index
    %get3A_25 = tpu.vector_load %get3A_23[%get3A_24] {strides = array<i32>} : memref<128xi32, #tpu.memory_space<vmem>>, vector<16xi32>,
    %get3A_26 = vector.shape_cast %get3A_25 : vector<16xi32> to vector<16xi32>
    %and3A = arith.constant 16383 : i32
    %and3A_27 = vector.broadcast %and3A : i32 to vector<16xi32>
    %and3A_28 = arith.andi %get3A_26, %and3A_27 : vector<16xi32>
    %swap3A = arith.constant 0 : index
    %swap3A_29 = tpu.vector_load %arg7[%swap3A] {strides = array<i32>} : memref<128xi32, #tpu.memory_space<vmem>>, vector<16xi32>,
    %swap3A_30 = vector.shape_cast %swap3A_29 : vector<16xi32> to vector<16xi32>
    %swap3A_31 = vector.shape_cast %and3A_28 : vector<16xi32> to vector<16xi32>
    tpu.vector_store %arg7[%swap3A], %swap3A_31 {strides = array<i32>} : memref<128xi32, #tpu.memory_space<vmem>>, vector<16xi32>,
    %shift_right_logical3A = arith.constant 14 : i32
    %shift_right_logical3A_32 = vector.broadcast %shift_right_logical3A : i32 to vector<16xi32>
    %shift_right_logical3A_33 = arith.shrui %get3A_26, %shift_right_logical3A_32 : vector<16xi32>
    %swap3A_34 = arith.constant 0 : index
    %swap3A_35 = tpu.vector_load %arg8[%swap3A_34] {strides = array<i32>} : memref<128xi32, #tpu.memory_space<vmem>>, vector<16xi32>,
    %swap3A_36 = vector.shape_cast %swap3A_35 : vector<16xi32> to vector<16xi32>
    %swap3A_37 = vector.shape_cast %shift_right_logical3A_33 : vector<16xi32> to vector<16xi32>
    tpu.vector_store %arg8[%swap3A_34], %swap3A_37 {strides = array<i32>} : memref<128xi32, #tpu.memory_space<vmem>>, vector<16xi32>,
    %get3A_38 = arith.constant 0 : i32
    %get3A_39 = arith.constant 0 : i32
    %get3A_40 = tpu.memref_slice %arg6[%get3A_38, %get3A_39] : memref<79x128xi32, #tpu.memory_space<vmem>> -> memref<1x128xi32, #tpu.memory_space<vmem>>
    %get3A_41 = tpu.memref_squeeze %get3A_40 : memref<1x128xi32, #tpu.memory_space<vmem>> -> memref<128xi32, #tpu.memory_space<vmem>>
    %get3A_42 = arith.constant 16 : index
    %get3A_43 = tpu.vector_load %get3A_41[%get3A_42] {strides = array<i32>} : memref<128xi32, #tpu.memory_space<vmem>>, vector<16xi32>,
    %get3A_44 = vector.shape_cast %get3A_43 : vector<16xi32> to vector<16xi32>
    %and3A_45 = arith.constant 16383 : i32
    %and3A_46 = vector.broadcast %and3A_45 : i32 to vector<16xi32>
    %and3A_47 = arith.andi %get3A_44, %and3A_46 : vector<16xi32>
    %swap3A_48 = arith.constant 16 : index
    %swap3A_49 = tpu.vector_load %arg7[%swap3A_48] {strides = array<i32>} : memref<128xi32, #tpu.memory_space<vmem>>, vector<16xi32>,
    %swap3A_50 = vector.shape_cast %swap3A_49 : vector<16xi32> to vector<16xi32>
    %swap3A_51 = vector.shape_cast %and3A_47 : vector<16xi32> to vector<16xi32>
    tpu.vector_store %arg7[%swap3A_48], %swap3A_51 {strides = array<i32>} : memref<128xi32, #tpu.memory_space<vmem>>, vector<16xi32>,
    %shift_right_logical3A_52 = arith.constant 14 : i32
    %shift_right_logical3A_53 = vector.broadcast %shift_right_logical3A_52 : i32 to vector<16xi32>
    %shift_right_logical3A_54 = arith.shrui %get3A_44, %shift_right_logical3A_53 : vector<16xi32>
    %swap3A_55 = arith.constant 16 : index
    %swap3A_56 = tpu.vector_load %arg8[%swap3A_55] {strides = array<i32>} : memref<128xi32, #tpu.memory_space<vmem>>, vector<16xi32>,
    %swap3A_57 = vector.shape_cast %swap3A_56 : vector<16xi32> to vector<16xi32>
    %swap3A_58 = vector.shape_cast %shift_right_logical3A_54 : vector<16xi32> to vector<16xi32>
    tpu.vector_store %arg8[%swap3A_55], %swap3A_58 {strides = array<i32>} : memref<128xi32, #tpu.memory_space<vmem>>, vector<16xi32>,
    %get3A_59 = arith.constant 0 : i32
    %get3A_60 = arith.constant 0 : i32
    %get3A_61 = tpu.memref_slice %arg6[%get3A_59, %get3A_60] : memref<79x128xi32, #tpu.memory_space<vmem>> -> memref<1x128xi32, #tpu.memory_space<vmem>>
    %get3A_62 = tpu.memref_squeeze %get3A_61 : memref<1x128xi32, #tpu.memory_space<vmem>> -> memref<128xi32, #tpu.memory_space<vmem>>
    %get3A_63 = arith.constant 32 : index
    %get3A_64 = tpu.vector_load %get3A_62[%get3A_63] {strides = array<i32>} : memref<128xi32, #tpu.memory_space<vmem>>, vector<16xi32>,
    %get3A_65 = vector.shape_cast %get3A_64 : vector<16xi32> to vector<16xi32>
    %and3A_66 = arith.constant 16383 : i32
    %and3A_67 = vector.broadcast %and3A_66 : i32 to vector<16xi32>
    %and3A_68 = arith.andi %get3A_65, %and3A_67 : vector<16xi32>
    %swap3A_69 = arith.constant 32 : index
    %swap3A_70 = tpu.vector_load %arg7[%swap3A_69] {strides = array<i32>} : memref<128xi32, #tpu.memory_space<vmem>>, vector<16xi32>,
    %swap3A_71 = vector.shape_cast %swap3A_70 : vector<16xi32> to vector<16xi32>
    %swap3A_72 = vector.shape_cast %and3A_68 : vector<16xi32> to vector<16xi32>
    tpu.vector_store %arg7[%swap3A_69], %swap3A_72 {strides = array<i32>} : memref<128xi32, #tpu.memory_space<vmem>>, vector<16xi32>,
    %shift_right_logical3A_73 = arith.constant 14 : i32
    %shift_right_logical3A_74 = vector.broadcast %shift_right_logical3A_73 : i32 to vector<16xi32>
    %shift_right_logical3A_75 = arith.shrui %get3A_65, %shift_right_logical3A_74 : vector<16xi32>
    %swap3A_76 = arith.constant 32 : index
    %swap3A_77 = tpu.vector_load %arg8[%swap3A_76] {strides = array<i32>} : memref<128xi32, #tpu.memory_space<vmem>>, vector<16xi32>,
    %swap3A_78 = vector.shape_cast %swap3A_77 : vector<16xi32> to vector<16xi32>
    %swap3A_79 = vector.shape_cast %shift_right_logical3A_75 : vector<16xi32> to vector<16xi32>
    tpu.vector_store %arg8[%swap3A_76], %swap3A_79 {strides = array<i32>} : memref<128xi32, #tpu.memory_space<vmem>>, vector<16xi32>,
    %get3A_80 = arith.constant 0 : i32
    %get3A_81 = arith.constant 0 : i32
    %get3A_82 = tpu.memref_slice %arg6[%get3A_80, %get3A_81] : memref<79x128xi32, #tpu.memory_space<vmem>> -> memref<1x128xi32, #tpu.memory_space<vmem>>
    %get3A_83 = tpu.memref_squeeze %get3A_82 : memref<1x128xi32, #tpu.memory_space<vmem>> -> memref<128xi32, #tpu.memory_space<vmem>>
    %get3A_84 = arith.constant 48 : index
    %get3A_85 = tpu.vector_load %get3A_83[%get3A_84] {strides = array<i32>} : memref<128xi32, #tpu.memory_space<vmem>>, vector<16xi32>,
    %get3A_86 = vector.shape_cast %get3A_85 : vector<16xi32> to vector<16xi32>
    %and3A_87 = arith.constant 16383 : i32
    %and3A_88 = vector.broadcast %and3A_87 : i32 to vector<16xi32>
    %and3A_89 = arith.andi %get3A_86, %and3A_88 : vector<16xi32>
    %swap3A_90 = arith.constant 48 : index
    %swap3A_91 = tpu.vector_load %arg7[%swap3A_90] {strides = array<i32>} : memref<128xi32, #tpu.memory_space<vmem>>, vector<16xi32>,
    %swap3A_92 = vector.shape_cast %swap3A_91 : vector<16xi32> to vector<16xi32>
    %swap3A_93 = vector.shape_cast %and3A_89 : vector<16xi32> to vector<16xi32>
    tpu.vector_store %arg7[%swap3A_90], %swap3A_93 {strides = array<i32>} : memref<128xi32, #tpu.memory_space<vmem>>, vector<16xi32>,
    %shift_right_logical3A_94 = arith.constant 14 : i32
    %shift_right_logical3A_95 = vector.broadcast %shift_right_logical3A_94 : i32 to vector<16xi32>
    %shift_right_logical3A_96 = arith.shrui %get3A_86, %shift_right_logical3A_95 : vector<16xi32>
    %swap3A_97 = arith.constant 48 : index
    %swap3A_98 = tpu.vector_load %arg8[%swap3A_97] {strides = array<i32>} : memref<128xi32, #tpu.memory_space<vmem>>, vector<16xi32>,
    %swap3A_99 = vector.shape_cast %swap3A_98 : vector<16xi32> to vector<16xi32>
    %swap3A_100 = vector.shape_cast %shift_right_logical3A_96 : vector<16xi32> to vector<16xi32>
    tpu.vector_store %arg8[%swap3A_97], %swap3A_100 {strides = array<i32>} : memref<128xi32, #tpu.memory_space<vmem>>, vector<16xi32>,
    %get3A_101 = arith.constant 0 : i32
    %get3A_102 = arith.constant 0 : i32
    %get3A_103 = tpu.memref_slice %arg6[%get3A_101, %get3A_102] : memref<79x128xi32, #tpu.memory_space<vmem>> -> memref<1x128xi32, #tpu.memory_space<vmem>>
    %get3A_104 = tpu.memref_squeeze %get3A_103 : memref<1x128xi32, #tpu.memory_space<vmem>> -> memref<128xi32, #tpu.memory_space<vmem>>
    %get3A_105 = arith.constant 64 : index
    %get3A_106 = tpu.vector_load %get3A_104[%get3A_105] {strides = array<i32>} : memref<128xi32, #tpu.memory_space<vmem>>, vector<16xi32>,
    %get3A_107 = vector.shape_cast %get3A_106 : vector<16xi32> to vector<16xi32>
    %and3A_108 = arith.constant 16383 : i32
    %and3A_109 = vector.broadcast %and3A_108 : i32 to vector<16xi32>
    %and3A_110 = arith.andi %get3A_107, %and3A_109 : vector<16xi32>
    %swap3A_111 = arith.constant 64 : index
    %swap3A_112 = tpu.vector_load %arg7[%swap3A_111] {strides = array<i32>} : memref<128xi32, #tpu.memory_space<vmem>>, vector<16xi32>,
    %swap3A_113 = vector.shape_cast %swap3A_112 : vector<16xi32> to vector<16xi32>
    %swap3A_114 = vector.shape_cast %and3A_110 : vector<16xi32> to vector<16xi32>
    tpu.vector_store %arg7[%swap3A_111], %swap3A_114 {strides = array<i32>} : memref<128xi32, #tpu.memory_space<vmem>>, vector<16xi32>,
    %shift_right_logical3A_115 = arith.constant 14 : i32
    %shift_right_logical3A_116 = vector.broadcast %shift_right_logical3A_115 : i32 to vector<16xi32>
    %shift_right_logical3A_117 = arith.shrui %get3A_107, %shift_right_logical3A_116 : vector<16xi32>
    %swap3A_118 = arith.constant 64 : index
    %swap3A_119 = tpu.vector_load %arg8[%swap3A_118] {strides = array<i32>} : memref<128xi32, #tpu.memory_space<vmem>>, vector<16xi32>,
    %swap3A_120 = vector.shape_cast %swap3A_119 : vector<16xi32> to vector<16xi32>
    %swap3A_121 = vector.shape_cast %shift_right_logical3A_117 : vector<16xi32> to vector<16xi32>
    tpu.vector_store %arg8[%swap3A_118], %swap3A_121 {strides = array<i32>} : memref<128xi32, #tpu.memory_space<vmem>>, vector<16xi32>,
    %get3A_122 = arith.constant 0 : i32
    %get3A_123 = arith.constant 0 : i32
    %get3A_124 = tpu.memref_slice %arg6[%get3A_122, %get3A_123] : memref<79x128xi32, #tpu.memory_space<vmem>> -> memref<1x128xi32, #tpu.memory_space<vmem>>
    %get3A_125 = tpu.memref_squeeze %get3A_124 : memref<1x128xi32, #tpu.memory_space<vmem>> -> memref<128xi32, #tpu.memory_space<vmem>>
    %get3A_126 = arith.constant 80 : index
    %get3A_127 = tpu.vector_load %get3A_125[%get3A_126] {strides = array<i32>} : memref<128xi32, #tpu.memory_space<vmem>>, vector<16xi32>,
    %get3A_128 = vector.shape_cast %get3A_127 : vector<16xi32> to vector<16xi32>
    %and3A_129 = arith.constant 16383 : i32
    %and3A_130 = vector.broadcast %and3A_129 : i32 to vector<16xi32>
    %and3A_131 = arith.andi %get3A_128, %and3A_130 : vector<16xi32>
    %swap3A_132 = arith.constant 80 : index
    %swap3A_133 = tpu.vector_load %arg7[%swap3A_132] {strides = array<i32>} : memref<128xi32, #tpu.memory_space<vmem>>, vector<16xi32>,
    %swap3A_134 = vector.shape_cast %swap3A_133 : vector<16xi32> to vector<16xi32>
    %swap3A_135 = vector.shape_cast %and3A_131 : vector<16xi32> to vector<16xi32>
    tpu.vector_store %arg7[%swap3A_132], %swap3A_135 {strides = array<i32>} : memref<128xi32, #tpu.memory_space<vmem>>, vector<16xi32>,
    %shift_right_logical3A_136 = arith.constant 14 : i32
    %shift_right_logical3A_137 = vector.broadcast %shift_right_logical3A_136 : i32 to vector<16xi32>
    %shift_right_logical3A_138 = arith.shrui %get3A_128, %shift_right_logical3A_137 : vector<16xi32>
    %swap3A_139 = arith.constant 80 : index
    %swap3A_140 = tpu.vector_load %arg8[%swap3A_139] {strides = array<i32>} : memref<128xi32, #tpu.memory_space<vmem>>, vector<16xi32>,
    %swap3A_141 = vector.shape_cast %swap3A_140 : vector<16xi32> to vector<16xi32>
    %swap3A_142 = vector.shape_cast %shift_right_logical3A_138 : vector<16xi32> to vector<16xi32>
    tpu.vector_store %arg8[%swap3A_139], %swap3A_142 {strides = array<i32>} : memref<128xi32, #tpu.memory_space<vmem>>, vector<16xi32>,
    %get3A_143 = arith.constant 0 : i32
    %get3A_144 = arith.constant 0 : i32
    %get3A_145 = tpu.memref_slice %arg6[%get3A_143, %get3A_144] : memref<79x128xi32, #tpu.memory_space<vmem>> -> memref<1x128xi32, #tpu.memory_space<vmem>>
    %get3A_146 = tpu.memref_squeeze %get3A_145 : memref<1x128xi32, #tpu.memory_space<vmem>> -> memref<128xi32, #tpu.memory_space<vmem>>
    %get3A_147 = arith.constant 96 : index
    %get3A_148 = tpu.vector_load %get3A_146[%get3A_147] {strides = array<i32>} : memref<128xi32, #tpu.memory_space<vmem>>, vector<16xi32>,
    %get3A_149 = vector.shape_cast %get3A_148 : vector<16xi32> to vector<16xi32>
    %and3A_150 = arith.constant 16383 : i32
    %and3A_151 = vector.broadcast %and3A_150 : i32 to vector<16xi32>
    %and3A_152 = arith.andi %get3A_149, %and3A_151 : vector<16xi32>
    %swap3A_153 = arith.constant 96 : index
    %swap3A_154 = tpu.vector_load %arg7[%swap3A_153] {strides = array<i32>} : memref<128xi32, #tpu.memory_space<vmem>>, vector<16xi32>,
    %swap3A_155 = vector.shape_cast %swap3A_154 : vector<16xi32> to vector<16xi32>
    %swap3A_156 = vector.shape_cast %and3A_152 : vector<16xi32> to vector<16xi32>
    tpu.vector_store %arg7[%swap3A_153], %swap3A_156 {strides = array<i32>} : memref<128xi32, #tpu.memory_space<vmem>>, vector<16xi32>,
    %shift_right_logical3A_157 = arith.constant 14 : i32
    %shift_right_logical3A_158 = vector.broadcast %shift_right_logical3A_157 : i32 to vector<16xi32>
    %shift_right_logical3A_159 = arith.shrui %get3A_149, %shift_right_logical3A_158 : vector<16xi32>
    %swap3A_160 = arith.constant 96 : index
    %swap3A_161 = tpu.vector_load %arg8[%swap3A_160] {strides = array<i32>} : memref<128xi32, #tpu.memory_space<vmem>>, vector<16xi32>,
    %swap3A_162 = vector.shape_cast %swap3A_161 : vector<16xi32> to vector<16xi32>
    %swap3A_163 = vector.shape_cast %shift_right_logical3A_159 : vector<16xi32> to vector<16xi32>
    tpu.vector_store %arg8[%swap3A_160], %swap3A_163 {strides = array<i32>} : memref<128xi32, #tpu.memory_space<vmem>>, vector<16xi32>,
    %get3A_164 = arith.constant 0 : i32
    %get3A_165 = arith.constant 0 : i32
    %get3A_166 = tpu.memref_slice %arg6[%get3A_164, %get3A_165] : memref<79x128xi32, #tpu.memory_space<vmem>> -> memref<1x128xi32, #tpu.memory_space<vmem>>
    %get3A_167 = tpu.memref_squeeze %get3A_166 : memref<1x128xi32, #tpu.memory_space<vmem>> -> memref<128xi32, #tpu.memory_space<vmem>>
    %get3A_168 = arith.constant 112 : index
    %get3A_169 = tpu.vector_load %get3A_167[%get3A_168] {strides = array<i32>} : memref<128xi32, #tpu.memory_space<vmem>>, vector<16xi32>,
    %get3A_170 = vector.shape_cast %get3A_169 : vector<16xi32> to vector<16xi32>
    %and3A_171 = arith.constant 16383 : i32
    %and3A_172 = vector.broadcast %and3A_171 : i32 to vector<16xi32>
    %and3A_173 = arith.andi %get3A_170, %and3A_172 : vector<16xi32>
    %swap3A_174 = arith.constant 112 : index
    %swap3A_175 = tpu.vector_load %arg7[%swap3A_174] {strides = array<i32>} : memref<128xi32, #tpu.memory_space<vmem>>, vector<16xi32>,
    %swap3A_176 = vector.shape_cast %swap3A_175 : vector<16xi32> to vector<16xi32>
    %swap3A_177 = vector.shape_cast %and3A_173 : vector<16xi32> to vector<16xi32>
    tpu.vector_store %arg7[%swap3A_174], %swap3A_177 {strides = array<i32>} : memref<128xi32, #tpu.memory_space<vmem>>, vector<16xi32>,
    %shift_right_logical3A_178 = arith.constant 14 : i32
    %shift_right_logical3A_179 = vector.broadcast %shift_right_logical3A_178 : i32 to vector<16xi32>
    %shift_right_logical3A_180 = arith.shrui %get3A_170, %shift_right_logical3A_179 : vector<16xi32>
    %swap3A_181 = arith.constant 112 : index
    %swap3A_182 = tpu.vector_load %arg8[%swap3A_181] {strides = array<i32>} : memref<128xi32, #tpu.memory_space<vmem>>, vector<16xi32>,
    %swap3A_183 = vector.shape_cast %swap3A_182 : vector<16xi32> to vector<16xi32>
    %swap3A_184 = vector.shape_cast %shift_right_logical3A_180 : vector<16xi32> to vector<16xi32>
    tpu.vector_store %arg8[%swap3A_181], %swap3A_184 {strides = array<i32>} : memref<128xi32, #tpu.memory_space<vmem>>, vector<16xi32>,
    %dma_start3A = arith.constant 0 : i32
    %dma_start3A_185 = arith.constant 0 : i32
    %dma_start3A_186 = tpu.memref_slice %arg2[%dma_start3A, %dma_start3A_185] : memref<10000x128xf32, #tpu.memory_space<hbm>> -> memref<10000x128xf32, #tpu.memory_space<hbm>>
    tpu.enqueue_indirect_dma source(%dma_start3A_186 : memref<10000x128xf32, #tpu.memory_space<hbm>>) target(%arg11 : memref<128x128xf32, #tpu.memory_space<vmem>>) offsets(%arg7 : memref<128xi32, #tpu.memory_space<vmem>>) semaphore(%arg14 : memref<!tpu.dma_semaphore, #tpu.memory_space<semaphore_mem>>)
    %scan3A = arith.constant 0 : i32
    %scan3A_187 = arith.constant 0 : i32
    %scan3A_188 = arith.constant 39 : i32
    %scan3A_189 = arith.addi %scan3A_187, %scan3A_188 : i32
    %scan3A_190 = arith.constant 1 : i32
    scf.for %scan3A_199 = %scan3A_187 to %scan3A_189 step %scan3A_190  : i32 {
      %mul3A_200 = arith.constant 2 : i32
      %mul3A_201 = arith.muli %scan3A_199, %mul3A_200 : i32
      %add3A_202 = arith.constant 1 : i32
      %add3A_203 = arith.addi %mul3A_201, %add3A_202 : i32
      %get3A_204 = arith.constant 0 : i32
      %get3A_205 = tpu.memref_slice %arg6[%add3A_203, %get3A_204] : memref<79x128xi32, #tpu.memory_space<vmem>> -> memref<1x128xi32, #tpu.memory_space<vmem>>
      %get3A_206 = tpu.memref_squeeze %get3A_205 : memref<1x128xi32, #tpu.memory_space<vmem>> -> memref<128xi32, #tpu.memory_space<vmem>>
      %get3A_207 = arith.constant 0 : index
      %get3A_208 = tpu.vector_load %get3A_206[%get3A_207] {strides = array<i32>} : memref<128xi32, #tpu.memory_space<vmem>>, vector<16xi32>,
      %get3A_209 = vector.shape_cast %get3A_208 : vector<16xi32> to vector<16xi32>
      %and3A_210 = arith.constant 16383 : i32
      %and3A_211 = vector.broadcast %and3A_210 : i32 to vector<16xi32>
      %and3A_212 = arith.andi %get3A_209, %and3A_211 : vector<16xi32>
      %swap3A_213 = arith.constant 0 : index
      %swap3A_214 = tpu.vector_load %arg9[%swap3A_213] {strides = array<i32>} : memref<128xi32, #tpu.memory_space<vmem>>, vector<16xi32>,
      %swap3A_215 = vector.shape_cast %swap3A_214 : vector<16xi32> to vector<16xi32>
      %swap3A_216 = vector.shape_cast %and3A_212 : vector<16xi32> to vector<16xi32>
      tpu.vector_store %arg9[%swap3A_213], %swap3A_216 {strides = array<i32>} : memref<128xi32, #tpu.memory_space<vmem>>, vector<16xi32>,
      %shift_right_logical3A_217 = arith.constant 14 : i32
      %shift_right_logical3A_218 = vector.broadcast %shift_right_logical3A_217 : i32 to vector<16xi32>
      %shift_right_logical3A_219 = arith.shrui %get3A_209, %shift_right_logical3A_218 : vector<16xi32>
      %swap3A_220 = arith.constant 0 : index
      %swap3A_221 = tpu.vector_load %arg10[%swap3A_220] {strides = array<i32>} : memref<128xi32, #tpu.memory_space<vmem>>, vector<16xi32>,
      %swap3A_222 = vector.shape_cast %swap3A_221 : vector<16xi32> to vector<16xi32>
      %swap3A_223 = vector.shape_cast %shift_right_logical3A_219 : vector<16xi32> to vector<16xi32>
      tpu.vector_store %arg10[%swap3A_220], %swap3A_223 {strides = array<i32>} : memref<128xi32, #tpu.memory_space<vmem>>, vector<16xi32>,
      %get3A_224 = arith.constant 0 : i32
      %get3A_225 = tpu.memref_slice %arg6[%add3A_203, %get3A_224] : memref<79x128xi32, #tpu.memory_space<vmem>> -> memref<1x128xi32, #tpu.memory_space<vmem>>
      %get3A_226 = tpu.memref_squeeze %get3A_225 : memref<1x128xi32, #tpu.memory_space<vmem>> -> memref<128xi32, #tpu.memory_space<vmem>>
      %get3A_227 = arith.constant 16 : index
      %get3A_228 = tpu.vector_load %get3A_226[%get3A_227] {strides = array<i32>} : memref<128xi32, #tpu.memory_space<vmem>>, vector<16xi32>,
      %get3A_229 = vector.shape_cast %get3A_228 : vector<16xi32> to vector<16xi32>
      %and3A_230 = arith.constant 16383 : i32
      %and3A_231 = vector.broadcast %and3A_230 : i32 to vector<16xi32>
      %and3A_232 = arith.andi %get3A_229, %and3A_231 : vector<16xi32>
      %swap3A_233 = arith.constant 16 : index
      %swap3A_234 = tpu.vector_load %arg9[%swap3A_233] {strides = array<i32>} : memref<128xi32, #tpu.memory_space<vmem>>, vector<16xi32>,
      %swap3A_235 = vector.shape_cast %swap3A_234 : vector<16xi32> to vector<16xi32>
      %swap3A_236 = vector.shape_cast %and3A_232 : vector<16xi32> to vector<16xi32>
      tpu.vector_store %arg9[%swap3A_233], %swap3A_236 {strides = array<i32>} : memref<128xi32, #tpu.memory_space<vmem>>, vector<16xi32>,
      %shift_right_logical3A_237 = arith.constant 14 : i32
      %shift_right_logical3A_238 = vector.broadcast %shift_right_logical3A_237 : i32 to vector<16xi32>
      %shift_right_logical3A_239 = arith.shrui %get3A_229, %shift_right_logical3A_238 : vector<16xi32>
      %swap3A_240 = arith.constant 16 : index
      %swap3A_241 = tpu.vector_load %arg10[%swap3A_240] {strides = array<i32>} : memref<128xi32, #tpu.memory_space<vmem>>, vector<16xi32>,
      %swap3A_242 = vector.shape_cast %swap3A_241 : vector<16xi32> to vector<16xi32>
      %swap3A_243 = vector.shape_cast %shift_right_logical3A_239 : vector<16xi32> to vector<16xi32>
      tpu.vector_store %arg10[%swap3A_240], %swap3A_243 {strides = array<i32>} : memref<128xi32, #tpu.memory_space<vmem>>, vector<16xi32>,
      %get3A_244 = arith.constant 0 : i32
      %get3A_245 = tpu.memref_slice %arg6[%add3A_203, %get3A_244] : memref<79x128xi32, #tpu.memory_space<vmem>> -> memref<1x128xi32, #tpu.memory_space<vmem>>
      %get3A_246 = tpu.memref_squeeze %get3A_245 : memref<1x128xi32, #tpu.memory_space<vmem>> -> memref<128xi32, #tpu.memory_space<vmem>>
      %get3A_247 = arith.constant 32 : index
      %get3A_248 = tpu.vector_load %get3A_246[%get3A_247] {strides = array<i32>} : memref<128xi32, #tpu.memory_space<vmem>>, vector<16xi32>,
      %get3A_249 = vector.shape_cast %get3A_248 : vector<16xi32> to vector<16xi32>
      %and3A_250 = arith.constant 16383 : i32
      %and3A_251 = vector.broadcast %and3A_250 : i32 to vector<16xi32>
      %and3A_252 = arith.andi %get3A_249, %and3A_251 : vector<16xi32>
      %swap3A_253 = arith.constant 32 : index
      %swap3A_254 = tpu.vector_load %arg9[%swap3A_253] {strides = array<i32>} : memref<128xi32, #tpu.memory_space<vmem>>, vector<16xi32>,
      %swap3A_255 = vector.shape_cast %swap3A_254 : vector<16xi32> to vector<16xi32>
      %swap3A_256 = vector.shape_cast %and3A_252 : vector<16xi32> to vector<16xi32>
      tpu.vector_store %arg9[%swap3A_253], %swap3A_256 {strides = array<i32>} : memref<128xi32, #tpu.memory_space<vmem>>, vector<16xi32>,
      %shift_right_logical3A_257 = arith.constant 14 : i32
      %shift_right_logical3A_258 = vector.broadcast %shift_right_logical3A_257 : i32 to vector<16xi32>
      %shift_right_logical3A_259 = arith.shrui %get3A_249, %shift_right_logical3A_258 : vector<16xi32>
      %swap3A_260 = arith.constant 32 : index
      %swap3A_261 = tpu.vector_load %arg10[%swap3A_260] {strides = array<i32>} : memref<128xi32, #tpu.memory_space<vmem>>, vector<16xi32>,
      %swap3A_262 = vector.shape_cast %swap3A_261 : vector<16xi32> to vector<16xi32>
      %swap3A_263 = vector.shape_cast %shift_right_logical3A_259 : vector<16xi32> to vector<16xi32>
      tpu.vector_store %arg10[%swap3A_260], %swap3A_263 {strides = array<i32>} : memref<128xi32, #tpu.memory_space<vmem>>, vector<16xi32>,
      %get3A_264 = arith.constant 0 : i32
      %get3A_265 = tpu.memref_slice %arg6[%add3A_203, %get3A_264] : memref<79x128xi32, #tpu.memory_space<vmem>> -> memref<1x128xi32, #tpu.memory_space<vmem>>
      %get3A_266 = tpu.memref_squeeze %get3A_265 : memref<1x128xi32, #tpu.memory_space<vmem>> -> memref<128xi32, #tpu.memory_space<vmem>>
      %get3A_267 = arith.constant 48 : index
      %get3A_268 = tpu.vector_load %get3A_266[%get3A_267] {strides = array<i32>} : memref<128xi32, #tpu.memory_space<vmem>>, vector<16xi32>,
      %get3A_269 = vector.shape_cast %get3A_268 : vector<16xi32> to vector<16xi32>
      %and3A_270 = arith.constant 16383 : i32
      %and3A_271 = vector.broadcast %and3A_270 : i32 to vector<16xi32>
      %and3A_272 = arith.andi %get3A_269, %and3A_271 : vector<16xi32>
      %swap3A_273 = arith.constant 48 : index
      %swap3A_274 = tpu.vector_load %arg9[%swap3A_273] {strides = array<i32>} : memref<128xi32, #tpu.memory_space<vmem>>, vector<16xi32>,
      %swap3A_275 = vector.shape_cast %swap3A_274 : vector<16xi32> to vector<16xi32>
      %swap3A_276 = vector.shape_cast %and3A_272 : vector<16xi32> to vector<16xi32>
      tpu.vector_store %arg9[%swap3A_273], %swap3A_276 {strides = array<i32>} : memref<128xi32, #tpu.memory_space<vmem>>, vector<16xi32>,
      %shift_right_logical3A_277 = arith.constant 14 : i32
      %shift_right_logical3A_278 = vector.broadcast %shift_right_logical3A_277 : i32 to vector<16xi32>
      %shift_right_logical3A_279 = arith.shrui %get3A_269, %shift_right_logical3A_278 : vector<16xi32>
      %swap3A_280 = arith.constant 48 : index
      %swap3A_281 = tpu.vector_load %arg10[%swap3A_280] {strides = array<i32>} : memref<128xi32, #tpu.memory_space<vmem>>, vector<16xi32>,
      %swap3A_282 = vector.shape_cast %swap3A_281 : vector<16xi32> to vector<16xi32>
      %swap3A_283 = vector.shape_cast %shift_right_logical3A_279 : vector<16xi32> to vector<16xi32>
      tpu.vector_store %arg10[%swap3A_280], %swap3A_283 {strides = array<i32>} : memref<128xi32, #tpu.memory_space<vmem>>, vector<16xi32>,
      %get3A_284 = arith.constant 0 : i32
      %get3A_285 = tpu.memref_slice %arg6[%add3A_203, %get3A_284] : memref<79x128xi32, #tpu.memory_space<vmem>> -> memref<1x128xi32, #tpu.memory_space<vmem>>
      %get3A_286 = tpu.memref_squeeze %get3A_285 : memref<1x128xi32, #tpu.memory_space<vmem>> -> memref<128xi32, #tpu.memory_space<vmem>>
      %get3A_287 = arith.constant 64 : index
      %get3A_288 = tpu.vector_load %get3A_286[%get3A_287] {strides = array<i32>} : memref<128xi32, #tpu.memory_space<vmem>>, vector<16xi32>,
      %get3A_289 = vector.shape_cast %get3A_288 : vector<16xi32> to vector<16xi32>
      %and3A_290 = arith.constant 16383 : i32
      %and3A_291 = vector.broadcast %and3A_290 : i32 to vector<16xi32>
      %and3A_292 = arith.andi %get3A_289, %and3A_291 : vector<16xi32>
      %swap3A_293 = arith.constant 64 : index
      %swap3A_294 = tpu.vector_load %arg9[%swap3A_293] {strides = array<i32>} : memref<128xi32, #tpu.memory_space<vmem>>, vector<16xi32>,
      %swap3A_295 = vector.shape_cast %swap3A_294 : vector<16xi32> to vector<16xi32>
      %swap3A_296 = vector.shape_cast %and3A_292 : vector<16xi32> to vector<16xi32>
      tpu.vector_store %arg9[%swap3A_293], %swap3A_296 {strides = array<i32>} : memref<128xi32, #tpu.memory_space<vmem>>, vector<16xi32>,
      %shift_right_logical3A_297 = arith.constant 14 : i32
      %shift_right_logical3A_298 = vector.broadcast %shift_right_logical3A_297 : i32 to vector<16xi32>
      %shift_right_logical3A_299 = arith.shrui %get3A_289, %shift_right_logical3A_298 : vector<16xi32>
      %swap3A_300 = arith.constant 64 : index
      %swap3A_301 = tpu.vector_load %arg10[%swap3A_300] {strides = array<i32>} : memref<128xi32, #tpu.memory_space<vmem>>, vector<16xi32>,
      %swap3A_302 = vector.shape_cast %swap3A_301 : vector<16xi32> to vector<16xi32>
      %swap3A_303 = vector.shape_cast %shift_right_logical3A_299 : vector<16xi32> to vector<16xi32>
      tpu.vector_store %arg10[%swap3A_300], %swap3A_303 {strides = array<i32>} : memref<128xi32, #tpu.memory_space<vmem>>, vector<16xi32>,
      %get3A_304 = arith.constant 0 : i32
      %get3A_305 = tpu.memref_slice %arg6[%add3A_203, %get3A_304] : memref<79x128xi32, #tpu.memory_space<vmem>> -> memref<1x128xi32, #tpu.memory_space<vmem>>
      %get3A_306 = tpu.memref_squeeze %get3A_305 : memref<1x128xi32, #tpu.memory_space<vmem>> -> memref<128xi32, #tpu.memory_space<vmem>>
      %get3A_307 = arith.constant 80 : index
      %get3A_308 = tpu.vector_load %get3A_306[%get3A_307] {strides = array<i32>} : memref<128xi32, #tpu.memory_space<vmem>>, vector<16xi32>,
      %get3A_309 = vector.shape_cast %get3A_308 : vector<16xi32> to vector<16xi32>
      %and3A_310 = arith.constant 16383 : i32
      %and3A_311 = vector.broadcast %and3A_310 : i32 to vector<16xi32>
      %and3A_312 = arith.andi %get3A_309, %and3A_311 : vector<16xi32>
      %swap3A_313 = arith.constant 80 : index
      %swap3A_314 = tpu.vector_load %arg9[%swap3A_313] {strides = array<i32>} : memref<128xi32, #tpu.memory_space<vmem>>, vector<16xi32>,
      %swap3A_315 = vector.shape_cast %swap3A_314 : vector<16xi32> to vector<16xi32>
      %swap3A_316 = vector.shape_cast %and3A_312 : vector<16xi32> to vector<16xi32>
      tpu.vector_store %arg9[%swap3A_313], %swap3A_316 {strides = array<i32>} : memref<128xi32, #tpu.memory_space<vmem>>, vector<16xi32>,
      %shift_right_logical3A_317 = arith.constant 14 : i32
      %shift_right_logical3A_318 = vector.broadcast %shift_right_logical3A_317 : i32 to vector<16xi32>
      %shift_right_logical3A_319 = arith.shrui %get3A_309, %shift_right_logical3A_318 : vector<16xi32>
      %swap3A_320 = arith.constant 80 : index
      %swap3A_321 = tpu.vector_load %arg10[%swap3A_320] {strides = array<i32>} : memref<128xi32, #tpu.memory_space<vmem>>, vector<16xi32>,
      %swap3A_322 = vector.shape_cast %swap3A_321 : vector<16xi32> to vector<16xi32>
      %swap3A_323 = vector.shape_cast %shift_right_logical3A_319 : vector<16xi32> to vector<16xi32>
      tpu.vector_store %arg10[%swap3A_320], %swap3A_323 {strides = array<i32>} : memref<128xi32, #tpu.memory_space<vmem>>, vector<16xi32>,
      %get3A_324 = arith.constant 0 : i32
      %get3A_325 = tpu.memref_slice %arg6[%add3A_203, %get3A_324] : memref<79x128xi32, #tpu.memory_space<vmem>> -> memref<1x128xi32, #tpu.memory_space<vmem>>
      %get3A_326 = tpu.memref_squeeze %get3A_325 : memref<1x128xi32, #tpu.memory_space<vmem>> -> memref<128xi32, #tpu.memory_space<vmem>>
      %get3A_327 = arith.constant 96 : index
      %get3A_328 = tpu.vector_load %get3A_326[%get3A_327] {strides = array<i32>} : memref<128xi32, #tpu.memory_space<vmem>>, vector<16xi32>,
      %get3A_329 = vector.shape_cast %get3A_328 : vector<16xi32> to vector<16xi32>
      %and3A_330 = arith.constant 16383 : i32
      %and3A_331 = vector.broadcast %and3A_330 : i32 to vector<16xi32>
      %and3A_332 = arith.andi %get3A_329, %and3A_331 : vector<16xi32>
      %swap3A_333 = arith.constant 96 : index
      %swap3A_334 = tpu.vector_load %arg9[%swap3A_333] {strides = array<i32>} : memref<128xi32, #tpu.memory_space<vmem>>, vector<16xi32>,
      %swap3A_335 = vector.shape_cast %swap3A_334 : vector<16xi32> to vector<16xi32>
      %swap3A_336 = vector.shape_cast %and3A_332 : vector<16xi32> to vector<16xi32>
      tpu.vector_store %arg9[%swap3A_333], %swap3A_336 {strides = array<i32>} : memref<128xi32, #tpu.memory_space<vmem>>, vector<16xi32>,
      %shift_right_logical3A_337 = arith.constant 14 : i32
      %shift_right_logical3A_338 = vector.broadcast %shift_right_logical3A_337 : i32 to vector<16xi32>
      %shift_right_logical3A_339 = arith.shrui %get3A_329, %shift_right_logical3A_338 : vector<16xi32>
      %swap3A_340 = arith.constant 96 : index
      %swap3A_341 = tpu.vector_load %arg10[%swap3A_340] {strides = array<i32>} : memref<128xi32, #tpu.memory_space<vmem>>, vector<16xi32>,
      %swap3A_342 = vector.shape_cast %swap3A_341 : vector<16xi32> to vector<16xi32>
      %swap3A_343 = vector.shape_cast %shift_right_logical3A_339 : vector<16xi32> to vector<16xi32>
      tpu.vector_store %arg10[%swap3A_340], %swap3A_343 {strides = array<i32>} : memref<128xi32, #tpu.memory_space<vmem>>, vector<16xi32>,
      %get3A_344 = arith.constant 0 : i32
      %get3A_345 = tpu.memref_slice %arg6[%add3A_203, %get3A_344] : memref<79x128xi32, #tpu.memory_space<vmem>> -> memref<1x128xi32, #tpu.memory_space<vmem>>
      %get3A_346 = tpu.memref_squeeze %get3A_345 : memref<1x128xi32, #tpu.memory_space<vmem>> -> memref<128xi32, #tpu.memory_space<vmem>>
      %get3A_347 = arith.constant 112 : index
      %get3A_348 = tpu.vector_load %get3A_346[%get3A_347] {strides = array<i32>} : memref<128xi32, #tpu.memory_space<vmem>>, vector<16xi32>,
      %get3A_349 = vector.shape_cast %get3A_348 : vector<16xi32> to vector<16xi32>
      %and3A_350 = arith.constant 16383 : i32
      %and3A_351 = vector.broadcast %and3A_350 : i32 to vector<16xi32>
      %and3A_352 = arith.andi %get3A_349, %and3A_351 : vector<16xi32>
      %swap3A_353 = arith.constant 112 : index
      %swap3A_354 = tpu.vector_load %arg9[%swap3A_353] {strides = array<i32>} : memref<128xi32, #tpu.memory_space<vmem>>, vector<16xi32>,
      %swap3A_355 = vector.shape_cast %swap3A_354 : vector<16xi32> to vector<16xi32>
      %swap3A_356 = vector.shape_cast %and3A_352 : vector<16xi32> to vector<16xi32>
      tpu.vector_store %arg9[%swap3A_353], %swap3A_356 {strides = array<i32>} : memref<128xi32, #tpu.memory_space<vmem>>, vector<16xi32>,
      %shift_right_logical3A_357 = arith.constant 14 : i32
      %shift_right_logical3A_358 = vector.broadcast %shift_right_logical3A_357 : i32 to vector<16xi32>
      %shift_right_logical3A_359 = arith.shrui %get3A_349, %shift_right_logical3A_358 : vector<16xi32>
      %swap3A_360 = arith.constant 112 : index
      %swap3A_361 = tpu.vector_load %arg10[%swap3A_360] {strides = array<i32>} : memref<128xi32, #tpu.memory_space<vmem>>, vector<16xi32>,
      %swap3A_362 = vector.shape_cast %swap3A_361 : vector<16xi32> to vector<16xi32>
      %swap3A_363 = vector.shape_cast %shift_right_logical3A_359 : vector<16xi32> to vector<16xi32>
      tpu.vector_store %arg10[%swap3A_360], %swap3A_363 {strides = array<i32>} : memref<128xi32, #tpu.memory_space<vmem>>, vector<16xi32>,
      %dma_start3A_364 = arith.constant 0 : i32
      %dma_start3A_365 = arith.constant 0 : i32
      %dma_start3A_366 = tpu.memref_slice %arg2[%dma_start3A_364, %dma_start3A_365] : memref<10000x128xf32, #tpu.memory_space<hbm>> -> memref<10000x128xf32, #tpu.memory_space<hbm>>
      tpu.enqueue_indirect_dma source(%dma_start3A_366 : memref<10000x128xf32, #tpu.memory_space<hbm>>) target(%arg12 : memref<128x128xf32, #tpu.memory_space<vmem>>) offsets(%arg9 : memref<128xi32, #tpu.memory_space<vmem>>) semaphore(%arg14 : memref<!tpu.dma_semaphore, #tpu.memory_space<semaphore_mem>>)
      %dma_wait3A_367 = arith.constant 0 : i32
      %dma_wait3A_368 = arith.constant 0 : i32
      %dma_wait3A_369 = tpu.memref_slice %arg2[%dma_wait3A_367, %dma_wait3A_368] : memref<10000x128xf32, #tpu.memory_space<hbm>> -> memref<10000x128xf32, #tpu.memory_space<hbm>>
      tpu.wait_indirect_dma semaphore(%arg14 : memref<!tpu.dma_semaphore, #tpu.memory_space<semaphore_mem>>) src(%dma_wait3A_369 : memref<10000x128xf32, #tpu.memory_space<hbm>>) dst(%arg11 : memref<128x128xf32, #tpu.memory_space<vmem>>)
      "tpu.region"() ({
        %run_scoped3A = tpu.sem_alloc : memref<!tpu.dma_semaphore, #tpu.memory_space<semaphore_mem>>
        %dma_start3A_377 = arith.constant 0 : i32
        %dma_start3A_378 = arith.constant 0 : i32
        %dma_start3A_379 = tpu.memref_slice %arg13[%dma_start3A_377, %dma_start3A_378] : memref<10240x128xf32, #tpu.memory_space<vmem_shared>> -> memref<10240x128xf32, #tpu.memory_space<vmem_shared>>
        tpu.enqueue_indirect_dma source(%arg11 : memref<128x128xf32, #tpu.memory_space<vmem>>) target(%dma_start3A_379 : memref<10240x128xf32, #tpu.memory_space<vmem_shared>>) offsets(%arg8 : memref<128xi32, #tpu.memory_space<vmem>>) semaphore(%run_scoped3A : memref<!tpu.dma_semaphore, #tpu.memory_space<semaphore_mem>>) {add = true}
        %dma_wait3A_380 = arith.constant 0 : i32
        %dma_wait3A_381 = arith.constant 0 : i32
        %dma_wait3A_382 = tpu.memref_slice %arg13[%dma_wait3A_380, %dma_wait3A_381] : memref<10240x128xf32, #tpu.memory_space<vmem_shared>> -> memref<10240x128xf32, #tpu.memory_space<vmem_shared>>
        tpu.wait_indirect_dma semaphore(%run_scoped3A : memref<!tpu.dma_semaphore, #tpu.memory_space<semaphore_mem>>) src(%arg11 : memref<128x128xf32, #tpu.memory_space<vmem>>) dst(%dma_wait3A_382 : memref<10240x128xf32, #tpu.memory_space<vmem_shared>>)
        tpu.yield
      }) : () -> ()
      %add3A_370 = arith.constant 2 : i32
      %add3A_371 = arith.addi %mul3A_201, %add3A_370 : i32
      %lt3A = arith.constant 79 : i32
      %lt3A_372 = arith.cmpi slt, %add3A_371, %lt3A : i32
      %convert_element_type3A = arith.extui %lt3A_372 : i1 to i32
      %cond3A = arith.constant 0 : i32
      %cond3A_373 = arith.cmpi ne, %convert_element_type3A, %cond3A : i32
      scf.if %cond3A_373 {
        %add3A_377 = arith.constant 2 : i32
        %add3A_378 = arith.addi %mul3A_201, %add3A_377 : i32
        %get3A_379 = arith.constant 0 : i32
        %get3A_380 = tpu.memref_slice %arg6[%add3A_378, %get3A_379] : memref<79x128xi32, #tpu.memory_space<vmem>> -> memref<1x128xi32, #tpu.memory_space<vmem>>
        %get3A_381 = tpu.memref_squeeze %get3A_380 : memref<1x128xi32, #tpu.memory_space<vmem>> -> memref<128xi32, #tpu.memory_space<vmem>>
        %get3A_382 = arith.constant 0 : index
        %get3A_383 = tpu.vector_load %get3A_381[%get3A_382] {strides = array<i32>} : memref<128xi32, #tpu.memory_space<vmem>>, vector<16xi32>,
        %get3A_384 = vector.shape_cast %get3A_383 : vector<16xi32> to vector<16xi32>
        %and3A_385 = arith.constant 16383 : i32
        %and3A_386 = vector.broadcast %and3A_385 : i32 to vector<16xi32>
        %and3A_387 = arith.andi %get3A_384, %and3A_386 : vector<16xi32>
        %swap3A_388 = arith.constant 0 : index
        %swap3A_389 = tpu.vector_load %arg7[%swap3A_388] {strides = array<i32>} : memref<128xi32, #tpu.memory_space<vmem>>, vector<16xi32>,
        %swap3A_390 = vector.shape_cast %swap3A_389 : vector<16xi32> to vector<16xi32>
        %swap3A_391 = vector.shape_cast %and3A_387 : vector<16xi32> to vector<16xi32>
        tpu.vector_store %arg7[%swap3A_388], %swap3A_391 {strides = array<i32>} : memref<128xi32, #tpu.memory_space<vmem>>, vector<16xi32>,
        %shift_right_logical3A_392 = arith.constant 14 : i32
        %shift_right_logical3A_393 = vector.broadcast %shift_right_logical3A_392 : i32 to vector<16xi32>
        %shift_right_logical3A_394 = arith.shrui %get3A_384, %shift_right_logical3A_393 : vector<16xi32>
        %swap3A_395 = arith.constant 0 : index
        %swap3A_396 = tpu.vector_load %arg8[%swap3A_395] {strides = array<i32>} : memref<128xi32, #tpu.memory_space<vmem>>, vector<16xi32>,
        %swap3A_397 = vector.shape_cast %swap3A_396 : vector<16xi32> to vector<16xi32>
        %swap3A_398 = vector.shape_cast %shift_right_logical3A_394 : vector<16xi32> to vector<16xi32>
        tpu.vector_store %arg8[%swap3A_395], %swap3A_398 {strides = array<i32>} : memref<128xi32, #tpu.memory_space<vmem>>, vector<16xi32>,
        %get3A_399 = arith.constant 0 : i32
        %get3A_400 = tpu.memref_slice %arg6[%add3A_378, %get3A_399] : memref<79x128xi32, #tpu.memory_space<vmem>> -> memref<1x128xi32, #tpu.memory_space<vmem>>
        %get3A_401 = tpu.memref_squeeze %get3A_400 : memref<1x128xi32, #tpu.memory_space<vmem>> -> memref<128xi32, #tpu.memory_space<vmem>>
        %get3A_402 = arith.constant 16 : index
        %get3A_403 = tpu.vector_load %get3A_401[%get3A_402] {strides = array<i32>} : memref<128xi32, #tpu.memory_space<vmem>>, vector<16xi32>,
        %get3A_404 = vector.shape_cast %get3A_403 : vector<16xi32> to vector<16xi32>
        %and3A_405 = arith.constant 16383 : i32
        %and3A_406 = vector.broadcast %and3A_405 : i32 to vector<16xi32>
        %and3A_407 = arith.andi %get3A_404, %and3A_406 : vector<16xi32>
        %swap3A_408 = arith.constant 16 : index
        %swap3A_409 = tpu.vector_load %arg7[%swap3A_408] {strides = array<i32>} : memref<128xi32, #tpu.memory_space<vmem>>, vector<16xi32>,
        %swap3A_410 = vector.shape_cast %swap3A_409 : vector<16xi32> to vector<16xi32>
        %swap3A_411 = vector.shape_cast %and3A_407 : vector<16xi32> to vector<16xi32>
        tpu.vector_store %arg7[%swap3A_408], %swap3A_411 {strides = array<i32>} : memref<128xi32, #tpu.memory_space<vmem>>, vector<16xi32>,
        %shift_right_logical3A_412 = arith.constant 14 : i32
        %shift_right_logical3A_413 = vector.broadcast %shift_right_logical3A_412 : i32 to vector<16xi32>
        %shift_right_logical3A_414 = arith.shrui %get3A_404, %shift_right_logical3A_413 : vector<16xi32>
        %swap3A_415 = arith.constant 16 : index
        %swap3A_416 = tpu.vector_load %arg8[%swap3A_415] {strides = array<i32>} : memref<128xi32, #tpu.memory_space<vmem>>, vector<16xi32>,
        %swap3A_417 = vector.shape_cast %swap3A_416 : vector<16xi32> to vector<16xi32>
        %swap3A_418 = vector.shape_cast %shift_right_logical3A_414 : vector<16xi32> to vector<16xi32>
        tpu.vector_store %arg8[%swap3A_415], %swap3A_418 {strides = array<i32>} : memref<128xi32, #tpu.memory_space<vmem>>, vector<16xi32>,
        %get3A_419 = arith.constant 0 : i32
        %get3A_420 = tpu.memref_slice %arg6[%add3A_378, %get3A_419] : memref<79x128xi32, #tpu.memory_space<vmem>> -> memref<1x128xi32, #tpu.memory_space<vmem>>
        %get3A_421 = tpu.memref_squeeze %get3A_420 : memref<1x128xi32, #tpu.memory_space<vmem>> -> memref<128xi32, #tpu.memory_space<vmem>>
        %get3A_422 = arith.constant 32 : index
        %get3A_423 = tpu.vector_load %get3A_421[%get3A_422] {strides = array<i32>} : memref<128xi32, #tpu.memory_space<vmem>>, vector<16xi32>,
        %get3A_424 = vector.shape_cast %get3A_423 : vector<16xi32> to vector<16xi32>
        %and3A_425 = arith.constant 16383 : i32
        %and3A_426 = vector.broadcast %and3A_425 : i32 to vector<16xi32>
        %and3A_427 = arith.andi %get3A_424, %and3A_426 : vector<16xi32>
        %swap3A_428 = arith.constant 32 : index
        %swap3A_429 = tpu.vector_load %arg7[%swap3A_428] {strides = array<i32>} : memref<128xi32, #tpu.memory_space<vmem>>, vector<16xi32>,
        %swap3A_430 = vector.shape_cast %swap3A_429 : vector<16xi32> to vector<16xi32>
        %swap3A_431 = vector.shape_cast %and3A_427 : vector<16xi32> to vector<16xi32>
        tpu.vector_store %arg7[%swap3A_428], %swap3A_431 {strides = array<i32>} : memref<128xi32, #tpu.memory_space<vmem>>, vector<16xi32>,
        %shift_right_logical3A_432 = arith.constant 14 : i32
        %shift_right_logical3A_433 = vector.broadcast %shift_right_logical3A_432 : i32 to vector<16xi32>
        %shift_right_logical3A_434 = arith.shrui %get3A_424, %shift_right_logical3A_433 : vector<16xi32>
        %swap3A_435 = arith.constant 32 : index
        %swap3A_436 = tpu.vector_load %arg8[%swap3A_435] {strides = array<i32>} : memref<128xi32, #tpu.memory_space<vmem>>, vector<16xi32>,
        %swap3A_437 = vector.shape_cast %swap3A_436 : vector<16xi32> to vector<16xi32>
        %swap3A_438 = vector.shape_cast %shift_right_logical3A_434 : vector<16xi32> to vector<16xi32>
        tpu.vector_store %arg8[%swap3A_435], %swap3A_438 {strides = array<i32>} : memref<128xi32, #tpu.memory_space<vmem>>, vector<16xi32>,
        %get3A_439 = arith.constant 0 : i32
        %get3A_440 = tpu.memref_slice %arg6[%add3A_378, %get3A_439] : memref<79x128xi32, #tpu.memory_space<vmem>> -> memref<1x128xi32, #tpu.memory_space<vmem>>
        %get3A_441 = tpu.memref_squeeze %get3A_440 : memref<1x128xi32, #tpu.memory_space<vmem>> -> memref<128xi32, #tpu.memory_space<vmem>>
        %get3A_442 = arith.constant 48 : index
        %get3A_443 = tpu.vector_load %get3A_441[%get3A_442] {strides = array<i32>} : memref<128xi32, #tpu.memory_space<vmem>>, vector<16xi32>,
        %get3A_444 = vector.shape_cast %get3A_443 : vector<16xi32> to vector<16xi32>
        %and3A_445 = arith.constant 16383 : i32
        %and3A_446 = vector.broadcast %and3A_445 : i32 to vector<16xi32>
        %and3A_447 = arith.andi %get3A_444, %and3A_446 : vector<16xi32>
        %swap3A_448 = arith.constant 48 : index
        %swap3A_449 = tpu.vector_load %arg7[%swap3A_448] {strides = array<i32>} : memref<128xi32, #tpu.memory_space<vmem>>, vector<16xi32>,
        %swap3A_450 = vector.shape_cast %swap3A_449 : vector<16xi32> to vector<16xi32>
        %swap3A_451 = vector.shape_cast %and3A_447 : vector<16xi32> to vector<16xi32>
        tpu.vector_store %arg7[%swap3A_448], %swap3A_451 {strides = array<i32>} : memref<128xi32, #tpu.memory_space<vmem>>, vector<16xi32>,
        %shift_right_logical3A_452 = arith.constant 14 : i32
        %shift_right_logical3A_453 = vector.broadcast %shift_right_logical3A_452 : i32 to vector<16xi32>
        %shift_right_logical3A_454 = arith.shrui %get3A_444, %shift_right_logical3A_453 : vector<16xi32>
        %swap3A_455 = arith.constant 48 : index
        %swap3A_456 = tpu.vector_load %arg8[%swap3A_455] {strides = array<i32>} : memref<128xi32, #tpu.memory_space<vmem>>, vector<16xi32>,
        %swap3A_457 = vector.shape_cast %swap3A_456 : vector<16xi32> to vector<16xi32>
        %swap3A_458 = vector.shape_cast %shift_right_logical3A_454 : vector<16xi32> to vector<16xi32>
        tpu.vector_store %arg8[%swap3A_455], %swap3A_458 {strides = array<i32>} : memref<128xi32, #tpu.memory_space<vmem>>, vector<16xi32>,
        %get3A_459 = arith.constant 0 : i32
        %get3A_460 = tpu.memref_slice %arg6[%add3A_378, %get3A_459] : memref<79x128xi32, #tpu.memory_space<vmem>> -> memref<1x128xi32, #tpu.memory_space<vmem>>
        %get3A_461 = tpu.memref_squeeze %get3A_460 : memref<1x128xi32, #tpu.memory_space<vmem>> -> memref<128xi32, #tpu.memory_space<vmem>>
        %get3A_462 = arith.constant 64 : index
        %get3A_463 = tpu.vector_load %get3A_461[%get3A_462] {strides = array<i32>} : memref<128xi32, #tpu.memory_space<vmem>>, vector<16xi32>,
        %get3A_464 = vector.shape_cast %get3A_463 : vector<16xi32> to vector<16xi32>
        %and3A_465 = arith.constant 16383 : i32
        %and3A_466 = vector.broadcast %and3A_465 : i32 to vector<16xi32>
        %and3A_467 = arith.andi %get3A_464, %and3A_466 : vector<16xi32>
        %swap3A_468 = arith.constant 64 : index
        %swap3A_469 = tpu.vector_load %arg7[%swap3A_468] {strides = array<i32>} : memref<128xi32, #tpu.memory_space<vmem>>, vector<16xi32>,
        %swap3A_470 = vector.shape_cast %swap3A_469 : vector<16xi32> to vector<16xi32>
        %swap3A_471 = vector.shape_cast %and3A_467 : vector<16xi32> to vector<16xi32>
        tpu.vector_store %arg7[%swap3A_468], %swap3A_471 {strides = array<i32>} : memref<128xi32, #tpu.memory_space<vmem>>, vector<16xi32>,
        %shift_right_logical3A_472 = arith.constant 14 : i32
        %shift_right_logical3A_473 = vector.broadcast %shift_right_logical3A_472 : i32 to vector<16xi32>
        %shift_right_logical3A_474 = arith.shrui %get3A_464, %shift_right_logical3A_473 : vector<16xi32>
        %swap3A_475 = arith.constant 64 : index
        %swap3A_476 = tpu.vector_load %arg8[%swap3A_475] {strides = array<i32>} : memref<128xi32, #tpu.memory_space<vmem>>, vector<16xi32>,
        %swap3A_477 = vector.shape_cast %swap3A_476 : vector<16xi32> to vector<16xi32>
        %swap3A_478 = vector.shape_cast %shift_right_logical3A_474 : vector<16xi32> to vector<16xi32>
        tpu.vector_store %arg8[%swap3A_475], %swap3A_478 {strides = array<i32>} : memref<128xi32, #tpu.memory_space<vmem>>, vector<16xi32>,
        %get3A_479 = arith.constant 0 : i32
        %get3A_480 = tpu.memref_slice %arg6[%add3A_378, %get3A_479] : memref<79x128xi32, #tpu.memory_space<vmem>> -> memref<1x128xi32, #tpu.memory_space<vmem>>
        %get3A_481 = tpu.memref_squeeze %get3A_480 : memref<1x128xi32, #tpu.memory_space<vmem>> -> memref<128xi32, #tpu.memory_space<vmem>>
        %get3A_482 = arith.constant 80 : index
        %get3A_483 = tpu.vector_load %get3A_481[%get3A_482] {strides = array<i32>} : memref<128xi32, #tpu.memory_space<vmem>>, vector<16xi32>,
        %get3A_484 = vector.shape_cast %get3A_483 : vector<16xi32> to vector<16xi32>
        %and3A_485 = arith.constant 16383 : i32
        %and3A_486 = vector.broadcast %and3A_485 : i32 to vector<16xi32>
        %and3A_487 = arith.andi %get3A_484, %and3A_486 : vector<16xi32>
        %swap3A_488 = arith.constant 80 : index
        %swap3A_489 = tpu.vector_load %arg7[%swap3A_488] {strides = array<i32>} : memref<128xi32, #tpu.memory_space<vmem>>, vector<16xi32>,
        %swap3A_490 = vector.shape_cast %swap3A_489 : vector<16xi32> to vector<16xi32>
        %swap3A_491 = vector.shape_cast %and3A_487 : vector<16xi32> to vector<16xi32>
        tpu.vector_store %arg7[%swap3A_488], %swap3A_491 {strides = array<i32>} : memref<128xi32, #tpu.memory_space<vmem>>, vector<16xi32>,
        %shift_right_logical3A_492 = arith.constant 14 : i32
        %shift_right_logical3A_493 = vector.broadcast %shift_right_logical3A_492 : i32 to vector<16xi32>
        %shift_right_logical3A_494 = arith.shrui %get3A_484, %shift_right_logical3A_493 : vector<16xi32>
        %swap3A_495 = arith.constant 80 : index
        %swap3A_496 = tpu.vector_load %arg8[%swap3A_495] {strides = array<i32>} : memref<128xi32, #tpu.memory_space<vmem>>, vector<16xi32>,
        %swap3A_497 = vector.shape_cast %swap3A_496 : vector<16xi32> to vector<16xi32>
        %swap3A_498 = vector.shape_cast %shift_right_logical3A_494 : vector<16xi32> to vector<16xi32>
        tpu.vector_store %arg8[%swap3A_495], %swap3A_498 {strides = array<i32>} : memref<128xi32, #tpu.memory_space<vmem>>, vector<16xi32>,
        %get3A_499 = arith.constant 0 : i32
        %get3A_500 = tpu.memref_slice %arg6[%add3A_378, %get3A_499] : memref<79x128xi32, #tpu.memory_space<vmem>> -> memref<1x128xi32, #tpu.memory_space<vmem>>
        %get3A_501 = tpu.memref_squeeze %get3A_500 : memref<1x128xi32, #tpu.memory_space<vmem>> -> memref<128xi32, #tpu.memory_space<vmem>>
        %get3A_502 = arith.constant 96 : index
        %get3A_503 = tpu.vector_load %get3A_501[%get3A_502] {strides = array<i32>} : memref<128xi32, #tpu.memory_space<vmem>>, vector<16xi32>,
        %get3A_504 = vector.shape_cast %get3A_503 : vector<16xi32> to vector<16xi32>
        %and3A_505 = arith.constant 16383 : i32
        %and3A_506 = vector.broadcast %and3A_505 : i32 to vector<16xi32>
        %and3A_507 = arith.andi %get3A_504, %and3A_506 : vector<16xi32>
        %swap3A_508 = arith.constant 96 : index
        %swap3A_509 = tpu.vector_load %arg7[%swap3A_508] {strides = array<i32>} : memref<128xi32, #tpu.memory_space<vmem>>, vector<16xi32>,
        %swap3A_510 = vector.shape_cast %swap3A_509 : vector<16xi32> to vector<16xi32>
        %swap3A_511 = vector.shape_cast %and3A_507 : vector<16xi32> to vector<16xi32>
        tpu.vector_store %arg7[%swap3A_508], %swap3A_511 {strides = array<i32>} : memref<128xi32, #tpu.memory_space<vmem>>, vector<16xi32>,
        %shift_right_logical3A_512 = arith.constant 14 : i32
        %shift_right_logical3A_513 = vector.broadcast %shift_right_logical3A_512 : i32 to vector<16xi32>
        %shift_right_logical3A_514 = arith.shrui %get3A_504, %shift_right_logical3A_513 : vector<16xi32>
        %swap3A_515 = arith.constant 96 : index
        %swap3A_516 = tpu.vector_load %arg8[%swap3A_515] {strides = array<i32>} : memref<128xi32, #tpu.memory_space<vmem>>, vector<16xi32>,
        %swap3A_517 = vector.shape_cast %swap3A_516 : vector<16xi32> to vector<16xi32>
        %swap3A_518 = vector.shape_cast %shift_right_logical3A_514 : vector<16xi32> to vector<16xi32>
        tpu.vector_store %arg8[%swap3A_515], %swap3A_518 {strides = array<i32>} : memref<128xi32, #tpu.memory_space<vmem>>, vector<16xi32>,
        %get3A_519 = arith.constant 0 : i32
        %get3A_520 = tpu.memref_slice %arg6[%add3A_378, %get3A_519] : memref<79x128xi32, #tpu.memory_space<vmem>> -> memref<1x128xi32, #tpu.memory_space<vmem>>
        %get3A_521 = tpu.memref_squeeze %get3A_520 : memref<1x128xi32, #tpu.memory_space<vmem>> -> memref<128xi32, #tpu.memory_space<vmem>>
        %get3A_522 = arith.constant 112 : index
        %get3A_523 = tpu.vector_load %get3A_521[%get3A_522] {strides = array<i32>} : memref<128xi32, #tpu.memory_space<vmem>>, vector<16xi32>,
        %get3A_524 = vector.shape_cast %get3A_523 : vector<16xi32> to vector<16xi32>
        %and3A_525 = arith.constant 16383 : i32
        %and3A_526 = vector.broadcast %and3A_525 : i32 to vector<16xi32>
        %and3A_527 = arith.andi %get3A_524, %and3A_526 : vector<16xi32>
        %swap3A_528 = arith.constant 112 : index
        %swap3A_529 = tpu.vector_load %arg7[%swap3A_528] {strides = array<i32>} : memref<128xi32, #tpu.memory_space<vmem>>, vector<16xi32>,
        %swap3A_530 = vector.shape_cast %swap3A_529 : vector<16xi32> to vector<16xi32>
        %swap3A_531 = vector.shape_cast %and3A_527 : vector<16xi32> to vector<16xi32>
        tpu.vector_store %arg7[%swap3A_528], %swap3A_531 {strides = array<i32>} : memref<128xi32, #tpu.memory_space<vmem>>, vector<16xi32>,
        %shift_right_logical3A_532 = arith.constant 14 : i32
        %shift_right_logical3A_533 = vector.broadcast %shift_right_logical3A_532 : i32 to vector<16xi32>
        %shift_right_logical3A_534 = arith.shrui %get3A_524, %shift_right_logical3A_533 : vector<16xi32>
        %swap3A_535 = arith.constant 112 : index
        %swap3A_536 = tpu.vector_load %arg8[%swap3A_535] {strides = array<i32>} : memref<128xi32, #tpu.memory_space<vmem>>, vector<16xi32>,
        %swap3A_537 = vector.shape_cast %swap3A_536 : vector<16xi32> to vector<16xi32>
        %swap3A_538 = vector.shape_cast %shift_right_logical3A_534 : vector<16xi32> to vector<16xi32>
        tpu.vector_store %arg8[%swap3A_535], %swap3A_538 {strides = array<i32>} : memref<128xi32, #tpu.memory_space<vmem>>, vector<16xi32>,
        %dma_start3A_539 = arith.constant 0 : i32
        %dma_start3A_540 = arith.constant 0 : i32
        %dma_start3A_541 = tpu.memref_slice %arg2[%dma_start3A_539, %dma_start3A_540] : memref<10000x128xf32, #tpu.memory_space<hbm>> -> memref<10000x128xf32, #tpu.memory_space<hbm>>
        tpu.enqueue_indirect_dma source(%dma_start3A_541 : memref<10000x128xf32, #tpu.memory_space<hbm>>) target(%arg11 : memref<128x128xf32, #tpu.memory_space<vmem>>) offsets(%arg7 : memref<128xi32, #tpu.memory_space<vmem>>) semaphore(%arg14 : memref<!tpu.dma_semaphore, #tpu.memory_space<semaphore_mem>>)
      } else {
      }
      %dma_wait3A_374 = arith.constant 0 : i32
      %dma_wait3A_375 = arith.constant 0 : i32
      %dma_wait3A_376 = tpu.memref_slice %arg2[%dma_wait3A_374, %dma_wait3A_375] : memref<10000x128xf32, #tpu.memory_space<hbm>> -> memref<10000x128xf32, #tpu.memory_space<hbm>>
      tpu.wait_indirect_dma semaphore(%arg14 : memref<!tpu.dma_semaphore, #tpu.memory_space<semaphore_mem>>) src(%dma_wait3A_376 : memref<10000x128xf32, #tpu.memory_space<hbm>>) dst(%arg12 : memref<128x128xf32, #tpu.memory_space<vmem>>)
      "tpu.region"() ({
        %run_scoped3A = tpu.sem_alloc : memref<!tpu.dma_semaphore, #tpu.memory_space<semaphore_mem>>
        %dma_start3A_377 = arith.constant 0 : i32
        %dma_start3A_378 = arith.constant 0 : i32
        %dma_start3A_379 = tpu.memref_slice %arg13[%dma_start3A_377, %dma_start3A_378] : memref<10240x128xf32, #tpu.memory_space<vmem_shared>> -> memref<10240x128xf32, #tpu.memory_space<vmem_shared>>
        tpu.enqueue_indirect_dma source(%arg12 : memref<128x128xf32, #tpu.memory_space<vmem>>) target(%dma_start3A_379 : memref<10240x128xf32, #tpu.memory_space<vmem_shared>>) offsets(%arg10 : memref<128xi32, #tpu.memory_space<vmem>>) semaphore(%run_scoped3A : memref<!tpu.dma_semaphore, #tpu.memory_space<semaphore_mem>>) {add = true}
        %dma_wait3A_380 = arith.constant 0 : i32
        %dma_wait3A_381 = arith.constant 0 : i32
        %dma_wait3A_382 = tpu.memref_slice %arg13[%dma_wait3A_380, %dma_wait3A_381] : memref<10240x128xf32, #tpu.memory_space<vmem_shared>> -> memref<10240x128xf32, #tpu.memory_space<vmem_shared>>
        tpu.wait_indirect_dma semaphore(%run_scoped3A : memref<!tpu.dma_semaphore, #tpu.memory_space<semaphore_mem>>) src(%arg12 : memref<128x128xf32, #tpu.memory_space<vmem>>) dst(%dma_wait3A_382 : memref<10240x128xf32, #tpu.memory_space<vmem_shared>>)
        tpu.yield
      }) : () -> ()
    }
    %scan3A_191 = arith.constant 39 : i32
    %dma_wait3A = arith.constant 0 : i32
    %dma_wait3A_192 = arith.constant 0 : i32
    %dma_wait3A_193 = tpu.memref_slice %arg2[%dma_wait3A, %dma_wait3A_192] : memref<10000x128xf32, #tpu.memory_space<hbm>> -> memref<10000x128xf32, #tpu.memory_space<hbm>>
    tpu.wait_indirect_dma semaphore(%arg14 : memref<!tpu.dma_semaphore, #tpu.memory_space<semaphore_mem>>) src(%dma_wait3A_193 : memref<10000x128xf32, #tpu.memory_space<hbm>>) dst(%arg11 : memref<128x128xf32, #tpu.memory_space<vmem>>)
    "tpu.region"() ({
      %run_scoped3A = tpu.sem_alloc : memref<!tpu.dma_semaphore, #tpu.memory_space<semaphore_mem>>
      %dma_start3A_199 = arith.constant 0 : i32
      %dma_start3A_200 = arith.constant 0 : i32
      %dma_start3A_201 = tpu.memref_slice %arg13[%dma_start3A_199, %dma_start3A_200] : memref<10240x128xf32, #tpu.memory_space<vmem_shared>> -> memref<10240x128xf32, #tpu.memory_space<vmem_shared>>
      tpu.enqueue_indirect_dma source(%arg11 : memref<128x128xf32, #tpu.memory_space<vmem>>) target(%dma_start3A_201 : memref<10240x128xf32, #tpu.memory_space<vmem_shared>>) offsets(%arg8 : memref<128xi32, #tpu.memory_space<vmem>>) semaphore(%run_scoped3A : memref<!tpu.dma_semaphore, #tpu.memory_space<semaphore_mem>>) {add = true}
      %dma_wait3A_202 = arith.constant 0 : i32
      %dma_wait3A_203 = arith.constant 0 : i32
      %dma_wait3A_204 = tpu.memref_slice %arg13[%dma_wait3A_202, %dma_wait3A_203] : memref<10240x128xf32, #tpu.memory_space<vmem_shared>> -> memref<10240x128xf32, #tpu.memory_space<vmem_shared>>
      tpu.wait_indirect_dma semaphore(%run_scoped3A : memref<!tpu.dma_semaphore, #tpu.memory_space<semaphore_mem>>) src(%arg11 : memref<128x128xf32, #tpu.memory_space<vmem>>) dst(%dma_wait3A_204 : memref<10240x128xf32, #tpu.memory_space<vmem_shared>>)
      tpu.yield
    }) : () -> ()
    %barrier3A_194 = arith.constant 0 : index
    tpu.barrier barrier_id(%barrier3A_194)
    %mul3A_195 = arith.constant 640 : i32
    %mul3A_196 = arith.muli %arg1, %mul3A_195 : i32
    %mul3A_197 = arith.constant 640 : i32
    %mul3A_198 = arith.muli %arg1, %mul3A_197 : i32
    "tpu.region"() ({
      %run_scoped3A = tpu.sem_alloc : memref<!tpu.dma_semaphore, #tpu.memory_space<semaphore_mem>>
      %dma_start3A_199 = arith.constant 0 : i32
      %dma_start3A_200 = tpu.memref_slice %arg5[%arg0, %mul3A_198, %dma_start3A_199] : memref<2x10240x128xf32, #tpu.memory_space<hbm>> -> memref<1x640x128xf32, #tpu.memory_space<hbm>>
      %dma_start3A_201 = tpu.memref_squeeze %dma_start3A_200 : memref<1x640x128xf32, #tpu.memory_space<hbm>> -> memref<640x128xf32, #tpu.memory_space<hbm>>
      %dma_start3A_202 = arith.constant 0 : i32
      %dma_start3A_203 = tpu.memref_slice %arg13[%mul3A_196, %dma_start3A_202] : memref<10240x128xf32, #tpu.memory_space<vmem_shared>> -> memref<640x128xf32, #tpu.memory_space<vmem_shared>>
      tpu.enqueue_dma source(%dma_start3A_203 : memref<640x128xf32, #tpu.memory_space<vmem_shared>>) target(%dma_start3A_201 : memref<640x128xf32, #tpu.memory_space<hbm>>) target_semaphore(%run_scoped3A : memref<!tpu.dma_semaphore, #tpu.memory_space<semaphore_mem>>)
      %dma_wait3A_204 = arith.constant 0 : i32
      %dma_wait3A_205 = tpu.memref_slice %arg5[%arg0, %mul3A_198, %dma_wait3A_204] : memref<2x10240x128xf32, #tpu.memory_space<hbm>> -> memref<1x640x128xf32, #tpu.memory_space<hbm>>
      %dma_wait3A_206 = tpu.memref_squeeze %dma_wait3A_205 : memref<1x640x128xf32, #tpu.memory_space<hbm>> -> memref<640x128xf32, #tpu.memory_space<hbm>>
      %dma_wait3A_207 = arith.constant 0 : i32
      %dma_wait3A_208 = tpu.memref_slice %arg13[%mul3A_196, %dma_wait3A_207] : memref<10240x128xf32, #tpu.memory_space<vmem_shared>> -> memref<640x128xf32, #tpu.memory_space<vmem_shared>>
      tpu.wait_dma2 semaphore(%run_scoped3A : memref<!tpu.dma_semaphore, #tpu.memory_space<semaphore_mem>>) src(%dma_wait3A_208 : memref<640x128xf32, #tpu.memory_space<vmem_shared>>) dst(%dma_wait3A_206 : memref<640x128xf32, #tpu.memory_space<hbm>>)
      tpu.yield
    }) : () -> ()
    return
  }
}

module attributes {stable_mosaic.version = 14 : i64} {
  func.func @_tc1_body(%arg0: memref<2x10240x128xf32, #tpu.memory_space<vmem>>, %arg1: memref<10000x128xf32, #tpu.memory_space<vmem>>, %arg2: memref<128x128xf32, #tpu.memory_space<vmem>>, %arg3: memref<10000x128xf32, #tpu.memory_space<vmem>>, %arg4: memref<10000x128xf32, #tpu.memory_space<vmem>>) attributes {dimension_semantics = [], scalar_prefetch = 0 : i64, scratch_operands = 0 : i64, tpu.core_type = #tpu.core_type<tc>} {
    %get3A = arith.constant 0 : index
    %get3A_0 = arith.constant 0 : index
    %get3A_1 = arith.constant 0 : index
    %get3A_2 = vector.load %arg0[%get3A, %get3A_0, %get3A_1] : memref<2x10240x128xf32, #tpu.memory_space<vmem>>, vector<1x10240x128xf32>
    %get3A_3 = vector.shape_cast %get3A_2 : vector<1x10240x128xf32> to vector<10240x128xf32>
    %get3A_4 = arith.constant 1 : index
    %get3A_5 = arith.constant 0 : index
    %get3A_6 = arith.constant 0 : index
    %get3A_7 = vector.load %arg0[%get3A_4, %get3A_5, %get3A_6] : memref<2x10240x128xf32, #tpu.memory_space<vmem>>, vector<1x10240x128xf32>
    %get3A_8 = vector.shape_cast %get3A_7 : vector<1x10240x128xf32> to vector<10240x128xf32>
    %add3A = arith.addf %get3A_3, %get3A_8 : vector<10240x128xf32>
    %broadcast_in_dim3A = arith.constant 7.812500e-03 : f32
    %broadcast_in_dim3A_9 = vector.broadcast %broadcast_in_dim3A : f32 to vector<128x1xf32>
    %dot_general3A = arith.constant dense<0.000000e+00> : vector<10240x1xf32>
    %dot_general3A_10 = tpu.matmul %add3A, %broadcast_in_dim3A_9, %dot_general3A {dimension_numbers = #tpu.dot_dimension_numbers<[1], [0], [0], [1], [0, 0, 1, 1], [], []>, transpose_lhs_hint = false} : vector<10240x128xf32>, vector<128x1xf32>, vector<10240x1xf32> -> vector<10240x1xf32>
    %slice3A = vector.extract_strided_slice %dot_general3A_10 {offsets = [0, 0], sizes = [10000, 1], strides = [1, 1]} : vector<10240x1xf32> to vector<10000x1xf32>
    %add3A_11 = arith.constant 1.000000e+00 : f32
    %add3A_12 = vector.broadcast %add3A_11 : f32 to vector<10000x1xf32>
    %add3A_13 = arith.addf %slice3A, %add3A_12 : vector<10000x1xf32>
    %rsqrt3A = math.rsqrt %add3A_13 : vector<10000x1xf32>
    %broadcast_in_dim3A_14 = vector.shape_cast %rsqrt3A : vector<10000x1xf32> to vector<10000x1xf32>
    %broadcast_in_dim3A_15 = vector.broadcast %broadcast_in_dim3A_14 : vector<10000x1xf32> to vector<10000x128xf32>
    %swap3A = arith.constant 0 : index
    %swap3A_16 = arith.constant 0 : index
    %swap3A_17 = vector.load %arg3[%swap3A, %swap3A_16] : memref<10000x128xf32, #tpu.memory_space<vmem>>, vector<10000x128xf32>
    tpu.vector_store %arg3[%swap3A, %swap3A_16], %broadcast_in_dim3A_15 {strides = array<i32>} : memref<10000x128xf32, #tpu.memory_space<vmem>>, vector<10000x128xf32>,
    %get3A_18 = arith.constant 0 : index
    %get3A_19 = arith.constant 0 : index
    %get3A_20 = vector.load %arg1[%get3A_18, %get3A_19] : memref<10000x128xf32, #tpu.memory_space<vmem>>, vector<10000x128xf32>
    %get3A_21 = arith.constant 0 : index
    %get3A_22 = arith.constant 0 : index
    %get3A_23 = vector.load %arg2[%get3A_21, %get3A_22] : memref<128x128xf32, #tpu.memory_space<vmem>>, vector<128x128xf32>
    %dot_general3A_24 = arith.constant dense<0.000000e+00> : vector<10000x128xf32>
    %dot_general3A_25 = tpu.matmul %get3A_20, %get3A_23, %dot_general3A_24 {dimension_numbers = #tpu.dot_dimension_numbers<[1], [0], [0], [1], [0, 0, 1, 1], [], []>, transpose_lhs_hint = false} : vector<10000x128xf32>, vector<128x128xf32>, vector<10000x128xf32> -> vector<10000x128xf32>
    %mul3A = arith.mulf %broadcast_in_dim3A_15, %dot_general3A_25 : vector<10000x128xf32>
    %swap3A_26 = arith.constant 0 : index
    %swap3A_27 = arith.constant 0 : index
    %swap3A_28 = vector.load %arg4[%swap3A_26, %swap3A_27] : memref<10000x128xf32, #tpu.memory_space<vmem>>, vector<10000x128xf32>
    tpu.vector_store %arg4[%swap3A_26, %swap3A_27], %mul3A {strides = array<i32>} : memref<10000x128xf32, #tpu.memory_space<vmem>>, vector<10000x128xf32>,
    return
  }
}

module attributes {stable_mosaic.version = 14 : i64} {
  func.func @_tc_mid_body(%arg0: memref<2x10240x128xf32, #tpu.memory_space<vmem>>, %arg1: memref<10000x128xf32, #tpu.memory_space<vmem>>, %arg2: memref<10000x128xf32, #tpu.memory_space<vmem>>, %arg3: memref<128xf32, #tpu.memory_space<vmem>>, %arg4: memref<128x128xf32, #tpu.memory_space<vmem>>, %arg5: memref<10000x128xf32, #tpu.memory_space<vmem>>) attributes {dimension_semantics = [], scalar_prefetch = 0 : i64, scratch_operands = 0 : i64, tpu.core_type = #tpu.core_type<tc>} {
    %get3A = arith.constant 0 : index
    %get3A_0 = arith.constant 0 : index
    %get3A_1 = arith.constant 0 : index
    %get3A_2 = vector.load %arg0[%get3A, %get3A_0, %get3A_1] : memref<2x10240x128xf32, #tpu.memory_space<vmem>>, vector<1x10000x128xf32>
    %get3A_3 = vector.shape_cast %get3A_2 : vector<1x10000x128xf32> to vector<10000x128xf32>
    %get3A_4 = arith.constant 1 : index
    %get3A_5 = arith.constant 0 : index
    %get3A_6 = arith.constant 0 : index
    %get3A_7 = vector.load %arg0[%get3A_4, %get3A_5, %get3A_6] : memref<2x10240x128xf32, #tpu.memory_space<vmem>>, vector<1x10000x128xf32>
    %get3A_8 = vector.shape_cast %get3A_7 : vector<1x10000x128xf32> to vector<10000x128xf32>
    %add3A = arith.addf %get3A_3, %get3A_8 : vector<10000x128xf32>
    %get3A_9 = arith.constant 0 : index
    %get3A_10 = arith.constant 0 : index
    %get3A_11 = vector.load %arg2[%get3A_9, %get3A_10] : memref<10000x128xf32, #tpu.memory_space<vmem>>, vector<10000x128xf32>
    %get3A_12 = arith.constant 0 : index
    %get3A_13 = arith.constant 0 : index
    %get3A_14 = vector.load %arg1[%get3A_12, %get3A_13] : memref<10000x128xf32, #tpu.memory_space<vmem>>, vector<10000x128xf32>
    %add3A_15 = arith.addf %add3A, %get3A_14 : vector<10000x128xf32>
    %mul3A = arith.mulf %get3A_11, %add3A_15 : vector<10000x128xf32>
    %get3A_16 = arith.constant 0 : index
    %get3A_17 = vector.load %arg3[%get3A_16] : memref<128xf32, #tpu.memory_space<vmem>>, vector<128xf32>
    %broadcast_in_dim3A = vector.shape_cast %get3A_17 : vector<128xf32> to vector<1x128xf32>
    %add3A_18 = vector.broadcast %broadcast_in_dim3A : vector<1x128xf32> to vector<10000x128xf32>
    %add3A_19 = arith.addf %mul3A, %add3A_18 : vector<10000x128xf32>
    %max3A = arith.constant 0.000000e+00 : f32
    %max3A_20 = vector.broadcast %max3A : f32 to vector<10000x128xf32>
    %max3A_21 = arith.maximumf %add3A_19, %max3A_20 : vector<10000x128xf32>
    %get3A_22 = arith.constant 0 : index
    %get3A_23 = arith.constant 0 : index
    %get3A_24 = vector.load %arg4[%get3A_22, %get3A_23] : memref<128x128xf32, #tpu.memory_space<vmem>>, vector<128x128xf32>
    %dot_general3A = arith.constant dense<0.000000e+00> : vector<10000x128xf32>
    %dot_general3A_25 = tpu.matmul %max3A_21, %get3A_24, %dot_general3A {dimension_numbers = #tpu.dot_dimension_numbers<[1], [0], [0], [1], [0, 0, 1, 1], [], []>, transpose_lhs_hint = false} : vector<10000x128xf32>, vector<128x128xf32>, vector<10000x128xf32> -> vector<10000x128xf32>
    %mul3A_26 = arith.mulf %get3A_11, %dot_general3A_25 : vector<10000x128xf32>
    %swap3A = arith.constant 0 : index
    %swap3A_27 = arith.constant 0 : index
    %swap3A_28 = vector.load %arg5[%swap3A, %swap3A_27] : memref<10000x128xf32, #tpu.memory_space<vmem>>, vector<10000x128xf32>
    tpu.vector_store %arg5[%swap3A, %swap3A_27], %mul3A_26 {strides = array<i32>} : memref<10000x128xf32, #tpu.memory_space<vmem>>, vector<10000x128xf32>,
    return
  }
}

module attributes {stable_mosaic.version = 14 : i64} {
  func.func @_tc_final_body(%arg0: memref<2x10240x128xf32, #tpu.memory_space<vmem>>, %arg1: memref<10000x128xf32, #tpu.memory_space<vmem>>, %arg2: memref<10000x128xf32, #tpu.memory_space<vmem>>, %arg3: memref<128xf32, #tpu.memory_space<vmem>>, %arg4: memref<128x64xf32, #tpu.memory_space<vmem>>, %arg5: memref<64xf32, #tpu.memory_space<vmem>>, %arg6: memref<10000x64xf32, #tpu.memory_space<vmem>>) attributes {dimension_semantics = [], scalar_prefetch = 0 : i64, scratch_operands = 0 : i64, tpu.core_type = #tpu.core_type<tc>} {
    %get3A = arith.constant 0 : index
    %get3A_0 = arith.constant 0 : index
    %get3A_1 = arith.constant 0 : index
    %get3A_2 = vector.load %arg0[%get3A, %get3A_0, %get3A_1] : memref<2x10240x128xf32, #tpu.memory_space<vmem>>, vector<1x10000x128xf32>
    %get3A_3 = vector.shape_cast %get3A_2 : vector<1x10000x128xf32> to vector<10000x128xf32>
    %get3A_4 = arith.constant 1 : index
    %get3A_5 = arith.constant 0 : index
    %get3A_6 = arith.constant 0 : index
    %get3A_7 = vector.load %arg0[%get3A_4, %get3A_5, %get3A_6] : memref<2x10240x128xf32, #tpu.memory_space<vmem>>, vector<1x10000x128xf32>
    %get3A_8 = vector.shape_cast %get3A_7 : vector<1x10000x128xf32> to vector<10000x128xf32>
    %add3A = arith.addf %get3A_3, %get3A_8 : vector<10000x128xf32>
    %get3A_9 = arith.constant 0 : index
    %get3A_10 = arith.constant 0 : index
    %get3A_11 = vector.load %arg2[%get3A_9, %get3A_10] : memref<10000x128xf32, #tpu.memory_space<vmem>>, vector<10000x128xf32>
    %get3A_12 = arith.constant 0 : index
    %get3A_13 = arith.constant 0 : index
    %get3A_14 = vector.load %arg1[%get3A_12, %get3A_13] : memref<10000x128xf32, #tpu.memory_space<vmem>>, vector<10000x128xf32>
    %add3A_15 = arith.addf %add3A, %get3A_14 : vector<10000x128xf32>
    %mul3A = arith.mulf %get3A_11, %add3A_15 : vector<10000x128xf32>
    %get3A_16 = arith.constant 0 : index
    %get3A_17 = vector.load %arg3[%get3A_16] : memref<128xf32, #tpu.memory_space<vmem>>, vector<128xf32>
    %broadcast_in_dim3A = vector.shape_cast %get3A_17 : vector<128xf32> to vector<1x128xf32>
    %add3A_18 = vector.broadcast %broadcast_in_dim3A : vector<1x128xf32> to vector<10000x128xf32>
    %add3A_19 = arith.addf %mul3A, %add3A_18 : vector<10000x128xf32>
    %max3A = arith.constant 0.000000e+00 : f32
    %max3A_20 = vector.broadcast %max3A : f32 to vector<10000x128xf32>
    %max3A_21 = arith.maximumf %add3A_19, %max3A_20 : vector<10000x128xf32>
    %get3A_22 = arith.constant 0 : index
    %get3A_23 = arith.constant 0 : index
    %get3A_24 = vector.load %arg4[%get3A_22, %get3A_23] : memref<128x64xf32, #tpu.memory_space<vmem>>, vector<128x64xf32>
    %dot_general3A = arith.constant dense<0.000000e+00> : vector<10000x64xf32>
    %dot_general3A_25 = tpu.matmul %max3A_21, %get3A_24, %dot_general3A {dimension_numbers = #tpu.dot_dimension_numbers<[1], [0], [0], [1], [0, 0, 1, 1], [], []>, transpose_lhs_hint = false} : vector<10000x128xf32>, vector<128x64xf32>, vector<10000x64xf32> -> vector<10000x64xf32>
    %get3A_26 = arith.constant 0 : index
    %get3A_27 = vector.load %arg5[%get3A_26] : memref<64xf32, #tpu.memory_space<vmem>>, vector<64xf32>
    %broadcast_in_dim3A_28 = vector.shape_cast %get3A_27 : vector<64xf32> to vector<1x64xf32>
    %add3A_29 = vector.broadcast %broadcast_in_dim3A_28 : vector<1x64xf32> to vector<10000x64xf32>
    %add3A_30 = arith.addf %dot_general3A_25, %add3A_29 : vector<10000x64xf32>
    %reduce_max3A = arith.constant dense<0xFF800000> : vector<10000xf32>
    %reduce_max3A_31 = vector.multi_reduction <maximumf>, %add3A_30, %reduce_max3A [1] : vector<10000x64xf32> to vector<10000xf32>
    %broadcast_in_dim3A_32 = vector.shape_cast %reduce_max3A_31 : vector<10000xf32> to vector<10000x1xf32>
    %sub3A = vector.broadcast %broadcast_in_dim3A_32 : vector<10000x1xf32> to vector<10000x64xf32>
    %sub3A_33 = arith.subf %add3A_30, %sub3A : vector<10000x64xf32>
    %exp3A = math.exp %sub3A_33 : vector<10000x64xf32>
    %reduce_sum3A = arith.constant dense<0.000000e+00> : vector<10000xf32>
    %reduce_sum3A_34 = vector.multi_reduction <add>, %exp3A, %reduce_sum3A [1] : vector<10000x64xf32> to vector<10000xf32>
    %broadcast_in_dim3A_35 = vector.shape_cast %reduce_sum3A_34 : vector<10000xf32> to vector<10000x1xf32>
    %div3A = vector.broadcast %broadcast_in_dim3A_35 : vector<10000x1xf32> to vector<10000x64xf32>
    %div3A_36 = arith.divf %exp3A, %div3A : vector<10000x64xf32>
    %swap3A = arith.constant 0 : index
    %swap3A_37 = arith.constant 0 : index
    %swap3A_38 = vector.load %arg6[%swap3A, %swap3A_37] : memref<10000x64xf32, #tpu.memory_space<vmem>>, vector<10000x64xf32>
    tpu.vector_store %arg6[%swap3A, %swap3A_37], %div3A_36 {strides = array<i32>} : memref<10000x64xf32, #tpu.memory_space<vmem>>, vector<10000x64xf32>,
    return
  }
}

</mosaic_0001>

<sc_bundles>
// kernel: kernel.10.cloned.1.call-start
scs
__scs_entry_jumppad:
0x0: {  	(pc) =	sbr.rel $0x88, $3  }
0x1: {  	(tag) =	ssettag $0x0;
	lr =	simm.s32 $0x1  }
0x2: {  	[smem:$0x3F97] =	sst lr;
	_ =	strace $0xD0000000  }
0x3: {  	_ = 	snop  }
0x4: {  	_ = 	snop  }
0x5: {  	_ = 	snop  }
0x6: {  	_ = 	snop  }
0x7: {  	_ = 	snop  }
__scs_overlays_trampoline_lowered:
0x8: {  	[smem:$0x3FA6] =	sst s0  }
0x9: {  	[smem:$0x3FA7] =	sst s1  }
0xa: {  	[smem:$0x3FA8] =	sst s2  }
0xb: {  	[smem:$0x3FA9] =	sst s3  }
0xc: {  	[smem:$0x3FAA] =	sst s4  }
0xd: {  	[smem:$0x3FAB] =	sst s5  }
0xe: {  	[smem:$0x3FAC] =	sst s6  }
0xf: {  	[smem:$0x3FAD] =	sst s7  }
0x10: {  	[smem:$0x3FAE] =	sst s8  }
0x11: {  	[smem:$0x3FAF] =	sst s9;
	s0 =	simm.s32 @!p0 $0x0  }
0x12: {  	s1 =	sld [smem:$0x3F95];
	s0 =	simm.s32 @p0 $0x1  }
0x13: {  	[smem:$0x3FB0] =	sst s0;
	s0 =	simm.s32 @!p1 $0x0  }
0x14: {  	s2 =	sld [smem:$0x3F94];
	s0 =	simm.s32 @p1 $0x1  }
0x15: {  	[smem:$0x3FB1] =	sst s0;
	s0 =	simm.s32 @!p2 $0x0  }
0x16: {  	s3 =	sld [smem:$0x3FDB];
	s0 =	simm.s32 @p2 $0x1  }
0x17: {  	s4 =	simm.s32 $0x1BF5;
	[smem:$0x3FB3] =	sst s0  }
0x18: {  	s0 =	sld [smem:$0x3F96];
	_ =	swait.ge [sflag:s4], $0x0  }
0x19: {  	s7 =	sld [smem:$0x3F97]  }
0x1a: {  	s8 =	sadd.s32 $0xFFFFE003, lr  }
0x1b: {  	s9 =	sadd.s32 $0xFFFFFEF7, lr;
	s5 =	simm.s32 $0xFFFFFFFF;
	p2 =	slt.u32 s8, $0xFFFFF086  }
0x1c: {  	p1 =	slt.u32 s9, $0xF7A;
	s5 =	simm.s32 @!p2 $0x0  }
0x1d: {  	s5 =	simm.s32 @p1 $0x1;
	p0 =	seq.s32 s7, s2  }
0x1e: {  	s7 =	smul.u32 @!p0 $0xF7A, s2;
	p2 =	seq.s32 @!p0 s5, $0x0  }
0x1f: {  	s9 =	smul.u32 $0xF7A, s1;
	s8 =	simm.s32 @!p0 $0x1BF5;
	p2 =	por !p2, p0  }
0x20: {  	[sflag:s8] =	ssyncset.s32 @!p0 $0xFFFFF086;
	s6 =	sadd.s32 @!p0 s3, s7;
	s7 =	simm.s32 @!p0 $0x108  }
0x21: {  	s3 =	sadd.s32 s3, s9;
	s6 =	sadd.s32 @!p0 $0x88, s6;
	s7 =	simm.s32 @p2 $0x1082  }
0x22: {  	[simem:s7], [sflag:s8] =	dma.local @!p0 [hbm:s6], $0xF7A  }
0x23: {  	s9 =	sor.u32 $0xD0000000, s2;
	s6 =	simm.s32 $0x108;
	_ =	swait.ge @!p0 [sflag:s8], $0x0  }
0x24: {  	s3 =	sadd.s32 $0x88, s3;
	s6 =	simm.s32 @!p1 $0x1082;
	[sflag:s4] =	ssyncset.s32 $0xFFFFF086  }
0x25: {  	[simem:s6], [sflag:s4] =	dma.local [hbm:s3], $0xF7A  }
0x26: {  	[smem:$0x3F97] =	sst s1;
	(tag) =	ssettag s2;
	_ =	strace s9  }
0x27: {  	s1 =	sld [smem:$0x3FA7]  }
0x28: {  	s2 =	sld [smem:$0x3FA8]  }
0x29: {  	s4 =	sld [smem:$0x3FAA]  }
0x2a: {  	p0 =	seq.s32 s5, $0x0;
	s5 =	sld [smem:$0x3FAB]  }
0x2b: {  	s6 =	sld [smem:$0x3FAC]  }
0x2c: {  	s7 =	sld [smem:$0x3FAD]  }
0x2d: {  	s3 =	simm.s32 $0x108;
	s8 =	sld [smem:$0x3FAE]  }
0x2e: {  	s3 =	simm.s32 @!p0 $0x1082;
	s9 =	sld [smem:$0x3FAF]  }
0x2f: {  	lr =	sadd.s32 s0, s3;
	s0 =	sld [smem:$0x3FA6]  }
0x30: {  	s3 =	sld [smem:$0x3FA9]  }
0x31: {  	[smem:$0x3FB2] =	sst s10  }
0x32: {  	s10 =	sld [smem:$0x3FB0];
	_ =	sdelay $0x3  }
0x33: {  	p0 =	seq.s32 s10, $0x1;
	s10 =	sld [smem:$0x3FB2];
	_ =	sdelay $0x3  }
0x34: {  	[smem:$0x3FB2] =	sst s10  }
0x35: {  	s10 =	sld [smem:$0x3FB1];
	_ =	sdelay $0x3  }
0x36: {  	p1 =	seq.s32 s10, $0x1;
	s10 =	sld [smem:$0x3FB2];
	_ =	sdelay $0x3  }
0x37: {  	[smem:$0x3FB2] =	sst s10  }
0x38: {  	s10 =	sld [smem:$0x3FB3]  }
0x39: {  	_ = 	snop;
	(pc) =	sbr.ind lr, $3  }
0x3a: {  	_ = 	snop  }
0x3b: {  	_ = 	snop  }
0x3c: {  	p2 =	seq.s32 s10, $0x1;
	s10 =	sld [smem:$0x3FB2]  }
0x3d: {  	_ =	shalt  }
0x3e: {  	_ =	shalt  }
0x3f: {  	_ =	shalt  }
0x40: {  	_ =	shalt  }
0x41: {  	_ =	shalt  }
0x42: {  	_ =	shalt  }
0x43: {  	_ =	shalt  }
0x44: {  	_ =	shalt  }
0x45: {  	_ =	shalt  }
0x46: {  	_ =	shalt  }
0x47: {  	_ =	shalt  }
0x48: {  	_ =	shalt  }
0x49: {  	_ =	shalt  }
0x4a: {  	_ =	shalt  }
0x4b: {  	_ =	shalt  }
0x4c: {  	_ =	shalt  }
0x4d: {  	_ =	shalt  }
0x4e: {  	_ =	shalt  }
0x4f: {  	_ =	shalt  }
0x50: {  	_ =	shalt  }
0x51: {  	_ =	shalt  }
0x52: {  	_ =	shalt  }
0x53: {  	_ =	shalt  }
0x54: {  	_ =	shalt  }
0x55: {  	_ =	shalt  }
0x56: {  	_ =	shalt  }
0x57: {  	_ =	shalt  }
0x58: {  	_ =	shalt  }
0x59: {  	_ =	shalt  }
0x5a: {  	_ =	shalt  }
0x5b: {  	_ =	shalt  }
0x5c: {  	_ =	shalt  }
0x5d: {  	_ =	shalt  }
0x5e: {  	_ =	shalt  }
0x5f: {  	_ =	shalt  }
0x60: {  	_ =	shalt  }
0x61: {  	_ =	shalt  }
0x62: {  	_ =	shalt  }
0x63: {  	_ =	shalt  }
0x64: {  	_ =	shalt  }
0x65: {  	_ =	shalt  }
0x66: {  	_ =	shalt  }
0x67: {  	_ =	shalt  }
0x68: {  	_ =	shalt  }
0x69: {  	_ =	shalt  }
0x6a: {  	_ =	shalt  }
0x6b: {  	_ =	shalt  }
0x6c: {  	_ =	shalt  }
0x6d: {  	_ =	shalt  }
0x6e: {  	_ =	shalt  }
0x6f: {  	_ =	shalt  }
0x70: {  	_ =	shalt  }
0x71: {  	_ =	shalt  }
0x72: {  	_ =	shalt  }
0x73: {  	_ =	shalt  }
0x74: {  	_ =	shalt  }
0x75: {  	_ =	shalt  }
0x76: {  	_ =	shalt  }
0x77: {  	_ =	shalt  }
0x78: {  	_ =	shalt  }
0x79: {  	_ =	shalt  }
0x7a: {  	_ =	shalt  }
0x7b: {  	_ =	shalt  }
0x7c: {  	_ =	shalt  }
0x7d: {  	_ =	shalt  }
0x7e: {  	_ =	shalt  }
0x7f: {  	_ =	shalt  }
0x80: {  	_ =	shalt  }
0x81: {  	_ =	shalt  }
0x82: {  	_ =	shalt  }
0x83: {  	_ =	shalt  }
0x84: {  	_ =	shalt  }
0x85: {  	_ =	shalt  }
0x86: {  	_ =	shalt  }
0x87: {  	_ =	shalt  }
.Lfunc_end0:
.L_simem_size_0:
called_computation_lowered:
.L_overlay_start_0:
0x88: {  	s2 =	sld [smem:$0x3FD9]  }
0x89: {  	s3 =	sld [smem:$0x3FFE];
	_ =	sdelay $0x1  }
0x8a: {  	s1 =	srdreg.scid  }
0x8b: {  	s0 =	sand.u32 $0x1, s1  }
0x8c: {  	s17 =	sshll.u32 s0, $0xA;
	s2 =	sadd.s32 s3, s2  }
0x8d: {  	s2 =	sadd.s32 s2, s17  }
0x8e: {  	[smem:$0x3FBE] =	sst s2  }
0x8f: {  	_ = 	snop  }
0x90: {  	s2 =	sld [smem:$0x3FD0];
	(tm) =	ssettm $0x1  }
0x91: {  	s18 =	sld [smem:$0x3FFB];
	_ =	sdelay $0x3  }
0x92: {  	_ =	strace s18  }
0x93: {  	s3 =	sld [smem:$0x3FFC];
	_ =	sdelay $0x3  }
0x94: {  	_ =	strace s3  }
0x95: {  	s3 =	sld [smem:$0x3FFD];
	_ =	sdelay $0x3  }
0x96: {  	_ =	strace s3  }
0x97: {  	_ =	strace $0x8FFFFFFF  }
0x98: {  	s19 =	sld [smem:$0x3FDB];
	_ =	sdelay $0x1  }
0x99: {  	s4 =	simm.s32 $_scs_section_size  }
0x9a: {  	s5 =	simm.s32 $_size__tile_overlayer_lowered;
	s6 =	simm.s32 $_tile_overlayer_lowered  }
0x9b: {  	s22 =	simm.s32 $0x1BFF;
	s21 =	sshll.u32 s6, $0x1;
	s3 =	sadd.s32 s4, s19  }
0x9c: {  	s7 =	simm.s32 $0x0;
	s20 =	sshll.u32 s5, $0x1;
	s5 =	sadd.s32 s21, s3  }
0x9d: {  	[timem:s7], [sflag:s22] =	dma.local [hbm:s5], s20  }
0x9e: {  	_ =	swait.ge [sflag:s22], s20  }
0x9f: {  	s4 =	ssub.s32 $0x0, s20;
	[sflag:s22] =	ssyncset.done $0x0  }
0xa0: {  	[sflag:s22] =	ssyncadd.s32 s4;
	_ =	sdelay $0x1  }
0xa1: {  	s23 =	simm.s32 $0x1B8B  }
0xa2: {  	_ =	swait.ge [sflag:s23], $0x1  }
0xa3: {  	[sflag:s23] =	ssyncset.done $0x0  }
0xa4: {  	s25 =	simm.s32 $0x1B8E;
	s24 =	sld [smem:$0x3FFE];
	[sflag:s23] =	ssyncadd.s32 $0xFFFFFFFF  }
0xa5: {  	s26 =	simm.s32 $execute0_lowered;
	[smem:$0x3FD2] =	sst s25  }
0xa6: {  	s5 =	sshll.u32 s26, $0x1;
	_ =	strace $0x80000046;
	[dreg:$0x1] =	wrdreg $0xFFFFFFFF  }
0xa7: {  	s28 =	simm.s32 $_size_execute0_lowered;
	s3 =	sadd.s32 s3, s5;
	[dreg:$0x0] =	wrdreg $0x0  }
0xa8: {  	s5 =	sshll.u32 s28, $0x1;
	[dreg:$0x2] =	wrdreg s3  }
0xa9: {  	[dreg:$0x3] =	wrdreg s5  }
0xaa: {  	[dreg:$0x4] =	wrdreg $0xC0  }
0xab: {  	_ =	task [dreg:s7], $0x5FFFF  }
0xac: {  	[dreg:$0x1] =	wrdreg $0xFFFFFFFF  }
0xad: {  	[dreg:$0x0] =	wrdreg $0x60  }
0xae: {  	[dreg:$0x2] =	wrdreg s2  }
0xaf: {  	[dreg:$0x3] =	wrdreg s24  }
0xb0: {  	[dreg:$0x4] =	wrdreg $0x68800  }
0xb1: {  	[dreg:$0x5] =	wrdreg $0x9  }
0xb2: {  	_ =	task.clear_ibuf [dreg:s7], $0x6FFFF;
	_ =	strace $0x90000046  }
0xb3: {  	s29 =	simm.s32 $0x9;
	_ =	strace $0x80000048  }
0xb4: {  	_ =	swait.ge [sflag:s29], $0x1  }
0xb5: {  	[sflag:s29] =	ssyncadd.s32 $0xFFFFFFFF  }
0xb6: {  	_ =	strace $0x90000048  }
0xb7: {  	_ =	sfence  }
0xb8: {  	s30 =	sld [smem:$0x0];
	_ =	sdelay $0x2  }
0xb9: {  	s31 =	sshll.u32 s1, $0xD;
	s1 =	sshrl.u32 s1, $0x2  }
0xba: {  	s3 =	sand.u32 $0x4000, s31;
	s1 =	sadd.s32 s1, s30  }
0xbb: {  	s0 =	sor.u32 s3, s0;
	s1 =	sshll.u32 s1, $0x11  }
0xbc: {  	s0 =	sor.u32 s1, s0  }
0xbd: {  	s0 =	sadd.s32 $0x8F2B, s0  }
0xbe: {  	[sflag:s0] =	ssyncadd.remote.s32 $0x1  }
0xbf: {  	_ =	sfence.sel $0xFFFF  }
0xc0: {  	[dreg:$0x0] =	wrdreg $0xFFFFFFFF;
	(pc) =	sbr.abs _section_cstart, $3  }
0xc1: {  	[dreg:$0x1] =	wrdreg $0xFFFFFFFF  }
0xc2: {  	_ =	task.clear_ibuf [dreg:s7], $0x2FFFF;
	_ =	strace $0x9FFFFFFF  }
0xc3: {  	(tm) =	ssettm $0x7FFFFFFF  }
tec
execute0_lowered:
.L_overlay_start_1:
0x0: {  	(tag) =	ssettag $0x1  }
0x1: {  	s7 =	rddreg [dreg:$0x0]  }
0x2: {  	s6 =	rddreg [dreg:$0x1]  }
0x3: {  	s1 =	rddreg [dreg:$0x2]  }
0x4: {  	s2 =	srdreg.scid;
	s0 =	rddreg [dreg:$0x3]  }
0x5: {  	s3 =	simm.s32 $0x0;
	s15 =	simm.s32 $0x2880;
	s16 =	simm.s32 $0x80  }
0x6: {  	s17 =	simm.s32 $0x2800;
	s8 =	sand.u32 $0x1, s2;
	s2 =	stileid.u32  }
0x7: {  	s20 =	simm.s32 $0x0;
	[smem:$0x7FF] =	sst s3;
	s9 =	smul.u32 $0x140000, s8  }
0x8: {  	s4 =	sadd.s32 $0x3400, s6;
	s5 =	sadd.s32 $0x3C00, s6;
	s10 =	smul.u32 $0x14000, s2  }
0x9: {  	_ =	strace $0x80000047;
	s31 =	sshll.u32 s8, $0x4;
	s8 =	ssub.s32 $0x2, s8  }
0xa: {  	s11 =	smul.u32 $0x50000, s2;
	s18 =	sshll.u32 s2, $0x6;
	s12 =	sshrl.u32 s8, $0x1  }
0xb: {  	s18 =	sor.u32 $0x1C01, s18;
	s9 =	sadd.s32 s10, s9;
	s10 =	sor.u32 s2, s31  }
0xc: {  	s11 =	sshrl.u32 s11, $0x2;
	s9 =	sshrl.u32 s9, $0x3;
	s10 =	smul.u32 $0x500, s10  }
0xd: {  	s14 =	ssub.s32 s8, s12;
	s13 =	sadd.s32 s9, s6;
	s6 =	sadd.s32 s11, s1  }
0xe: {  	s7 =	sadd.s32 s7, s10;
	s8 =	sadd.s32 $0x4000, s6;
	s9 =	sadd.s32 $0x8000, s6  }
0xf: {  	s10 =	sadd.s32 $0xC000, s6;
	s11 =	sadd.s32 $0x10000, s6;
	s12 =	sadd.s32 $0x4400, s13  }
0x10: {  	s13 =	smax.u32 s14, $0x1;
	s14 =	simm.s32 $0x1;
	s19 =	sshrl.u32 s6, $0x3  }
.LBB2_1:
0x11: {  	[tilespmem:s3], [sflag:$0x1] =	stream.linear.gather [hbm4b:s7+s3], $0x2780, $0x38;
	[tilespmem:$0x1A880] =	vst v63  }
0x12: {  	_ =	swait.ge [sflag:s14], $0x2780  }
0x13: {  	[sflag:s14] =	ssyncset.done $0x0  }
0x14: {  	[sflag:s14] =	ssyncadd.s32 $0xFFFFD880  }
0x15: {  	[tilespmem:s15], [sflag:$0x1] =	stream.linear.gather [hbm4b:s4+s3], $0x4000, $0x38;
	[tilespmem:$0x1A880] =	vst v63  }
0x16: {  	_ =	swait.ge [sflag:s14], $0x4000  }
0x17: {  	[sflag:s14] =	ssyncset.done $0x0  }
0x18: {  	[sflag:s14] =	ssyncadd.s32 $0xFFFFC000  }
0x19: {  	[spmem:s6] =	stream.linear.scatter [tilespmem:s15], [sflag:$0x1], $0x4000, $0x38;
	[tilespmem:$0x1A880] =	vst v63  }
0x1a: {  	_ =	swait.ge [sflag:s14], $0x4000  }
0x1b: {  	[sflag:s14] =	ssyncset.done $0x0  }
0x1c: {  	[sflag:s14] =	ssyncadd.s32 $0xFFFFC000  }
0x1d: {  	[spmem:s8] =	stream.linear.scatter [tilespmem:s15], [sflag:$0x1], $0x4000, $0x38;
	[tilespmem:$0x1A880] =	vst v63  }
0x1e: {  	_ =	swait.ge [sflag:s14], $0x4000  }
0x1f: {  	[sflag:s14] =	ssyncset.done $0x0  }
0x20: {  	[sflag:s14] =	ssyncadd.s32 $0xFFFFC000  }
0x21: {  	[spmem:s9] =	stream.linear.scatter [tilespmem:s15], [sflag:$0x1], $0x4000, $0x38;
	[tilespmem:$0x1A880] =	vst v63  }
0x22: {  	_ =	swait.ge [sflag:s14], $0x4000  }
0x23: {  	[sflag:s14] =	ssyncset.done $0x0  }
0x24: {  	[sflag:s14] =	ssyncadd.s32 $0xFFFFC000  }
0x25: {  	[spmem:s10] =	stream.linear.scatter [tilespmem:s15], [sflag:$0x1], $0x4000, $0x38;
	[tilespmem:$0x1A880] =	vst v63  }
0x26: {  	_ =	swait.ge [sflag:s14], $0x4000  }
0x27: {  	[sflag:s14] =	ssyncset.done $0x0  }
0x28: {  	[sflag:s14] =	ssyncadd.s32 $0xFFFFC000  }
0x29: {  	[spmem:s11] =	stream.linear.scatter [tilespmem:s15], [sflag:$0x1], $0x4000, $0x38;
	[tilespmem:$0x1A880] =	vst v63  }
0x2a: {  	_ =	swait.ge [sflag:s14], $0x4000  }
0x2b: {  	[sflag:s14] =	ssyncset.done $0x0  }
0x2c: {  	[sflag:s14] =	ssyncadd.s32 $0xFFFFC000  }
0x2d: {  	[bflag:$0x0] =	sbarrier.arrive $0xFFFF  }
0x2e: {  	[tilespmem:s15], [sflag:$0x1] =	stream.linear.gather [hbm4b:s5+s3], $0x4000, $0x38;
	[tilespmem:$0x1A880] =	vst v63  }
0x2f: {  	_ =	swait.ge [sflag:s14], $0x4000  }
0x30: {  	[sflag:s14] =	ssyncset.done $0x0  }
0x31: {  	s21 =	simm.s32 $0x0;
	[sflag:s14] =	ssyncadd.s32 $0xFFFFC000  }
0x32: {  	v0 =	vld [tilespmem:s21+$0x0];
	_ =	sdelay $0x4  }
0x33: {  	v0 =	vshrl.u32 v0, $0xE  }
0x34: {  	[tilespmem:$0x2800] =	vst v0  }
0x35: {  	v0 =	vld [tilespmem:s21+$0x10];
	_ =	sdelay $0x4  }
0x36: {  	v0 =	vshrl.u32 v0, $0xE  }
0x37: {  	[tilespmem:$0x2810] =	vst v0  }
0x38: {  	v0 =	vld [tilespmem:s21+$0x20];
	_ =	sdelay $0x4  }
0x39: {  	v0 =	vshrl.u32 v0, $0xE  }
0x3a: {  	[tilespmem:$0x2820] =	vst v0  }
0x3b: {  	v0 =	vld [tilespmem:s21+$0x30];
	_ =	sdelay $0x4  }
0x3c: {  	v0 =	vshrl.u32 v0, $0xE  }
0x3d: {  	[tilespmem:$0x2830] =	vst v0  }
0x3e: {  	v0 =	vld [tilespmem:s21+$0x40];
	_ =	sdelay $0x4  }
0x3f: {  	v0 =	vshrl.u32 v0, $0xE  }
0x40: {  	[tilespmem:$0x2840] =	vst v0  }
0x41: {  	v0 =	vld [tilespmem:s21+$0x50];
	_ =	sdelay $0x4  }
0x42: {  	v0 =	vshrl.u32 v0, $0xE  }
0x43: {  	[tilespmem:$0x2850] =	vst v0  }
0x44: {  	v0 =	vld [tilespmem:s21+$0x60];
	_ =	sdelay $0x4  }
0x45: {  	v0 =	vshrl.u32 v0, $0xE  }
0x46: {  	[tilespmem:$0x2860] =	vst v0  }
0x47: {  	v0 =	vld [tilespmem:s21+$0x70];
	_ =	sdelay $0x4  }
0x48: {  	v0 =	vshrl.u32 v0, $0xE  }
0x49: {  	[tilespmem:$0x2870] =	vst v0  }
0x4a: {  	[spmem:s1] =	stream.indirect.scatter.add.f32 [tilespmem:s15], [sflag:$0x1], $0x80, s17, s16, $0xb8;
	[tilespmem:$0x1A880] =	vst v63  }
0x4b: {  	_ =	swait.ge [sflag:s14], $0x4000  }
0x4c: {  	s24 =	simm.s32 $0x400;
	s21 =	simm.s32 $0x200;
	[sflag:s14] =	ssyncset.done $0x0  }
.LBB2_2:
0x4d: {  	s23 =	sshra.s32 s21, $0x2  }
0x4e: {  	[sflag:s14] =	ssyncadd.s32 $0xFFFFC000;
	s21 =	smov.u32 s24;
	s22 =	sadd.s32 $0x200, s24  }
0x4f: {  	p0 =	sne.s32 s24, $0x9C00;
	v0 =	vld [tilespmem:s23+$0x0];
	_ =	sdelay $0x4  }
0x50: {  	v0 =	vshrl.u32 v0, $0xE  }
0x51: {  	[tilespmem:$0x2800] =	vst v0  }
0x52: {  	v0 =	vld [tilespmem:s23+$0x10];
	_ =	sdelay $0x4  }
0x53: {  	v0 =	vshrl.u32 v0, $0xE  }
0x54: {  	[tilespmem:$0x2810] =	vst v0  }
0x55: {  	v0 =	vld [tilespmem:s23+$0x20];
	_ =	sdelay $0x4  }
0x56: {  	v0 =	vshrl.u32 v0, $0xE  }
0x57: {  	[tilespmem:$0x2820] =	vst v0  }
0x58: {  	v0 =	vld [tilespmem:s23+$0x30];
	_ =	sdelay $0x4  }
0x59: {  	v0 =	vshrl.u32 v0, $0xE  }
0x5a: {  	[tilespmem:$0x2830] =	vst v0  }
0x5b: {  	v0 =	vld [tilespmem:s23+$0x40];
	_ =	sdelay $0x4  }
0x5c: {  	v0 =	vshrl.u32 v0, $0xE  }
0x5d: {  	[tilespmem:$0x2840] =	vst v0  }
0x5e: {  	v0 =	vld [tilespmem:s23+$0x50];
	_ =	sdelay $0x4  }
0x5f: {  	v0 =	vshrl.u32 v0, $0xE  }
0x60: {  	[tilespmem:$0x2850] =	vst v0  }
0x61: {  	v0 =	vld [tilespmem:s23+$0x60];
	_ =	sdelay $0x4  }
0x62: {  	v0 =	vshrl.u32 v0, $0xE  }
0x63: {  	[tilespmem:$0x2860] =	vst v0  }
0x64: {  	v0 =	vld [tilespmem:s23+$0x70];
	_ =	sdelay $0x4  }
.Ltmp0:
0x65: {  	v0 =	vshrl.u32 v0, $0xE;
	(pc) =	sbr.rel @p0 .LBB2_2-.Ltmp0, $4  }
0x66: {  	[tilespmem:$0x2870] =	vst v0  }
0x67: {  	[spmem:s1] =	stream.indirect.scatter.add.f32 [tilespmem:s15], [sflag:$0x1], $0x80, s17, s16, $0xb8;
	[tilespmem:$0x1A880] =	vst v63  }
0x68: {  	_ =	swait.ge [sflag:s14], $0x4000  }
0x69: {  	s24 =	smov.u32 s22;
	[sflag:s14] =	ssyncset.done $0x0  }
0x6a: {  	s21 =	sshra.s32 s21, $0x2;
	[sflag:s14] =	ssyncadd.s32 $0xFFFFC000  }
0x6b: {  	v0 =	vld [tilespmem:s21+$0x0];
	_ =	sdelay $0x4  }
0x6c: {  	v0 =	vshrl.u32 v0, $0xE  }
0x6d: {  	[tilespmem:$0x2800] =	vst v0  }
0x6e: {  	v0 =	vld [tilespmem:s21+$0x10];
	_ =	sdelay $0x4  }
0x6f: {  	v0 =	vshrl.u32 v0, $0xE  }
0x70: {  	[tilespmem:$0x2810] =	vst v0  }
0x71: {  	v0 =	vld [tilespmem:s21+$0x20];
	_ =	sdelay $0x4  }
0x72: {  	v0 =	vshrl.u32 v0, $0xE  }
0x73: {  	[tilespmem:$0x2820] =	vst v0  }
0x74: {  	v0 =	vld [tilespmem:s21+$0x30];
	_ =	sdelay $0x4  }
0x75: {  	v0 =	vshrl.u32 v0, $0xE  }
0x76: {  	[tilespmem:$0x2830] =	vst v0  }
0x77: {  	v0 =	vld [tilespmem:s21+$0x40];
	_ =	sdelay $0x4  }
0x78: {  	v0 =	vshrl.u32 v0, $0xE  }
0x79: {  	[tilespmem:$0x2840] =	vst v0  }
0x7a: {  	v0 =	vld [tilespmem:s21+$0x50];
	_ =	sdelay $0x4  }
0x7b: {  	v0 =	vshrl.u32 v0, $0xE  }
0x7c: {  	[tilespmem:$0x2850] =	vst v0  }
0x7d: {  	v0 =	vld [tilespmem:s21+$0x60];
	_ =	sdelay $0x4  }
0x7e: {  	v0 =	vshrl.u32 v0, $0xE  }
0x7f: {  	[tilespmem:$0x2860] =	vst v0  }
0x80: {  	v0 =	vld [tilespmem:s21+$0x70];
	_ =	sdelay $0x4  }
0x81: {  	v0 =	vshrl.u32 v0, $0xE  }
0x82: {  	[tilespmem:$0x2870] =	vst v0  }
0x83: {  	[spmem:s1] =	stream.indirect.scatter.add.f32 [tilespmem:s15], [sflag:$0x1], $0x80, s17, s16, $0xb8;
	[tilespmem:$0x1A880] =	vst v63  }
0x84: {  	_ =	swait.ge [sflag:s14], $0x4000  }
0x85: {  	s20 =	sadd.s32 $0x1, s20;
	[sflag:s14] =	ssyncset.done $0x0  }
0x86: {  	p0 =	sne.s32 s20, s13;
	[sflag:s14] =	ssyncadd.s32 $0xFFFFC000  }
.Ltmp1:
0x87: {  	[bflag:$0x0] =	sbarrier.arrive $0xFFFF;
	(pc) =	sbr.rel @p0 .LBB2_1-.Ltmp1, $4  }
0x88: {  	[hbm:s12], [sflag:s18] =	dma.local [spmem:s19], $0x2800  }
0x89: {  	_ =	swait.ge [sflag:s14], $0x2800  }
0x8a: {  	[sflag:s14] =	ssyncset.done $0x0  }
0x8b: {  	[sflag:s14] =	ssyncadd.s32 $0xFFFFD800  }
0x8c: {  	_ =	sfence.sel $0x180000  }
0x8d: {  	[bflag:$0x0] =	sbarrier.arrive $0xFFFF  }
0x8e: {  	p0 =	sne.s32 s2, $0x0;
	_ =	strace $0x90000047  }
0x8f: {  	s0 =	sadd.s32 @!p0 $0x100000, s0;
	[bflag:$0x2] =	sbarrier.arrive $0xFFFF  }
0x90: {  	[sflag:s0] =	ssyncadd.tile.s32 @!p0 $0x1;
	_ =	shalt  }
.Lfunc_end2:
_tile_overlayer_lowered:
.L_overlay_start_2:
0x91: {  	(tag) =	ssettag $0x2  }
0x92: {  	s0 =	rddreg [dreg:$0x0];
	s2 =	stileid.u32  }
0x93: {  	s1 =	rddreg [dreg:$0x1];
	p0 =	sne.s32 s2, $0x0  }
0x94: {  	s3 =	rddreg [dreg:$0x2];
	[bflag:$0x3] =	sbarrier.arrive $0xFFFF;
	s2 =	simm.s32 @!p0 $0x1C01  }
0x95: {  	[timem:s3], [sflag:s2] =	dma.local @!p0 [hbm:s0], s1  }
0x96: {  	s0 =	simm.s32 @!p0 $0x1  }
0x97: {  	_ =	swait.ge @!p0 [sflag:s0], s1  }
0x98: {  	s1 =	ssub.s32 @!p0 $0x0, s1;
	[sflag:s0] =	ssyncset.done @!p0 $0x0  }
0x99: {  	[sflag:s0] =	ssyncadd.s32 @!p0 s1  }
0x9a: {  	[bflag:$0x3] =	sbarrier.arrive $0xFFFF  }
0x9b: {  	_ =	shalt  }

// kernel: kernel.13.cloned.1.call-start
scs
__scs_entry_jumppad:
0x0: {  	(pc) =	sbr.rel $0x88, $3  }
0x1: {  	(tag) =	ssettag $0x0;
	lr =	simm.s32 $0x1  }
0x2: {  	[smem:$0x3F97] =	sst lr;
	_ =	strace $0xD0000000  }
0x3: {  	_ = 	snop  }
0x4: {  	_ = 	snop  }
0x5: {  	_ = 	snop  }
0x6: {  	_ = 	snop  }
0x7: {  	_ = 	snop  }
__scs_overlays_trampoline_lowered:
0x8: {  	[smem:$0x3FA6] =	sst s0  }
0x9: {  	[smem:$0x3FA7] =	sst s1  }
0xa: {  	[smem:$0x3FA8] =	sst s2  }
0xb: {  	[smem:$0x3FA9] =	sst s3  }
0xc: {  	[smem:$0x3FAA] =	sst s4  }
0xd: {  	[smem:$0x3FAB] =	sst s5  }
0xe: {  	[smem:$0x3FAC] =	sst s6  }
0xf: {  	[smem:$0x3FAD] =	sst s7  }
0x10: {  	[smem:$0x3FAE] =	sst s8  }
0x11: {  	[smem:$0x3FAF] =	sst s9;
	s0 =	simm.s32 @!p0 $0x0  }
0x12: {  	s1 =	sld [smem:$0x3F95];
	s0 =	simm.s32 @p0 $0x1  }
0x13: {  	[smem:$0x3FB0] =	sst s0;
	s0 =	simm.s32 @!p1 $0x0  }
0x14: {  	s2 =	sld [smem:$0x3F94];
	s0 =	simm.s32 @p1 $0x1  }
0x15: {  	[smem:$0x3FB1] =	sst s0;
	s0 =	simm.s32 @!p2 $0x0  }
0x16: {  	s3 =	sld [smem:$0x3FDB];
	s0 =	simm.s32 @p2 $0x1  }
0x17: {  	s4 =	simm.s32 $0x1BF5;
	[smem:$0x3FB3] =	sst s0  }
0x18: {  	s0 =	sld [smem:$0x3F96];
	_ =	swait.ge [sflag:s4], $0x0  }
0x19: {  	s7 =	sld [smem:$0x3F97]  }
0x1a: {  	s8 =	sadd.s32 $0xFFFFE003, lr  }
0x1b: {  	s9 =	sadd.s32 $0xFFFFFEF7, lr;
	s5 =	simm.s32 $0xFFFFFFFF;
	p2 =	slt.u32 s8, $0xFFFFF086  }
0x1c: {  	p1 =	slt.u32 s9, $0xF7A;
	s5 =	simm.s32 @!p2 $0x0  }
0x1d: {  	s5 =	simm.s32 @p1 $0x1;
	p0 =	seq.s32 s7, s2  }
0x1e: {  	s7 =	smul.u32 @!p0 $0xF7A, s2;
	p2 =	seq.s32 @!p0 s5, $0x0  }
0x1f: {  	s9 =	smul.u32 $0xF7A, s1;
	s8 =	simm.s32 @!p0 $0x1BF5;
	p2 =	por !p2, p0  }
0x20: {  	[sflag:s8] =	ssyncset.s32 @!p0 $0xFFFFF086;
	s6 =	sadd.s32 @!p0 s3, s7;
	s7 =	simm.s32 @!p0 $0x108  }
0x21: {  	s3 =	sadd.s32 s3, s9;
	s6 =	sadd.s32 @!p0 $0x88, s6;
	s7 =	simm.s32 @p2 $0x1082  }
0x22: {  	[simem:s7], [sflag:s8] =	dma.local @!p0 [hbm:s6], $0xF7A  }
0x23: {  	s9 =	sor.u32 $0xD0000000, s2;
	s6 =	simm.s32 $0x108;
	_ =	swait.ge @!p0 [sflag:s8], $0x0  }
0x24: {  	s3 =	sadd.s32 $0x88, s3;
	s6 =	simm.s32 @!p1 $0x1082;
	[sflag:s4] =	ssyncset.s32 $0xFFFFF086  }
0x25: {  	[simem:s6], [sflag:s4] =	dma.local [hbm:s3], $0xF7A  }
0x26: {  	[smem:$0x3F97] =	sst s1;
	(tag) =	ssettag s2;
	_ =	strace s9  }
0x27: {  	s1 =	sld [smem:$0x3FA7]  }
0x28: {  	s2 =	sld [smem:$0x3FA8]  }
0x29: {  	s4 =	sld [smem:$0x3FAA]  }
0x2a: {  	p0 =	seq.s32 s5, $0x0;
	s5 =	sld [smem:$0x3FAB]  }
0x2b: {  	s6 =	sld [smem:$0x3FAC]  }
0x2c: {  	s7 =	sld [smem:$0x3FAD]  }
0x2d: {  	s3 =	simm.s32 $0x108;
	s8 =	sld [smem:$0x3FAE]  }
0x2e: {  	s3 =	simm.s32 @!p0 $0x1082;
	s9 =	sld [smem:$0x3FAF]  }
0x2f: {  	lr =	sadd.s32 s0, s3;
	s0 =	sld [smem:$0x3FA6]  }
0x30: {  	s3 =	sld [smem:$0x3FA9]  }
0x31: {  	[smem:$0x3FB2] =	sst s10  }
0x32: {  	s10 =	sld [smem:$0x3FB0];
	_ =	sdelay $0x3  }
0x33: {  	p0 =	seq.s32 s10, $0x1;
	s10 =	sld [smem:$0x3FB2];
	_ =	sdelay $0x3  }
0x34: {  	[smem:$0x3FB2] =	sst s10  }
0x35: {  	s10 =	sld [smem:$0x3FB1];
	_ =	sdelay $0x3  }
0x36: {  	p1 =	seq.s32 s10, $0x1;
	s10 =	sld [smem:$0x3FB2];
	_ =	sdelay $0x3  }
0x37: {  	[smem:$0x3FB2] =	sst s10  }
0x38: {  	s10 =	sld [smem:$0x3FB3]  }
0x39: {  	_ = 	snop;
	(pc) =	sbr.ind lr, $3  }
0x3a: {  	_ = 	snop  }
0x3b: {  	_ = 	snop  }
0x3c: {  	p2 =	seq.s32 s10, $0x1;
	s10 =	sld [smem:$0x3FB2]  }
0x3d: {  	_ =	shalt  }
0x3e: {  	_ =	shalt  }
0x3f: {  	_ =	shalt  }
0x40: {  	_ =	shalt  }
0x41: {  	_ =	shalt  }
0x42: {  	_ =	shalt  }
0x43: {  	_ =	shalt  }
0x44: {  	_ =	shalt  }
0x45: {  	_ =	shalt  }
0x46: {  	_ =	shalt  }
0x47: {  	_ =	shalt  }
0x48: {  	_ =	shalt  }
0x49: {  	_ =	shalt  }
0x4a: {  	_ =	shalt  }
0x4b: {  	_ =	shalt  }
0x4c: {  	_ =	shalt  }
0x4d: {  	_ =	shalt  }
0x4e: {  	_ =	shalt  }
0x4f: {  	_ =	shalt  }
0x50: {  	_ =	shalt  }
0x51: {  	_ =	shalt  }
0x52: {  	_ =	shalt  }
0x53: {  	_ =	shalt  }
0x54: {  	_ =	shalt  }
0x55: {  	_ =	shalt  }
0x56: {  	_ =	shalt  }
0x57: {  	_ =	shalt  }
0x58: {  	_ =	shalt  }
0x59: {  	_ =	shalt  }
0x5a: {  	_ =	shalt  }
0x5b: {  	_ =	shalt  }
0x5c: {  	_ =	shalt  }
0x5d: {  	_ =	shalt  }
0x5e: {  	_ =	shalt  }
0x5f: {  	_ =	shalt  }
0x60: {  	_ =	shalt  }
0x61: {  	_ =	shalt  }
0x62: {  	_ =	shalt  }
0x63: {  	_ =	shalt  }
0x64: {  	_ =	shalt  }
0x65: {  	_ =	shalt  }
0x66: {  	_ =	shalt  }
0x67: {  	_ =	shalt  }
0x68: {  	_ =	shalt  }
0x69: {  	_ =	shalt  }
0x6a: {  	_ =	shalt  }
0x6b: {  	_ =	shalt  }
0x6c: {  	_ =	shalt  }
0x6d: {  	_ =	shalt  }
0x6e: {  	_ =	shalt  }
0x6f: {  	_ =	shalt  }
0x70: {  	_ =	shalt  }
0x71: {  	_ =	shalt  }
0x72: {  	_ =	shalt  }
0x73: {  	_ =	shalt  }
0x74: {  	_ =	shalt  }
0x75: {  	_ =	shalt  }
0x76: {  	_ =	shalt  }
0x77: {  	_ =	shalt  }
0x78: {  	_ =	shalt  }
0x79: {  	_ =	shalt  }
0x7a: {  	_ =	shalt  }
0x7b: {  	_ =	shalt  }
0x7c: {  	_ =	shalt  }
0x7d: {  	_ =	shalt  }
0x7e: {  	_ =	shalt  }
0x7f: {  	_ =	shalt  }
0x80: {  	_ =	shalt  }
0x81: {  	_ =	shalt  }
0x82: {  	_ =	shalt  }
0x83: {  	_ =	shalt  }
0x84: {  	_ =	shalt  }
0x85: {  	_ =	shalt  }
0x86: {  	_ =	shalt  }
0x87: {  	_ =	shalt  }
.Lfunc_end0:
.L_simem_size_0:
called_computation.1_lowered:
.L_overlay_start_0:
0x88: {  	s2 =	sld [smem:$0x3FD9]  }
0x89: {  	s3 =	sld [smem:$0x3FFE];
	_ =	sdelay $0x1  }
0x8a: {  	s1 =	srdreg.scid  }
0x8b: {  	s0 =	sand.u32 $0x1, s1  }
0x8c: {  	s17 =	sshll.u32 s0, $0xA;
	s2 =	sadd.s32 s3, s2  }
0x8d: {  	s2 =	sadd.s32 s2, s17  }
0x8e: {  	[smem:$0x3FBE] =	sst s2  }
0x8f: {  	_ = 	snop  }
0x90: {  	s2 =	sld [smem:$0x3FD0];
	(tm) =	ssettm $0x1  }
0x91: {  	s18 =	sld [smem:$0x3FFB];
	_ =	sdelay $0x3  }
0x92: {  	_ =	strace s18  }
0x93: {  	s3 =	sld [smem:$0x3FFC];
	_ =	sdelay $0x3  }
0x94: {  	_ =	strace s3  }
0x95: {  	s3 =	sld [smem:$0x3FFD];
	_ =	sdelay $0x3  }
0x96: {  	_ =	strace s3  }
0x97: {  	_ =	strace $0x8FFFFFFF  }
0x98: {  	s19 =	sld [smem:$0x3FDB];
	_ =	sdelay $0x1  }
0x99: {  	s4 =	simm.s32 $_scs_section_size  }
0x9a: {  	s5 =	simm.s32 $_size__tile_overlayer_lowered;
	s6 =	simm.s32 $_tile_overlayer_lowered  }
0x9b: {  	s22 =	simm.s32 $0x1BFF;
	s21 =	sshll.u32 s6, $0x1;
	s3 =	sadd.s32 s4, s19  }
0x9c: {  	s7 =	simm.s32 $0x0;
	s20 =	sshll.u32 s5, $0x1;
	s5 =	sadd.s32 s21, s3  }
0x9d: {  	[timem:s7], [sflag:s22] =	dma.local [hbm:s5], s20  }
0x9e: {  	_ =	swait.ge [sflag:s22], s20  }
0x9f: {  	s4 =	ssub.s32 $0x0, s20;
	[sflag:s22] =	ssyncset.done $0x0  }
0xa0: {  	[sflag:s22] =	ssyncadd.s32 s4;
	_ =	sdelay $0x1  }
0xa1: {  	s23 =	simm.s32 $0x1B8B  }
0xa2: {  	_ =	swait.ge [sflag:s23], $0x1  }
0xa3: {  	[sflag:s23] =	ssyncset.done $0x0  }
0xa4: {  	s25 =	simm.s32 $0x1B8E;
	s24 =	sld [smem:$0x3FFE];
	[sflag:s23] =	ssyncadd.s32 $0xFFFFFFFF  }
0xa5: {  	s26 =	simm.s32 $execute0_lowered;
	[smem:$0x3FD2] =	sst s25  }
0xa6: {  	s5 =	sshll.u32 s26, $0x1;
	_ =	strace $0x80000049;
	[dreg:$0x1] =	wrdreg $0xFFFFFFFF  }
0xa7: {  	s28 =	simm.s32 $_size_execute0_lowered;
	s3 =	sadd.s32 s3, s5;
	[dreg:$0x0] =	wrdreg $0x0  }
0xa8: {  	s5 =	sshll.u32 s28, $0x1;
	[dreg:$0x2] =	wrdreg s3  }
0xa9: {  	[dreg:$0x3] =	wrdreg s5  }
0xaa: {  	[dreg:$0x4] =	wrdreg $0xC0  }
0xab: {  	_ =	task [dreg:s7], $0x5FFFF  }
0xac: {  	[dreg:$0x1] =	wrdreg $0xFFFFFFFF  }
0xad: {  	[dreg:$0x0] =	wrdreg $0x60  }
0xae: {  	[dreg:$0x2] =	wrdreg s24  }
0xaf: {  	[dreg:$0x3] =	wrdreg s2  }
0xb0: {  	[dreg:$0x4] =	wrdreg $0xAA000  }
0xb1: {  	[dreg:$0x5] =	wrdreg $0x9  }
0xb2: {  	_ =	task.clear_ibuf [dreg:s7], $0x6FFFF;
	_ =	strace $0x90000049  }
0xb3: {  	s29 =	simm.s32 $0x9;
	_ =	strace $0x8000004B  }
0xb4: {  	_ =	swait.ge [sflag:s29], $0x1  }
0xb5: {  	[sflag:s29] =	ssyncadd.s32 $0xFFFFFFFF  }
0xb6: {  	_ =	strace $0x9000004B  }
0xb7: {  	_ =	sfence  }
0xb8: {  	s30 =	sld [smem:$0x0];
	_ =	sdelay $0x2  }
0xb9: {  	s31 =	sshll.u32 s1, $0xD;
	s1 =	sshrl.u32 s1, $0x2  }
0xba: {  	s3 =	sand.u32 $0x4000, s31;
	s1 =	sadd.s32 s1, s30  }
0xbb: {  	s0 =	sor.u32 s3, s0;
	s1 =	sshll.u32 s1, $0x11  }
0xbc: {  	s0 =	sor.u32 s1, s0  }
0xbd: {  	s0 =	sadd.s32 $0x8F2B, s0  }
0xbe: {  	[sflag:s0] =	ssyncadd.remote.s32 $0x1  }
0xbf: {  	_ =	sfence.sel $0xFFFF  }
0xc0: {  	[dreg:$0x0] =	wrdreg $0xFFFFFFFF;
	(pc) =	sbr.abs _section_cstart, $3  }
0xc1: {  	[dreg:$0x1] =	wrdreg $0xFFFFFFFF  }
0xc2: {  	_ =	task.clear_ibuf [dreg:s7], $0x2FFFF;
	_ =	strace $0x9FFFFFFF  }
0xc3: {  	(tm) =	ssettm $0x7FFFFFFF  }
tec
execute0_lowered:
.L_overlay_start_1:
0x0: {  	(tag) =	ssettag $0x1  }
0x1: {  	s6 =	rddreg [dreg:$0x0]  }
0x2: {  	s11 =	rddreg [dreg:$0x1]  }
0x3: {  	s0 =	srdreg.scid;
	s2 =	rddreg [dreg:$0x2]  }
0x4: {  	s1 =	stileid.u32;
	s3 =	simm.s32 $0x0;
	s15 =	simm.s32 $0x2  }
0x5: {  	s16 =	simm.s32 $0x80;
	s17 =	simm.s32 $0x2800;
	s18 =	simm.s32 $0x2900  }
0x6: {  	s19 =	simm.s32 $0x6A00;
	s20 =	simm.s32 $0x1;
	s21 =	simm.s32 $0x2880  }
0x7: {  	s22 =	simm.s32 $0x2980;
	s25 =	simm.s32 $0x0;
	s5 =	smul.u32 $0x14000, s1  }
0x8: {  	s7 =	sand.u32 $0x1, s0;
	s0 =	rddreg [dreg:$0x3];
	s9 =	smul.u32 $0x50000, s1  }
0x9: {  	[smem:$0x7FF] =	sst s3;
	s23 =	sshll.u32 s1, $0x6;
	s4 =	smul.u32 $0x140000, s7  }
0xa: {  	_ =	strace $0x8000004A;
	s29 =	sshll.u32 s7, $0x4;
	s7 =	ssub.s32 $0x2, s7  }
0xb: {  	s23 =	sor.u32 $0x1C02, s23;
	s30 =	sshrl.u32 s9, $0x2;
	s31 =	sor.u32 s1, s29  }
0xc: {  	s10 =	sshrl.u32 s7, $0x1;
	s5 =	sadd.s32 s5, s4;
	s4 =	sadd.s32 $0x3C00, s6  }
0xd: {  	s13 =	smul.u32 $0x500, s31;
	s14 =	ssub.s32 s7, s10;
	s8 =	sshrl.u32 s5, $0x3  }
0xe: {  	s5 =	sadd.s32 $0x3400, s6;
	s12 =	sadd.s32 s8, s6;
	s6 =	sadd.s32 s30, s2  }
0xf: {  	s11 =	sadd.s32 s11, s13;
	s13 =	smax.u32 s14, $0x1;
	s14 =	simm.s32 $0x2A00  }
0x10: {  	s7 =	sadd.s32 $0x4000, s6;
	s8 =	sadd.s32 $0x8000, s6;
	s9 =	sadd.s32 $0xC000, s6  }
0x11: {  	s10 =	sadd.s32 $0x10000, s6;
	s12 =	sadd.s32 $0x2AE00, s12;
	s24 =	sshrl.u32 s6, $0x3  }
.LBB2_1:
0x12: {  	[tilespmem:s14], [sflag:$0x2] =	stream.linear.gather [hbm4b:s5+s3], $0x4000, $0x38;
	[tilespmem:$0x1EA00] =	vst v63  }
0x13: {  	_ =	swait.ge [sflag:s15], $0x4000  }
0x14: {  	[sflag:s15] =	ssyncset.done $0x0  }
0x15: {  	[sflag:s15] =	ssyncadd.s32 $0xFFFFC000  }
0x16: {  	[spmem:s6] =	stream.linear.scatter [tilespmem:s14], [sflag:$0x2], $0x4000, $0x38;
	[tilespmem:$0x1EA00] =	vst v63  }
0x17: {  	_ =	swait.ge [sflag:s15], $0x4000  }
0x18: {  	[sflag:s15] =	ssyncset.done $0x0  }
0x19: {  	[sflag:s15] =	ssyncadd.s32 $0xFFFFC000  }
0x1a: {  	[spmem:s7] =	stream.linear.scatter [tilespmem:s14], [sflag:$0x2], $0x4000, $0x38;
	[tilespmem:$0x1EA00] =	vst v63  }
0x1b: {  	_ =	swait.ge [sflag:s15], $0x4000  }
0x1c: {  	[sflag:s15] =	ssyncset.done $0x0  }
0x1d: {  	[sflag:s15] =	ssyncadd.s32 $0xFFFFC000  }
0x1e: {  	[spmem:s8] =	stream.linear.scatter [tilespmem:s14], [sflag:$0x2], $0x4000, $0x38;
	[tilespmem:$0x1EA00] =	vst v63  }
0x1f: {  	_ =	swait.ge [sflag:s15], $0x4000  }
0x20: {  	[sflag:s15] =	ssyncset.done $0x0  }
0x21: {  	[sflag:s15] =	ssyncadd.s32 $0xFFFFC000  }
0x22: {  	[spmem:s9] =	stream.linear.scatter [tilespmem:s14], [sflag:$0x2], $0x4000, $0x38;
	[tilespmem:$0x1EA00] =	vst v63  }
0x23: {  	_ =	swait.ge [sflag:s15], $0x4000  }
0x24: {  	[sflag:s15] =	ssyncset.done $0x0  }
0x25: {  	[sflag:s15] =	ssyncadd.s32 $0xFFFFC000  }
0x26: {  	[spmem:s10] =	stream.linear.scatter [tilespmem:s14], [sflag:$0x2], $0x4000, $0x38;
	[tilespmem:$0x1EA00] =	vst v63  }
0x27: {  	_ =	swait.ge [sflag:s15], $0x4000  }
0x28: {  	[sflag:s15] =	ssyncset.done $0x0  }
0x29: {  	[sflag:s15] =	ssyncadd.s32 $0xFFFFC000  }
0x2a: {  	[bflag:$0x0] =	sbarrier.arrive $0xFFFF  }
0x2b: {  	[tilespmem:s3], [sflag:$0x2] =	stream.linear.gather [hbm4b:s11+s3], $0x2780, $0x38;
	[tilespmem:$0x1EA00] =	vst v63  }
0x2c: {  	_ =	swait.ge [sflag:s15], $0x2780  }
0x2d: {  	[sflag:s15] =	ssyncset.done $0x0  }
0x2e: {  	[sflag:s15] =	ssyncadd.s32 $0xFFFFD880  }
0x2f: {  	v0 =	vld [tilespmem:$0x0];
	_ =	sdelay $0x1  }
0x30: {  	v1 =	vld [tilespmem:$0x10];
	_ =	sdelay $0x1  }
0x31: {  	v2 =	vld [tilespmem:$0x20]  }
0x32: {  	v3 =	vand.u32 $0x3FFF, v0  }
0x33: {  	v0 =	vshrl.u32 v0, $0xE;
	[tilespmem:$0x2800] =	vst v3;
	v3 =	vld [tilespmem:$0x30]  }
0x34: {  	[tilespmem:$0x2880] =	vst v0;
	v0 =	vand.u32 $0x3FFF, v1  }
0x35: {  	[tilespmem:$0x2810] =	vst v0;
	v0 =	vshrl.u32 v1, $0xE;
	v1 =	vld [tilespmem:$0x40]  }
0x36: {  	[tilespmem:$0x2890] =	vst v0;
	v0 =	vand.u32 $0x3FFF, v2  }
0x37: {  	[tilespmem:$0x2820] =	vst v0;
	v0 =	vshrl.u32 v2, $0xE;
	v2 =	vld [tilespmem:$0x50]  }
0x38: {  	[tilespmem:$0x28A0] =	vst v0;
	v0 =	vand.u32 $0x3FFF, v3  }
0x39: {  	[tilespmem:$0x2830] =	vst v0;
	v0 =	vshrl.u32 v3, $0xE;
	v3 =	vld [tilespmem:$0x60]  }
0x3a: {  	[tilespmem:$0x28B0] =	vst v0;
	v0 =	vand.u32 $0x3FFF, v1  }
0x3b: {  	[tilespmem:$0x2840] =	vst v0;
	v0 =	vshrl.u32 v1, $0xE;
	v1 =	vld [tilespmem:$0x70]  }
0x3c: {  	[tilespmem:$0x28C0] =	vst v0;
	v0 =	vand.u32 $0x3FFF, v2  }
0x3d: {  	[tilespmem:$0x2850] =	vst v0;
	v0 =	vshrl.u32 v2, $0xE  }
0x3e: {  	[tilespmem:$0x28D0] =	vst v0;
	v0 =	vand.u32 $0x3FFF, v3  }
0x3f: {  	[tilespmem:$0x2860] =	vst v0;
	v0 =	vshrl.u32 v3, $0xE  }
0x40: {  	[tilespmem:$0x28E0] =	vst v0;
	v0 =	vand.u32 $0x3FFF, v1  }
0x41: {  	[tilespmem:$0x2870] =	vst v0;
	v0 =	vshrl.u32 v1, $0xE  }
0x42: {  	s26 =	simm.s32 $0x170;
	[tilespmem:$0x28F0] =	vst v0  }
0x43: {  	[tilespmem:s14], [sflag:$0x1] =	stream.indirect.gather [hbm4b:s4+s16], $0x80, s17, s16, $0xb8;
	[tilespmem:$0x1EA00] =	vst v63  }
0x44: {  	v0 =	vld [tilespmem:s26+$0xFFFFFF10];
	_ =	sdelay $0x4  }
0x45: {  	v1 =	vand.u32 $0x3FFF, v0  }
0x46: {  	v0 =	vshrl.u32 v0, $0xE;
	[tilespmem:$0x2900] =	vst v1  }
0x47: {  	[tilespmem:$0x2980] =	vst v0  }
0x48: {  	v0 =	vld [tilespmem:s26+$0xFFFFFF20];
	_ =	sdelay $0x4  }
0x49: {  	v1 =	vand.u32 $0x3FFF, v0  }
0x4a: {  	v0 =	vshrl.u32 v0, $0xE;
	[tilespmem:$0x2910] =	vst v1  }
0x4b: {  	[tilespmem:$0x2990] =	vst v0  }
0x4c: {  	v0 =	vld [tilespmem:s26+$0xFFFFFF30];
	_ =	sdelay $0x4  }
0x4d: {  	v1 =	vand.u32 $0x3FFF, v0  }
0x4e: {  	v0 =	vshrl.u32 v0, $0xE;
	[tilespmem:$0x2920] =	vst v1  }
0x4f: {  	[tilespmem:$0x29A0] =	vst v0  }
0x50: {  	v0 =	vld [tilespmem:s26+$0xFFFFFF40];
	_ =	sdelay $0x4  }
0x51: {  	v1 =	vand.u32 $0x3FFF, v0  }
0x52: {  	v0 =	vshrl.u32 v0, $0xE;
	[tilespmem:$0x2930] =	vst v1  }
0x53: {  	[tilespmem:$0x29B0] =	vst v0  }
0x54: {  	v0 =	vld [tilespmem:s26+$0xFFFFFF50];
	_ =	sdelay $0x4  }
0x55: {  	v1 =	vand.u32 $0x3FFF, v0  }
0x56: {  	v0 =	vshrl.u32 v0, $0xE;
	[tilespmem:$0x2940] =	vst v1  }
0x57: {  	[tilespmem:$0x29C0] =	vst v0  }
0x58: {  	v0 =	vld [tilespmem:s26+$0xFFFFFF60];
	_ =	sdelay $0x4  }
0x59: {  	v1 =	vand.u32 $0x3FFF, v0  }
0x5a: {  	v0 =	vshrl.u32 v0, $0xE;
	[tilespmem:$0x2950] =	vst v1  }
0x5b: {  	[tilespmem:$0x29D0] =	vst v0  }
0x5c: {  	v0 =	vld [tilespmem:s26+$0xFFFFFF70];
	_ =	sdelay $0x4  }
0x5d: {  	v1 =	vand.u32 $0x3FFF, v0  }
0x5e: {  	v0 =	vshrl.u32 v0, $0xE;
	[tilespmem:$0x2960] =	vst v1  }
0x5f: {  	[tilespmem:$0x29E0] =	vst v0  }
0x60: {  	v0 =	vld [tilespmem:s26+$0xFFFFFF80];
	_ =	sdelay $0x4  }
0x61: {  	v1 =	vand.u32 $0x3FFF, v0  }
0x62: {  	v0 =	vshrl.u32 v0, $0xE;
	[tilespmem:$0x2970] =	vst v1  }
0x63: {  	[tilespmem:$0x29F0] =	vst v0  }
0x64: {  	[tilespmem:s19], [sflag:$0x1] =	stream.indirect.gather [hbm4b:s4+s16], $0x80, s18, s16, $0xb8;
	[tilespmem:$0x1EA00] =	vst v63  }
0x65: {  	_ =	swait.ge [sflag:s20], $0x4000  }
0x66: {  	[sflag:s20] =	ssyncset.done $0x0  }
0x67: {  	[sflag:s20] =	ssyncadd.s32 $0xFFFFC000  }
0x68: {  	[spmem:s2] =	stream.indirect.scatter.add.f32 [tilespmem:s14], [sflag:$0x2], $0x80, s21, s16, $0xb8;
	[tilespmem:$0x1EA00] =	vst v63  }
0x69: {  	_ =	swait.ge [sflag:s15], $0x4000  }
0x6a: {  	[sflag:s15] =	ssyncset.done $0x0  }
0x6b: {  	[sflag:s15] =	ssyncadd.s32 $0xFFFFC000  }
0x6c: {  	v0 =	vld [tilespmem:s26+$0xFFFFFF90];
	_ =	sdelay $0x4  }
0x6d: {  	v1 =	vand.u32 $0x3FFF, v0  }
0x6e: {  	v0 =	vshrl.u32 v0, $0xE;
	[tilespmem:$0x2800] =	vst v1  }
0x6f: {  	[tilespmem:$0x2880] =	vst v0  }
0x70: {  	v0 =	vld [tilespmem:s26+$0xFFFFFFA0];
	_ =	sdelay $0x4  }
0x71: {  	v1 =	vand.u32 $0x3FFF, v0  }
0x72: {  	v0 =	vshrl.u32 v0, $0xE;
	[tilespmem:$0x2810] =	vst v1  }
0x73: {  	[tilespmem:$0x2890] =	vst v0  }
0x74: {  	v0 =	vld [tilespmem:s26+$0xFFFFFFB0];
	_ =	sdelay $0x4  }
0x75: {  	v1 =	vand.u32 $0x3FFF, v0  }
0x76: {  	v0 =	vshrl.u32 v0, $0xE;
	[tilespmem:$0x2820] =	vst v1  }
0x77: {  	[tilespmem:$0x28A0] =	vst v0  }
0x78: {  	v0 =	vld [tilespmem:s26+$0xFFFFFFC0];
	_ =	sdelay $0x4  }
0x79: {  	v1 =	vand.u32 $0x3FFF, v0  }
0x7a: {  	v0 =	vshrl.u32 v0, $0xE;
	[tilespmem:$0x2830] =	vst v1  }
0x7b: {  	[tilespmem:$0x28B0] =	vst v0  }
0x7c: {  	v0 =	vld [tilespmem:s26+$0xFFFFFFD0];
	_ =	sdelay $0x4  }
0x7d: {  	v1 =	vand.u32 $0x3FFF, v0  }
0x7e: {  	v0 =	vshrl.u32 v0, $0xE;
	[tilespmem:$0x2840] =	vst v1  }
0x7f: {  	[tilespmem:$0x28C0] =	vst v0  }
0x80: {  	v0 =	vld [tilespmem:s26+$0xFFFFFFE0];
	_ =	sdelay $0x4  }
0x81: {  	v1 =	vand.u32 $0x3FFF, v0  }
0x82: {  	v0 =	vshrl.u32 v0, $0xE;
	[tilespmem:$0x2850] =	vst v1  }
0x83: {  	[tilespmem:$0x28D0] =	vst v0  }
0x84: {  	v0 =	vld [tilespmem:s26+$0xFFFFFFF0];
	_ =	sdelay $0x4  }
0x85: {  	v1 =	vand.u32 $0x3FFF, v0  }
0x86: {  	s28 =	simm.s32 $0x9C0;
	v0 =	vshrl.u32 v0, $0xE;
	[tilespmem:$0x2860] =	vst v1  }
.LBB2_2:
0x87: {  	p0 =	sne.s32 s28, $0x9DC0;
	[tilespmem:$0x28E0] =	vst v0;
	s29 =	smov.u32 s28;
	s28 =	sadd.s32 $0x400, s28  }
0x88: {  	v0 =	vld [tilespmem:s26+$0x0];
	_ =	sdelay $0x4  }
0x89: {  	v1 =	vand.u32 $0x3FFF, v0;
	v0 =	vshrl.u32 v0, $0xE  }
0x8a: {  	[tilespmem:$0x2870] =	vst v1  }
0x8b: {  	[tilespmem:$0x28F0] =	vst v0  }
0x8c: {  	[tilespmem:s14], [sflag:$0x1] =	stream.indirect.gather [hbm4b:s4+s16], $0x80, s17, s16, $0xb8;
	[tilespmem:$0x1EA00] =	vst v63  }
0x8d: {  	_ =	swait.ge [sflag:s20], $0x4000  }
0x8e: {  	[sflag:s20] =	ssyncset.done $0x0  }
0x8f: {  	[sflag:s20] =	ssyncadd.s32 $0xFFFFC000  }
0x90: {  	[spmem:s2] =	stream.indirect.scatter.add.f32 [tilespmem:s19], [sflag:$0x2], $0x80, s22, s16, $0xb8;
	[tilespmem:$0x1EA00] =	vst v63  }
0x91: {  	_ =	swait.ge [sflag:s15], $0x4000  }
0x92: {  	[sflag:s15] =	ssyncset.done $0x0  }
0x93: {  	s26 =	sshra.s32 s29, $0x2;
	[sflag:s15] =	ssyncadd.s32 $0xFFFFC000  }
0x94: {  	v0 =	vld [tilespmem:s26+$0xFFFFFF10];
	_ =	sdelay $0x4  }
0x95: {  	v1 =	vand.u32 $0x3FFF, v0;
	v0 =	vshrl.u32 v0, $0xE  }
0x96: {  	[tilespmem:$0x2900] =	vst v1  }
0x97: {  	[tilespmem:$0x2980] =	vst v0  }
0x98: {  	v0 =	vld [tilespmem:s26+$0xFFFFFF20];
	_ =	sdelay $0x4  }
0x99: {  	v1 =	vand.u32 $0x3FFF, v0;
	v0 =	vshrl.u32 v0, $0xE  }
0x9a: {  	[tilespmem:$0x2910] =	vst v1  }
0x9b: {  	[tilespmem:$0x2990] =	vst v0  }
0x9c: {  	v0 =	vld [tilespmem:s26+$0xFFFFFF30];
	_ =	sdelay $0x4  }
0x9d: {  	v1 =	vand.u32 $0x3FFF, v0;
	v0 =	vshrl.u32 v0, $0xE  }
0x9e: {  	[tilespmem:$0x2920] =	vst v1  }
0x9f: {  	[tilespmem:$0x29A0] =	vst v0  }
0xa0: {  	v0 =	vld [tilespmem:s26+$0xFFFFFF40];
	_ =	sdelay $0x4  }
0xa1: {  	v1 =	vand.u32 $0x3FFF, v0;
	v0 =	vshrl.u32 v0, $0xE  }
0xa2: {  	[tilespmem:$0x2930] =	vst v1  }
0xa3: {  	[tilespmem:$0x29B0] =	vst v0  }
0xa4: {  	v0 =	vld [tilespmem:s26+$0xFFFFFF50];
	_ =	sdelay $0x4  }
0xa5: {  	v1 =	vand.u32 $0x3FFF, v0;
	v0 =	vshrl.u32 v0, $0xE  }
0xa6: {  	[tilespmem:$0x2940] =	vst v1  }
0xa7: {  	[tilespmem:$0x29C0] =	vst v0  }
0xa8: {  	v0 =	vld [tilespmem:s26+$0xFFFFFF60];
	_ =	sdelay $0x4  }
0xa9: {  	v1 =	vand.u32 $0x3FFF, v0;
	v0 =	vshrl.u32 v0, $0xE  }
0xaa: {  	[tilespmem:$0x2950] =	vst v1  }
0xab: {  	[tilespmem:$0x29D0] =	vst v0  }
0xac: {  	v0 =	vld [tilespmem:s26+$0xFFFFFF70];
	_ =	sdelay $0x4  }
0xad: {  	v1 =	vand.u32 $0x3FFF, v0;
	v0 =	vshrl.u32 v0, $0xE  }
0xae: {  	[tilespmem:$0x2960] =	vst v1  }
0xaf: {  	[tilespmem:$0x29E0] =	vst v0  }
0xb0: {  	v0 =	vld [tilespmem:s26+$0xFFFFFF80];
	_ =	sdelay $0x4  }
0xb1: {  	v1 =	vand.u32 $0x3FFF, v0;
	v0 =	vshrl.u32 v0, $0xE  }
0xb2: {  	[tilespmem:$0x2970] =	vst v1  }
0xb3: {  	[tilespmem:$0x29F0] =	vst v0  }
0xb4: {  	[tilespmem:s19], [sflag:$0x1] =	stream.indirect.gather [hbm4b:s4+s16], $0x80, s18, s16, $0xb8;
	[tilespmem:$0x1EA00] =	vst v63  }
0xb5: {  	_ =	swait.ge [sflag:s20], $0x4000  }
0xb6: {  	[sflag:s20] =	ssyncset.done $0x0  }
0xb7: {  	[sflag:s20] =	ssyncadd.s32 $0xFFFFC000  }
0xb8: {  	[spmem:s2] =	stream.indirect.scatter.add.f32 [tilespmem:s14], [sflag:$0x2], $0x80, s21, s16, $0xb8;
	[tilespmem:$0x1EA00] =	vst v63  }
0xb9: {  	_ =	swait.ge [sflag:s15], $0x4000  }
0xba: {  	[sflag:s15] =	ssyncset.done $0x0  }
0xbb: {  	[sflag:s15] =	ssyncadd.s32 $0xFFFFC000  }
0xbc: {  	v0 =	vld [tilespmem:s26+$0xFFFFFF90];
	_ =	sdelay $0x4  }
0xbd: {  	v1 =	vand.u32 $0x3FFF, v0;
	v0 =	vshrl.u32 v0, $0xE  }
0xbe: {  	[tilespmem:$0x2800] =	vst v1  }
0xbf: {  	[tilespmem:$0x2880] =	vst v0  }
0xc0: {  	v0 =	vld [tilespmem:s26+$0xFFFFFFA0];
	_ =	sdelay $0x4  }
0xc1: {  	v1 =	vand.u32 $0x3FFF, v0;
	v0 =	vshrl.u32 v0, $0xE  }
0xc2: {  	[tilespmem:$0x2810] =	vst v1  }
0xc3: {  	[tilespmem:$0x2890] =	vst v0  }
0xc4: {  	v0 =	vld [tilespmem:s26+$0xFFFFFFB0];
	_ =	sdelay $0x4  }
0xc5: {  	v1 =	vand.u32 $0x3FFF, v0;
	v0 =	vshrl.u32 v0, $0xE  }
0xc6: {  	[tilespmem:$0x2820] =	vst v1  }
0xc7: {  	[tilespmem:$0x28A0] =	vst v0  }
0xc8: {  	v0 =	vld [tilespmem:s26+$0xFFFFFFC0];
	_ =	sdelay $0x4  }
0xc9: {  	v1 =	vand.u32 $0x3FFF, v0;
	v0 =	vshrl.u32 v0, $0xE  }
0xca: {  	[tilespmem:$0x2830] =	vst v1  }
0xcb: {  	[tilespmem:$0x28B0] =	vst v0  }
0xcc: {  	v0 =	vld [tilespmem:s26+$0xFFFFFFD0];
	_ =	sdelay $0x4  }
0xcd: {  	v1 =	vand.u32 $0x3FFF, v0;
	v0 =	vshrl.u32 v0, $0xE  }
0xce: {  	[tilespmem:$0x2840] =	vst v1  }
0xcf: {  	[tilespmem:$0x28C0] =	vst v0  }
0xd0: {  	v0 =	vld [tilespmem:s26+$0xFFFFFFE0];
	_ =	sdelay $0x4  }
0xd1: {  	v1 =	vand.u32 $0x3FFF, v0;
	v0 =	vshrl.u32 v0, $0xE  }
0xd2: {  	[tilespmem:$0x2850] =	vst v1  }
0xd3: {  	[tilespmem:$0x28D0] =	vst v0  }
0xd4: {  	v0 =	vld [tilespmem:s26+$0xFFFFFFF0];
	_ =	sdelay $0x1  }
.Ltmp0:
0xd5: {  	(pc) =	sbr.rel @p0 .LBB2_2-.Ltmp0, $3  }
0xd6: {  	_ =	sdelay $0x1  }
0xd7: {  	v1 =	vand.u32 $0x3FFF, v0;
	v0 =	vshrl.u32 v0, $0xE  }
0xd8: {  	[tilespmem:$0x2860] =	vst v1  }
0xd9: {  	[tilespmem:$0x28E0] =	vst v0  }
0xda: {  	v0 =	vld [tilespmem:s26+$0x0];
	_ =	sdelay $0x4  }
0xdb: {  	v1 =	vand.u32 $0x3FFF, v0  }
0xdc: {  	v0 =	vshrl.u32 v0, $0xE;
	[tilespmem:$0x2870] =	vst v1  }
0xdd: {  	[tilespmem:$0x28F0] =	vst v0  }
0xde: {  	[tilespmem:s14], [sflag:$0x1] =	stream.indirect.gather [hbm4b:s4+s16], $0x80, s17, s16, $0xb8;
	[tilespmem:$0x1EA00] =	vst v63  }
0xdf: {  	_ =	swait.ge [sflag:s20], $0x4000  }
0xe0: {  	[sflag:s20] =	ssyncset.done $0x0  }
0xe1: {  	[sflag:s20] =	ssyncadd.s32 $0xFFFFC000  }
0xe2: {  	[spmem:s2] =	stream.indirect.scatter.add.f32 [tilespmem:s19], [sflag:$0x2], $0x80, s22, s16, $0xb8;
	[tilespmem:$0x1EA00] =	vst v63  }
0xe3: {  	_ =	swait.ge [sflag:s15], $0x4000  }
0xe4: {  	[sflag:s15] =	ssyncset.done $0x0  }
0xe5: {  	[sflag:s15] =	ssyncadd.s32 $0xFFFFC000  }
0xe6: {  	_ =	swait.ge [sflag:s20], $0x4000  }
0xe7: {  	[sflag:s20] =	ssyncset.done $0x0  }
0xe8: {  	[sflag:s20] =	ssyncadd.s32 $0xFFFFC000  }
0xe9: {  	[spmem:s2] =	stream.indirect.scatter.add.f32 [tilespmem:s14], [sflag:$0x2], $0x80, s21, s16, $0xb8;
	[tilespmem:$0x1EA00] =	vst v63  }
0xea: {  	_ =	swait.ge [sflag:s15], $0x4000  }
0xeb: {  	s25 =	sadd.s32 $0x1, s25;
	[sflag:s15] =	ssyncset.done $0x0  }
0xec: {  	p0 =	sne.s32 s25, s13;
	[sflag:s15] =	ssyncadd.s32 $0xFFFFC000  }
.Ltmp1:
0xed: {  	[bflag:$0x0] =	sbarrier.arrive $0xFFFF;
	(pc) =	sbr.rel @p0 .LBB2_1-.Ltmp1, $4  }
0xee: {  	[hbm:s12], [sflag:s23] =	dma.local [spmem:s24], $0x2800  }
0xef: {  	_ =	swait.ge [sflag:s15], $0x2800  }
0xf0: {  	[sflag:s15] =	ssyncset.done $0x0  }
0xf1: {  	[sflag:s15] =	ssyncadd.s32 $0xFFFFD800  }
0xf2: {  	_ =	sfence.sel $0x180000  }
0xf3: {  	[bflag:$0x0] =	sbarrier.arrive $0xFFFF  }
0xf4: {  	p0 =	sne.s32 s1, $0x0;
	_ =	strace $0x9000004A  }
0xf5: {  	s0 =	sadd.s32 @!p0 $0x100000, s0;
	[bflag:$0x2] =	sbarrier.arrive $0xFFFF  }
0xf6: {  	[sflag:s0] =	ssyncadd.tile.s32 @!p0 $0x1;
	_ =	shalt  }
.Lfunc_end2:
_tile_overlayer_lowered:
.L_overlay_start_2:
0xf7: {  	(tag) =	ssettag $0x2  }
0xf8: {  	s0 =	rddreg [dreg:$0x0];
	s2 =	stileid.u32  }
0xf9: {  	s1 =	rddreg [dreg:$0x1];
	p0 =	sne.s32 s2, $0x0  }
0xfa: {  	s3 =	rddreg [dreg:$0x2];
	[bflag:$0x3] =	sbarrier.arrive $0xFFFF;
	s2 =	simm.s32 @!p0 $0x1C02  }
0xfb: {  	[timem:s3], [sflag:s2] =	dma.local @!p0 [hbm:s0], s1  }
0xfc: {  	s0 =	simm.s32 @!p0 $0x2  }
0xfd: {  	_ =	swait.ge @!p0 [sflag:s0], s1  }
0xfe: {  	s1 =	ssub.s32 @!p0 $0x0, s1;
	[sflag:s0] =	ssyncset.done @!p0 $0x0  }
0xff: {  	[sflag:s0] =	ssyncadd.s32 @!p0 s1  }
0x100: {  	[bflag:$0x3] =	sbarrier.arrive $0xFFFF  }
0x101: {  	_ =	shalt  }

// kernel: kernel.16.cloned.1.call-start
scs
__scs_entry_jumppad:
0x0: {  	(pc) =	sbr.rel $0x88, $3  }
0x1: {  	(tag) =	ssettag $0x0;
	lr =	simm.s32 $0x1  }
0x2: {  	[smem:$0x3F97] =	sst lr;
	_ =	strace $0xD0000000  }
0x3: {  	_ = 	snop  }
0x4: {  	_ = 	snop  }
0x5: {  	_ = 	snop  }
0x6: {  	_ = 	snop  }
0x7: {  	_ = 	snop  }
__scs_overlays_trampoline_lowered:
0x8: {  	[smem:$0x3FA6] =	sst s0  }
0x9: {  	[smem:$0x3FA7] =	sst s1  }
0xa: {  	[smem:$0x3FA8] =	sst s2  }
0xb: {  	[smem:$0x3FA9] =	sst s3  }
0xc: {  	[smem:$0x3FAA] =	sst s4  }
0xd: {  	[smem:$0x3FAB] =	sst s5  }
0xe: {  	[smem:$0x3FAC] =	sst s6  }
0xf: {  	[smem:$0x3FAD] =	sst s7  }
0x10: {  	[smem:$0x3FAE] =	sst s8  }
0x11: {  	[smem:$0x3FAF] =	sst s9;
	s0 =	simm.s32 @!p0 $0x0  }
0x12: {  	s1 =	sld [smem:$0x3F95];
	s0 =	simm.s32 @p0 $0x1  }
0x13: {  	[smem:$0x3FB0] =	sst s0;
	s0 =	simm.s32 @!p1 $0x0  }
0x14: {  	s2 =	sld [smem:$0x3F94];
	s0 =	simm.s32 @p1 $0x1  }
0x15: {  	[smem:$0x3FB1] =	sst s0;
	s0 =	simm.s32 @!p2 $0x0  }
0x16: {  	s3 =	sld [smem:$0x3FDB];
	s0 =	simm.s32 @p2 $0x1  }
0x17: {  	s4 =	simm.s32 $0x1BF5;
	[smem:$0x3FB3] =	sst s0  }
0x18: {  	s0 =	sld [smem:$0x3F96];
	_ =	swait.ge [sflag:s4], $0x0  }
0x19: {  	s7 =	sld [smem:$0x3F97]  }
0x1a: {  	s8 =	sadd.s32 $0xFFFFE003, lr  }
0x1b: {  	s9 =	sadd.s32 $0xFFFFFEF7, lr;
	s5 =	simm.s32 $0xFFFFFFFF;
	p2 =	slt.u32 s8, $0xFFFFF086  }
0x1c: {  	p1 =	slt.u32 s9, $0xF7A;
	s5 =	simm.s32 @!p2 $0x0  }
0x1d: {  	s5 =	simm.s32 @p1 $0x1;
	p0 =	seq.s32 s7, s2  }
0x1e: {  	s7 =	smul.u32 @!p0 $0xF7A, s2;
	p2 =	seq.s32 @!p0 s5, $0x0  }
0x1f: {  	s9 =	smul.u32 $0xF7A, s1;
	s8 =	simm.s32 @!p0 $0x1BF5;
	p2 =	por !p2, p0  }
0x20: {  	[sflag:s8] =	ssyncset.s32 @!p0 $0xFFFFF086;
	s6 =	sadd.s32 @!p0 s3, s7;
	s7 =	simm.s32 @!p0 $0x108  }
0x21: {  	s3 =	sadd.s32 s3, s9;
	s6 =	sadd.s32 @!p0 $0x88, s6;
	s7 =	simm.s32 @p2 $0x1082  }
0x22: {  	[simem:s7], [sflag:s8] =	dma.local @!p0 [hbm:s6], $0xF7A  }
0x23: {  	s9 =	sor.u32 $0xD0000000, s2;
	s6 =	simm.s32 $0x108;
	_ =	swait.ge @!p0 [sflag:s8], $0x0  }
0x24: {  	s3 =	sadd.s32 $0x88, s3;
	s6 =	simm.s32 @!p1 $0x1082;
	[sflag:s4] =	ssyncset.s32 $0xFFFFF086  }
0x25: {  	[simem:s6], [sflag:s4] =	dma.local [hbm:s3], $0xF7A  }
0x26: {  	[smem:$0x3F97] =	sst s1;
	(tag) =	ssettag s2;
	_ =	strace s9  }
0x27: {  	s1 =	sld [smem:$0x3FA7]  }
0x28: {  	s2 =	sld [smem:$0x3FA8]  }
0x29: {  	s4 =	sld [smem:$0x3FAA]  }
0x2a: {  	p0 =	seq.s32 s5, $0x0;
	s5 =	sld [smem:$0x3FAB]  }
0x2b: {  	s6 =	sld [smem:$0x3FAC]  }
0x2c: {  	s7 =	sld [smem:$0x3FAD]  }
0x2d: {  	s3 =	simm.s32 $0x108;
	s8 =	sld [smem:$0x3FAE]  }
0x2e: {  	s3 =	simm.s32 @!p0 $0x1082;
	s9 =	sld [smem:$0x3FAF]  }
0x2f: {  	lr =	sadd.s32 s0, s3;
	s0 =	sld [smem:$0x3FA6]  }
0x30: {  	s3 =	sld [smem:$0x3FA9]  }
0x31: {  	[smem:$0x3FB2] =	sst s10  }
0x32: {  	s10 =	sld [smem:$0x3FB0];
	_ =	sdelay $0x3  }
0x33: {  	p0 =	seq.s32 s10, $0x1;
	s10 =	sld [smem:$0x3FB2];
	_ =	sdelay $0x3  }
0x34: {  	[smem:$0x3FB2] =	sst s10  }
0x35: {  	s10 =	sld [smem:$0x3FB1];
	_ =	sdelay $0x3  }
0x36: {  	p1 =	seq.s32 s10, $0x1;
	s10 =	sld [smem:$0x3FB2];
	_ =	sdelay $0x3  }
0x37: {  	[smem:$0x3FB2] =	sst s10  }
0x38: {  	s10 =	sld [smem:$0x3FB3]  }
0x39: {  	_ = 	snop;
	(pc) =	sbr.ind lr, $3  }
0x3a: {  	_ = 	snop  }
0x3b: {  	_ = 	snop  }
0x3c: {  	p2 =	seq.s32 s10, $0x1;
	s10 =	sld [smem:$0x3FB2]  }
0x3d: {  	_ =	shalt  }
0x3e: {  	_ =	shalt  }
0x3f: {  	_ =	shalt  }
0x40: {  	_ =	shalt  }
0x41: {  	_ =	shalt  }
0x42: {  	_ =	shalt  }
0x43: {  	_ =	shalt  }
0x44: {  	_ =	shalt  }
0x45: {  	_ =	shalt  }
0x46: {  	_ =	shalt  }
0x47: {  	_ =	shalt  }
0x48: {  	_ =	shalt  }
0x49: {  	_ =	shalt  }
0x4a: {  	_ =	shalt  }
0x4b: {  	_ =	shalt  }
0x4c: {  	_ =	shalt  }
0x4d: {  	_ =	shalt  }
0x4e: {  	_ =	shalt  }
0x4f: {  	_ =	shalt  }
0x50: {  	_ =	shalt  }
0x51: {  	_ =	shalt  }
0x52: {  	_ =	shalt  }
0x53: {  	_ =	shalt  }
0x54: {  	_ =	shalt  }
0x55: {  	_ =	shalt  }
0x56: {  	_ =	shalt  }
0x57: {  	_ =	shalt  }
0x58: {  	_ =	shalt  }
0x59: {  	_ =	shalt  }
0x5a: {  	_ =	shalt  }
0x5b: {  	_ =	shalt  }
0x5c: {  	_ =	shalt  }
0x5d: {  	_ =	shalt  }
0x5e: {  	_ =	shalt  }
0x5f: {  	_ =	shalt  }
0x60: {  	_ =	shalt  }
0x61: {  	_ =	shalt  }
0x62: {  	_ =	shalt  }
0x63: {  	_ =	shalt  }
0x64: {  	_ =	shalt  }
0x65: {  	_ =	shalt  }
0x66: {  	_ =	shalt  }
0x67: {  	_ =	shalt  }
0x68: {  	_ =	shalt  }
0x69: {  	_ =	shalt  }
0x6a: {  	_ =	shalt  }
0x6b: {  	_ =	shalt  }
0x6c: {  	_ =	shalt  }
0x6d: {  	_ =	shalt  }
0x6e: {  	_ =	shalt  }
0x6f: {  	_ =	shalt  }
0x70: {  	_ =	shalt  }
0x71: {  	_ =	shalt  }
0x72: {  	_ =	shalt  }
0x73: {  	_ =	shalt  }
0x74: {  	_ =	shalt  }
0x75: {  	_ =	shalt  }
0x76: {  	_ =	shalt  }
0x77: {  	_ =	shalt  }
0x78: {  	_ =	shalt  }
0x79: {  	_ =	shalt  }
0x7a: {  	_ =	shalt  }
0x7b: {  	_ =	shalt  }
0x7c: {  	_ =	shalt  }
0x7d: {  	_ =	shalt  }
0x7e: {  	_ =	shalt  }
0x7f: {  	_ =	shalt  }
0x80: {  	_ =	shalt  }
0x81: {  	_ =	shalt  }
0x82: {  	_ =	shalt  }
0x83: {  	_ =	shalt  }
0x84: {  	_ =	shalt  }
0x85: {  	_ =	shalt  }
0x86: {  	_ =	shalt  }
0x87: {  	_ =	shalt  }
.Lfunc_end0:
.L_simem_size_0:
called_computation.2_lowered:
.L_overlay_start_0:
0x88: {  	s2 =	sld [smem:$0x3FD9]  }
0x89: {  	s3 =	sld [smem:$0x3FFE];
	_ =	sdelay $0x1  }
0x8a: {  	s1 =	srdreg.scid  }
0x8b: {  	s0 =	sand.u32 $0x1, s1  }
0x8c: {  	s17 =	sshll.u32 s0, $0xA;
	s2 =	sadd.s32 s3, s2  }
0x8d: {  	s2 =	sadd.s32 s2, s17  }
0x8e: {  	[smem:$0x3FBE] =	sst s2  }
0x8f: {  	_ = 	snop  }
0x90: {  	s2 =	sld [smem:$0x3FD0];
	(tm) =	ssettm $0x1  }
0x91: {  	s18 =	sld [smem:$0x3FFB];
	_ =	sdelay $0x3  }
0x92: {  	_ =	strace s18  }
0x93: {  	s3 =	sld [smem:$0x3FFC];
	_ =	sdelay $0x3  }
0x94: {  	_ =	strace s3  }
0x95: {  	s3 =	sld [smem:$0x3FFD];
	_ =	sdelay $0x3  }
0x96: {  	_ =	strace s3  }
0x97: {  	_ =	strace $0x8FFFFFFF  }
0x98: {  	s19 =	sld [smem:$0x3FDB];
	_ =	sdelay $0x1  }
0x99: {  	s4 =	simm.s32 $_scs_section_size  }
0x9a: {  	s5 =	simm.s32 $_size__tile_overlayer_lowered;
	s6 =	simm.s32 $_tile_overlayer_lowered  }
0x9b: {  	s22 =	simm.s32 $0x1BFF;
	s21 =	sshll.u32 s6, $0x1;
	s3 =	sadd.s32 s4, s19  }
0x9c: {  	s7 =	simm.s32 $0x0;
	s20 =	sshll.u32 s5, $0x1;
	s5 =	sadd.s32 s21, s3  }
0x9d: {  	[timem:s7], [sflag:s22] =	dma.local [hbm:s5], s20  }
0x9e: {  	_ =	swait.ge [sflag:s22], s20  }
0x9f: {  	s4 =	ssub.s32 $0x0, s20;
	[sflag:s22] =	ssyncset.done $0x0  }
0xa0: {  	[sflag:s22] =	ssyncadd.s32 s4;
	_ =	sdelay $0x1  }
0xa1: {  	s23 =	simm.s32 $0x1B8B  }
0xa2: {  	_ =	swait.ge [sflag:s23], $0x1  }
0xa3: {  	[sflag:s23] =	ssyncset.done $0x0  }
0xa4: {  	s25 =	simm.s32 $0x1B8E;
	s24 =	sld [smem:$0x3FFE];
	[sflag:s23] =	ssyncadd.s32 $0xFFFFFFFF  }
0xa5: {  	s26 =	simm.s32 $execute0_lowered;
	[smem:$0x3FD2] =	sst s25  }
0xa6: {  	s5 =	sshll.u32 s26, $0x1;
	_ =	strace $0x8000004C;
	[dreg:$0x1] =	wrdreg $0xFFFFFFFF  }
0xa7: {  	s28 =	simm.s32 $_size_execute0_lowered;
	s3 =	sadd.s32 s3, s5;
	[dreg:$0x0] =	wrdreg $0x0  }
0xa8: {  	s5 =	sshll.u32 s28, $0x1;
	[dreg:$0x2] =	wrdreg s3  }
0xa9: {  	[dreg:$0x3] =	wrdreg s5  }
0xaa: {  	[dreg:$0x4] =	wrdreg $0xC0  }
0xab: {  	_ =	task [dreg:s7], $0x5FFFF  }
0xac: {  	[dreg:$0x1] =	wrdreg $0xFFFFFFFF  }
0xad: {  	[dreg:$0x0] =	wrdreg $0x60  }
0xae: {  	[dreg:$0x2] =	wrdreg s24  }
0xaf: {  	[dreg:$0x3] =	wrdreg s2  }
0xb0: {  	[dreg:$0x4] =	wrdreg $0xAA000  }
0xb1: {  	[dreg:$0x5] =	wrdreg $0x9  }
0xb2: {  	_ =	task.clear_ibuf [dreg:s7], $0x6FFFF;
	_ =	strace $0x9000004C  }
0xb3: {  	s29 =	simm.s32 $0x9;
	_ =	strace $0x8000004E  }
0xb4: {  	_ =	swait.ge [sflag:s29], $0x1  }
0xb5: {  	[sflag:s29] =	ssyncadd.s32 $0xFFFFFFFF  }
0xb6: {  	_ =	strace $0x9000004E  }
0xb7: {  	_ =	sfence  }
0xb8: {  	s30 =	sld [smem:$0x0];
	_ =	sdelay $0x2  }
0xb9: {  	s31 =	sshll.u32 s1, $0xD;
	s1 =	sshrl.u32 s1, $0x2  }
0xba: {  	s3 =	sand.u32 $0x4000, s31;
	s1 =	sadd.s32 s1, s30  }
0xbb: {  	s0 =	sor.u32 s3, s0;
	s1 =	sshll.u32 s1, $0x11  }
0xbc: {  	s0 =	sor.u32 s1, s0  }
0xbd: {  	s0 =	sadd.s32 $0x8F2B, s0  }
0xbe: {  	[sflag:s0] =	ssyncadd.remote.s32 $0x1  }
0xbf: {  	_ =	sfence.sel $0xFFFF  }
0xc0: {  	[dreg:$0x0] =	wrdreg $0xFFFFFFFF;
	(pc) =	sbr.abs _section_cstart, $3  }
0xc1: {  	[dreg:$0x1] =	wrdreg $0xFFFFFFFF  }
0xc2: {  	_ =	task.clear_ibuf [dreg:s7], $0x2FFFF;
	_ =	strace $0x9FFFFFFF  }
0xc3: {  	(tm) =	ssettm $0x7FFFFFFF  }
tec
execute0_lowered:
.L_overlay_start_1:
0x0: {  	(tag) =	ssettag $0x1  }
0x1: {  	s6 =	rddreg [dreg:$0x0]  }
0x2: {  	s11 =	rddreg [dreg:$0x1]  }
0x3: {  	s0 =	srdreg.scid;
	s2 =	rddreg [dreg:$0x2]  }
0x4: {  	s1 =	stileid.u32;
	s3 =	simm.s32 $0x0;
	s15 =	simm.s32 $0x2  }
0x5: {  	s16 =	simm.s32 $0x80;
	s17 =	simm.s32 $0x2800;
	s18 =	simm.s32 $0x2900  }
0x6: {  	s19 =	simm.s32 $0x6A00;
	s20 =	simm.s32 $0x1;
	s21 =	simm.s32 $0x2880  }
0x7: {  	s22 =	simm.s32 $0x2980;
	s25 =	simm.s32 $0x0;
	s5 =	smul.u32 $0x14000, s1  }
0x8: {  	s7 =	sand.u32 $0x1, s0;
	s0 =	rddreg [dreg:$0x3];
	s9 =	smul.u32 $0x50000, s1  }
0x9: {  	[smem:$0x7FF] =	sst s3;
	s23 =	sshll.u32 s1, $0x6;
	s4 =	smul.u32 $0x140000, s7  }
0xa: {  	_ =	strace $0x8000004D;
	s29 =	sshll.u32 s7, $0x4;
	s7 =	ssub.s32 $0x2, s7  }
0xb: {  	s23 =	sor.u32 $0x1C02, s23;
	s30 =	sshrl.u32 s9, $0x2;
	s31 =	sor.u32 s1, s29  }
0xc: {  	s10 =	sshrl.u32 s7, $0x1;
	s5 =	sadd.s32 s5, s4;
	s4 =	sadd.s32 $0x3C00, s6  }
0xd: {  	s13 =	smul.u32 $0x500, s31;
	s14 =	ssub.s32 s7, s10;
	s8 =	sshrl.u32 s5, $0x3  }
0xe: {  	s5 =	sadd.s32 $0x3400, s6;
	s12 =	sadd.s32 s8, s6;
	s6 =	sadd.s32 s30, s2  }
0xf: {  	s11 =	sadd.s32 s11, s13;
	s13 =	smax.u32 s14, $0x1;
	s14 =	simm.s32 $0x2A00  }
0x10: {  	s7 =	sadd.s32 $0x4000, s6;
	s8 =	sadd.s32 $0x8000, s6;
	s9 =	sadd.s32 $0xC000, s6  }
0x11: {  	s10 =	sadd.s32 $0x10000, s6;
	s12 =	sadd.s32 $0x2AE00, s12;
	s24 =	sshrl.u32 s6, $0x3  }
.LBB2_1:
0x12: {  	[tilespmem:s14], [sflag:$0x2] =	stream.linear.gather [hbm4b:s5+s3], $0x4000, $0x38;
	[tilespmem:$0x1EA00] =	vst v63  }
0x13: {  	_ =	swait.ge [sflag:s15], $0x4000  }
0x14: {  	[sflag:s15] =	ssyncset.done $0x0  }
0x15: {  	[sflag:s15] =	ssyncadd.s32 $0xFFFFC000  }
0x16: {  	[spmem:s6] =	stream.linear.scatter [tilespmem:s14], [sflag:$0x2], $0x4000, $0x38;
	[tilespmem:$0x1EA00] =	vst v63  }
0x17: {  	_ =	swait.ge [sflag:s15], $0x4000  }
0x18: {  	[sflag:s15] =	ssyncset.done $0x0  }
0x19: {  	[sflag:s15] =	ssyncadd.s32 $0xFFFFC000  }
0x1a: {  	[spmem:s7] =	stream.linear.scatter [tilespmem:s14], [sflag:$0x2], $0x4000, $0x38;
	[tilespmem:$0x1EA00] =	vst v63  }
0x1b: {  	_ =	swait.ge [sflag:s15], $0x4000  }
0x1c: {  	[sflag:s15] =	ssyncset.done $0x0  }
0x1d: {  	[sflag:s15] =	ssyncadd.s32 $0xFFFFC000  }
0x1e: {  	[spmem:s8] =	stream.linear.scatter [tilespmem:s14], [sflag:$0x2], $0x4000, $0x38;
	[tilespmem:$0x1EA00] =	vst v63  }
0x1f: {  	_ =	swait.ge [sflag:s15], $0x4000  }
0x20: {  	[sflag:s15] =	ssyncset.done $0x0  }
0x21: {  	[sflag:s15] =	ssyncadd.s32 $0xFFFFC000  }
0x22: {  	[spmem:s9] =	stream.linear.scatter [tilespmem:s14], [sflag:$0x2], $0x4000, $0x38;
	[tilespmem:$0x1EA00] =	vst v63  }
0x23: {  	_ =	swait.ge [sflag:s15], $0x4000  }
0x24: {  	[sflag:s15] =	ssyncset.done $0x0  }
0x25: {  	[sflag:s15] =	ssyncadd.s32 $0xFFFFC000  }
0x26: {  	[spmem:s10] =	stream.linear.scatter [tilespmem:s14], [sflag:$0x2], $0x4000, $0x38;
	[tilespmem:$0x1EA00] =	vst v63  }
0x27: {  	_ =	swait.ge [sflag:s15], $0x4000  }
0x28: {  	[sflag:s15] =	ssyncset.done $0x0  }
0x29: {  	[sflag:s15] =	ssyncadd.s32 $0xFFFFC000  }
0x2a: {  	[bflag:$0x0] =	sbarrier.arrive $0xFFFF  }
0x2b: {  	[tilespmem:s3], [sflag:$0x2] =	stream.linear.gather [hbm4b:s11+s3], $0x2780, $0x38;
	[tilespmem:$0x1EA00] =	vst v63  }
0x2c: {  	_ =	swait.ge [sflag:s15], $0x2780  }
0x2d: {  	[sflag:s15] =	ssyncset.done $0x0  }
0x2e: {  	[sflag:s15] =	ssyncadd.s32 $0xFFFFD880  }
0x2f: {  	v0 =	vld [tilespmem:$0x0];
	_ =	sdelay $0x1  }
0x30: {  	v1 =	vld [tilespmem:$0x10];
	_ =	sdelay $0x1  }
0x31: {  	v2 =	vld [tilespmem:$0x20]  }
0x32: {  	v3 =	vand.u32 $0x3FFF, v0  }
0x33: {  	v0 =	vshrl.u32 v0, $0xE;
	[tilespmem:$0x2800] =	vst v3;
	v3 =	vld [tilespmem:$0x30]  }
0x34: {  	[tilespmem:$0x2880] =	vst v0;
	v0 =	vand.u32 $0x3FFF, v1  }
0x35: {  	[tilespmem:$0x2810] =	vst v0;
	v0 =	vshrl.u32 v1, $0xE;
	v1 =	vld [tilespmem:$0x40]  }
0x36: {  	[tilespmem:$0x2890] =	vst v0;
	v0 =	vand.u32 $0x3FFF, v2  }
0x37: {  	[tilespmem:$0x2820] =	vst v0;
	v0 =	vshrl.u32 v2, $0xE;
	v2 =	vld [tilespmem:$0x50]  }
0x38: {  	[tilespmem:$0x28A0] =	vst v0;
	v0 =	vand.u32 $0x3FFF, v3  }
0x39: {  	[tilespmem:$0x2830] =	vst v0;
	v0 =	vshrl.u32 v3, $0xE;
	v3 =	vld [tilespmem:$0x60]  }
0x3a: {  	[tilespmem:$0x28B0] =	vst v0;
	v0 =	vand.u32 $0x3FFF, v1  }
0x3b: {  	[tilespmem:$0x2840] =	vst v0;
	v0 =	vshrl.u32 v1, $0xE;
	v1 =	vld [tilespmem:$0x70]  }
0x3c: {  	[tilespmem:$0x28C0] =	vst v0;
	v0 =	vand.u32 $0x3FFF, v2  }
0x3d: {  	[tilespmem:$0x2850] =	vst v0;
	v0 =	vshrl.u32 v2, $0xE  }
0x3e: {  	[tilespmem:$0x28D0] =	vst v0;
	v0 =	vand.u32 $0x3FFF, v3  }
0x3f: {  	[tilespmem:$0x2860] =	vst v0;
	v0 =	vshrl.u32 v3, $0xE  }
0x40: {  	[tilespmem:$0x28E0] =	vst v0;
	v0 =	vand.u32 $0x3FFF, v1  }
0x41: {  	[tilespmem:$0x2870] =	vst v0;
	v0 =	vshrl.u32 v1, $0xE  }
0x42: {  	s26 =	simm.s32 $0x170;
	[tilespmem:$0x28F0] =	vst v0  }
0x43: {  	[tilespmem:s14], [sflag:$0x1] =	stream.indirect.gather [hbm4b:s4+s16], $0x80, s17, s16, $0xb8;
	[tilespmem:$0x1EA00] =	vst v63  }
0x44: {  	v0 =	vld [tilespmem:s26+$0xFFFFFF10];
	_ =	sdelay $0x4  }
0x45: {  	v1 =	vand.u32 $0x3FFF, v0  }
0x46: {  	v0 =	vshrl.u32 v0, $0xE;
	[tilespmem:$0x2900] =	vst v1  }
0x47: {  	[tilespmem:$0x2980] =	vst v0  }
0x48: {  	v0 =	vld [tilespmem:s26+$0xFFFFFF20];
	_ =	sdelay $0x4  }
0x49: {  	v1 =	vand.u32 $0x3FFF, v0  }
0x4a: {  	v0 =	vshrl.u32 v0, $0xE;
	[tilespmem:$0x2910] =	vst v1  }
0x4b: {  	[tilespmem:$0x2990] =	vst v0  }
0x4c: {  	v0 =	vld [tilespmem:s26+$0xFFFFFF30];
	_ =	sdelay $0x4  }
0x4d: {  	v1 =	vand.u32 $0x3FFF, v0  }
0x4e: {  	v0 =	vshrl.u32 v0, $0xE;
	[tilespmem:$0x2920] =	vst v1  }
0x4f: {  	[tilespmem:$0x29A0] =	vst v0  }
0x50: {  	v0 =	vld [tilespmem:s26+$0xFFFFFF40];
	_ =	sdelay $0x4  }
0x51: {  	v1 =	vand.u32 $0x3FFF, v0  }
0x52: {  	v0 =	vshrl.u32 v0, $0xE;
	[tilespmem:$0x2930] =	vst v1  }
0x53: {  	[tilespmem:$0x29B0] =	vst v0  }
0x54: {  	v0 =	vld [tilespmem:s26+$0xFFFFFF50];
	_ =	sdelay $0x4  }
0x55: {  	v1 =	vand.u32 $0x3FFF, v0  }
0x56: {  	v0 =	vshrl.u32 v0, $0xE;
	[tilespmem:$0x2940] =	vst v1  }
0x57: {  	[tilespmem:$0x29C0] =	vst v0  }
0x58: {  	v0 =	vld [tilespmem:s26+$0xFFFFFF60];
	_ =	sdelay $0x4  }
0x59: {  	v1 =	vand.u32 $0x3FFF, v0  }
0x5a: {  	v0 =	vshrl.u32 v0, $0xE;
	[tilespmem:$0x2950] =	vst v1  }
0x5b: {  	[tilespmem:$0x29D0] =	vst v0  }
0x5c: {  	v0 =	vld [tilespmem:s26+$0xFFFFFF70];
	_ =	sdelay $0x4  }
0x5d: {  	v1 =	vand.u32 $0x3FFF, v0  }
0x5e: {  	v0 =	vshrl.u32 v0, $0xE;
	[tilespmem:$0x2960] =	vst v1  }
0x5f: {  	[tilespmem:$0x29E0] =	vst v0  }
0x60: {  	v0 =	vld [tilespmem:s26+$0xFFFFFF80];
	_ =	sdelay $0x4  }
0x61: {  	v1 =	vand.u32 $0x3FFF, v0  }
0x62: {  	v0 =	vshrl.u32 v0, $0xE;
	[tilespmem:$0x2970] =	vst v1  }
0x63: {  	[tilespmem:$0x29F0] =	vst v0  }
0x64: {  	[tilespmem:s19], [sflag:$0x1] =	stream.indirect.gather [hbm4b:s4+s16], $0x80, s18, s16, $0xb8;
	[tilespmem:$0x1EA00] =	vst v63  }
0x65: {  	_ =	swait.ge [sflag:s20], $0x4000  }
0x66: {  	[sflag:s20] =	ssyncset.done $0x0  }
0x67: {  	[sflag:s20] =	ssyncadd.s32 $0xFFFFC000  }
0x68: {  	[spmem:s2] =	stream.indirect.scatter.add.f32 [tilespmem:s14], [sflag:$0x2], $0x80, s21, s16, $0xb8;
	[tilespmem:$0x1EA00] =	vst v63  }
0x69: {  	_ =	swait.ge [sflag:s15], $0x4000  }
0x6a: {  	[sflag:s15] =	ssyncset.done $0x0  }
0x6b: {  	[sflag:s15] =	ssyncadd.s32 $0xFFFFC000  }
0x6c: {  	v0 =	vld [tilespmem:s26+$0xFFFFFF90];
	_ =	sdelay $0x4  }
0x6d: {  	v1 =	vand.u32 $0x3FFF, v0  }
0x6e: {  	v0 =	vshrl.u32 v0, $0xE;
	[tilespmem:$0x2800] =	vst v1  }
0x6f: {  	[tilespmem:$0x2880] =	vst v0  }
0x70: {  	v0 =	vld [tilespmem:s26+$0xFFFFFFA0];
	_ =	sdelay $0x4  }
0x71: {  	v1 =	vand.u32 $0x3FFF, v0  }
0x72: {  	v0 =	vshrl.u32 v0, $0xE;
	[tilespmem:$0x2810] =	vst v1  }
0x73: {  	[tilespmem:$0x2890] =	vst v0  }
0x74: {  	v0 =	vld [tilespmem:s26+$0xFFFFFFB0];
	_ =	sdelay $0x4  }
0x75: {  	v1 =	vand.u32 $0x3FFF, v0  }
0x76: {  	v0 =	vshrl.u32 v0, $0xE;
	[tilespmem:$0x2820] =	vst v1  }
0x77: {  	[tilespmem:$0x28A0] =	vst v0  }
0x78: {  	v0 =	vld [tilespmem:s26+$0xFFFFFFC0];
	_ =	sdelay $0x4  }
0x79: {  	v1 =	vand.u32 $0x3FFF, v0  }
0x7a: {  	v0 =	vshrl.u32 v0, $0xE;
	[tilespmem:$0x2830] =	vst v1  }
0x7b: {  	[tilespmem:$0x28B0] =	vst v0  }
0x7c: {  	v0 =	vld [tilespmem:s26+$0xFFFFFFD0];
	_ =	sdelay $0x4  }
0x7d: {  	v1 =	vand.u32 $0x3FFF, v0  }
0x7e: {  	v0 =	vshrl.u32 v0, $0xE;
	[tilespmem:$0x2840] =	vst v1  }
0x7f: {  	[tilespmem:$0x28C0] =	vst v0  }
0x80: {  	v0 =	vld [tilespmem:s26+$0xFFFFFFE0];
	_ =	sdelay $0x4  }
0x81: {  	v1 =	vand.u32 $0x3FFF, v0  }
0x82: {  	v0 =	vshrl.u32 v0, $0xE;
	[tilespmem:$0x2850] =	vst v1  }
0x83: {  	[tilespmem:$0x28D0] =	vst v0  }
0x84: {  	v0 =	vld [tilespmem:s26+$0xFFFFFFF0];
	_ =	sdelay $0x4  }
0x85: {  	v1 =	vand.u32 $0x3FFF, v0  }
0x86: {  	s28 =	simm.s32 $0x9C0;
	v0 =	vshrl.u32 v0, $0xE;
	[tilespmem:$0x2860] =	vst v1  }
.LBB2_2:
0x87: {  	p0 =	sne.s32 s28, $0x9DC0;
	[tilespmem:$0x28E0] =	vst v0;
	s29 =	smov.u32 s28;
	s28 =	sadd.s32 $0x400, s28  }
0x88: {  	v0 =	vld [tilespmem:s26+$0x0];
	_ =	sdelay $0x4  }
0x89: {  	v1 =	vand.u32 $0x3FFF, v0;
	v0 =	vshrl.u32 v0, $0xE  }
0x8a: {  	[tilespmem:$0x2870] =	vst v1  }
0x8b: {  	[tilespmem:$0x28F0] =	vst v0  }
0x8c: {  	[tilespmem:s14], [sflag:$0x1] =	stream.indirect.gather [hbm4b:s4+s16], $0x80, s17, s16, $0xb8;
	[tilespmem:$0x1EA00] =	vst v63  }
0x8d: {  	_ =	swait.ge [sflag:s20], $0x4000  }
0x8e: {  	[sflag:s20] =	ssyncset.done $0x0  }
0x8f: {  	[sflag:s20] =	ssyncadd.s32 $0xFFFFC000  }
0x90: {  	[spmem:s2] =	stream.indirect.scatter.add.f32 [tilespmem:s19], [sflag:$0x2], $0x80, s22, s16, $0xb8;
	[tilespmem:$0x1EA00] =	vst v63  }
0x91: {  	_ =	swait.ge [sflag:s15], $0x4000  }
0x92: {  	[sflag:s15] =	ssyncset.done $0x0  }
0x93: {  	s26 =	sshra.s32 s29, $0x2;
	[sflag:s15] =	ssyncadd.s32 $0xFFFFC000  }
0x94: {  	v0 =	vld [tilespmem:s26+$0xFFFFFF10];
	_ =	sdelay $0x4  }
0x95: {  	v1 =	vand.u32 $0x3FFF, v0;
	v0 =	vshrl.u32 v0, $0xE  }
0x96: {  	[tilespmem:$0x2900] =	vst v1  }
0x97: {  	[tilespmem:$0x2980] =	vst v0  }
0x98: {  	v0 =	vld [tilespmem:s26+$0xFFFFFF20];
	_ =	sdelay $0x4  }
0x99: {  	v1 =	vand.u32 $0x3FFF, v0;
	v0 =	vshrl.u32 v0, $0xE  }
0x9a: {  	[tilespmem:$0x2910] =	vst v1  }
0x9b: {  	[tilespmem:$0x2990] =	vst v0  }
0x9c: {  	v0 =	vld [tilespmem:s26+$0xFFFFFF30];
	_ =	sdelay $0x4  }
0x9d: {  	v1 =	vand.u32 $0x3FFF, v0;
	v0 =	vshrl.u32 v0, $0xE  }
0x9e: {  	[tilespmem:$0x2920] =	vst v1  }
0x9f: {  	[tilespmem:$0x29A0] =	vst v0  }
0xa0: {  	v0 =	vld [tilespmem:s26+$0xFFFFFF40];
	_ =	sdelay $0x4  }
0xa1: {  	v1 =	vand.u32 $0x3FFF, v0;
	v0 =	vshrl.u32 v0, $0xE  }
0xa2: {  	[tilespmem:$0x2930] =	vst v1  }
0xa3: {  	[tilespmem:$0x29B0] =	vst v0  }
0xa4: {  	v0 =	vld [tilespmem:s26+$0xFFFFFF50];
	_ =	sdelay $0x4  }
0xa5: {  	v1 =	vand.u32 $0x3FFF, v0;
	v0 =	vshrl.u32 v0, $0xE  }
0xa6: {  	[tilespmem:$0x2940] =	vst v1  }
0xa7: {  	[tilespmem:$0x29C0] =	vst v0  }
0xa8: {  	v0 =	vld [tilespmem:s26+$0xFFFFFF60];
	_ =	sdelay $0x4  }
0xa9: {  	v1 =	vand.u32 $0x3FFF, v0;
	v0 =	vshrl.u32 v0, $0xE  }
0xaa: {  	[tilespmem:$0x2950] =	vst v1  }
0xab: {  	[tilespmem:$0x29D0] =	vst v0  }
0xac: {  	v0 =	vld [tilespmem:s26+$0xFFFFFF70];
	_ =	sdelay $0x4  }
0xad: {  	v1 =	vand.u32 $0x3FFF, v0;
	v0 =	vshrl.u32 v0, $0xE  }
0xae: {  	[tilespmem:$0x2960] =	vst v1  }
0xaf: {  	[tilespmem:$0x29E0] =	vst v0  }
0xb0: {  	v0 =	vld [tilespmem:s26+$0xFFFFFF80];
	_ =	sdelay $0x4  }
0xb1: {  	v1 =	vand.u32 $0x3FFF, v0;
	v0 =	vshrl.u32 v0, $0xE  }
0xb2: {  	[tilespmem:$0x2970] =	vst v1  }
0xb3: {  	[tilespmem:$0x29F0] =	vst v0  }
0xb4: {  	[tilespmem:s19], [sflag:$0x1] =	stream.indirect.gather [hbm4b:s4+s16], $0x80, s18, s16, $0xb8;
	[tilespmem:$0x1EA00] =	vst v63  }
0xb5: {  	_ =	swait.ge [sflag:s20], $0x4000  }
0xb6: {  	[sflag:s20] =	ssyncset.done $0x0  }
0xb7: {  	[sflag:s20] =	ssyncadd.s32 $0xFFFFC000  }
0xb8: {  	[spmem:s2] =	stream.indirect.scatter.add.f32 [tilespmem:s14], [sflag:$0x2], $0x80, s21, s16, $0xb8;
	[tilespmem:$0x1EA00] =	vst v63  }
0xb9: {  	_ =	swait.ge [sflag:s15], $0x4000  }
0xba: {  	[sflag:s15] =	ssyncset.done $0x0  }
0xbb: {  	[sflag:s15] =	ssyncadd.s32 $0xFFFFC000  }
0xbc: {  	v0 =	vld [tilespmem:s26+$0xFFFFFF90];
	_ =	sdelay $0x4  }
0xbd: {  	v1 =	vand.u32 $0x3FFF, v0;
	v0 =	vshrl.u32 v0, $0xE  }
0xbe: {  	[tilespmem:$0x2800] =	vst v1  }
0xbf: {  	[tilespmem:$0x2880] =	vst v0  }
0xc0: {  	v0 =	vld [tilespmem:s26+$0xFFFFFFA0];
	_ =	sdelay $0x4  }
0xc1: {  	v1 =	vand.u32 $0x3FFF, v0;
	v0 =	vshrl.u32 v0, $0xE  }
0xc2: {  	[tilespmem:$0x2810] =	vst v1  }
0xc3: {  	[tilespmem:$0x2890] =	vst v0  }
0xc4: {  	v0 =	vld [tilespmem:s26+$0xFFFFFFB0];
	_ =	sdelay $0x4  }
0xc5: {  	v1 =	vand.u32 $0x3FFF, v0;
	v0 =	vshrl.u32 v0, $0xE  }
0xc6: {  	[tilespmem:$0x2820] =	vst v1  }
0xc7: {  	[tilespmem:$0x28A0] =	vst v0  }
0xc8: {  	v0 =	vld [tilespmem:s26+$0xFFFFFFC0];
	_ =	sdelay $0x4  }
0xc9: {  	v1 =	vand.u32 $0x3FFF, v0;
	v0 =	vshrl.u32 v0, $0xE  }
0xca: {  	[tilespmem:$0x2830] =	vst v1  }
0xcb: {  	[tilespmem:$0x28B0] =	vst v0  }
0xcc: {  	v0 =	vld [tilespmem:s26+$0xFFFFFFD0];
	_ =	sdelay $0x4  }
0xcd: {  	v1 =	vand.u32 $0x3FFF, v0;
	v0 =	vshrl.u32 v0, $0xE  }
0xce: {  	[tilespmem:$0x2840] =	vst v1  }
0xcf: {  	[tilespmem:$0x28C0] =	vst v0  }
0xd0: {  	v0 =	vld [tilespmem:s26+$0xFFFFFFE0];
	_ =	sdelay $0x4  }
0xd1: {  	v1 =	vand.u32 $0x3FFF, v0;
	v0 =	vshrl.u32 v0, $0xE  }
0xd2: {  	[tilespmem:$0x2850] =	vst v1  }
0xd3: {  	[tilespmem:$0x28D0] =	vst v0  }
0xd4: {  	v0 =	vld [tilespmem:s26+$0xFFFFFFF0];
	_ =	sdelay $0x1  }
.Ltmp0:
0xd5: {  	(pc) =	sbr.rel @p0 .LBB2_2-.Ltmp0, $3  }
0xd6: {  	_ =	sdelay $0x1  }
0xd7: {  	v1 =	vand.u32 $0x3FFF, v0;
	v0 =	vshrl.u32 v0, $0xE  }
0xd8: {  	[tilespmem:$0x2860] =	vst v1  }
0xd9: {  	[tilespmem:$0x28E0] =	vst v0  }
0xda: {  	v0 =	vld [tilespmem:s26+$0x0];
	_ =	sdelay $0x4  }
0xdb: {  	v1 =	vand.u32 $0x3FFF, v0  }
0xdc: {  	v0 =	vshrl.u32 v0, $0xE;
	[tilespmem:$0x2870] =	vst v1  }
0xdd: {  	[tilespmem:$0x28F0] =	vst v0  }
0xde: {  	[tilespmem:s14], [sflag:$0x1] =	stream.indirect.gather [hbm4b:s4+s16], $0x80, s17, s16, $0xb8;
	[tilespmem:$0x1EA00] =	vst v63  }
0xdf: {  	_ =	swait.ge [sflag:s20], $0x4000  }
0xe0: {  	[sflag:s20] =	ssyncset.done $0x0  }
0xe1: {  	[sflag:s20] =	ssyncadd.s32 $0xFFFFC000  }
0xe2: {  	[spmem:s2] =	stream.indirect.scatter.add.f32 [tilespmem:s19], [sflag:$0x2], $0x80, s22, s16, $0xb8;
	[tilespmem:$0x1EA00] =	vst v63  }
0xe3: {  	_ =	swait.ge [sflag:s15], $0x4000  }
0xe4: {  	[sflag:s15] =	ssyncset.done $0x0  }
0xe5: {  	[sflag:s15] =	ssyncadd.s32 $0xFFFFC000  }
0xe6: {  	_ =	swait.ge [sflag:s20], $0x4000  }
0xe7: {  	[sflag:s20] =	ssyncset.done $0x0  }
0xe8: {  	[sflag:s20] =	ssyncadd.s32 $0xFFFFC000  }
0xe9: {  	[spmem:s2] =	stream.indirect.scatter.add.f32 [tilespmem:s14], [sflag:$0x2], $0x80, s21, s16, $0xb8;
	[tilespmem:$0x1EA00] =	vst v63  }
0xea: {  	_ =	swait.ge [sflag:s15], $0x4000  }
0xeb: {  	s25 =	sadd.s32 $0x1, s25;
	[sflag:s15] =	ssyncset.done $0x0  }
0xec: {  	p0 =	sne.s32 s25, s13;
	[sflag:s15] =	ssyncadd.s32 $0xFFFFC000  }
.Ltmp1:
0xed: {  	[bflag:$0x0] =	sbarrier.arrive $0xFFFF;
	(pc) =	sbr.rel @p0 .LBB2_1-.Ltmp1, $4  }
0xee: {  	[hbm:s12], [sflag:s23] =	dma.local [spmem:s24], $0x2800  }
0xef: {  	_ =	swait.ge [sflag:s15], $0x2800  }
0xf0: {  	[sflag:s15] =	ssyncset.done $0x0  }
0xf1: {  	[sflag:s15] =	ssyncadd.s32 $0xFFFFD800  }
0xf2: {  	_ =	sfence.sel $0x180000  }
0xf3: {  	[bflag:$0x0] =	sbarrier.arrive $0xFFFF  }
0xf4: {  	p0 =	sne.s32 s1, $0x0;
	_ =	strace $0x9000004D  }
0xf5: {  	s0 =	sadd.s32 @!p0 $0x100000, s0;
	[bflag:$0x2] =	sbarrier.arrive $0xFFFF  }
0xf6: {  	[sflag:s0] =	ssyncadd.tile.s32 @!p0 $0x1;
	_ =	shalt  }
.Lfunc_end2:
_tile_overlayer_lowered:
.L_overlay_start_2:
0xf7: {  	(tag) =	ssettag $0x2  }
0xf8: {  	s0 =	rddreg [dreg:$0x0];
	s2 =	stileid.u32  }
0xf9: {  	s1 =	rddreg [dreg:$0x1];
	p0 =	sne.s32 s2, $0x0  }
0xfa: {  	s3 =	rddreg [dreg:$0x2];
	[bflag:$0x3] =	sbarrier.arrive $0xFFFF;
	s2 =	simm.s32 @!p0 $0x1C02  }
0xfb: {  	[timem:s3], [sflag:s2] =	dma.local @!p0 [hbm:s0], s1  }
0xfc: {  	s0 =	simm.s32 @!p0 $0x2  }
0xfd: {  	_ =	swait.ge @!p0 [sflag:s0], s1  }
0xfe: {  	s1 =	ssub.s32 @!p0 $0x0, s1;
	[sflag:s0] =	ssyncset.done @!p0 $0x0  }
0xff: {  	[sflag:s0] =	ssyncadd.s32 @!p0 s1  }
0x100: {  	[bflag:$0x3] =	sbarrier.arrive $0xFFFF  }
0x101: {  	_ =	shalt  }

// kernel: kernel.19.cloned.1.call-start
scs
__scs_entry_jumppad:
0x0: {  	(pc) =	sbr.rel $0x88, $3  }
0x1: {  	(tag) =	ssettag $0x0;
	lr =	simm.s32 $0x1  }
0x2: {  	[smem:$0x3F97] =	sst lr;
	_ =	strace $0xD0000000  }
0x3: {  	_ = 	snop  }
0x4: {  	_ = 	snop  }
0x5: {  	_ = 	snop  }
0x6: {  	_ = 	snop  }
0x7: {  	_ = 	snop  }
__scs_overlays_trampoline_lowered:
0x8: {  	[smem:$0x3FA6] =	sst s0  }
0x9: {  	[smem:$0x3FA7] =	sst s1  }
0xa: {  	[smem:$0x3FA8] =	sst s2  }
0xb: {  	[smem:$0x3FA9] =	sst s3  }
0xc: {  	[smem:$0x3FAA] =	sst s4  }
0xd: {  	[smem:$0x3FAB] =	sst s5  }
0xe: {  	[smem:$0x3FAC] =	sst s6  }
0xf: {  	[smem:$0x3FAD] =	sst s7  }
0x10: {  	[smem:$0x3FAE] =	sst s8  }
0x11: {  	[smem:$0x3FAF] =	sst s9;
	s0 =	simm.s32 @!p0 $0x0  }
0x12: {  	s1 =	sld [smem:$0x3F95];
	s0 =	simm.s32 @p0 $0x1  }
0x13: {  	[smem:$0x3FB0] =	sst s0;
	s0 =	simm.s32 @!p1 $0x0  }
0x14: {  	s2 =	sld [smem:$0x3F94];
	s0 =	simm.s32 @p1 $0x1  }
0x15: {  	[smem:$0x3FB1] =	sst s0;
	s0 =	simm.s32 @!p2 $0x0  }
0x16: {  	s3 =	sld [smem:$0x3FDB];
	s0 =	simm.s32 @p2 $0x1  }
0x17: {  	s4 =	simm.s32 $0x1BF5;
	[smem:$0x3FB3] =	sst s0  }
0x18: {  	s0 =	sld [smem:$0x3F96];
	_ =	swait.ge [sflag:s4], $0x0  }
0x19: {  	s7 =	sld [smem:$0x3F97]  }
0x1a: {  	s8 =	sadd.s32 $0xFFFFE003, lr  }
0x1b: {  	s9 =	sadd.s32 $0xFFFFFEF7, lr;
	s5 =	simm.s32 $0xFFFFFFFF;
	p2 =	slt.u32 s8, $0xFFFFF086  }
0x1c: {  	p1 =	slt.u32 s9, $0xF7A;
	s5 =	simm.s32 @!p2 $0x0  }
0x1d: {  	s5 =	simm.s32 @p1 $0x1;
	p0 =	seq.s32 s7, s2  }
0x1e: {  	s7 =	smul.u32 @!p0 $0xF7A, s2;
	p2 =	seq.s32 @!p0 s5, $0x0  }
0x1f: {  	s9 =	smul.u32 $0xF7A, s1;
	s8 =	simm.s32 @!p0 $0x1BF5;
	p2 =	por !p2, p0  }
0x20: {  	[sflag:s8] =	ssyncset.s32 @!p0 $0xFFFFF086;
	s6 =	sadd.s32 @!p0 s3, s7;
	s7 =	simm.s32 @!p0 $0x108  }
0x21: {  	s3 =	sadd.s32 s3, s9;
	s6 =	sadd.s32 @!p0 $0x88, s6;
	s7 =	simm.s32 @p2 $0x1082  }
0x22: {  	[simem:s7], [sflag:s8] =	dma.local @!p0 [hbm:s6], $0xF7A  }
0x23: {  	s9 =	sor.u32 $0xD0000000, s2;
	s6 =	simm.s32 $0x108;
	_ =	swait.ge @!p0 [sflag:s8], $0x0  }
0x24: {  	s3 =	sadd.s32 $0x88, s3;
	s6 =	simm.s32 @!p1 $0x1082;
	[sflag:s4] =	ssyncset.s32 $0xFFFFF086  }
0x25: {  	[simem:s6], [sflag:s4] =	dma.local [hbm:s3], $0xF7A  }
0x26: {  	[smem:$0x3F97] =	sst s1;
	(tag) =	ssettag s2;
	_ =	strace s9  }
0x27: {  	s1 =	sld [smem:$0x3FA7]  }
0x28: {  	s2 =	sld [smem:$0x3FA8]  }
0x29: {  	s4 =	sld [smem:$0x3FAA]  }
0x2a: {  	p0 =	seq.s32 s5, $0x0;
	s5 =	sld [smem:$0x3FAB]  }
0x2b: {  	s6 =	sld [smem:$0x3FAC]  }
0x2c: {  	s7 =	sld [smem:$0x3FAD]  }
0x2d: {  	s3 =	simm.s32 $0x108;
	s8 =	sld [smem:$0x3FAE]  }
0x2e: {  	s3 =	simm.s32 @!p0 $0x1082;
	s9 =	sld [smem:$0x3FAF]  }
0x2f: {  	lr =	sadd.s32 s0, s3;
	s0 =	sld [smem:$0x3FA6]  }
0x30: {  	s3 =	sld [smem:$0x3FA9]  }
0x31: {  	[smem:$0x3FB2] =	sst s10  }
0x32: {  	s10 =	sld [smem:$0x3FB0];
	_ =	sdelay $0x3  }
0x33: {  	p0 =	seq.s32 s10, $0x1;
	s10 =	sld [smem:$0x3FB2];
	_ =	sdelay $0x3  }
0x34: {  	[smem:$0x3FB2] =	sst s10  }
0x35: {  	s10 =	sld [smem:$0x3FB1];
	_ =	sdelay $0x3  }
0x36: {  	p1 =	seq.s32 s10, $0x1;
	s10 =	sld [smem:$0x3FB2];
	_ =	sdelay $0x3  }
0x37: {  	[smem:$0x3FB2] =	sst s10  }
0x38: {  	s10 =	sld [smem:$0x3FB3]  }
0x39: {  	_ = 	snop;
	(pc) =	sbr.ind lr, $3  }
0x3a: {  	_ = 	snop  }
0x3b: {  	_ = 	snop  }
0x3c: {  	p2 =	seq.s32 s10, $0x1;
	s10 =	sld [smem:$0x3FB2]  }
0x3d: {  	_ =	shalt  }
0x3e: {  	_ =	shalt  }
0x3f: {  	_ =	shalt  }
0x40: {  	_ =	shalt  }
0x41: {  	_ =	shalt  }
0x42: {  	_ =	shalt  }
0x43: {  	_ =	shalt  }
0x44: {  	_ =	shalt  }
0x45: {  	_ =	shalt  }
0x46: {  	_ =	shalt  }
0x47: {  	_ =	shalt  }
0x48: {  	_ =	shalt  }
0x49: {  	_ =	shalt  }
0x4a: {  	_ =	shalt  }
0x4b: {  	_ =	shalt  }
0x4c: {  	_ =	shalt  }
0x4d: {  	_ =	shalt  }
0x4e: {  	_ =	shalt  }
0x4f: {  	_ =	shalt  }
0x50: {  	_ =	shalt  }
0x51: {  	_ =	shalt  }
0x52: {  	_ =	shalt  }
0x53: {  	_ =	shalt  }
0x54: {  	_ =	shalt  }
0x55: {  	_ =	shalt  }
0x56: {  	_ =	shalt  }
0x57: {  	_ =	shalt  }
0x58: {  	_ =	shalt  }
0x59: {  	_ =	shalt  }
0x5a: {  	_ =	shalt  }
0x5b: {  	_ =	shalt  }
0x5c: {  	_ =	shalt  }
0x5d: {  	_ =	shalt  }
0x5e: {  	_ =	shalt  }
0x5f: {  	_ =	shalt  }
0x60: {  	_ =	shalt  }
0x61: {  	_ =	shalt  }
0x62: {  	_ =	shalt  }
0x63: {  	_ =	shalt  }
0x64: {  	_ =	shalt  }
0x65: {  	_ =	shalt  }
0x66: {  	_ =	shalt  }
0x67: {  	_ =	shalt  }
0x68: {  	_ =	shalt  }
0x69: {  	_ =	shalt  }
0x6a: {  	_ =	shalt  }
0x6b: {  	_ =	shalt  }
0x6c: {  	_ =	shalt  }
0x6d: {  	_ =	shalt  }
0x6e: {  	_ =	shalt  }
0x6f: {  	_ =	shalt  }
0x70: {  	_ =	shalt  }
0x71: {  	_ =	shalt  }
0x72: {  	_ =	shalt  }
0x73: {  	_ =	shalt  }
0x74: {  	_ =	shalt  }
0x75: {  	_ =	shalt  }
0x76: {  	_ =	shalt  }
0x77: {  	_ =	shalt  }
0x78: {  	_ =	shalt  }
0x79: {  	_ =	shalt  }
0x7a: {  	_ =	shalt  }
0x7b: {  	_ =	shalt  }
0x7c: {  	_ =	shalt  }
0x7d: {  	_ =	shalt  }
0x7e: {  	_ =	shalt  }
0x7f: {  	_ =	shalt  }
0x80: {  	_ =	shalt  }
0x81: {  	_ =	shalt  }
0x82: {  	_ =	shalt  }
0x83: {  	_ =	shalt  }
0x84: {  	_ =	shalt  }
0x85: {  	_ =	shalt  }
0x86: {  	_ =	shalt  }
0x87: {  	_ =	shalt  }
.Lfunc_end0:
.L_simem_size_0:
called_computation.3_lowered:
.L_overlay_start_0:
0x88: {  	s2 =	sld [smem:$0x3FD9]  }
0x89: {  	s3 =	sld [smem:$0x3FFE];
	_ =	sdelay $0x1  }
0x8a: {  	s1 =	srdreg.scid  }
0x8b: {  	s0 =	sand.u32 $0x1, s1  }
0x8c: {  	s17 =	sshll.u32 s0, $0xA;
	s2 =	sadd.s32 s3, s2  }
0x8d: {  	s2 =	sadd.s32 s2, s17  }
0x8e: {  	[smem:$0x3FBE] =	sst s2  }
0x8f: {  	_ = 	snop  }
0x90: {  	s2 =	sld [smem:$0x3FD0];
	(tm) =	ssettm $0x1  }
0x91: {  	s18 =	sld [smem:$0x3FFB];
	_ =	sdelay $0x3  }
0x92: {  	_ =	strace s18  }
0x93: {  	s3 =	sld [smem:$0x3FFC];
	_ =	sdelay $0x3  }
0x94: {  	_ =	strace s3  }
0x95: {  	s3 =	sld [smem:$0x3FFD];
	_ =	sdelay $0x3  }
0x96: {  	_ =	strace s3  }
0x97: {  	_ =	strace $0x8FFFFFFF  }
0x98: {  	s19 =	sld [smem:$0x3FDB];
	_ =	sdelay $0x1  }
0x99: {  	s4 =	simm.s32 $_scs_section_size  }
0x9a: {  	s5 =	simm.s32 $_size__tile_overlayer_lowered;
	s6 =	simm.s32 $_tile_overlayer_lowered  }
0x9b: {  	s22 =	simm.s32 $0x1BFF;
	s21 =	sshll.u32 s6, $0x1;
	s3 =	sadd.s32 s4, s19  }
0x9c: {  	s7 =	simm.s32 $0x0;
	s20 =	sshll.u32 s5, $0x1;
	s5 =	sadd.s32 s21, s3  }
0x9d: {  	[timem:s7], [sflag:s22] =	dma.local [hbm:s5], s20  }
0x9e: {  	_ =	swait.ge [sflag:s22], s20  }
0x9f: {  	s4 =	ssub.s32 $0x0, s20;
	[sflag:s22] =	ssyncset.done $0x0  }
0xa0: {  	[sflag:s22] =	ssyncadd.s32 s4;
	_ =	sdelay $0x1  }
0xa1: {  	s23 =	simm.s32 $0x1B8B  }
0xa2: {  	_ =	swait.ge [sflag:s23], $0x1  }
0xa3: {  	[sflag:s23] =	ssyncset.done $0x0  }
0xa4: {  	s25 =	simm.s32 $0x1B8E;
	s24 =	sld [smem:$0x3FFE];
	[sflag:s23] =	ssyncadd.s32 $0xFFFFFFFF  }
0xa5: {  	s26 =	simm.s32 $execute0_lowered;
	[smem:$0x3FD2] =	sst s25  }
0xa6: {  	s5 =	sshll.u32 s26, $0x1;
	_ =	strace $0x8000004F;
	[dreg:$0x1] =	wrdreg $0xFFFFFFFF  }
0xa7: {  	s28 =	simm.s32 $_size_execute0_lowered;
	s3 =	sadd.s32 s3, s5;
	[dreg:$0x0] =	wrdreg $0x0  }
0xa8: {  	s5 =	sshll.u32 s28, $0x1;
	[dreg:$0x2] =	wrdreg s3  }
0xa9: {  	[dreg:$0x3] =	wrdreg s5  }
0xaa: {  	[dreg:$0x4] =	wrdreg $0xC0  }
0xab: {  	_ =	task [dreg:s7], $0x5FFFF  }
0xac: {  	[dreg:$0x1] =	wrdreg $0xFFFFFFFF  }
0xad: {  	[dreg:$0x0] =	wrdreg $0x60  }
0xae: {  	[dreg:$0x2] =	wrdreg s24  }
0xaf: {  	[dreg:$0x3] =	wrdreg s2  }
0xb0: {  	[dreg:$0x4] =	wrdreg $0xAA000  }
0xb1: {  	[dreg:$0x5] =	wrdreg $0x9  }
0xb2: {  	_ =	task.clear_ibuf [dreg:s7], $0x6FFFF;
	_ =	strace $0x9000004F  }
0xb3: {  	s29 =	simm.s32 $0x9;
	_ =	strace $0x80000051  }
0xb4: {  	_ =	swait.ge [sflag:s29], $0x1  }
0xb5: {  	[sflag:s29] =	ssyncadd.s32 $0xFFFFFFFF  }
0xb6: {  	_ =	strace $0x90000051  }
0xb7: {  	_ =	sfence  }
0xb8: {  	s30 =	sld [smem:$0x0];
	_ =	sdelay $0x2  }
0xb9: {  	s31 =	sshll.u32 s1, $0xD;
	s1 =	sshrl.u32 s1, $0x2  }
0xba: {  	s3 =	sand.u32 $0x4000, s31;
	s1 =	sadd.s32 s1, s30  }
0xbb: {  	s0 =	sor.u32 s3, s0;
	s1 =	sshll.u32 s1, $0x11  }
0xbc: {  	s0 =	sor.u32 s1, s0  }
0xbd: {  	s0 =	sadd.s32 $0x8F2B, s0  }
0xbe: {  	[sflag:s0] =	ssyncadd.remote.s32 $0x1  }
0xbf: {  	_ =	sfence.sel $0xFFFF  }
0xc0: {  	[dreg:$0x0] =	wrdreg $0xFFFFFFFF;
	(pc) =	sbr.abs _section_cstart, $3  }
0xc1: {  	[dreg:$0x1] =	wrdreg $0xFFFFFFFF  }
0xc2: {  	_ =	task.clear_ibuf [dreg:s7], $0x2FFFF;
	_ =	strace $0x9FFFFFFF  }
0xc3: {  	(tm) =	ssettm $0x7FFFFFFF  }
tec
execute0_lowered:
.L_overlay_start_1:
0x0: {  	(tag) =	ssettag $0x1  }
0x1: {  	s6 =	rddreg [dreg:$0x0]  }
0x2: {  	s11 =	rddreg [dreg:$0x1]  }
0x3: {  	s0 =	srdreg.scid;
	s2 =	rddreg [dreg:$0x2]  }
0x4: {  	s1 =	stileid.u32;
	s3 =	simm.s32 $0x0;
	s15 =	simm.s32 $0x2  }
0x5: {  	s16 =	simm.s32 $0x80;
	s17 =	simm.s32 $0x2800;
	s18 =	simm.s32 $0x2900  }
0x6: {  	s19 =	simm.s32 $0x6A00;
	s20 =	simm.s32 $0x1;
	s21 =	simm.s32 $0x2880  }
0x7: {  	s22 =	simm.s32 $0x2980;
	s25 =	simm.s32 $0x0;
	s5 =	smul.u32 $0x14000, s1  }
0x8: {  	s7 =	sand.u32 $0x1, s0;
	s0 =	rddreg [dreg:$0x3];
	s9 =	smul.u32 $0x50000, s1  }
0x9: {  	[smem:$0x7FF] =	sst s3;
	s23 =	sshll.u32 s1, $0x6;
	s4 =	smul.u32 $0x140000, s7  }
0xa: {  	_ =	strace $0x80000050;
	s29 =	sshll.u32 s7, $0x4;
	s7 =	ssub.s32 $0x2, s7  }
0xb: {  	s23 =	sor.u32 $0x1C02, s23;
	s30 =	sshrl.u32 s9, $0x2;
	s31 =	sor.u32 s1, s29  }
0xc: {  	s10 =	sshrl.u32 s7, $0x1;
	s5 =	sadd.s32 s5, s4;
	s4 =	sadd.s32 $0x3C00, s6  }
0xd: {  	s13 =	smul.u32 $0x500, s31;
	s14 =	ssub.s32 s7, s10;
	s8 =	sshrl.u32 s5, $0x3  }
0xe: {  	s5 =	sadd.s32 $0x3400, s6;
	s12 =	sadd.s32 s8, s6;
	s6 =	sadd.s32 s30, s2  }
0xf: {  	s11 =	sadd.s32 s11, s13;
	s13 =	smax.u32 s14, $0x1;
	s14 =	simm.s32 $0x2A00  }
0x10: {  	s7 =	sadd.s32 $0x4000, s6;
	s8 =	sadd.s32 $0x8000, s6;
	s9 =	sadd.s32 $0xC000, s6  }
0x11: {  	s10 =	sadd.s32 $0x10000, s6;
	s12 =	sadd.s32 $0x2AE00, s12;
	s24 =	sshrl.u32 s6, $0x3  }
.LBB2_1:
0x12: {  	[tilespmem:s14], [sflag:$0x2] =	stream.linear.gather [hbm4b:s5+s3], $0x4000, $0x38;
	[tilespmem:$0x1EA00] =	vst v63  }
0x13: {  	_ =	swait.ge [sflag:s15], $0x4000  }
0x14: {  	[sflag:s15] =	ssyncset.done $0x0  }
0x15: {  	[sflag:s15] =	ssyncadd.s32 $0xFFFFC000  }
0x16: {  	[spmem:s6] =	stream.linear.scatter [tilespmem:s14], [sflag:$0x2], $0x4000, $0x38;
	[tilespmem:$0x1EA00] =	vst v63  }
0x17: {  	_ =	swait.ge [sflag:s15], $0x4000  }
0x18: {  	[sflag:s15] =	ssyncset.done $0x0  }
0x19: {  	[sflag:s15] =	ssyncadd.s32 $0xFFFFC000  }
0x1a: {  	[spmem:s7] =	stream.linear.scatter [tilespmem:s14], [sflag:$0x2], $0x4000, $0x38;
	[tilespmem:$0x1EA00] =	vst v63  }
0x1b: {  	_ =	swait.ge [sflag:s15], $0x4000  }
0x1c: {  	[sflag:s15] =	ssyncset.done $0x0  }
0x1d: {  	[sflag:s15] =	ssyncadd.s32 $0xFFFFC000  }
0x1e: {  	[spmem:s8] =	stream.linear.scatter [tilespmem:s14], [sflag:$0x2], $0x4000, $0x38;
	[tilespmem:$0x1EA00] =	vst v63  }
0x1f: {  	_ =	swait.ge [sflag:s15], $0x4000  }
0x20: {  	[sflag:s15] =	ssyncset.done $0x0  }
0x21: {  	[sflag:s15] =	ssyncadd.s32 $0xFFFFC000  }
0x22: {  	[spmem:s9] =	stream.linear.scatter [tilespmem:s14], [sflag:$0x2], $0x4000, $0x38;
	[tilespmem:$0x1EA00] =	vst v63  }
0x23: {  	_ =	swait.ge [sflag:s15], $0x4000  }
0x24: {  	[sflag:s15] =	ssyncset.done $0x0  }
0x25: {  	[sflag:s15] =	ssyncadd.s32 $0xFFFFC000  }
0x26: {  	[spmem:s10] =	stream.linear.scatter [tilespmem:s14], [sflag:$0x2], $0x4000, $0x38;
	[tilespmem:$0x1EA00] =	vst v63  }
0x27: {  	_ =	swait.ge [sflag:s15], $0x4000  }
0x28: {  	[sflag:s15] =	ssyncset.done $0x0  }
0x29: {  	[sflag:s15] =	ssyncadd.s32 $0xFFFFC000  }
0x2a: {  	[bflag:$0x0] =	sbarrier.arrive $0xFFFF  }
0x2b: {  	[tilespmem:s3], [sflag:$0x2] =	stream.linear.gather [hbm4b:s11+s3], $0x2780, $0x38;
	[tilespmem:$0x1EA00] =	vst v63  }
0x2c: {  	_ =	swait.ge [sflag:s15], $0x2780  }
0x2d: {  	[sflag:s15] =	ssyncset.done $0x0  }
0x2e: {  	[sflag:s15] =	ssyncadd.s32 $0xFFFFD880  }
0x2f: {  	v0 =	vld [tilespmem:$0x0];
	_ =	sdelay $0x1  }
0x30: {  	v1 =	vld [tilespmem:$0x10];
	_ =	sdelay $0x1  }
0x31: {  	v2 =	vld [tilespmem:$0x20]  }
0x32: {  	v3 =	vand.u32 $0x3FFF, v0  }
0x33: {  	v0 =	vshrl.u32 v0, $0xE;
	[tilespmem:$0x2800] =	vst v3;
	v3 =	vld [tilespmem:$0x30]  }
0x34: {  	[tilespmem:$0x2880] =	vst v0;
	v0 =	vand.u32 $0x3FFF, v1  }
0x35: {  	[tilespmem:$0x2810] =	vst v0;
	v0 =	vshrl.u32 v1, $0xE;
	v1 =	vld [tilespmem:$0x40]  }
0x36: {  	[tilespmem:$0x2890] =	vst v0;
	v0 =	vand.u32 $0x3FFF, v2  }
0x37: {  	[tilespmem:$0x2820] =	vst v0;
	v0 =	vshrl.u32 v2, $0xE;
	v2 =	vld [tilespmem:$0x50]  }
0x38: {  	[tilespmem:$0x28A0] =	vst v0;
	v0 =	vand.u32 $0x3FFF, v3  }
0x39: {  	[tilespmem:$0x2830] =	vst v0;
	v0 =	vshrl.u32 v3, $0xE;
	v3 =	vld [tilespmem:$0x60]  }
0x3a: {  	[tilespmem:$0x28B0] =	vst v0;
	v0 =	vand.u32 $0x3FFF, v1  }
0x3b: {  	[tilespmem:$0x2840] =	vst v0;
	v0 =	vshrl.u32 v1, $0xE;
	v1 =	vld [tilespmem:$0x70]  }
0x3c: {  	[tilespmem:$0x28C0] =	vst v0;
	v0 =	vand.u32 $0x3FFF, v2  }
0x3d: {  	[tilespmem:$0x2850] =	vst v0;
	v0 =	vshrl.u32 v2, $0xE  }
0x3e: {  	[tilespmem:$0x28D0] =	vst v0;
	v0 =	vand.u32 $0x3FFF, v3  }
0x3f: {  	[tilespmem:$0x2860] =	vst v0;
	v0 =	vshrl.u32 v3, $0xE  }
0x40: {  	[tilespmem:$0x28E0] =	vst v0;
	v0 =	vand.u32 $0x3FFF, v1  }
0x41: {  	[tilespmem:$0x2870] =	vst v0;
	v0 =	vshrl.u32 v1, $0xE  }
0x42: {  	s26 =	simm.s32 $0x170;
	[tilespmem:$0x28F0] =	vst v0  }
0x43: {  	[tilespmem:s14], [sflag:$0x1] =	stream.indirect.gather [hbm4b:s4+s16], $0x80, s17, s16, $0xb8;
	[tilespmem:$0x1EA00] =	vst v63  }
0x44: {  	v0 =	vld [tilespmem:s26+$0xFFFFFF10];
	_ =	sdelay $0x4  }
0x45: {  	v1 =	vand.u32 $0x3FFF, v0  }
0x46: {  	v0 =	vshrl.u32 v0, $0xE;
	[tilespmem:$0x2900] =	vst v1  }
0x47: {  	[tilespmem:$0x2980] =	vst v0  }
0x48: {  	v0 =	vld [tilespmem:s26+$0xFFFFFF20];
	_ =	sdelay $0x4  }
0x49: {  	v1 =	vand.u32 $0x3FFF, v0  }
0x4a: {  	v0 =	vshrl.u32 v0, $0xE;
	[tilespmem:$0x2910] =	vst v1  }
0x4b: {  	[tilespmem:$0x2990] =	vst v0  }
0x4c: {  	v0 =	vld [tilespmem:s26+$0xFFFFFF30];
	_ =	sdelay $0x4  }
0x4d: {  	v1 =	vand.u32 $0x3FFF, v0  }
0x4e: {  	v0 =	vshrl.u32 v0, $0xE;
	[tilespmem:$0x2920] =	vst v1  }
0x4f: {  	[tilespmem:$0x29A0] =	vst v0  }
0x50: {  	v0 =	vld [tilespmem:s26+$0xFFFFFF40];
	_ =	sdelay $0x4  }
0x51: {  	v1 =	vand.u32 $0x3FFF, v0  }
0x52: {  	v0 =	vshrl.u32 v0, $0xE;
	[tilespmem:$0x2930] =	vst v1  }
0x53: {  	[tilespmem:$0x29B0] =	vst v0  }
0x54: {  	v0 =	vld [tilespmem:s26+$0xFFFFFF50];
	_ =	sdelay $0x4  }
0x55: {  	v1 =	vand.u32 $0x3FFF, v0  }
0x56: {  	v0 =	vshrl.u32 v0, $0xE;
	[tilespmem:$0x2940] =	vst v1  }
0x57: {  	[tilespmem:$0x29C0] =	vst v0  }
0x58: {  	v0 =	vld [tilespmem:s26+$0xFFFFFF60];
	_ =	sdelay $0x4  }
0x59: {  	v1 =	vand.u32 $0x3FFF, v0  }
0x5a: {  	v0 =	vshrl.u32 v0, $0xE;
	[tilespmem:$0x2950] =	vst v1  }
0x5b: {  	[tilespmem:$0x29D0] =	vst v0  }
0x5c: {  	v0 =	vld [tilespmem:s26+$0xFFFFFF70];
	_ =	sdelay $0x4  }
0x5d: {  	v1 =	vand.u32 $0x3FFF, v0  }
0x5e: {  	v0 =	vshrl.u32 v0, $0xE;
	[tilespmem:$0x2960] =	vst v1  }
0x5f: {  	[tilespmem:$0x29E0] =	vst v0  }
0x60: {  	v0 =	vld [tilespmem:s26+$0xFFFFFF80];
	_ =	sdelay $0x4  }
0x61: {  	v1 =	vand.u32 $0x3FFF, v0  }
0x62: {  	v0 =	vshrl.u32 v0, $0xE;
	[tilespmem:$0x2970] =	vst v1  }
0x63: {  	[tilespmem:$0x29F0] =	vst v0  }
0x64: {  	[tilespmem:s19], [sflag:$0x1] =	stream.indirect.gather [hbm4b:s4+s16], $0x80, s18, s16, $0xb8;
	[tilespmem:$0x1EA00] =	vst v63  }
0x65: {  	_ =	swait.ge [sflag:s20], $0x4000  }
0x66: {  	[sflag:s20] =	ssyncset.done $0x0  }
0x67: {  	[sflag:s20] =	ssyncadd.s32 $0xFFFFC000  }
0x68: {  	[spmem:s2] =	stream.indirect.scatter.add.f32 [tilespmem:s14], [sflag:$0x2], $0x80, s21, s16, $0xb8;
	[tilespmem:$0x1EA00] =	vst v63  }
0x69: {  	_ =	swait.ge [sflag:s15], $0x4000  }
0x6a: {  	[sflag:s15] =	ssyncset.done $0x0  }
0x6b: {  	[sflag:s15] =	ssyncadd.s32 $0xFFFFC000  }
0x6c: {  	v0 =	vld [tilespmem:s26+$0xFFFFFF90];
	_ =	sdelay $0x4  }
0x6d: {  	v1 =	vand.u32 $0x3FFF, v0  }
0x6e: {  	v0 =	vshrl.u32 v0, $0xE;
	[tilespmem:$0x2800] =	vst v1  }
0x6f: {  	[tilespmem:$0x2880] =	vst v0  }
0x70: {  	v0 =	vld [tilespmem:s26+$0xFFFFFFA0];
	_ =	sdelay $0x4  }
0x71: {  	v1 =	vand.u32 $0x3FFF, v0  }
0x72: {  	v0 =	vshrl.u32 v0, $0xE;
	[tilespmem:$0x2810] =	vst v1  }
0x73: {  	[tilespmem:$0x2890] =	vst v0  }
0x74: {  	v0 =	vld [tilespmem:s26+$0xFFFFFFB0];
	_ =	sdelay $0x4  }
0x75: {  	v1 =	vand.u32 $0x3FFF, v0  }
0x76: {  	v0 =	vshrl.u32 v0, $0xE;
	[tilespmem:$0x2820] =	vst v1  }
0x77: {  	[tilespmem:$0x28A0] =	vst v0  }
0x78: {  	v0 =	vld [tilespmem:s26+$0xFFFFFFC0];
	_ =	sdelay $0x4  }
0x79: {  	v1 =	vand.u32 $0x3FFF, v0  }
0x7a: {  	v0 =	vshrl.u32 v0, $0xE;
	[tilespmem:$0x2830] =	vst v1  }
0x7b: {  	[tilespmem:$0x28B0] =	vst v0  }
0x7c: {  	v0 =	vld [tilespmem:s26+$0xFFFFFFD0];
	_ =	sdelay $0x4  }
0x7d: {  	v1 =	vand.u32 $0x3FFF, v0  }
0x7e: {  	v0 =	vshrl.u32 v0, $0xE;
	[tilespmem:$0x2840] =	vst v1  }
0x7f: {  	[tilespmem:$0x28C0] =	vst v0  }
0x80: {  	v0 =	vld [tilespmem:s26+$0xFFFFFFE0];
	_ =	sdelay $0x4  }
0x81: {  	v1 =	vand.u32 $0x3FFF, v0  }
0x82: {  	v0 =	vshrl.u32 v0, $0xE;
	[tilespmem:$0x2850] =	vst v1  }
0x83: {  	[tilespmem:$0x28D0] =	vst v0  }
0x84: {  	v0 =	vld [tilespmem:s26+$0xFFFFFFF0];
	_ =	sdelay $0x4  }
0x85: {  	v1 =	vand.u32 $0x3FFF, v0  }
0x86: {  	s28 =	simm.s32 $0x9C0;
	v0 =	vshrl.u32 v0, $0xE;
	[tilespmem:$0x2860] =	vst v1  }
.LBB2_2:
0x87: {  	p0 =	sne.s32 s28, $0x9DC0;
	[tilespmem:$0x28E0] =	vst v0;
	s29 =	smov.u32 s28;
	s28 =	sadd.s32 $0x400, s28  }
0x88: {  	v0 =	vld [tilespmem:s26+$0x0];
	_ =	sdelay $0x4  }
0x89: {  	v1 =	vand.u32 $0x3FFF, v0;
	v0 =	vshrl.u32 v0, $0xE  }
0x8a: {  	[tilespmem:$0x2870] =	vst v1  }
0x8b: {  	[tilespmem:$0x28F0] =	vst v0  }
0x8c: {  	[tilespmem:s14], [sflag:$0x1] =	stream.indirect.gather [hbm4b:s4+s16], $0x80, s17, s16, $0xb8;
	[tilespmem:$0x1EA00] =	vst v63  }
0x8d: {  	_ =	swait.ge [sflag:s20], $0x4000  }
0x8e: {  	[sflag:s20] =	ssyncset.done $0x0  }
0x8f: {  	[sflag:s20] =	ssyncadd.s32 $0xFFFFC000  }
0x90: {  	[spmem:s2] =	stream.indirect.scatter.add.f32 [tilespmem:s19], [sflag:$0x2], $0x80, s22, s16, $0xb8;
	[tilespmem:$0x1EA00] =	vst v63  }
0x91: {  	_ =	swait.ge [sflag:s15], $0x4000  }
0x92: {  	[sflag:s15] =	ssyncset.done $0x0  }
0x93: {  	s26 =	sshra.s32 s29, $0x2;
	[sflag:s15] =	ssyncadd.s32 $0xFFFFC000  }
0x94: {  	v0 =	vld [tilespmem:s26+$0xFFFFFF10];
	_ =	sdelay $0x4  }
0x95: {  	v1 =	vand.u32 $0x3FFF, v0;
	v0 =	vshrl.u32 v0, $0xE  }
0x96: {  	[tilespmem:$0x2900] =	vst v1  }
0x97: {  	[tilespmem:$0x2980] =	vst v0  }
0x98: {  	v0 =	vld [tilespmem:s26+$0xFFFFFF20];
	_ =	sdelay $0x4  }
0x99: {  	v1 =	vand.u32 $0x3FFF, v0;
	v0 =	vshrl.u32 v0, $0xE  }
0x9a: {  	[tilespmem:$0x2910] =	vst v1  }
0x9b: {  	[tilespmem:$0x2990] =	vst v0  }
0x9c: {  	v0 =	vld [tilespmem:s26+$0xFFFFFF30];
	_ =	sdelay $0x4  }
0x9d: {  	v1 =	vand.u32 $0x3FFF, v0;
	v0 =	vshrl.u32 v0, $0xE  }
0x9e: {  	[tilespmem:$0x2920] =	vst v1  }
0x9f: {  	[tilespmem:$0x29A0] =	vst v0  }
0xa0: {  	v0 =	vld [tilespmem:s26+$0xFFFFFF40];
	_ =	sdelay $0x4  }
0xa1: {  	v1 =	vand.u32 $0x3FFF, v0;
	v0 =	vshrl.u32 v0, $0xE  }
0xa2: {  	[tilespmem:$0x2930] =	vst v1  }
0xa3: {  	[tilespmem:$0x29B0] =	vst v0  }
0xa4: {  	v0 =	vld [tilespmem:s26+$0xFFFFFF50];
	_ =	sdelay $0x4  }
0xa5: {  	v1 =	vand.u32 $0x3FFF, v0;
	v0 =	vshrl.u32 v0, $0xE  }
0xa6: {  	[tilespmem:$0x2940] =	vst v1  }
0xa7: {  	[tilespmem:$0x29C0] =	vst v0  }
0xa8: {  	v0 =	vld [tilespmem:s26+$0xFFFFFF60];
	_ =	sdelay $0x4  }
0xa9: {  	v1 =	vand.u32 $0x3FFF, v0;
	v0 =	vshrl.u32 v0, $0xE  }
0xaa: {  	[tilespmem:$0x2950] =	vst v1  }
0xab: {  	[tilespmem:$0x29D0] =	vst v0  }
0xac: {  	v0 =	vld [tilespmem:s26+$0xFFFFFF70];
	_ =	sdelay $0x4  }
0xad: {  	v1 =	vand.u32 $0x3FFF, v0;
	v0 =	vshrl.u32 v0, $0xE  }
0xae: {  	[tilespmem:$0x2960] =	vst v1  }
0xaf: {  	[tilespmem:$0x29E0] =	vst v0  }
0xb0: {  	v0 =	vld [tilespmem:s26+$0xFFFFFF80];
	_ =	sdelay $0x4  }
0xb1: {  	v1 =	vand.u32 $0x3FFF, v0;
	v0 =	vshrl.u32 v0, $0xE  }
0xb2: {  	[tilespmem:$0x2970] =	vst v1  }
0xb3: {  	[tilespmem:$0x29F0] =	vst v0  }
0xb4: {  	[tilespmem:s19], [sflag:$0x1] =	stream.indirect.gather [hbm4b:s4+s16], $0x80, s18, s16, $0xb8;
	[tilespmem:$0x1EA00] =	vst v63  }
0xb5: {  	_ =	swait.ge [sflag:s20], $0x4000  }
0xb6: {  	[sflag:s20] =	ssyncset.done $0x0  }
0xb7: {  	[sflag:s20] =	ssyncadd.s32 $0xFFFFC000  }
0xb8: {  	[spmem:s2] =	stream.indirect.scatter.add.f32 [tilespmem:s14], [sflag:$0x2], $0x80, s21, s16, $0xb8;
	[tilespmem:$0x1EA00] =	vst v63  }
0xb9: {  	_ =	swait.ge [sflag:s15], $0x4000  }
0xba: {  	[sflag:s15] =	ssyncset.done $0x0  }
0xbb: {  	[sflag:s15] =	ssyncadd.s32 $0xFFFFC000  }
0xbc: {  	v0 =	vld [tilespmem:s26+$0xFFFFFF90];
	_ =	sdelay $0x4  }
0xbd: {  	v1 =	vand.u32 $0x3FFF, v0;
	v0 =	vshrl.u32 v0, $0xE  }
0xbe: {  	[tilespmem:$0x2800] =	vst v1  }
0xbf: {  	[tilespmem:$0x2880] =	vst v0  }
0xc0: {  	v0 =	vld [tilespmem:s26+$0xFFFFFFA0];
	_ =	sdelay $0x4  }
0xc1: {  	v1 =	vand.u32 $0x3FFF, v0;
	v0 =	vshrl.u32 v0, $0xE  }
0xc2: {  	[tilespmem:$0x2810] =	vst v1  }
0xc3: {  	[tilespmem:$0x2890] =	vst v0  }
0xc4: {  	v0 =	vld [tilespmem:s26+$0xFFFFFFB0];
	_ =	sdelay $0x4  }
0xc5: {  	v1 =	vand.u32 $0x3FFF, v0;
	v0 =	vshrl.u32 v0, $0xE  }
0xc6: {  	[tilespmem:$0x2820] =	vst v1  }
0xc7: {  	[tilespmem:$0x28A0] =	vst v0  }
0xc8: {  	v0 =	vld [tilespmem:s26+$0xFFFFFFC0];
	_ =	sdelay $0x4  }
0xc9: {  	v1 =	vand.u32 $0x3FFF, v0;
	v0 =	vshrl.u32 v0, $0xE  }
0xca: {  	[tilespmem:$0x2830] =	vst v1  }
0xcb: {  	[tilespmem:$0x28B0] =	vst v0  }
0xcc: {  	v0 =	vld [tilespmem:s26+$0xFFFFFFD0];
	_ =	sdelay $0x4  }
0xcd: {  	v1 =	vand.u32 $0x3FFF, v0;
	v0 =	vshrl.u32 v0, $0xE  }
0xce: {  	[tilespmem:$0x2840] =	vst v1  }
0xcf: {  	[tilespmem:$0x28C0] =	vst v0  }
0xd0: {  	v0 =	vld [tilespmem:s26+$0xFFFFFFE0];
	_ =	sdelay $0x4  }
0xd1: {  	v1 =	vand.u32 $0x3FFF, v0;
	v0 =	vshrl.u32 v0, $0xE  }
0xd2: {  	[tilespmem:$0x2850] =	vst v1  }
0xd3: {  	[tilespmem:$0x28D0] =	vst v0  }
0xd4: {  	v0 =	vld [tilespmem:s26+$0xFFFFFFF0];
	_ =	sdelay $0x1  }
.Ltmp0:
0xd5: {  	(pc) =	sbr.rel @p0 .LBB2_2-.Ltmp0, $3  }
0xd6: {  	_ =	sdelay $0x1  }
0xd7: {  	v1 =	vand.u32 $0x3FFF, v0;
	v0 =	vshrl.u32 v0, $0xE  }
0xd8: {  	[tilespmem:$0x2860] =	vst v1  }
0xd9: {  	[tilespmem:$0x28E0] =	vst v0  }
0xda: {  	v0 =	vld [tilespmem:s26+$0x0];
	_ =	sdelay $0x4  }
0xdb: {  	v1 =	vand.u32 $0x3FFF, v0  }
0xdc: {  	v0 =	vshrl.u32 v0, $0xE;
	[tilespmem:$0x2870] =	vst v1  }
0xdd: {  	[tilespmem:$0x28F0] =	vst v0  }
0xde: {  	[tilespmem:s14], [sflag:$0x1] =	stream.indirect.gather [hbm4b:s4+s16], $0x80, s17, s16, $0xb8;
	[tilespmem:$0x1EA00] =	vst v63  }
0xdf: {  	_ =	swait.ge [sflag:s20], $0x4000  }
0xe0: {  	[sflag:s20] =	ssyncset.done $0x0  }
0xe1: {  	[sflag:s20] =	ssyncadd.s32 $0xFFFFC000  }
0xe2: {  	[spmem:s2] =	stream.indirect.scatter.add.f32 [tilespmem:s19], [sflag:$0x2], $0x80, s22, s16, $0xb8;
	[tilespmem:$0x1EA00] =	vst v63  }
0xe3: {  	_ =	swait.ge [sflag:s15], $0x4000  }
0xe4: {  	[sflag:s15] =	ssyncset.done $0x0  }
0xe5: {  	[sflag:s15] =	ssyncadd.s32 $0xFFFFC000  }
0xe6: {  	_ =	swait.ge [sflag:s20], $0x4000  }
0xe7: {  	[sflag:s20] =	ssyncset.done $0x0  }
0xe8: {  	[sflag:s20] =	ssyncadd.s32 $0xFFFFC000  }
0xe9: {  	[spmem:s2] =	stream.indirect.scatter.add.f32 [tilespmem:s14], [sflag:$0x2], $0x80, s21, s16, $0xb8;
	[tilespmem:$0x1EA00] =	vst v63  }
0xea: {  	_ =	swait.ge [sflag:s15], $0x4000  }
0xeb: {  	s25 =	sadd.s32 $0x1, s25;
	[sflag:s15] =	ssyncset.done $0x0  }
0xec: {  	p0 =	sne.s32 s25, s13;
	[sflag:s15] =	ssyncadd.s32 $0xFFFFC000  }
.Ltmp1:
0xed: {  	[bflag:$0x0] =	sbarrier.arrive $0xFFFF;
	(pc) =	sbr.rel @p0 .LBB2_1-.Ltmp1, $4  }
0xee: {  	[hbm:s12], [sflag:s23] =	dma.local [spmem:s24], $0x2800  }
0xef: {  	_ =	swait.ge [sflag:s15], $0x2800  }
0xf0: {  	[sflag:s15] =	ssyncset.done $0x0  }
0xf1: {  	[sflag:s15] =	ssyncadd.s32 $0xFFFFD800  }
0xf2: {  	_ =	sfence.sel $0x180000  }
0xf3: {  	[bflag:$0x0] =	sbarrier.arrive $0xFFFF  }
0xf4: {  	p0 =	sne.s32 s1, $0x0;
	_ =	strace $0x90000050  }
0xf5: {  	s0 =	sadd.s32 @!p0 $0x100000, s0;
	[bflag:$0x2] =	sbarrier.arrive $0xFFFF  }
0xf6: {  	[sflag:s0] =	ssyncadd.tile.s32 @!p0 $0x1;
	_ =	shalt  }
.Lfunc_end2:
_tile_overlayer_lowered:
.L_overlay_start_2:
0xf7: {  	(tag) =	ssettag $0x2  }
0xf8: {  	s0 =	rddreg [dreg:$0x0];
	s2 =	stileid.u32  }
0xf9: {  	s1 =	rddreg [dreg:$0x1];
	p0 =	sne.s32 s2, $0x0  }
0xfa: {  	s3 =	rddreg [dreg:$0x2];
	[bflag:$0x3] =	sbarrier.arrive $0xFFFF;
	s2 =	simm.s32 @!p0 $0x1C02  }
0xfb: {  	[timem:s3], [sflag:s2] =	dma.local @!p0 [hbm:s0], s1  }
0xfc: {  	s0 =	simm.s32 @!p0 $0x2  }
0xfd: {  	_ =	swait.ge @!p0 [sflag:s0], s1  }
0xfe: {  	s1 =	ssub.s32 @!p0 $0x0, s1;
	[sflag:s0] =	ssyncset.done @!p0 $0x0  }
0xff: {  	[sflag:s0] =	ssyncadd.s32 @!p0 s1  }
0x100: {  	[bflag:$0x3] =	sbarrier.arrive $0xFFFF  }
0x101: {  	_ =	shalt  }

</sc_bundles>
